<compile_context>
chip_gen: v7x
topology: tpu7x:2x2x1
jax: 0.10.2.dev20260603
libtpu: 0.0.44.dev20260713+nightly
codegen_flags: <defaults>
</compile_context>

<pallas_src>
import jax
import jax.numpy as jnp
from jax import lax
from jax.experimental import pallas as pl
from jax.experimental.pallas import tpu as pltpu
from jax.experimental.pallas import tpu_sc as plsc

N = 10000
TABLE = N + 1
D = 128
E = 320000
NC = 2
NCU = 2
NS = 16
NW = NCU * NS
K = 96
CH = 106
EPAD = NW * CH * K
NP = 10240
RPT = NP // NS
DW = D // 2


def _sc_edge_kernel():
    mesh = plsc.VectorSubcoreMesh(core_axis_name="c", subcore_axis_name="s",
                                  num_cores=NCU)

    def body(edges_hbm, unl_hbm, zeros_hbm, table_hbm, out_hbm,
             e0, e1, c0, c1, r0, r1, s0, s1, ri0, ri1, v0, v1, unl_v, acc,
             es0, es1, gs0, gs1, ss0, ss1):
        ribufs = (ri0, ri1)
        vbufs = (v0, v1)
        esems = (es0, es1)
        cid = lax.axis_index("c")
        sid = lax.axis_index("s")
        wid = cid * NS + sid
        ebufs = (e0, e1)
        cbufs = (c0, c1)
        rbufs = (r0, r1)
        sbufs = (s0, s1)
        gsems = (gs0, gs1)
        ssems = (ss0, ss1)

        pltpu.sync_copy(zeros_hbm.at[pl.ds(sid * RPT, RPT)],
                        acc.at[pl.ds(sid * RPT, RPT)])
        pltpu.sync_copy(unl_hbm, unl_v)
        plsc.subcore_barrier()

        def stage_edges(j, b):
            pltpu.async_copy(edges_hbm.at[wid * CH + j], ebufs[b], esems[b])

        def wait_edges(b):
            pltpu.make_async_copy(edges_hbm.at[wid * CH], ebufs[b],
                                  esems[b]).wait()

        def fuse_and_gather(b):
            for i in range(K // 16):
                idx = ebufs[b][1, pl.ds(i * 16, 16)]
                cbufs[b][pl.ds(i * 16, 16)] = plsc.load_gather(unl_v, [idx])
            pltpu.async_copy(table_hbm.at[cbufs[b]], rbufs[b], gsems[b])

        def stash(b):
            for i in range(K // 16):
                sl = pl.ds(i * 16, 16)
                ribufs[b][0, sl] = ebufs[b][0, sl]
                vbufs[b][0, sl] = plsc.bitcast(ebufs[b][2, sl], jnp.float32)

        def wait_gather(b):
            pltpu.make_async_copy(table_hbm.at[cbufs[b]], rbufs[b],
                                  gsems[b]).wait()

        def start_scatter(b):
            pltpu.async_copy(sbufs[b], acc.at[ribufs[b].at[0]], ssems[b],
                             add=True)

        def wait_scatter(b):
            pltpu.make_async_copy(sbufs[b], acc.at[ribufs[b].at[0]],
                                  ssems[b]).wait()

        def widen_scale(b):
            def grp(g, c2):
                base = g * 16
                vseg = vbufs[b][0, pl.ds(base, 16)]
                for l in range(16):
                    s = vseg[l]
                    row = base + l
                    for i in range(DW // 16):
                        rw = rbufs[b][row, pl.ds(i * 16, 16)]
                        fa = plsc.bitcast(rw << 16, jnp.float32)
                        fb = plsc.bitcast(rw, jnp.float32)
                        sbufs[b][row, pl.ds(i * 32, 16)] = fa * s
                        sbufs[b][row, pl.ds(i * 32 + 16, 16)] = fb * s
                return c2
            lax.fori_loop(0, K // 16, grp, 0)

        stage_edges(0, 0)
        stage_edges(1, 1)
        for b in range(2):
            wait_edges(b)
            fuse_and_gather(b)

        def pair(i, carry):
            for b in range(2):
                wait_gather(b)
                stash(b)

                @pl.when(i < CH // 2 - 1)
                def _():
                    stage_edges(2 * i + 2 + b, b)

                @pl.when(i > 0)
                def _():
                    wait_scatter(b)
                widen_scale(b)
                start_scatter(b)

                @pl.when(i < CH // 2 - 1)
                def _():
                    wait_edges(b)
                    fuse_and_gather(b)
            return carry

        lax.fori_loop(0, CH // 2, pair, 0)
        for b in range(2):
            wait_scatter(b)
        plsc.subcore_barrier()
        pltpu.sync_copy(acc.at[pl.ds(sid * RPT, RPT)],
                        out_hbm.at[cid, pl.ds(sid * RPT, RPT)])

    return pl.kernel(
        body,
        out_type=jax.ShapeDtypeStruct((NCU, NP, D), jnp.float32),
        mesh=mesh,
        compiler_params=pltpu.CompilerParams(needs_layout_passes=False,
                                             use_tc_tiling_on_sc=False),
        scratch_types=[
            pltpu.VMEM((3, K), jnp.int32),
            pltpu.VMEM((3, K), jnp.int32),
            pltpu.VMEM((K,), jnp.int32),
            pltpu.VMEM((K,), jnp.int32),
            pltpu.VMEM((K, DW), jnp.int32),
            pltpu.VMEM((K, DW), jnp.int32),
            pltpu.VMEM((K, D), jnp.float32),
            pltpu.VMEM((K, D), jnp.float32),
            pltpu.VMEM((1, K), jnp.int32),
            pltpu.VMEM((1, K), jnp.int32),
            pltpu.VMEM((1, K), jnp.float32),
            pltpu.VMEM((1, K), jnp.float32),
            pltpu.VMEM((N,), jnp.int32),
            pltpu.VMEM_SHARED((NP, D), jnp.float32),
            pltpu.SemaphoreType.DMA,
            pltpu.SemaphoreType.DMA,
            pltpu.SemaphoreType.DMA,
            pltpu.SemaphoreType.DMA,
            pltpu.SemaphoreType.DMA,
            pltpu.SemaphoreType.DMA,
        ],
    )


def _tc_combine(p0, p1, selff, w1, w2, b):
    BN = 2000

    def body(p0_ref, p1_ref, s_ref, w1_ref, w2_ref, b_ref, out_ref):
        x = jnp.dot(p0_ref[...] + p1_ref[...], w1_ref[...],
                    preferred_element_type=jnp.float32)
        x = x + jnp.dot(s_ref[...], w2_ref[...],
                        preferred_element_type=jnp.float32)
        x = x + b_ref[...]
        out_ref[...] = x * jax.nn.sigmoid(x)

    return pl.pallas_call(
        body,
        grid=(N // BN,),
        in_specs=[
            pl.BlockSpec((BN, D), lambda i: (i, 0)),
            pl.BlockSpec((BN, D), lambda i: (i, 0)),
            pl.BlockSpec((BN, D), lambda i: (i, 0)),
            pl.BlockSpec((D, D), lambda i: (0, 0)),
            pl.BlockSpec((D, D), lambda i: (0, 0)),
            pl.BlockSpec((1, D), lambda i: (0, 0)),
        ],
        out_specs=pl.BlockSpec((BN, D), lambda i: (i, 0)),
        out_shape=jax.ShapeDtypeStruct((N, D), jnp.float32),
    )(p0, p1, selff, w1, w2, b)


def kernel(nodes_real, indices, v, unique_nodes_list, table, W, b):
    indices = indices.astype(jnp.int32)
    unl = unique_nodes_list.astype(jnp.int32)
    row = indices[0]
    col = indices[1]
    pad = EPAD - E
    rowp = jnp.concatenate([row, jnp.zeros((pad,), jnp.int32)]).reshape(NW * CH, K)
    colp = jnp.concatenate([col, jnp.zeros((pad,), jnp.int32)]).reshape(NW * CH, K)
    vbits = lax.bitcast_convert_type(
        jnp.concatenate([v, jnp.zeros((pad,), jnp.float32)]), jnp.int32
    ).reshape(NW * CH, K)
    edges = jnp.stack([rowp, colp, vbits], axis=1)
    zeros = jnp.zeros((NP, D), jnp.float32)
    tb = table.astype(jnp.bfloat16).reshape(TABLE, D // 32, 2, 16)
    tpack = lax.bitcast_convert_type(
        tb.transpose(0, 1, 3, 2), jnp.int32).reshape(TABLE, DW)

    partials = _sc_edge_kernel()(edges, unl, zeros, tpack)
    out = _tc_combine(partials[0], partials[1], table[:N],
                      W[:D], W[D:], b.reshape(1, D))
    return out

# --- scband reference (transcript-rebuilt; emitter-appended) ---
"""Pipeline reference for scband-hyper-sagnn-40355512713729 (READ-ONLY COPY).

The authoritative reference and input builder live on the scoring server;
editing this copy changes nothing except your own understanding.
"""

import jax, jax.numpy as jnp
import numpy as np

N = 10000        # nodes in batch
E = 320000       # weighted neighbor entries (sparse mask nnz)
D = 128          # feature_dim
EMB = 128        # embed_dim
TABLE = N + 1    # embedding table rows (num_list[-1]+1 convention)


def swish(x):
    return x * jax.nn.sigmoid(x)


def setup_inputs(seed: int = 0) -> dict:
    key = jax.random.key(seed)
    k1, k2, k3, k4, k5 = jax.random.split(key, 5)
    nodes_real = jnp.arange(N)
    indices = jax.random.randint(k1, (2, E), 0, N)
    v = jax.random.uniform(k2, (E,), dtype=jnp.float32)
    unique_nodes_list = jax.random.randint(k3, (N,), 0, N)
    # learned parameters: node-feature embedding table and the SAGE linear layer
    table = jax.random.normal(k4, (TABLE, D), dtype=jnp.float32) * 0.02
    W = jax.random.normal(k5, (2 * D, EMB), dtype=jnp.float32) * 0.02
    b = jnp.zeros((EMB,), dtype=jnp.float32)
    return {"nodes_real": nodes_real, "indices": indices, "v": v,
            "unique_nodes_list": unique_nodes_list, "table": table, "W": W, "b": b}


def reference(nodes_real, indices, v, unique_nodes_list, table, W, b):
    # MeanAggregator_with_weights.forward:
    #   embed_matrix = features(unique_nodes_list)   (embedding gather)
    #   to_feats = sparse_mask.mm(embed_matrix)      (weighted scatter-add)
    emb = jnp.take(table, unique_nodes_list, axis=0)              # [U, D]
    row = indices[0]
    col = indices[1]
    gathered = jnp.take(emb, col, axis=0) * v[:, None]            # [E, D]
    neigh_feats = jnp.zeros((nodes_real.shape[0], emb.shape[1]), dtype=emb.dtype)
    neigh_feats = neigh_feats.at[row].add(gathered)               # [N, D]
    # GraphSageEncoder_with_weights (gcn=False, transfer_range=0):
    #   concat self features, then Linear(2*feat_dim -> embed_dim) + swish activation
    self_feats = jnp.take(table, nodes_real, axis=0)              # [N, D]
    combined = jnp.concatenate([neigh_feats, self_feats], axis=-1)  # [N, 2D]
    out = combined @ W + b                                        # [N, EMB]
    return swish(out)

if __name__ == "__main__":
    import jax
    _d = setup_inputs()
    print(jax.jit(kernel)(*tuple(_d.values())))

</pallas_src>

<mosaic_0001>
#map = affine_map<(d0, d1) -> (0, 0, 0)>
#map1 = affine_map<(d0, d1) -> (0)>
#map2 = affine_map<(d0, d1) -> (0, 0)>
module attributes {stable_mosaic.version = 14 : i64} {
  func.func @body(%arg0: i32, %arg1: i32, %arg2: memref<3392x3x96xi32, #tpu.memory_space<hbm>>, %arg3: memref<10000xi32, #tpu.memory_space<hbm>>, %arg4: memref<10240x128xf32, #tpu.memory_space<hbm>>, %arg5: memref<10001x64xi32, #tpu.memory_space<hbm>>, %arg6: memref<2x10240x128xf32, #tpu.memory_space<hbm>>, %arg7: memref<3x96xi32, #tpu.memory_space<vmem>>, %arg8: memref<3x96xi32, #tpu.memory_space<vmem>>, %arg9: memref<96xi32, #tpu.memory_space<vmem>>, %arg10: memref<96xi32, #tpu.memory_space<vmem>>, %arg11: memref<96x64xi32, #tpu.memory_space<vmem>>, %arg12: memref<96x64xi32, #tpu.memory_space<vmem>>, %arg13: memref<96x128xf32, #tpu.memory_space<vmem>>, %arg14: memref<96x128xf32, #tpu.memory_space<vmem>>, %arg15: memref<1x96xi32, #tpu.memory_space<vmem>>, %arg16: memref<1x96xi32, #tpu.memory_space<vmem>>, %arg17: memref<1x96xf32, #tpu.memory_space<vmem>>, %arg18: memref<1x96xf32, #tpu.memory_space<vmem>>, %arg19: memref<10000xi32, #tpu.memory_space<vmem>>, %arg20: memref<10240x128xf32, #tpu.memory_space<vmem_shared>>, %arg21: memref<!tpu.dma_semaphore, #tpu.memory_space<semaphore_mem>>, %arg22: memref<!tpu.dma_semaphore, #tpu.memory_space<semaphore_mem>>, %arg23: memref<!tpu.dma_semaphore, #tpu.memory_space<semaphore_mem>>, %arg24: memref<!tpu.dma_semaphore, #tpu.memory_space<semaphore_mem>>, %arg25: memref<!tpu.dma_semaphore, #tpu.memory_space<semaphore_mem>>, %arg26: memref<!tpu.dma_semaphore, #tpu.memory_space<semaphore_mem>>) attributes {dimension_semantics = [#tpu.dimension_semantics<core_parallel>, #tpu.dimension_semantics<subcore_parallel>], iteration_bounds = array<i64: 2, 16>, scalar_prefetch = 0 : i64, scratch_operands = 20 : i64, tpu.core_type = #tpu.core_type<sc_vector_subcore>, window_params = [{transform_indices = #map}, {transform_indices = #map1}, {transform_indices = #map2}, {transform_indices = #map2}, {transform_indices = #map}]} {
    %mul3A = arith.constant 16 : i32
    %mul3A_0 = arith.muli %arg0, %mul3A : i32
    %add3A = arith.addi %mul3A_0, %arg1 : i32
    %mul3A_1 = arith.constant 640 : i32
    %mul3A_2 = arith.muli %arg1, %mul3A_1 : i32
    %mul3A_3 = arith.constant 640 : i32
    %mul3A_4 = arith.muli %arg1, %mul3A_3 : i32
    "tpu.region"() ({
      %run_scoped3A = tpu.sem_alloc : memref<!tpu.dma_semaphore, #tpu.memory_space<semaphore_mem>>
      %dma_start3A_158 = arith.constant 0 : i32
      %dma_start3A_159 = tpu.memref_slice %arg20[%mul3A_4, %dma_start3A_158] : memref<10240x128xf32, #tpu.memory_space<vmem_shared>> -> memref<640x128xf32, #tpu.memory_space<vmem_shared>>
      %dma_start3A_160 = arith.constant 0 : i32
      %dma_start3A_161 = tpu.memref_slice %arg4[%mul3A_2, %dma_start3A_160] : memref<10240x128xf32, #tpu.memory_space<hbm>> -> memref<640x128xf32, #tpu.memory_space<hbm>>
      tpu.enqueue_dma source(%dma_start3A_161 : memref<640x128xf32, #tpu.memory_space<hbm>>) target(%dma_start3A_159 : memref<640x128xf32, #tpu.memory_space<vmem_shared>>) target_semaphore(%run_scoped3A : memref<!tpu.dma_semaphore, #tpu.memory_space<semaphore_mem>>)
      %dma_wait3A_162 = arith.constant 0 : i32
      %dma_wait3A_163 = tpu.memref_slice %arg20[%mul3A_4, %dma_wait3A_162] : memref<10240x128xf32, #tpu.memory_space<vmem_shared>> -> memref<640x128xf32, #tpu.memory_space<vmem_shared>>
      %dma_wait3A_164 = arith.constant 0 : i32
      %dma_wait3A_165 = tpu.memref_slice %arg4[%mul3A_2, %dma_wait3A_164] : memref<10240x128xf32, #tpu.memory_space<hbm>> -> memref<640x128xf32, #tpu.memory_space<hbm>>
      tpu.wait_dma2 semaphore(%run_scoped3A : memref<!tpu.dma_semaphore, #tpu.memory_space<semaphore_mem>>) src(%dma_wait3A_165 : memref<640x128xf32, #tpu.memory_space<hbm>>) dst(%dma_wait3A_163 : memref<640x128xf32, #tpu.memory_space<vmem_shared>>)
      tpu.yield
    }) : () -> ()
    "tpu.region"() ({
      %run_scoped3A = tpu.sem_alloc : memref<!tpu.dma_semaphore, #tpu.memory_space<semaphore_mem>>
      tpu.enqueue_dma source(%arg3 : memref<10000xi32, #tpu.memory_space<hbm>>) target(%arg19 : memref<10000xi32, #tpu.memory_space<vmem>>) target_semaphore(%run_scoped3A : memref<!tpu.dma_semaphore, #tpu.memory_space<semaphore_mem>>)
      tpu.wait_dma2 semaphore(%run_scoped3A : memref<!tpu.dma_semaphore, #tpu.memory_space<semaphore_mem>>) src(%arg3 : memref<10000xi32, #tpu.memory_space<hbm>>) dst(%arg19 : memref<10000xi32, #tpu.memory_space<vmem>>)
      tpu.yield
    }) : () -> ()
    %barrier3A = arith.constant 0 : index
    tpu.barrier barrier_id(%barrier3A)
    %mul3A_5 = arith.constant 106 : i32
    %mul3A_6 = arith.muli %add3A, %mul3A_5 : i32
    %add3A_7 = arith.constant 0 : i32
    %add3A_8 = arith.addi %mul3A_6, %add3A_7 : i32
    %dma_start3A = arith.constant 0 : i32
    %dma_start3A_9 = arith.constant 0 : i32
    %dma_start3A_10 = tpu.memref_slice %arg2[%add3A_8, %dma_start3A, %dma_start3A_9] : memref<3392x3x96xi32, #tpu.memory_space<hbm>> -> memref<1x3x96xi32, #tpu.memory_space<hbm>>
    %dma_start3A_11 = tpu.memref_squeeze %dma_start3A_10 : memref<1x3x96xi32, #tpu.memory_space<hbm>> -> memref<3x96xi32, #tpu.memory_space<hbm>>
    %dma_start3A_12 = arith.constant 0 : i32
    %dma_start3A_13 = arith.constant 0 : i32
    %dma_start3A_14 = tpu.memref_slice %arg2[%add3A_8, %dma_start3A_12, %dma_start3A_13] : memref<3392x3x96xi32, #tpu.memory_space<hbm>> -> memref<1x3x96xi32, #tpu.memory_space<hbm>>
    %dma_start3A_15 = tpu.memref_squeeze %dma_start3A_14 : memref<1x3x96xi32, #tpu.memory_space<hbm>> -> memref<3x96xi32, #tpu.memory_space<hbm>>
    tpu.enqueue_dma source(%dma_start3A_15 : memref<3x96xi32, #tpu.memory_space<hbm>>) target(%arg7 : memref<3x96xi32, #tpu.memory_space<vmem>>) target_semaphore(%arg21 : memref<!tpu.dma_semaphore, #tpu.memory_space<semaphore_mem>>)
    %mul3A_16 = arith.constant 106 : i32
    %mul3A_17 = arith.muli %add3A, %mul3A_16 : i32
    %add3A_18 = arith.constant 1 : i32
    %add3A_19 = arith.addi %mul3A_17, %add3A_18 : i32
    %dma_start3A_20 = arith.constant 0 : i32
    %dma_start3A_21 = arith.constant 0 : i32
    %dma_start3A_22 = tpu.memref_slice %arg2[%add3A_19, %dma_start3A_20, %dma_start3A_21] : memref<3392x3x96xi32, #tpu.memory_space<hbm>> -> memref<1x3x96xi32, #tpu.memory_space<hbm>>
    %dma_start3A_23 = tpu.memref_squeeze %dma_start3A_22 : memref<1x3x96xi32, #tpu.memory_space<hbm>> -> memref<3x96xi32, #tpu.memory_space<hbm>>
    %dma_start3A_24 = arith.constant 0 : i32
    %dma_start3A_25 = arith.constant 0 : i32
    %dma_start3A_26 = tpu.memref_slice %arg2[%add3A_19, %dma_start3A_24, %dma_start3A_25] : memref<3392x3x96xi32, #tpu.memory_space<hbm>> -> memref<1x3x96xi32, #tpu.memory_space<hbm>>
    %dma_start3A_27 = tpu.memref_squeeze %dma_start3A_26 : memref<1x3x96xi32, #tpu.memory_space<hbm>> -> memref<3x96xi32, #tpu.memory_space<hbm>>
    tpu.enqueue_dma source(%dma_start3A_27 : memref<3x96xi32, #tpu.memory_space<hbm>>) target(%arg8 : memref<3x96xi32, #tpu.memory_space<vmem>>) target_semaphore(%arg22 : memref<!tpu.dma_semaphore, #tpu.memory_space<semaphore_mem>>)
    %mul3A_28 = arith.constant 106 : i32
    %mul3A_29 = arith.muli %add3A, %mul3A_28 : i32
    %dma_wait3A = arith.constant 0 : i32
    %dma_wait3A_30 = arith.constant 0 : i32
    %dma_wait3A_31 = tpu.memref_slice %arg2[%mul3A_29, %dma_wait3A, %dma_wait3A_30] : memref<3392x3x96xi32, #tpu.memory_space<hbm>> -> memref<1x3x96xi32, #tpu.memory_space<hbm>>
    %dma_wait3A_32 = tpu.memref_squeeze %dma_wait3A_31 : memref<1x3x96xi32, #tpu.memory_space<hbm>> -> memref<3x96xi32, #tpu.memory_space<hbm>>
    %dma_wait3A_33 = arith.constant 0 : i32
    %dma_wait3A_34 = arith.constant 0 : i32
    %dma_wait3A_35 = tpu.memref_slice %arg2[%mul3A_29, %dma_wait3A_33, %dma_wait3A_34] : memref<3392x3x96xi32, #tpu.memory_space<hbm>> -> memref<1x3x96xi32, #tpu.memory_space<hbm>>
    %dma_wait3A_36 = tpu.memref_squeeze %dma_wait3A_35 : memref<1x3x96xi32, #tpu.memory_space<hbm>> -> memref<3x96xi32, #tpu.memory_space<hbm>>
    tpu.wait_dma2 semaphore(%arg21 : memref<!tpu.dma_semaphore, #tpu.memory_space<semaphore_mem>>) src(%dma_wait3A_36 : memref<3x96xi32, #tpu.memory_space<hbm>>) dst(%arg7 : memref<3x96xi32, #tpu.memory_space<vmem>>)
    %get3A = arith.constant 1 : i32
    %get3A_37 = arith.index_cast %get3A : i32 to index
    %get3A_38 = arith.constant 0 : index
    %get3A_39 = tpu.vector_load %arg7[%get3A_37, %get3A_38] {strides = array<i32>} : memref<3x96xi32, #tpu.memory_space<vmem>>, vector<16xi32>,
    %gather3A = tpu.vector_load_idx %arg19[%get3A_39] : memref<10000xi32, #tpu.memory_space<vmem>>[vector<16xi32>], vector<16xi32>,
    %swap3A = arith.constant 0 : index
    %swap3A_40 = tpu.vector_load %arg9[%swap3A] {strides = array<i32>} : memref<96xi32, #tpu.memory_space<vmem>>, vector<16xi32>,
    tpu.vector_store %arg9[%swap3A], %gather3A {strides = array<i32>} : memref<96xi32, #tpu.memory_space<vmem>>, vector<16xi32>,
    %get3A_41 = arith.constant 1 : i32
    %get3A_42 = arith.index_cast %get3A_41 : i32 to index
    %get3A_43 = arith.constant 16 : index
    %get3A_44 = tpu.vector_load %arg7[%get3A_42, %get3A_43] {strides = array<i32>} : memref<3x96xi32, #tpu.memory_space<vmem>>, vector<16xi32>,
    %gather3A_45 = tpu.vector_load_idx %arg19[%get3A_44] : memref<10000xi32, #tpu.memory_space<vmem>>[vector<16xi32>], vector<16xi32>,
    %swap3A_46 = arith.constant 16 : index
    %swap3A_47 = tpu.vector_load %arg9[%swap3A_46] {strides = array<i32>} : memref<96xi32, #tpu.memory_space<vmem>>, vector<16xi32>,
    tpu.vector_store %arg9[%swap3A_46], %gather3A_45 {strides = array<i32>} : memref<96xi32, #tpu.memory_space<vmem>>, vector<16xi32>,
    %get3A_48 = arith.constant 1 : i32
    %get3A_49 = arith.index_cast %get3A_48 : i32 to index
    %get3A_50 = arith.constant 32 : index
    %get3A_51 = tpu.vector_load %arg7[%get3A_49, %get3A_50] {strides = array<i32>} : memref<3x96xi32, #tpu.memory_space<vmem>>, vector<16xi32>,
    %gather3A_52 = tpu.vector_load_idx %arg19[%get3A_51] : memref<10000xi32, #tpu.memory_space<vmem>>[vector<16xi32>], vector<16xi32>,
    %swap3A_53 = arith.constant 32 : index
    %swap3A_54 = tpu.vector_load %arg9[%swap3A_53] {strides = array<i32>} : memref<96xi32, #tpu.memory_space<vmem>>, vector<16xi32>,
    tpu.vector_store %arg9[%swap3A_53], %gather3A_52 {strides = array<i32>} : memref<96xi32, #tpu.memory_space<vmem>>, vector<16xi32>,
    %get3A_55 = arith.constant 1 : i32
    %get3A_56 = arith.index_cast %get3A_55 : i32 to index
    %get3A_57 = arith.constant 48 : index
    %get3A_58 = tpu.vector_load %arg7[%get3A_56, %get3A_57] {strides = array<i32>} : memref<3x96xi32, #tpu.memory_space<vmem>>, vector<16xi32>,
    %gather3A_59 = tpu.vector_load_idx %arg19[%get3A_58] : memref<10000xi32, #tpu.memory_space<vmem>>[vector<16xi32>], vector<16xi32>,
    %swap3A_60 = arith.constant 48 : index
    %swap3A_61 = tpu.vector_load %arg9[%swap3A_60] {strides = array<i32>} : memref<96xi32, #tpu.memory_space<vmem>>, vector<16xi32>,
    tpu.vector_store %arg9[%swap3A_60], %gather3A_59 {strides = array<i32>} : memref<96xi32, #tpu.memory_space<vmem>>, vector<16xi32>,
    %get3A_62 = arith.constant 1 : i32
    %get3A_63 = arith.index_cast %get3A_62 : i32 to index
    %get3A_64 = arith.constant 64 : index
    %get3A_65 = tpu.vector_load %arg7[%get3A_63, %get3A_64] {strides = array<i32>} : memref<3x96xi32, #tpu.memory_space<vmem>>, vector<16xi32>,
    %gather3A_66 = tpu.vector_load_idx %arg19[%get3A_65] : memref<10000xi32, #tpu.memory_space<vmem>>[vector<16xi32>], vector<16xi32>,
    %swap3A_67 = arith.constant 64 : index
    %swap3A_68 = tpu.vector_load %arg9[%swap3A_67] {strides = array<i32>} : memref<96xi32, #tpu.memory_space<vmem>>, vector<16xi32>,
    tpu.vector_store %arg9[%swap3A_67], %gather3A_66 {strides = array<i32>} : memref<96xi32, #tpu.memory_space<vmem>>, vector<16xi32>,
    %get3A_69 = arith.constant 1 : i32
    %get3A_70 = arith.index_cast %get3A_69 : i32 to index
    %get3A_71 = arith.constant 80 : index
    %get3A_72 = tpu.vector_load %arg7[%get3A_70, %get3A_71] {strides = array<i32>} : memref<3x96xi32, #tpu.memory_space<vmem>>, vector<16xi32>,
    %gather3A_73 = tpu.vector_load_idx %arg19[%get3A_72] : memref<10000xi32, #tpu.memory_space<vmem>>[vector<16xi32>], vector<16xi32>,
    %swap3A_74 = arith.constant 80 : index
    %swap3A_75 = tpu.vector_load %arg9[%swap3A_74] {strides = array<i32>} : memref<96xi32, #tpu.memory_space<vmem>>, vector<16xi32>,
    tpu.vector_store %arg9[%swap3A_74], %gather3A_73 {strides = array<i32>} : memref<96xi32, #tpu.memory_space<vmem>>, vector<16xi32>,
    %dma_start3A_76 = arith.constant 0 : i32
    %dma_start3A_77 = arith.constant 0 : i32
    %dma_start3A_78 = tpu.memref_slice %arg5[%dma_start3A_76, %dma_start3A_77] : memref<10001x64xi32, #tpu.memory_space<hbm>> -> memref<10001x64xi32, #tpu.memory_space<hbm>>
    tpu.enqueue_indirect_dma source(%dma_start3A_78 : memref<10001x64xi32, #tpu.memory_space<hbm>>) target(%arg11 : memref<96x64xi32, #tpu.memory_space<vmem>>) offsets(%arg9 : memref<96xi32, #tpu.memory_space<vmem>>) semaphore(%arg23 : memref<!tpu.dma_semaphore, #tpu.memory_space<semaphore_mem>>)
    %mul3A_79 = arith.constant 106 : i32
    %mul3A_80 = arith.muli %add3A, %mul3A_79 : i32
    %dma_wait3A_81 = arith.constant 0 : i32
    %dma_wait3A_82 = arith.constant 0 : i32
    %dma_wait3A_83 = tpu.memref_slice %arg2[%mul3A_80, %dma_wait3A_81, %dma_wait3A_82] : memref<3392x3x96xi32, #tpu.memory_space<hbm>> -> memref<1x3x96xi32, #tpu.memory_space<hbm>>
    %dma_wait3A_84 = tpu.memref_squeeze %dma_wait3A_83 : memref<1x3x96xi32, #tpu.memory_space<hbm>> -> memref<3x96xi32, #tpu.memory_space<hbm>>
    %dma_wait3A_85 = arith.constant 0 : i32
    %dma_wait3A_86 = arith.constant 0 : i32
    %dma_wait3A_87 = tpu.memref_slice %arg2[%mul3A_80, %dma_wait3A_85, %dma_wait3A_86] : memref<3392x3x96xi32, #tpu.memory_space<hbm>> -> memref<1x3x96xi32, #tpu.memory_space<hbm>>
    %dma_wait3A_88 = tpu.memref_squeeze %dma_wait3A_87 : memref<1x3x96xi32, #tpu.memory_space<hbm>> -> memref<3x96xi32, #tpu.memory_space<hbm>>
    tpu.wait_dma2 semaphore(%arg22 : memref<!tpu.dma_semaphore, #tpu.memory_space<semaphore_mem>>) src(%dma_wait3A_88 : memref<3x96xi32, #tpu.memory_space<hbm>>) dst(%arg8 : memref<3x96xi32, #tpu.memory_space<vmem>>)
    %get3A_89 = arith.constant 1 : i32
    %get3A_90 = arith.index_cast %get3A_89 : i32 to index
    %get3A_91 = arith.constant 0 : index
    %get3A_92 = tpu.vector_load %arg8[%get3A_90, %get3A_91] {strides = array<i32>} : memref<3x96xi32, #tpu.memory_space<vmem>>, vector<16xi32>,
    %gather3A_93 = tpu.vector_load_idx %arg19[%get3A_92] : memref<10000xi32, #tpu.memory_space<vmem>>[vector<16xi32>], vector<16xi32>,
    %swap3A_94 = arith.constant 0 : index
    %swap3A_95 = tpu.vector_load %arg10[%swap3A_94] {strides = array<i32>} : memref<96xi32, #tpu.memory_space<vmem>>, vector<16xi32>,
    tpu.vector_store %arg10[%swap3A_94], %gather3A_93 {strides = array<i32>} : memref<96xi32, #tpu.memory_space<vmem>>, vector<16xi32>,
    %get3A_96 = arith.constant 1 : i32
    %get3A_97 = arith.index_cast %get3A_96 : i32 to index
    %get3A_98 = arith.constant 16 : index
    %get3A_99 = tpu.vector_load %arg8[%get3A_97, %get3A_98] {strides = array<i32>} : memref<3x96xi32, #tpu.memory_space<vmem>>, vector<16xi32>,
    %gather3A_100 = tpu.vector_load_idx %arg19[%get3A_99] : memref<10000xi32, #tpu.memory_space<vmem>>[vector<16xi32>], vector<16xi32>,
    %swap3A_101 = arith.constant 16 : index
    %swap3A_102 = tpu.vector_load %arg10[%swap3A_101] {strides = array<i32>} : memref<96xi32, #tpu.memory_space<vmem>>, vector<16xi32>,
    tpu.vector_store %arg10[%swap3A_101], %gather3A_100 {strides = array<i32>} : memref<96xi32, #tpu.memory_space<vmem>>, vector<16xi32>,
    %get3A_103 = arith.constant 1 : i32
    %get3A_104 = arith.index_cast %get3A_103 : i32 to index
    %get3A_105 = arith.constant 32 : index
    %get3A_106 = tpu.vector_load %arg8[%get3A_104, %get3A_105] {strides = array<i32>} : memref<3x96xi32, #tpu.memory_space<vmem>>, vector<16xi32>,
    %gather3A_107 = tpu.vector_load_idx %arg19[%get3A_106] : memref<10000xi32, #tpu.memory_space<vmem>>[vector<16xi32>], vector<16xi32>,
    %swap3A_108 = arith.constant 32 : index
    %swap3A_109 = tpu.vector_load %arg10[%swap3A_108] {strides = array<i32>} : memref<96xi32, #tpu.memory_space<vmem>>, vector<16xi32>,
    tpu.vector_store %arg10[%swap3A_108], %gather3A_107 {strides = array<i32>} : memref<96xi32, #tpu.memory_space<vmem>>, vector<16xi32>,
    %get3A_110 = arith.constant 1 : i32
    %get3A_111 = arith.index_cast %get3A_110 : i32 to index
    %get3A_112 = arith.constant 48 : index
    %get3A_113 = tpu.vector_load %arg8[%get3A_111, %get3A_112] {strides = array<i32>} : memref<3x96xi32, #tpu.memory_space<vmem>>, vector<16xi32>,
    %gather3A_114 = tpu.vector_load_idx %arg19[%get3A_113] : memref<10000xi32, #tpu.memory_space<vmem>>[vector<16xi32>], vector<16xi32>,
    %swap3A_115 = arith.constant 48 : index
    %swap3A_116 = tpu.vector_load %arg10[%swap3A_115] {strides = array<i32>} : memref<96xi32, #tpu.memory_space<vmem>>, vector<16xi32>,
    tpu.vector_store %arg10[%swap3A_115], %gather3A_114 {strides = array<i32>} : memref<96xi32, #tpu.memory_space<vmem>>, vector<16xi32>,
    %get3A_117 = arith.constant 1 : i32
    %get3A_118 = arith.index_cast %get3A_117 : i32 to index
    %get3A_119 = arith.constant 64 : index
    %get3A_120 = tpu.vector_load %arg8[%get3A_118, %get3A_119] {strides = array<i32>} : memref<3x96xi32, #tpu.memory_space<vmem>>, vector<16xi32>,
    %gather3A_121 = tpu.vector_load_idx %arg19[%get3A_120] : memref<10000xi32, #tpu.memory_space<vmem>>[vector<16xi32>], vector<16xi32>,
    %swap3A_122 = arith.constant 64 : index
    %swap3A_123 = tpu.vector_load %arg10[%swap3A_122] {strides = array<i32>} : memref<96xi32, #tpu.memory_space<vmem>>, vector<16xi32>,
    tpu.vector_store %arg10[%swap3A_122], %gather3A_121 {strides = array<i32>} : memref<96xi32, #tpu.memory_space<vmem>>, vector<16xi32>,
    %get3A_124 = arith.constant 1 : i32
    %get3A_125 = arith.index_cast %get3A_124 : i32 to index
    %get3A_126 = arith.constant 80 : index
    %get3A_127 = tpu.vector_load %arg8[%get3A_125, %get3A_126] {strides = array<i32>} : memref<3x96xi32, #tpu.memory_space<vmem>>, vector<16xi32>,
    %gather3A_128 = tpu.vector_load_idx %arg19[%get3A_127] : memref<10000xi32, #tpu.memory_space<vmem>>[vector<16xi32>], vector<16xi32>,
    %swap3A_129 = arith.constant 80 : index
    %swap3A_130 = tpu.vector_load %arg10[%swap3A_129] {strides = array<i32>} : memref<96xi32, #tpu.memory_space<vmem>>, vector<16xi32>,
    tpu.vector_store %arg10[%swap3A_129], %gather3A_128 {strides = array<i32>} : memref<96xi32, #tpu.memory_space<vmem>>, vector<16xi32>,
    %dma_start3A_131 = arith.constant 0 : i32
    %dma_start3A_132 = arith.constant 0 : i32
    %dma_start3A_133 = tpu.memref_slice %arg5[%dma_start3A_131, %dma_start3A_132] : memref<10001x64xi32, #tpu.memory_space<hbm>> -> memref<10001x64xi32, #tpu.memory_space<hbm>>
    tpu.enqueue_indirect_dma source(%dma_start3A_133 : memref<10001x64xi32, #tpu.memory_space<hbm>>) target(%arg12 : memref<96x64xi32, #tpu.memory_space<vmem>>) offsets(%arg10 : memref<96xi32, #tpu.memory_space<vmem>>) semaphore(%arg24 : memref<!tpu.dma_semaphore, #tpu.memory_space<semaphore_mem>>)
    %scan3A = arith.constant 0 : i32
    %scan3A_134 = arith.constant 0 : i32
    %scan3A_135 = arith.constant 53 : i32
    %scan3A_136 = arith.addi %scan3A_134, %scan3A_135 : i32
    %scan3A_137 = arith.constant 1 : i32
    scf.for %scan3A_158 = %scan3A_134 to %scan3A_136 step %scan3A_137  : i32 {
      %dma_wait3A_159 = arith.constant 0 : i32
      %dma_wait3A_160 = arith.constant 0 : i32
      %dma_wait3A_161 = tpu.memref_slice %arg5[%dma_wait3A_159, %dma_wait3A_160] : memref<10001x64xi32, #tpu.memory_space<hbm>> -> memref<10001x64xi32, #tpu.memory_space<hbm>>
      tpu.wait_indirect_dma semaphore(%arg23 : memref<!tpu.dma_semaphore, #tpu.memory_space<semaphore_mem>>) src(%dma_wait3A_161 : memref<10001x64xi32, #tpu.memory_space<hbm>>) dst(%arg11 : memref<96x64xi32, #tpu.memory_space<vmem>>)
      %get3A_162 = arith.constant 0 : i32
      %get3A_163 = arith.index_cast %get3A_162 : i32 to index
      %get3A_164 = arith.constant 0 : index
      %get3A_165 = tpu.vector_load %arg7[%get3A_163, %get3A_164] {strides = array<i32>} : memref<3x96xi32, #tpu.memory_space<vmem>>, vector<16xi32>,
      %swap3A_166 = arith.constant 0 : i32
      %swap3A_167 = arith.index_cast %swap3A_166 : i32 to index
      %swap3A_168 = arith.constant 0 : index
      %swap3A_169 = tpu.vector_load %arg15[%swap3A_167, %swap3A_168] {strides = array<i32>} : memref<1x96xi32, #tpu.memory_space<vmem>>, vector<16xi32>,
      tpu.vector_store %arg15[%swap3A_167, %swap3A_168], %get3A_165 {strides = array<i32>} : memref<1x96xi32, #tpu.memory_space<vmem>>, vector<16xi32>,
      %get3A_170 = arith.constant 2 : i32
      %get3A_171 = arith.index_cast %get3A_170 : i32 to index
      %get3A_172 = arith.constant 0 : index
      %get3A_173 = tpu.vector_load %arg7[%get3A_171, %get3A_172] {strides = array<i32>} : memref<3x96xi32, #tpu.memory_space<vmem>>, vector<16xi32>,
      %bitcast3A = vector.bitcast %get3A_173 : vector<16xi32> to vector<16xf32>
      %swap3A_174 = arith.constant 0 : i32
      %swap3A_175 = arith.index_cast %swap3A_174 : i32 to index
      %swap3A_176 = arith.constant 0 : index
      %swap3A_177 = tpu.vector_load %arg17[%swap3A_175, %swap3A_176] {strides = array<i32>} : memref<1x96xf32, #tpu.memory_space<vmem>>, vector<16xf32>,
      tpu.vector_store %arg17[%swap3A_175, %swap3A_176], %bitcast3A {strides = array<i32>} : memref<1x96xf32, #tpu.memory_space<vmem>>, vector<16xf32>,
      %get3A_178 = arith.constant 0 : i32
      %get3A_179 = arith.index_cast %get3A_178 : i32 to index
      %get3A_180 = arith.constant 16 : index
      %get3A_181 = tpu.vector_load %arg7[%get3A_179, %get3A_180] {strides = array<i32>} : memref<3x96xi32, #tpu.memory_space<vmem>>, vector<16xi32>,
      %swap3A_182 = arith.constant 0 : i32
      %swap3A_183 = arith.index_cast %swap3A_182 : i32 to index
      %swap3A_184 = arith.constant 16 : index
      %swap3A_185 = tpu.vector_load %arg15[%swap3A_183, %swap3A_184] {strides = array<i32>} : memref<1x96xi32, #tpu.memory_space<vmem>>, vector<16xi32>,
      tpu.vector_store %arg15[%swap3A_183, %swap3A_184], %get3A_181 {strides = array<i32>} : memref<1x96xi32, #tpu.memory_space<vmem>>, vector<16xi32>,
      %get3A_186 = arith.constant 2 : i32
      %get3A_187 = arith.index_cast %get3A_186 : i32 to index
      %get3A_188 = arith.constant 16 : index
      %get3A_189 = tpu.vector_load %arg7[%get3A_187, %get3A_188] {strides = array<i32>} : memref<3x96xi32, #tpu.memory_space<vmem>>, vector<16xi32>,
      %bitcast3A_190 = vector.bitcast %get3A_189 : vector<16xi32> to vector<16xf32>
      %swap3A_191 = arith.constant 0 : i32
      %swap3A_192 = arith.index_cast %swap3A_191 : i32 to index
      %swap3A_193 = arith.constant 16 : index
      %swap3A_194 = tpu.vector_load %arg17[%swap3A_192, %swap3A_193] {strides = array<i32>} : memref<1x96xf32, #tpu.memory_space<vmem>>, vector<16xf32>,
      tpu.vector_store %arg17[%swap3A_192, %swap3A_193], %bitcast3A_190 {strides = array<i32>} : memref<1x96xf32, #tpu.memory_space<vmem>>, vector<16xf32>,
      %get3A_195 = arith.constant 0 : i32
      %get3A_196 = arith.index_cast %get3A_195 : i32 to index
      %get3A_197 = arith.constant 32 : index
      %get3A_198 = tpu.vector_load %arg7[%get3A_196, %get3A_197] {strides = array<i32>} : memref<3x96xi32, #tpu.memory_space<vmem>>, vector<16xi32>,
      %swap3A_199 = arith.constant 0 : i32
      %swap3A_200 = arith.index_cast %swap3A_199 : i32 to index
      %swap3A_201 = arith.constant 32 : index
      %swap3A_202 = tpu.vector_load %arg15[%swap3A_200, %swap3A_201] {strides = array<i32>} : memref<1x96xi32, #tpu.memory_space<vmem>>, vector<16xi32>,
      tpu.vector_store %arg15[%swap3A_200, %swap3A_201], %get3A_198 {strides = array<i32>} : memref<1x96xi32, #tpu.memory_space<vmem>>, vector<16xi32>,
      %get3A_203 = arith.constant 2 : i32
      %get3A_204 = arith.index_cast %get3A_203 : i32 to index
      %get3A_205 = arith.constant 32 : index
      %get3A_206 = tpu.vector_load %arg7[%get3A_204, %get3A_205] {strides = array<i32>} : memref<3x96xi32, #tpu.memory_space<vmem>>, vector<16xi32>,
      %bitcast3A_207 = vector.bitcast %get3A_206 : vector<16xi32> to vector<16xf32>
      %swap3A_208 = arith.constant 0 : i32
      %swap3A_209 = arith.index_cast %swap3A_208 : i32 to index
      %swap3A_210 = arith.constant 32 : index
      %swap3A_211 = tpu.vector_load %arg17[%swap3A_209, %swap3A_210] {strides = array<i32>} : memref<1x96xf32, #tpu.memory_space<vmem>>, vector<16xf32>,
      tpu.vector_store %arg17[%swap3A_209, %swap3A_210], %bitcast3A_207 {strides = array<i32>} : memref<1x96xf32, #tpu.memory_space<vmem>>, vector<16xf32>,
      %get3A_212 = arith.constant 0 : i32
      %get3A_213 = arith.index_cast %get3A_212 : i32 to index
      %get3A_214 = arith.constant 48 : index
      %get3A_215 = tpu.vector_load %arg7[%get3A_213, %get3A_214] {strides = array<i32>} : memref<3x96xi32, #tpu.memory_space<vmem>>, vector<16xi32>,
      %swap3A_216 = arith.constant 0 : i32
      %swap3A_217 = arith.index_cast %swap3A_216 : i32 to index
      %swap3A_218 = arith.constant 48 : index
      %swap3A_219 = tpu.vector_load %arg15[%swap3A_217, %swap3A_218] {strides = array<i32>} : memref<1x96xi32, #tpu.memory_space<vmem>>, vector<16xi32>,
      tpu.vector_store %arg15[%swap3A_217, %swap3A_218], %get3A_215 {strides = array<i32>} : memref<1x96xi32, #tpu.memory_space<vmem>>, vector<16xi32>,
      %get3A_220 = arith.constant 2 : i32
      %get3A_221 = arith.index_cast %get3A_220 : i32 to index
      %get3A_222 = arith.constant 48 : index
      %get3A_223 = tpu.vector_load %arg7[%get3A_221, %get3A_222] {strides = array<i32>} : memref<3x96xi32, #tpu.memory_space<vmem>>, vector<16xi32>,
      %bitcast3A_224 = vector.bitcast %get3A_223 : vector<16xi32> to vector<16xf32>
      %swap3A_225 = arith.constant 0 : i32
      %swap3A_226 = arith.index_cast %swap3A_225 : i32 to index
      %swap3A_227 = arith.constant 48 : index
      %swap3A_228 = tpu.vector_load %arg17[%swap3A_226, %swap3A_227] {strides = array<i32>} : memref<1x96xf32, #tpu.memory_space<vmem>>, vector<16xf32>,
      tpu.vector_store %arg17[%swap3A_226, %swap3A_227], %bitcast3A_224 {strides = array<i32>} : memref<1x96xf32, #tpu.memory_space<vmem>>, vector<16xf32>,
      %get3A_229 = arith.constant 0 : i32
      %get3A_230 = arith.index_cast %get3A_229 : i32 to index
      %get3A_231 = arith.constant 64 : index
      %get3A_232 = tpu.vector_load %arg7[%get3A_230, %get3A_231] {strides = array<i32>} : memref<3x96xi32, #tpu.memory_space<vmem>>, vector<16xi32>,
      %swap3A_233 = arith.constant 0 : i32
      %swap3A_234 = arith.index_cast %swap3A_233 : i32 to index
      %swap3A_235 = arith.constant 64 : index
      %swap3A_236 = tpu.vector_load %arg15[%swap3A_234, %swap3A_235] {strides = array<i32>} : memref<1x96xi32, #tpu.memory_space<vmem>>, vector<16xi32>,
      tpu.vector_store %arg15[%swap3A_234, %swap3A_235], %get3A_232 {strides = array<i32>} : memref<1x96xi32, #tpu.memory_space<vmem>>, vector<16xi32>,
      %get3A_237 = arith.constant 2 : i32
      %get3A_238 = arith.index_cast %get3A_237 : i32 to index
      %get3A_239 = arith.constant 64 : index
      %get3A_240 = tpu.vector_load %arg7[%get3A_238, %get3A_239] {strides = array<i32>} : memref<3x96xi32, #tpu.memory_space<vmem>>, vector<16xi32>,
      %bitcast3A_241 = vector.bitcast %get3A_240 : vector<16xi32> to vector<16xf32>
      %swap3A_242 = arith.constant 0 : i32
      %swap3A_243 = arith.index_cast %swap3A_242 : i32 to index
      %swap3A_244 = arith.constant 64 : index
      %swap3A_245 = tpu.vector_load %arg17[%swap3A_243, %swap3A_244] {strides = array<i32>} : memref<1x96xf32, #tpu.memory_space<vmem>>, vector<16xf32>,
      tpu.vector_store %arg17[%swap3A_243, %swap3A_244], %bitcast3A_241 {strides = array<i32>} : memref<1x96xf32, #tpu.memory_space<vmem>>, vector<16xf32>,
      %get3A_246 = arith.constant 0 : i32
      %get3A_247 = arith.index_cast %get3A_246 : i32 to index
      %get3A_248 = arith.constant 80 : index
      %get3A_249 = tpu.vector_load %arg7[%get3A_247, %get3A_248] {strides = array<i32>} : memref<3x96xi32, #tpu.memory_space<vmem>>, vector<16xi32>,
      %swap3A_250 = arith.constant 0 : i32
      %swap3A_251 = arith.index_cast %swap3A_250 : i32 to index
      %swap3A_252 = arith.constant 80 : index
      %swap3A_253 = tpu.vector_load %arg15[%swap3A_251, %swap3A_252] {strides = array<i32>} : memref<1x96xi32, #tpu.memory_space<vmem>>, vector<16xi32>,
      tpu.vector_store %arg15[%swap3A_251, %swap3A_252], %get3A_249 {strides = array<i32>} : memref<1x96xi32, #tpu.memory_space<vmem>>, vector<16xi32>,
      %get3A_254 = arith.constant 2 : i32
      %get3A_255 = arith.index_cast %get3A_254 : i32 to index
      %get3A_256 = arith.constant 80 : index
      %get3A_257 = tpu.vector_load %arg7[%get3A_255, %get3A_256] {strides = array<i32>} : memref<3x96xi32, #tpu.memory_space<vmem>>, vector<16xi32>,
      %bitcast3A_258 = vector.bitcast %get3A_257 : vector<16xi32> to vector<16xf32>
      %swap3A_259 = arith.constant 0 : i32
      %swap3A_260 = arith.index_cast %swap3A_259 : i32 to index
      %swap3A_261 = arith.constant 80 : index
      %swap3A_262 = tpu.vector_load %arg17[%swap3A_260, %swap3A_261] {strides = array<i32>} : memref<1x96xf32, #tpu.memory_space<vmem>>, vector<16xf32>,
      tpu.vector_store %arg17[%swap3A_260, %swap3A_261], %bitcast3A_258 {strides = array<i32>} : memref<1x96xf32, #tpu.memory_space<vmem>>, vector<16xf32>,
      %lt3A = arith.constant 52 : i32
      %lt3A_263 = arith.cmpi slt, %scan3A_158, %lt3A : i32
      %convert_element_type3A = arith.extui %lt3A_263 : i1 to i32
      %cond3A = arith.constant 0 : i32
      %cond3A_264 = arith.cmpi ne, %convert_element_type3A, %cond3A : i32
      scf.if %cond3A_264 {
        %mul3A_420 = arith.constant 2 : i32
        %mul3A_421 = arith.muli %mul3A_420, %scan3A_158 : i32
        %add3A_422 = arith.constant 2 : i32
        %add3A_423 = arith.addi %mul3A_421, %add3A_422 : i32
        %add3A_424 = arith.constant 0 : i32
        %add3A_425 = arith.addi %add3A_423, %add3A_424 : i32
        %mul3A_426 = arith.constant 106 : i32
        %mul3A_427 = arith.muli %add3A, %mul3A_426 : i32
        %add3A_428 = arith.addi %mul3A_427, %add3A_425 : i32
        %dma_start3A_429 = arith.constant 0 : i32
        %dma_start3A_430 = arith.constant 0 : i32
        %dma_start3A_431 = tpu.memref_slice %arg2[%add3A_428, %dma_start3A_429, %dma_start3A_430] : memref<3392x3x96xi32, #tpu.memory_space<hbm>> -> memref<1x3x96xi32, #tpu.memory_space<hbm>>
        %dma_start3A_432 = tpu.memref_squeeze %dma_start3A_431 : memref<1x3x96xi32, #tpu.memory_space<hbm>> -> memref<3x96xi32, #tpu.memory_space<hbm>>
        %dma_start3A_433 = arith.constant 0 : i32
        %dma_start3A_434 = arith.constant 0 : i32
        %dma_start3A_435 = tpu.memref_slice %arg2[%add3A_428, %dma_start3A_433, %dma_start3A_434] : memref<3392x3x96xi32, #tpu.memory_space<hbm>> -> memref<1x3x96xi32, #tpu.memory_space<hbm>>
        %dma_start3A_436 = tpu.memref_squeeze %dma_start3A_435 : memref<1x3x96xi32, #tpu.memory_space<hbm>> -> memref<3x96xi32, #tpu.memory_space<hbm>>
        tpu.enqueue_dma source(%dma_start3A_436 : memref<3x96xi32, #tpu.memory_space<hbm>>) target(%arg7 : memref<3x96xi32, #tpu.memory_space<vmem>>) target_semaphore(%arg21 : memref<!tpu.dma_semaphore, #tpu.memory_space<semaphore_mem>>)
      } else {
      }
      %gt3A = arith.constant 0 : i32
      %gt3A_265 = arith.cmpi sgt, %scan3A_158, %gt3A : i32
      %convert_element_type3A_266 = arith.extui %gt3A_265 : i1 to i32
      %cond3A_267 = arith.constant 0 : i32
      %cond3A_268 = arith.cmpi ne, %convert_element_type3A_266, %cond3A_267 : i32
      scf.if %cond3A_268 {
        %dma_wait3A_420 = arith.constant 0 : i32
        %dma_wait3A_421 = arith.constant 0 : i32
        %dma_wait3A_422 = tpu.memref_slice %arg15[%dma_wait3A_420, %dma_wait3A_421] : memref<1x96xi32, #tpu.memory_space<vmem>> -> memref<1x96xi32, #tpu.memory_space<vmem>>
        %dma_wait3A_423 = tpu.memref_squeeze %dma_wait3A_422 : memref<1x96xi32, #tpu.memory_space<vmem>> -> memref<96xi32, #tpu.memory_space<vmem>>
        %dma_wait3A_424 = arith.constant 0 : i32
        %dma_wait3A_425 = arith.constant 0 : i32
        %dma_wait3A_426 = tpu.memref_slice %arg20[%dma_wait3A_424, %dma_wait3A_425] : memref<10240x128xf32, #tpu.memory_space<vmem_shared>> -> memref<10240x128xf32, #tpu.memory_space<vmem_shared>>
        tpu.wait_indirect_dma semaphore(%arg25 : memref<!tpu.dma_semaphore, #tpu.memory_space<semaphore_mem>>) src(%arg13 : memref<96x128xf32, #tpu.memory_space<vmem>>) dst(%dma_wait3A_426 : memref<10240x128xf32, #tpu.memory_space<vmem_shared>>)
      } else {
      }
      %scan3A_269 = arith.constant 0 : i32
      %scan3A_270 = arith.constant 0 : i32
      %scan3A_271 = arith.constant 6 : i32
      %scan3A_272 = arith.addi %scan3A_270, %scan3A_271 : i32
      %scan3A_273 = arith.constant 1 : i32
      scf.for %scan3A_420 = %scan3A_270 to %scan3A_272 step %scan3A_273  : i32 {
        %mul3A_421 = arith.constant 16 : i32
        %mul3A_422 = arith.muli %scan3A_420, %mul3A_421 : i32
        %get3A_423 = arith.constant 0 : i32
        %get3A_424 = arith.index_cast %get3A_423 : i32 to index
        %get3A_425 = arith.index_cast %mul3A_422 : i32 to index
        %get3A_426 = tpu.vector_load %arg17[%get3A_424, %get3A_425] {strides = array<i32>} : memref<1x96xf32, #tpu.memory_space<vmem>>, vector<16xf32>,
        %slice3A = vector.extract_strided_slice %get3A_426 {offsets = [0], sizes = [1], strides = [1]} : vector<16xf32> to vector<1xf32>
        %squeeze3A = vector.extract %slice3A[0] : f32 from vector<1xf32>
        %add3A_427 = arith.constant 0 : i32
        %add3A_428 = arith.addi %mul3A_422, %add3A_427 : i32
        %get3A_429 = arith.index_cast %add3A_428 : i32 to index
        %get3A_430 = arith.constant 0 : index
        %get3A_431 = tpu.vector_load %arg11[%get3A_429, %get3A_430] {strides = array<i32>} : memref<96x64xi32, #tpu.memory_space<vmem>>, vector<16xi32>,
        %shift_left3A = arith.constant 16 : i32
        %shift_left3A_432 = vector.broadcast %shift_left3A : i32 to vector<16xi32>
        %shift_left3A_433 = arith.shli %get3A_431, %shift_left3A_432 : vector<16xi32>
        %bitcast3A_434 = vector.bitcast %shift_left3A_433 : vector<16xi32> to vector<16xf32>
        %bitcast3A_435 = vector.bitcast %get3A_431 : vector<16xi32> to vector<16xf32>
        %mul3A_436 = vector.broadcast %squeeze3A : f32 to vector<16xf32>
        %mul3A_437 = arith.mulf %bitcast3A_434, %mul3A_436 : vector<16xf32>
        %swap3A_438 = arith.index_cast %add3A_428 : i32 to index
        %swap3A_439 = arith.constant 0 : index
        %swap3A_440 = tpu.vector_load %arg13[%swap3A_438, %swap3A_439] {strides = array<i32>} : memref<96x128xf32, #tpu.memory_space<vmem>>, vector<16xf32>,
        tpu.vector_store %arg13[%swap3A_438, %swap3A_439], %mul3A_437 {strides = array<i32>} : memref<96x128xf32, #tpu.memory_space<vmem>>, vector<16xf32>,
        %mul3A_441 = vector.broadcast %squeeze3A : f32 to vector<16xf32>
        %mul3A_442 = arith.mulf %bitcast3A_435, %mul3A_441 : vector<16xf32>
        %swap3A_443 = arith.index_cast %add3A_428 : i32 to index
        %swap3A_444 = arith.constant 16 : index
        %swap3A_445 = tpu.vector_load %arg13[%swap3A_443, %swap3A_444] {strides = array<i32>} : memref<96x128xf32, #tpu.memory_space<vmem>>, vector<16xf32>,
        tpu.vector_store %arg13[%swap3A_443, %swap3A_444], %mul3A_442 {strides = array<i32>} : memref<96x128xf32, #tpu.memory_space<vmem>>, vector<16xf32>,
        %get3A_446 = arith.index_cast %add3A_428 : i32 to index
        %get3A_447 = arith.constant 16 : index
        %get3A_448 = tpu.vector_load %arg11[%get3A_446, %get3A_447] {strides = array<i32>} : memref<96x64xi32, #tpu.memory_space<vmem>>, vector<16xi32>,
        %shift_left3A_449 = arith.constant 16 : i32
        %shift_left3A_450 = vector.broadcast %shift_left3A_449 : i32 to vector<16xi32>
        %shift_left3A_451 = arith.shli %get3A_448, %shift_left3A_450 : vector<16xi32>
        %bitcast3A_452 = vector.bitcast %shift_left3A_451 : vector<16xi32> to vector<16xf32>
        %bitcast3A_453 = vector.bitcast %get3A_448 : vector<16xi32> to vector<16xf32>
        %mul3A_454 = vector.broadcast %squeeze3A : f32 to vector<16xf32>
        %mul3A_455 = arith.mulf %bitcast3A_452, %mul3A_454 : vector<16xf32>
        %swap3A_456 = arith.index_cast %add3A_428 : i32 to index
        %swap3A_457 = arith.constant 32 : index
        %swap3A_458 = tpu.vector_load %arg13[%swap3A_456, %swap3A_457] {strides = array<i32>} : memref<96x128xf32, #tpu.memory_space<vmem>>, vector<16xf32>,
        tpu.vector_store %arg13[%swap3A_456, %swap3A_457], %mul3A_455 {strides = array<i32>} : memref<96x128xf32, #tpu.memory_space<vmem>>, vector<16xf32>,
        %mul3A_459 = vector.broadcast %squeeze3A : f32 to vector<16xf32>
        %mul3A_460 = arith.mulf %bitcast3A_453, %mul3A_459 : vector<16xf32>
        %swap3A_461 = arith.index_cast %add3A_428 : i32 to index
        %swap3A_462 = arith.constant 48 : index
        %swap3A_463 = tpu.vector_load %arg13[%swap3A_461, %swap3A_462] {strides = array<i32>} : memref<96x128xf32, #tpu.memory_space<vmem>>, vector<16xf32>,
        tpu.vector_store %arg13[%swap3A_461, %swap3A_462], %mul3A_460 {strides = array<i32>} : memref<96x128xf32, #tpu.memory_space<vmem>>, vector<16xf32>,
        %get3A_464 = arith.index_cast %add3A_428 : i32 to index
        %get3A_465 = arith.constant 32 : index
        %get3A_466 = tpu.vector_load %arg11[%get3A_464, %get3A_465] {strides = array<i32>} : memref<96x64xi32, #tpu.memory_space<vmem>>, vector<16xi32>,
        %shift_left3A_467 = arith.constant 16 : i32
        %shift_left3A_468 = vector.broadcast %shift_left3A_467 : i32 to vector<16xi32>
        %shift_left3A_469 = arith.shli %get3A_466, %shift_left3A_468 : vector<16xi32>
        %bitcast3A_470 = vector.bitcast %shift_left3A_469 : vector<16xi32> to vector<16xf32>
        %bitcast3A_471 = vector.bitcast %get3A_466 : vector<16xi32> to vector<16xf32>
        %mul3A_472 = vector.broadcast %squeeze3A : f32 to vector<16xf32>
        %mul3A_473 = arith.mulf %bitcast3A_470, %mul3A_472 : vector<16xf32>
        %swap3A_474 = arith.index_cast %add3A_428 : i32 to index
        %swap3A_475 = arith.constant 64 : index
        %swap3A_476 = tpu.vector_load %arg13[%swap3A_474, %swap3A_475] {strides = array<i32>} : memref<96x128xf32, #tpu.memory_space<vmem>>, vector<16xf32>,
        tpu.vector_store %arg13[%swap3A_474, %swap3A_475], %mul3A_473 {strides = array<i32>} : memref<96x128xf32, #tpu.memory_space<vmem>>, vector<16xf32>,
        %mul3A_477 = vector.broadcast %squeeze3A : f32 to vector<16xf32>
        %mul3A_478 = arith.mulf %bitcast3A_471, %mul3A_477 : vector<16xf32>
        %swap3A_479 = arith.index_cast %add3A_428 : i32 to index
        %swap3A_480 = arith.constant 80 : index
        %swap3A_481 = tpu.vector_load %arg13[%swap3A_479, %swap3A_480] {strides = array<i32>} : memref<96x128xf32, #tpu.memory_space<vmem>>, vector<16xf32>,
        tpu.vector_store %arg13[%swap3A_479, %swap3A_480], %mul3A_478 {strides = array<i32>} : memref<96x128xf32, #tpu.memory_space<vmem>>, vector<16xf32>,
        %get3A_482 = arith.index_cast %add3A_428 : i32 to index
        %get3A_483 = arith.constant 48 : index
        %get3A_484 = tpu.vector_load %arg11[%get3A_482, %get3A_483] {strides = array<i32>} : memref<96x64xi32, #tpu.memory_space<vmem>>, vector<16xi32>,
        %shift_left3A_485 = arith.constant 16 : i32
        %shift_left3A_486 = vector.broadcast %shift_left3A_485 : i32 to vector<16xi32>
        %shift_left3A_487 = arith.shli %get3A_484, %shift_left3A_486 : vector<16xi32>
        %bitcast3A_488 = vector.bitcast %shift_left3A_487 : vector<16xi32> to vector<16xf32>
        %bitcast3A_489 = vector.bitcast %get3A_484 : vector<16xi32> to vector<16xf32>
        %mul3A_490 = vector.broadcast %squeeze3A : f32 to vector<16xf32>
        %mul3A_491 = arith.mulf %bitcast3A_488, %mul3A_490 : vector<16xf32>
        %swap3A_492 = arith.index_cast %add3A_428 : i32 to index
        %swap3A_493 = arith.constant 96 : index
        %swap3A_494 = tpu.vector_load %arg13[%swap3A_492, %swap3A_493] {strides = array<i32>} : memref<96x128xf32, #tpu.memory_space<vmem>>, vector<16xf32>,
        tpu.vector_store %arg13[%swap3A_492, %swap3A_493], %mul3A_491 {strides = array<i32>} : memref<96x128xf32, #tpu.memory_space<vmem>>, vector<16xf32>,
        %mul3A_495 = vector.broadcast %squeeze3A : f32 to vector<16xf32>
        %mul3A_496 = arith.mulf %bitcast3A_489, %mul3A_495 : vector<16xf32>
        %swap3A_497 = arith.index_cast %add3A_428 : i32 to index
        %swap3A_498 = arith.constant 112 : index
        %swap3A_499 = tpu.vector_load %arg13[%swap3A_497, %swap3A_498] {strides = array<i32>} : memref<96x128xf32, #tpu.memory_space<vmem>>, vector<16xf32>,
        tpu.vector_store %arg13[%swap3A_497, %swap3A_498], %mul3A_496 {strides = array<i32>} : memref<96x128xf32, #tpu.memory_space<vmem>>, vector<16xf32>,
        %slice3A_500 = vector.extract_strided_slice %get3A_426 {offsets = [1], sizes = [1], strides = [1]} : vector<16xf32> to vector<1xf32>
        %squeeze3A_501 = vector.extract %slice3A_500[0] : f32 from vector<1xf32>
        %add3A_502 = arith.constant 1 : i32
        %add3A_503 = arith.addi %mul3A_422, %add3A_502 : i32
        %get3A_504 = arith.index_cast %add3A_503 : i32 to index
        %get3A_505 = arith.constant 0 : index
        %get3A_506 = tpu.vector_load %arg11[%get3A_504, %get3A_505] {strides = array<i32>} : memref<96x64xi32, #tpu.memory_space<vmem>>, vector<16xi32>,
        %shift_left3A_507 = arith.constant 16 : i32
        %shift_left3A_508 = vector.broadcast %shift_left3A_507 : i32 to vector<16xi32>
        %shift_left3A_509 = arith.shli %get3A_506, %shift_left3A_508 : vector<16xi32>
        %bitcast3A_510 = vector.bitcast %shift_left3A_509 : vector<16xi32> to vector<16xf32>
        %bitcast3A_511 = vector.bitcast %get3A_506 : vector<16xi32> to vector<16xf32>
        %mul3A_512 = vector.broadcast %squeeze3A_501 : f32 to vector<16xf32>
        %mul3A_513 = arith.mulf %bitcast3A_510, %mul3A_512 : vector<16xf32>
        %swap3A_514 = arith.index_cast %add3A_503 : i32 to index
        %swap3A_515 = arith.constant 0 : index
        %swap3A_516 = tpu.vector_load %arg13[%swap3A_514, %swap3A_515] {strides = array<i32>} : memref<96x128xf32, #tpu.memory_space<vmem>>, vector<16xf32>,
        tpu.vector_store %arg13[%swap3A_514, %swap3A_515], %mul3A_513 {strides = array<i32>} : memref<96x128xf32, #tpu.memory_space<vmem>>, vector<16xf32>,
        %mul3A_517 = vector.broadcast %squeeze3A_501 : f32 to vector<16xf32>
        %mul3A_518 = arith.mulf %bitcast3A_511, %mul3A_517 : vector<16xf32>
        %swap3A_519 = arith.index_cast %add3A_503 : i32 to index
        %swap3A_520 = arith.constant 16 : index
        %swap3A_521 = tpu.vector_load %arg13[%swap3A_519, %swap3A_520] {strides = array<i32>} : memref<96x128xf32, #tpu.memory_space<vmem>>, vector<16xf32>,
        tpu.vector_store %arg13[%swap3A_519, %swap3A_520], %mul3A_518 {strides = array<i32>} : memref<96x128xf32, #tpu.memory_space<vmem>>, vector<16xf32>,
        %get3A_522 = arith.index_cast %add3A_503 : i32 to index
        %get3A_523 = arith.constant 16 : index
        %get3A_524 = tpu.vector_load %arg11[%get3A_522, %get3A_523] {strides = array<i32>} : memref<96x64xi32, #tpu.memory_space<vmem>>, vector<16xi32>,
        %shift_left3A_525 = arith.constant 16 : i32
        %shift_left3A_526 = vector.broadcast %shift_left3A_525 : i32 to vector<16xi32>
        %shift_left3A_527 = arith.shli %get3A_524, %shift_left3A_526 : vector<16xi32>
        %bitcast3A_528 = vector.bitcast %shift_left3A_527 : vector<16xi32> to vector<16xf32>
        %bitcast3A_529 = vector.bitcast %get3A_524 : vector<16xi32> to vector<16xf32>
        %mul3A_530 = vector.broadcast %squeeze3A_501 : f32 to vector<16xf32>
        %mul3A_531 = arith.mulf %bitcast3A_528, %mul3A_530 : vector<16xf32>
        %swap3A_532 = arith.index_cast %add3A_503 : i32 to index
        %swap3A_533 = arith.constant 32 : index
        %swap3A_534 = tpu.vector_load %arg13[%swap3A_532, %swap3A_533] {strides = array<i32>} : memref<96x128xf32, #tpu.memory_space<vmem>>, vector<16xf32>,
        tpu.vector_store %arg13[%swap3A_532, %swap3A_533], %mul3A_531 {strides = array<i32>} : memref<96x128xf32, #tpu.memory_space<vmem>>, vector<16xf32>,
        %mul3A_535 = vector.broadcast %squeeze3A_501 : f32 to vector<16xf32>
        %mul3A_536 = arith.mulf %bitcast3A_529, %mul3A_535 : vector<16xf32>
        %swap3A_537 = arith.index_cast %add3A_503 : i32 to index
        %swap3A_538 = arith.constant 48 : index
        %swap3A_539 = tpu.vector_load %arg13[%swap3A_537, %swap3A_538] {strides = array<i32>} : memref<96x128xf32, #tpu.memory_space<vmem>>, vector<16xf32>,
        tpu.vector_store %arg13[%swap3A_537, %swap3A_538], %mul3A_536 {strides = array<i32>} : memref<96x128xf32, #tpu.memory_space<vmem>>, vector<16xf32>,
        %get3A_540 = arith.index_cast %add3A_503 : i32 to index
        %get3A_541 = arith.constant 32 : index
        %get3A_542 = tpu.vector_load %arg11[%get3A_540, %get3A_541] {strides = array<i32>} : memref<96x64xi32, #tpu.memory_space<vmem>>, vector<16xi32>,
        %shift_left3A_543 = arith.constant 16 : i32
        %shift_left3A_544 = vector.broadcast %shift_left3A_543 : i32 to vector<16xi32>
        %shift_left3A_545 = arith.shli %get3A_542, %shift_left3A_544 : vector<16xi32>
        %bitcast3A_546 = vector.bitcast %shift_left3A_545 : vector<16xi32> to vector<16xf32>
        %bitcast3A_547 = vector.bitcast %get3A_542 : vector<16xi32> to vector<16xf32>
        %mul3A_548 = vector.broadcast %squeeze3A_501 : f32 to vector<16xf32>
        %mul3A_549 = arith.mulf %bitcast3A_546, %mul3A_548 : vector<16xf32>
        %swap3A_550 = arith.index_cast %add3A_503 : i32 to index
        %swap3A_551 = arith.constant 64 : index
        %swap3A_552 = tpu.vector_load %arg13[%swap3A_550, %swap3A_551] {strides = array<i32>} : memref<96x128xf32, #tpu.memory_space<vmem>>, vector<16xf32>,
        tpu.vector_store %arg13[%swap3A_550, %swap3A_551], %mul3A_549 {strides = array<i32>} : memref<96x128xf32, #tpu.memory_space<vmem>>, vector<16xf32>,
        %mul3A_553 = vector.broadcast %squeeze3A_501 : f32 to vector<16xf32>
        %mul3A_554 = arith.mulf %bitcast3A_547, %mul3A_553 : vector<16xf32>
        %swap3A_555 = arith.index_cast %add3A_503 : i32 to index
        %swap3A_556 = arith.constant 80 : index
        %swap3A_557 = tpu.vector_load %arg13[%swap3A_555, %swap3A_556] {strides = array<i32>} : memref<96x128xf32, #tpu.memory_space<vmem>>, vector<16xf32>,
        tpu.vector_store %arg13[%swap3A_555, %swap3A_556], %mul3A_554 {strides = array<i32>} : memref<96x128xf32, #tpu.memory_space<vmem>>, vector<16xf32>,
        %get3A_558 = arith.index_cast %add3A_503 : i32 to index
        %get3A_559 = arith.constant 48 : index
        %get3A_560 = tpu.vector_load %arg11[%get3A_558, %get3A_559] {strides = array<i32>} : memref<96x64xi32, #tpu.memory_space<vmem>>, vector<16xi32>,
        %shift_left3A_561 = arith.constant 16 : i32
        %shift_left3A_562 = vector.broadcast %shift_left3A_561 : i32 to vector<16xi32>
        %shift_left3A_563 = arith.shli %get3A_560, %shift_left3A_562 : vector<16xi32>
        %bitcast3A_564 = vector.bitcast %shift_left3A_563 : vector<16xi32> to vector<16xf32>
        %bitcast3A_565 = vector.bitcast %get3A_560 : vector<16xi32> to vector<16xf32>
        %mul3A_566 = vector.broadcast %squeeze3A_501 : f32 to vector<16xf32>
        %mul3A_567 = arith.mulf %bitcast3A_564, %mul3A_566 : vector<16xf32>
        %swap3A_568 = arith.index_cast %add3A_503 : i32 to index
        %swap3A_569 = arith.constant 96 : index
        %swap3A_570 = tpu.vector_load %arg13[%swap3A_568, %swap3A_569] {strides = array<i32>} : memref<96x128xf32, #tpu.memory_space<vmem>>, vector<16xf32>,
        tpu.vector_store %arg13[%swap3A_568, %swap3A_569], %mul3A_567 {strides = array<i32>} : memref<96x128xf32, #tpu.memory_space<vmem>>, vector<16xf32>,
        %mul3A_571 = vector.broadcast %squeeze3A_501 : f32 to vector<16xf32>
        %mul3A_572 = arith.mulf %bitcast3A_565, %mul3A_571 : vector<16xf32>
        %swap3A_573 = arith.index_cast %add3A_503 : i32 to index
        %swap3A_574 = arith.constant 112 : index
        %swap3A_575 = tpu.vector_load %arg13[%swap3A_573, %swap3A_574] {strides = array<i32>} : memref<96x128xf32, #tpu.memory_space<vmem>>, vector<16xf32>,
        tpu.vector_store %arg13[%swap3A_573, %swap3A_574], %mul3A_572 {strides = array<i32>} : memref<96x128xf32, #tpu.memory_space<vmem>>, vector<16xf32>,
        %slice3A_576 = vector.extract_strided_slice %get3A_426 {offsets = [2], sizes = [1], strides = [1]} : vector<16xf32> to vector<1xf32>
        %squeeze3A_577 = vector.extract %slice3A_576[0] : f32 from vector<1xf32>
        %add3A_578 = arith.constant 2 : i32
        %add3A_579 = arith.addi %mul3A_422, %add3A_578 : i32
        %get3A_580 = arith.index_cast %add3A_579 : i32 to index
        %get3A_581 = arith.constant 0 : index
        %get3A_582 = tpu.vector_load %arg11[%get3A_580, %get3A_581] {strides = array<i32>} : memref<96x64xi32, #tpu.memory_space<vmem>>, vector<16xi32>,
        %shift_left3A_583 = arith.constant 16 : i32
        %shift_left3A_584 = vector.broadcast %shift_left3A_583 : i32 to vector<16xi32>
        %shift_left3A_585 = arith.shli %get3A_582, %shift_left3A_584 : vector<16xi32>
        %bitcast3A_586 = vector.bitcast %shift_left3A_585 : vector<16xi32> to vector<16xf32>
        %bitcast3A_587 = vector.bitcast %get3A_582 : vector<16xi32> to vector<16xf32>
        %mul3A_588 = vector.broadcast %squeeze3A_577 : f32 to vector<16xf32>
        %mul3A_589 = arith.mulf %bitcast3A_586, %mul3A_588 : vector<16xf32>
        %swap3A_590 = arith.index_cast %add3A_579 : i32 to index
        %swap3A_591 = arith.constant 0 : index
        %swap3A_592 = tpu.vector_load %arg13[%swap3A_590, %swap3A_591] {strides = array<i32>} : memref<96x128xf32, #tpu.memory_space<vmem>>, vector<16xf32>,
        tpu.vector_store %arg13[%swap3A_590, %swap3A_591], %mul3A_589 {strides = array<i32>} : memref<96x128xf32, #tpu.memory_space<vmem>>, vector<16xf32>,
        %mul3A_593 = vector.broadcast %squeeze3A_577 : f32 to vector<16xf32>
        %mul3A_594 = arith.mulf %bitcast3A_587, %mul3A_593 : vector<16xf32>
        %swap3A_595 = arith.index_cast %add3A_579 : i32 to index
        %swap3A_596 = arith.constant 16 : index
        %swap3A_597 = tpu.vector_load %arg13[%swap3A_595, %swap3A_596] {strides = array<i32>} : memref<96x128xf32, #tpu.memory_space<vmem>>, vector<16xf32>,
        tpu.vector_store %arg13[%swap3A_595, %swap3A_596], %mul3A_594 {strides = array<i32>} : memref<96x128xf32, #tpu.memory_space<vmem>>, vector<16xf32>,
        %get3A_598 = arith.index_cast %add3A_579 : i32 to index
        %get3A_599 = arith.constant 16 : index
        %get3A_600 = tpu.vector_load %arg11[%get3A_598, %get3A_599] {strides = array<i32>} : memref<96x64xi32, #tpu.memory_space<vmem>>, vector<16xi32>,
        %shift_left3A_601 = arith.constant 16 : i32
        %shift_left3A_602 = vector.broadcast %shift_left3A_601 : i32 to vector<16xi32>
        %shift_left3A_603 = arith.shli %get3A_600, %shift_left3A_602 : vector<16xi32>
        %bitcast3A_604 = vector.bitcast %shift_left3A_603 : vector<16xi32> to vector<16xf32>
        %bitcast3A_605 = vector.bitcast %get3A_600 : vector<16xi32> to vector<16xf32>
        %mul3A_606 = vector.broadcast %squeeze3A_577 : f32 to vector<16xf32>
        %mul3A_607 = arith.mulf %bitcast3A_604, %mul3A_606 : vector<16xf32>
        %swap3A_608 = arith.index_cast %add3A_579 : i32 to index
        %swap3A_609 = arith.constant 32 : index
        %swap3A_610 = tpu.vector_load %arg13[%swap3A_608, %swap3A_609] {strides = array<i32>} : memref<96x128xf32, #tpu.memory_space<vmem>>, vector<16xf32>,
        tpu.vector_store %arg13[%swap3A_608, %swap3A_609], %mul3A_607 {strides = array<i32>} : memref<96x128xf32, #tpu.memory_space<vmem>>, vector<16xf32>,
        %mul3A_611 = vector.broadcast %squeeze3A_577 : f32 to vector<16xf32>
        %mul3A_612 = arith.mulf %bitcast3A_605, %mul3A_611 : vector<16xf32>
        %swap3A_613 = arith.index_cast %add3A_579 : i32 to index
        %swap3A_614 = arith.constant 48 : index
        %swap3A_615 = tpu.vector_load %arg13[%swap3A_613, %swap3A_614] {strides = array<i32>} : memref<96x128xf32, #tpu.memory_space<vmem>>, vector<16xf32>,
        tpu.vector_store %arg13[%swap3A_613, %swap3A_614], %mul3A_612 {strides = array<i32>} : memref<96x128xf32, #tpu.memory_space<vmem>>, vector<16xf32>,
        %get3A_616 = arith.index_cast %add3A_579 : i32 to index
        %get3A_617 = arith.constant 32 : index
        %get3A_618 = tpu.vector_load %arg11[%get3A_616, %get3A_617] {strides = array<i32>} : memref<96x64xi32, #tpu.memory_space<vmem>>, vector<16xi32>,
        %shift_left3A_619 = arith.constant 16 : i32
        %shift_left3A_620 = vector.broadcast %shift_left3A_619 : i32 to vector<16xi32>
        %shift_left3A_621 = arith.shli %get3A_618, %shift_left3A_620 : vector<16xi32>
        %bitcast3A_622 = vector.bitcast %shift_left3A_621 : vector<16xi32> to vector<16xf32>
        %bitcast3A_623 = vector.bitcast %get3A_618 : vector<16xi32> to vector<16xf32>
        %mul3A_624 = vector.broadcast %squeeze3A_577 : f32 to vector<16xf32>
        %mul3A_625 = arith.mulf %bitcast3A_622, %mul3A_624 : vector<16xf32>
        %swap3A_626 = arith.index_cast %add3A_579 : i32 to index
        %swap3A_627 = arith.constant 64 : index
        %swap3A_628 = tpu.vector_load %arg13[%swap3A_626, %swap3A_627] {strides = array<i32>} : memref<96x128xf32, #tpu.memory_space<vmem>>, vector<16xf32>,
        tpu.vector_store %arg13[%swap3A_626, %swap3A_627], %mul3A_625 {strides = array<i32>} : memref<96x128xf32, #tpu.memory_space<vmem>>, vector<16xf32>,
        %mul3A_629 = vector.broadcast %squeeze3A_577 : f32 to vector<16xf32>
        %mul3A_630 = arith.mulf %bitcast3A_623, %mul3A_629 : vector<16xf32>
        %swap3A_631 = arith.index_cast %add3A_579 : i32 to index
        %swap3A_632 = arith.constant 80 : index
        %swap3A_633 = tpu.vector_load %arg13[%swap3A_631, %swap3A_632] {strides = array<i32>} : memref<96x128xf32, #tpu.memory_space<vmem>>, vector<16xf32>,
        tpu.vector_store %arg13[%swap3A_631, %swap3A_632], %mul3A_630 {strides = array<i32>} : memref<96x128xf32, #tpu.memory_space<vmem>>, vector<16xf32>,
        %get3A_634 = arith.index_cast %add3A_579 : i32 to index
        %get3A_635 = arith.constant 48 : index
        %get3A_636 = tpu.vector_load %arg11[%get3A_634, %get3A_635] {strides = array<i32>} : memref<96x64xi32, #tpu.memory_space<vmem>>, vector<16xi32>,
        %shift_left3A_637 = arith.constant 16 : i32
        %shift_left3A_638 = vector.broadcast %shift_left3A_637 : i32 to vector<16xi32>
        %shift_left3A_639 = arith.shli %get3A_636, %shift_left3A_638 : vector<16xi32>
        %bitcast3A_640 = vector.bitcast %shift_left3A_639 : vector<16xi32> to vector<16xf32>
        %bitcast3A_641 = vector.bitcast %get3A_636 : vector<16xi32> to vector<16xf32>
        %mul3A_642 = vector.broadcast %squeeze3A_577 : f32 to vector<16xf32>
        %mul3A_643 = arith.mulf %bitcast3A_640, %mul3A_642 : vector<16xf32>
        %swap3A_644 = arith.index_cast %add3A_579 : i32 to index
        %swap3A_645 = arith.constant 96 : index
        %swap3A_646 = tpu.vector_load %arg13[%swap3A_644, %swap3A_645] {strides = array<i32>} : memref<96x128xf32, #tpu.memory_space<vmem>>, vector<16xf32>,
        tpu.vector_store %arg13[%swap3A_644, %swap3A_645], %mul3A_643 {strides = array<i32>} : memref<96x128xf32, #tpu.memory_space<vmem>>, vector<16xf32>,
        %mul3A_647 = vector.broadcast %squeeze3A_577 : f32 to vector<16xf32>
        %mul3A_648 = arith.mulf %bitcast3A_641, %mul3A_647 : vector<16xf32>
        %swap3A_649 = arith.index_cast %add3A_579 : i32 to index
        %swap3A_650 = arith.constant 112 : index
        %swap3A_651 = tpu.vector_load %arg13[%swap3A_649, %swap3A_650] {strides = array<i32>} : memref<96x128xf32, #tpu.memory_space<vmem>>, vector<16xf32>,
        tpu.vector_store %arg13[%swap3A_649, %swap3A_650], %mul3A_648 {strides = array<i32>} : memref<96x128xf32, #tpu.memory_space<vmem>>, vector<16xf32>,
        %slice3A_652 = vector.extract_strided_slice %get3A_426 {offsets = [3], sizes = [1], strides = [1]} : vector<16xf32> to vector<1xf32>
        %squeeze3A_653 = vector.extract %slice3A_652[0] : f32 from vector<1xf32>
        %add3A_654 = arith.constant 3 : i32
        %add3A_655 = arith.addi %mul3A_422, %add3A_654 : i32
        %get3A_656 = arith.index_cast %add3A_655 : i32 to index
        %get3A_657 = arith.constant 0 : index
        %get3A_658 = tpu.vector_load %arg11[%get3A_656, %get3A_657] {strides = array<i32>} : memref<96x64xi32, #tpu.memory_space<vmem>>, vector<16xi32>,
        %shift_left3A_659 = arith.constant 16 : i32
        %shift_left3A_660 = vector.broadcast %shift_left3A_659 : i32 to vector<16xi32>
        %shift_left3A_661 = arith.shli %get3A_658, %shift_left3A_660 : vector<16xi32>
        %bitcast3A_662 = vector.bitcast %shift_left3A_661 : vector<16xi32> to vector<16xf32>
        %bitcast3A_663 = vector.bitcast %get3A_658 : vector<16xi32> to vector<16xf32>
        %mul3A_664 = vector.broadcast %squeeze3A_653 : f32 to vector<16xf32>
        %mul3A_665 = arith.mulf %bitcast3A_662, %mul3A_664 : vector<16xf32>
        %swap3A_666 = arith.index_cast %add3A_655 : i32 to index
        %swap3A_667 = arith.constant 0 : index
        %swap3A_668 = tpu.vector_load %arg13[%swap3A_666, %swap3A_667] {strides = array<i32>} : memref<96x128xf32, #tpu.memory_space<vmem>>, vector<16xf32>,
        tpu.vector_store %arg13[%swap3A_666, %swap3A_667], %mul3A_665 {strides = array<i32>} : memref<96x128xf32, #tpu.memory_space<vmem>>, vector<16xf32>,
        %mul3A_669 = vector.broadcast %squeeze3A_653 : f32 to vector<16xf32>
        %mul3A_670 = arith.mulf %bitcast3A_663, %mul3A_669 : vector<16xf32>
        %swap3A_671 = arith.index_cast %add3A_655 : i32 to index
        %swap3A_672 = arith.constant 16 : index
        %swap3A_673 = tpu.vector_load %arg13[%swap3A_671, %swap3A_672] {strides = array<i32>} : memref<96x128xf32, #tpu.memory_space<vmem>>, vector<16xf32>,
        tpu.vector_store %arg13[%swap3A_671, %swap3A_672], %mul3A_670 {strides = array<i32>} : memref<96x128xf32, #tpu.memory_space<vmem>>, vector<16xf32>,
        %get3A_674 = arith.index_cast %add3A_655 : i32 to index
        %get3A_675 = arith.constant 16 : index
        %get3A_676 = tpu.vector_load %arg11[%get3A_674, %get3A_675] {strides = array<i32>} : memref<96x64xi32, #tpu.memory_space<vmem>>, vector<16xi32>,
        %shift_left3A_677 = arith.constant 16 : i32
        %shift_left3A_678 = vector.broadcast %shift_left3A_677 : i32 to vector<16xi32>
        %shift_left3A_679 = arith.shli %get3A_676, %shift_left3A_678 : vector<16xi32>
        %bitcast3A_680 = vector.bitcast %shift_left3A_679 : vector<16xi32> to vector<16xf32>
        %bitcast3A_681 = vector.bitcast %get3A_676 : vector<16xi32> to vector<16xf32>
        %mul3A_682 = vector.broadcast %squeeze3A_653 : f32 to vector<16xf32>
        %mul3A_683 = arith.mulf %bitcast3A_680, %mul3A_682 : vector<16xf32>
        %swap3A_684 = arith.index_cast %add3A_655 : i32 to index
        %swap3A_685 = arith.constant 32 : index
        %swap3A_686 = tpu.vector_load %arg13[%swap3A_684, %swap3A_685] {strides = array<i32>} : memref<96x128xf32, #tpu.memory_space<vmem>>, vector<16xf32>,
        tpu.vector_store %arg13[%swap3A_684, %swap3A_685], %mul3A_683 {strides = array<i32>} : memref<96x128xf32, #tpu.memory_space<vmem>>, vector<16xf32>,
        %mul3A_687 = vector.broadcast %squeeze3A_653 : f32 to vector<16xf32>
        %mul3A_688 = arith.mulf %bitcast3A_681, %mul3A_687 : vector<16xf32>
        %swap3A_689 = arith.index_cast %add3A_655 : i32 to index
        %swap3A_690 = arith.constant 48 : index
        %swap3A_691 = tpu.vector_load %arg13[%swap3A_689, %swap3A_690] {strides = array<i32>} : memref<96x128xf32, #tpu.memory_space<vmem>>, vector<16xf32>,
        tpu.vector_store %arg13[%swap3A_689, %swap3A_690], %mul3A_688 {strides = array<i32>} : memref<96x128xf32, #tpu.memory_space<vmem>>, vector<16xf32>,
        %get3A_692 = arith.index_cast %add3A_655 : i32 to index
        %get3A_693 = arith.constant 32 : index
        %get3A_694 = tpu.vector_load %arg11[%get3A_692, %get3A_693] {strides = array<i32>} : memref<96x64xi32, #tpu.memory_space<vmem>>, vector<16xi32>,
        %shift_left3A_695 = arith.constant 16 : i32
        %shift_left3A_696 = vector.broadcast %shift_left3A_695 : i32 to vector<16xi32>
        %shift_left3A_697 = arith.shli %get3A_694, %shift_left3A_696 : vector<16xi32>
        %bitcast3A_698 = vector.bitcast %shift_left3A_697 : vector<16xi32> to vector<16xf32>
        %bitcast3A_699 = vector.bitcast %get3A_694 : vector<16xi32> to vector<16xf32>
        %mul3A_700 = vector.broadcast %squeeze3A_653 : f32 to vector<16xf32>
        %mul3A_701 = arith.mulf %bitcast3A_698, %mul3A_700 : vector<16xf32>
        %swap3A_702 = arith.index_cast %add3A_655 : i32 to index
        %swap3A_703 = arith.constant 64 : index
        %swap3A_704 = tpu.vector_load %arg13[%swap3A_702, %swap3A_703] {strides = array<i32>} : memref<96x128xf32, #tpu.memory_space<vmem>>, vector<16xf32>,
        tpu.vector_store %arg13[%swap3A_702, %swap3A_703], %mul3A_701 {strides = array<i32>} : memref<96x128xf32, #tpu.memory_space<vmem>>, vector<16xf32>,
        %mul3A_705 = vector.broadcast %squeeze3A_653 : f32 to vector<16xf32>
        %mul3A_706 = arith.mulf %bitcast3A_699, %mul3A_705 : vector<16xf32>
        %swap3A_707 = arith.index_cast %add3A_655 : i32 to index
        %swap3A_708 = arith.constant 80 : index
        %swap3A_709 = tpu.vector_load %arg13[%swap3A_707, %swap3A_708] {strides = array<i32>} : memref<96x128xf32, #tpu.memory_space<vmem>>, vector<16xf32>,
        tpu.vector_store %arg13[%swap3A_707, %swap3A_708], %mul3A_706 {strides = array<i32>} : memref<96x128xf32, #tpu.memory_space<vmem>>, vector<16xf32>,
        %get3A_710 = arith.index_cast %add3A_655 : i32 to index
        %get3A_711 = arith.constant 48 : index
        %get3A_712 = tpu.vector_load %arg11[%get3A_710, %get3A_711] {strides = array<i32>} : memref<96x64xi32, #tpu.memory_space<vmem>>, vector<16xi32>,
        %shift_left3A_713 = arith.constant 16 : i32
        %shift_left3A_714 = vector.broadcast %shift_left3A_713 : i32 to vector<16xi32>
        %shift_left3A_715 = arith.shli %get3A_712, %shift_left3A_714 : vector<16xi32>
        %bitcast3A_716 = vector.bitcast %shift_left3A_715 : vector<16xi32> to vector<16xf32>
        %bitcast3A_717 = vector.bitcast %get3A_712 : vector<16xi32> to vector<16xf32>
        %mul3A_718 = vector.broadcast %squeeze3A_653 : f32 to vector<16xf32>
        %mul3A_719 = arith.mulf %bitcast3A_716, %mul3A_718 : vector<16xf32>
        %swap3A_720 = arith.index_cast %add3A_655 : i32 to index
        %swap3A_721 = arith.constant 96 : index
        %swap3A_722 = tpu.vector_load %arg13[%swap3A_720, %swap3A_721] {strides = array<i32>} : memref<96x128xf32, #tpu.memory_space<vmem>>, vector<16xf32>,
        tpu.vector_store %arg13[%swap3A_720, %swap3A_721], %mul3A_719 {strides = array<i32>} : memref<96x128xf32, #tpu.memory_space<vmem>>, vector<16xf32>,
        %mul3A_723 = vector.broadcast %squeeze3A_653 : f32 to vector<16xf32>
        %mul3A_724 = arith.mulf %bitcast3A_717, %mul3A_723 : vector<16xf32>
        %swap3A_725 = arith.index_cast %add3A_655 : i32 to index
        %swap3A_726 = arith.constant 112 : index
        %swap3A_727 = tpu.vector_load %arg13[%swap3A_725, %swap3A_726] {strides = array<i32>} : memref<96x128xf32, #tpu.memory_space<vmem>>, vector<16xf32>,
        tpu.vector_store %arg13[%swap3A_725, %swap3A_726], %mul3A_724 {strides = array<i32>} : memref<96x128xf32, #tpu.memory_space<vmem>>, vector<16xf32>,
        %slice3A_728 = vector.extract_strided_slice %get3A_426 {offsets = [4], sizes = [1], strides = [1]} : vector<16xf32> to vector<1xf32>
        %squeeze3A_729 = vector.extract %slice3A_728[0] : f32 from vector<1xf32>
        %add3A_730 = arith.constant 4 : i32
        %add3A_731 = arith.addi %mul3A_422, %add3A_730 : i32
        %get3A_732 = arith.index_cast %add3A_731 : i32 to index
        %get3A_733 = arith.constant 0 : index
        %get3A_734 = tpu.vector_load %arg11[%get3A_732, %get3A_733] {strides = array<i32>} : memref<96x64xi32, #tpu.memory_space<vmem>>, vector<16xi32>,
        %shift_left3A_735 = arith.constant 16 : i32
        %shift_left3A_736 = vector.broadcast %shift_left3A_735 : i32 to vector<16xi32>
        %shift_left3A_737 = arith.shli %get3A_734, %shift_left3A_736 : vector<16xi32>
        %bitcast3A_738 = vector.bitcast %shift_left3A_737 : vector<16xi32> to vector<16xf32>
        %bitcast3A_739 = vector.bitcast %get3A_734 : vector<16xi32> to vector<16xf32>
        %mul3A_740 = vector.broadcast %squeeze3A_729 : f32 to vector<16xf32>
        %mul3A_741 = arith.mulf %bitcast3A_738, %mul3A_740 : vector<16xf32>
        %swap3A_742 = arith.index_cast %add3A_731 : i32 to index
        %swap3A_743 = arith.constant 0 : index
        %swap3A_744 = tpu.vector_load %arg13[%swap3A_742, %swap3A_743] {strides = array<i32>} : memref<96x128xf32, #tpu.memory_space<vmem>>, vector<16xf32>,
        tpu.vector_store %arg13[%swap3A_742, %swap3A_743], %mul3A_741 {strides = array<i32>} : memref<96x128xf32, #tpu.memory_space<vmem>>, vector<16xf32>,
        %mul3A_745 = vector.broadcast %squeeze3A_729 : f32 to vector<16xf32>
        %mul3A_746 = arith.mulf %bitcast3A_739, %mul3A_745 : vector<16xf32>
        %swap3A_747 = arith.index_cast %add3A_731 : i32 to index
        %swap3A_748 = arith.constant 16 : index
        %swap3A_749 = tpu.vector_load %arg13[%swap3A_747, %swap3A_748] {strides = array<i32>} : memref<96x128xf32, #tpu.memory_space<vmem>>, vector<16xf32>,
        tpu.vector_store %arg13[%swap3A_747, %swap3A_748], %mul3A_746 {strides = array<i32>} : memref<96x128xf32, #tpu.memory_space<vmem>>, vector<16xf32>,
        %get3A_750 = arith.index_cast %add3A_731 : i32 to index
        %get3A_751 = arith.constant 16 : index
        %get3A_752 = tpu.vector_load %arg11[%get3A_750, %get3A_751] {strides = array<i32>} : memref<96x64xi32, #tpu.memory_space<vmem>>, vector<16xi32>,
        %shift_left3A_753 = arith.constant 16 : i32
        %shift_left3A_754 = vector.broadcast %shift_left3A_753 : i32 to vector<16xi32>
        %shift_left3A_755 = arith.shli %get3A_752, %shift_left3A_754 : vector<16xi32>
        %bitcast3A_756 = vector.bitcast %shift_left3A_755 : vector<16xi32> to vector<16xf32>
        %bitcast3A_757 = vector.bitcast %get3A_752 : vector<16xi32> to vector<16xf32>
        %mul3A_758 = vector.broadcast %squeeze3A_729 : f32 to vector<16xf32>
        %mul3A_759 = arith.mulf %bitcast3A_756, %mul3A_758 : vector<16xf32>
        %swap3A_760 = arith.index_cast %add3A_731 : i32 to index
        %swap3A_761 = arith.constant 32 : index
        %swap3A_762 = tpu.vector_load %arg13[%swap3A_760, %swap3A_761] {strides = array<i32>} : memref<96x128xf32, #tpu.memory_space<vmem>>, vector<16xf32>,
        tpu.vector_store %arg13[%swap3A_760, %swap3A_761], %mul3A_759 {strides = array<i32>} : memref<96x128xf32, #tpu.memory_space<vmem>>, vector<16xf32>,
        %mul3A_763 = vector.broadcast %squeeze3A_729 : f32 to vector<16xf32>
        %mul3A_764 = arith.mulf %bitcast3A_757, %mul3A_763 : vector<16xf32>
        %swap3A_765 = arith.index_cast %add3A_731 : i32 to index
        %swap3A_766 = arith.constant 48 : index
        %swap3A_767 = tpu.vector_load %arg13[%swap3A_765, %swap3A_766] {strides = array<i32>} : memref<96x128xf32, #tpu.memory_space<vmem>>, vector<16xf32>,
        tpu.vector_store %arg13[%swap3A_765, %swap3A_766], %mul3A_764 {strides = array<i32>} : memref<96x128xf32, #tpu.memory_space<vmem>>, vector<16xf32>,
        %get3A_768 = arith.index_cast %add3A_731 : i32 to index
        %get3A_769 = arith.constant 32 : index
        %get3A_770 = tpu.vector_load %arg11[%get3A_768, %get3A_769] {strides = array<i32>} : memref<96x64xi32, #tpu.memory_space<vmem>>, vector<16xi32>,
        %shift_left3A_771 = arith.constant 16 : i32
        %shift_left3A_772 = vector.broadcast %shift_left3A_771 : i32 to vector<16xi32>
        %shift_left3A_773 = arith.shli %get3A_770, %shift_left3A_772 : vector<16xi32>
        %bitcast3A_774 = vector.bitcast %shift_left3A_773 : vector<16xi32> to vector<16xf32>
        %bitcast3A_775 = vector.bitcast %get3A_770 : vector<16xi32> to vector<16xf32>
        %mul3A_776 = vector.broadcast %squeeze3A_729 : f32 to vector<16xf32>
        %mul3A_777 = arith.mulf %bitcast3A_774, %mul3A_776 : vector<16xf32>
        %swap3A_778 = arith.index_cast %add3A_731 : i32 to index
        %swap3A_779 = arith.constant 64 : index
        %swap3A_780 = tpu.vector_load %arg13[%swap3A_778, %swap3A_779] {strides = array<i32>} : memref<96x128xf32, #tpu.memory_space<vmem>>, vector<16xf32>,
        tpu.vector_store %arg13[%swap3A_778, %swap3A_779], %mul3A_777 {strides = array<i32>} : memref<96x128xf32, #tpu.memory_space<vmem>>, vector<16xf32>,
        %mul3A_781 = vector.broadcast %squeeze3A_729 : f32 to vector<16xf32>
        %mul3A_782 = arith.mulf %bitcast3A_775, %mul3A_781 : vector<16xf32>
        %swap3A_783 = arith.index_cast %add3A_731 : i32 to index
        %swap3A_784 = arith.constant 80 : index
        %swap3A_785 = tpu.vector_load %arg13[%swap3A_783, %swap3A_784] {strides = array<i32>} : memref<96x128xf32, #tpu.memory_space<vmem>>, vector<16xf32>,
        tpu.vector_store %arg13[%swap3A_783, %swap3A_784], %mul3A_782 {strides = array<i32>} : memref<96x128xf32, #tpu.memory_space<vmem>>, vector<16xf32>,
        %get3A_786 = arith.index_cast %add3A_731 : i32 to index
        %get3A_787 = arith.constant 48 : index
        %get3A_788 = tpu.vector_load %arg11[%get3A_786, %get3A_787] {strides = array<i32>} : memref<96x64xi32, #tpu.memory_space<vmem>>, vector<16xi32>,
        %shift_left3A_789 = arith.constant 16 : i32
        %shift_left3A_790 = vector.broadcast %shift_left3A_789 : i32 to vector<16xi32>
        %shift_left3A_791 = arith.shli %get3A_788, %shift_left3A_790 : vector<16xi32>
        %bitcast3A_792 = vector.bitcast %shift_left3A_791 : vector<16xi32> to vector<16xf32>
        %bitcast3A_793 = vector.bitcast %get3A_788 : vector<16xi32> to vector<16xf32>
        %mul3A_794 = vector.broadcast %squeeze3A_729 : f32 to vector<16xf32>
        %mul3A_795 = arith.mulf %bitcast3A_792, %mul3A_794 : vector<16xf32>
        %swap3A_796 = arith.index_cast %add3A_731 : i32 to index
        %swap3A_797 = arith.constant 96 : index
        %swap3A_798 = tpu.vector_load %arg13[%swap3A_796, %swap3A_797] {strides = array<i32>} : memref<96x128xf32, #tpu.memory_space<vmem>>, vector<16xf32>,
        tpu.vector_store %arg13[%swap3A_796, %swap3A_797], %mul3A_795 {strides = array<i32>} : memref<96x128xf32, #tpu.memory_space<vmem>>, vector<16xf32>,
        %mul3A_799 = vector.broadcast %squeeze3A_729 : f32 to vector<16xf32>
        %mul3A_800 = arith.mulf %bitcast3A_793, %mul3A_799 : vector<16xf32>
        %swap3A_801 = arith.index_cast %add3A_731 : i32 to index
        %swap3A_802 = arith.constant 112 : index
        %swap3A_803 = tpu.vector_load %arg13[%swap3A_801, %swap3A_802] {strides = array<i32>} : memref<96x128xf32, #tpu.memory_space<vmem>>, vector<16xf32>,
        tpu.vector_store %arg13[%swap3A_801, %swap3A_802], %mul3A_800 {strides = array<i32>} : memref<96x128xf32, #tpu.memory_space<vmem>>, vector<16xf32>,
        %slice3A_804 = vector.extract_strided_slice %get3A_426 {offsets = [5], sizes = [1], strides = [1]} : vector<16xf32> to vector<1xf32>
        %squeeze3A_805 = vector.extract %slice3A_804[0] : f32 from vector<1xf32>
        %add3A_806 = arith.constant 5 : i32
        %add3A_807 = arith.addi %mul3A_422, %add3A_806 : i32
        %get3A_808 = arith.index_cast %add3A_807 : i32 to index
        %get3A_809 = arith.constant 0 : index
        %get3A_810 = tpu.vector_load %arg11[%get3A_808, %get3A_809] {strides = array<i32>} : memref<96x64xi32, #tpu.memory_space<vmem>>, vector<16xi32>,
        %shift_left3A_811 = arith.constant 16 : i32
        %shift_left3A_812 = vector.broadcast %shift_left3A_811 : i32 to vector<16xi32>
        %shift_left3A_813 = arith.shli %get3A_810, %shift_left3A_812 : vector<16xi32>
        %bitcast3A_814 = vector.bitcast %shift_left3A_813 : vector<16xi32> to vector<16xf32>
        %bitcast3A_815 = vector.bitcast %get3A_810 : vector<16xi32> to vector<16xf32>
        %mul3A_816 = vector.broadcast %squeeze3A_805 : f32 to vector<16xf32>
        %mul3A_817 = arith.mulf %bitcast3A_814, %mul3A_816 : vector<16xf32>
        %swap3A_818 = arith.index_cast %add3A_807 : i32 to index
        %swap3A_819 = arith.constant 0 : index
        %swap3A_820 = tpu.vector_load %arg13[%swap3A_818, %swap3A_819] {strides = array<i32>} : memref<96x128xf32, #tpu.memory_space<vmem>>, vector<16xf32>,
        tpu.vector_store %arg13[%swap3A_818, %swap3A_819], %mul3A_817 {strides = array<i32>} : memref<96x128xf32, #tpu.memory_space<vmem>>, vector<16xf32>,
        %mul3A_821 = vector.broadcast %squeeze3A_805 : f32 to vector<16xf32>
        %mul3A_822 = arith.mulf %bitcast3A_815, %mul3A_821 : vector<16xf32>
        %swap3A_823 = arith.index_cast %add3A_807 : i32 to index
        %swap3A_824 = arith.constant 16 : index
        %swap3A_825 = tpu.vector_load %arg13[%swap3A_823, %swap3A_824] {strides = array<i32>} : memref<96x128xf32, #tpu.memory_space<vmem>>, vector<16xf32>,
        tpu.vector_store %arg13[%swap3A_823, %swap3A_824], %mul3A_822 {strides = array<i32>} : memref<96x128xf32, #tpu.memory_space<vmem>>, vector<16xf32>,
        %get3A_826 = arith.index_cast %add3A_807 : i32 to index
        %get3A_827 = arith.constant 16 : index
        %get3A_828 = tpu.vector_load %arg11[%get3A_826, %get3A_827] {strides = array<i32>} : memref<96x64xi32, #tpu.memory_space<vmem>>, vector<16xi32>,
        %shift_left3A_829 = arith.constant 16 : i32
        %shift_left3A_830 = vector.broadcast %shift_left3A_829 : i32 to vector<16xi32>
        %shift_left3A_831 = arith.shli %get3A_828, %shift_left3A_830 : vector<16xi32>
        %bitcast3A_832 = vector.bitcast %shift_left3A_831 : vector<16xi32> to vector<16xf32>
        %bitcast3A_833 = vector.bitcast %get3A_828 : vector<16xi32> to vector<16xf32>
        %mul3A_834 = vector.broadcast %squeeze3A_805 : f32 to vector<16xf32>
        %mul3A_835 = arith.mulf %bitcast3A_832, %mul3A_834 : vector<16xf32>
        %swap3A_836 = arith.index_cast %add3A_807 : i32 to index
        %swap3A_837 = arith.constant 32 : index
        %swap3A_838 = tpu.vector_load %arg13[%swap3A_836, %swap3A_837] {strides = array<i32>} : memref<96x128xf32, #tpu.memory_space<vmem>>, vector<16xf32>,
        tpu.vector_store %arg13[%swap3A_836, %swap3A_837], %mul3A_835 {strides = array<i32>} : memref<96x128xf32, #tpu.memory_space<vmem>>, vector<16xf32>,
        %mul3A_839 = vector.broadcast %squeeze3A_805 : f32 to vector<16xf32>
        %mul3A_840 = arith.mulf %bitcast3A_833, %mul3A_839 : vector<16xf32>
        %swap3A_841 = arith.index_cast %add3A_807 : i32 to index
        %swap3A_842 = arith.constant 48 : index
        %swap3A_843 = tpu.vector_load %arg13[%swap3A_841, %swap3A_842] {strides = array<i32>} : memref<96x128xf32, #tpu.memory_space<vmem>>, vector<16xf32>,
        tpu.vector_store %arg13[%swap3A_841, %swap3A_842], %mul3A_840 {strides = array<i32>} : memref<96x128xf32, #tpu.memory_space<vmem>>, vector<16xf32>,
        %get3A_844 = arith.index_cast %add3A_807 : i32 to index
        %get3A_845 = arith.constant 32 : index
        %get3A_846 = tpu.vector_load %arg11[%get3A_844, %get3A_845] {strides = array<i32>} : memref<96x64xi32, #tpu.memory_space<vmem>>, vector<16xi32>,
        %shift_left3A_847 = arith.constant 16 : i32
        %shift_left3A_848 = vector.broadcast %shift_left3A_847 : i32 to vector<16xi32>
        %shift_left3A_849 = arith.shli %get3A_846, %shift_left3A_848 : vector<16xi32>
        %bitcast3A_850 = vector.bitcast %shift_left3A_849 : vector<16xi32> to vector<16xf32>
        %bitcast3A_851 = vector.bitcast %get3A_846 : vector<16xi32> to vector<16xf32>
        %mul3A_852 = vector.broadcast %squeeze3A_805 : f32 to vector<16xf32>
        %mul3A_853 = arith.mulf %bitcast3A_850, %mul3A_852 : vector<16xf32>
        %swap3A_854 = arith.index_cast %add3A_807 : i32 to index
        %swap3A_855 = arith.constant 64 : index
        %swap3A_856 = tpu.vector_load %arg13[%swap3A_854, %swap3A_855] {strides = array<i32>} : memref<96x128xf32, #tpu.memory_space<vmem>>, vector<16xf32>,
        tpu.vector_store %arg13[%swap3A_854, %swap3A_855], %mul3A_853 {strides = array<i32>} : memref<96x128xf32, #tpu.memory_space<vmem>>, vector<16xf32>,
        %mul3A_857 = vector.broadcast %squeeze3A_805 : f32 to vector<16xf32>
        %mul3A_858 = arith.mulf %bitcast3A_851, %mul3A_857 : vector<16xf32>
        %swap3A_859 = arith.index_cast %add3A_807 : i32 to index
        %swap3A_860 = arith.constant 80 : index
        %swap3A_861 = tpu.vector_load %arg13[%swap3A_859, %swap3A_860] {strides = array<i32>} : memref<96x128xf32, #tpu.memory_space<vmem>>, vector<16xf32>,
        tpu.vector_store %arg13[%swap3A_859, %swap3A_860], %mul3A_858 {strides = array<i32>} : memref<96x128xf32, #tpu.memory_space<vmem>>, vector<16xf32>,
        %get3A_862 = arith.index_cast %add3A_807 : i32 to index
        %get3A_863 = arith.constant 48 : index
        %get3A_864 = tpu.vector_load %arg11[%get3A_862, %get3A_863] {strides = array<i32>} : memref<96x64xi32, #tpu.memory_space<vmem>>, vector<16xi32>,
        %shift_left3A_865 = arith.constant 16 : i32
        %shift_left3A_866 = vector.broadcast %shift_left3A_865 : i32 to vector<16xi32>
        %shift_left3A_867 = arith.shli %get3A_864, %shift_left3A_866 : vector<16xi32>
        %bitcast3A_868 = vector.bitcast %shift_left3A_867 : vector<16xi32> to vector<16xf32>
        %bitcast3A_869 = vector.bitcast %get3A_864 : vector<16xi32> to vector<16xf32>
        %mul3A_870 = vector.broadcast %squeeze3A_805 : f32 to vector<16xf32>
        %mul3A_871 = arith.mulf %bitcast3A_868, %mul3A_870 : vector<16xf32>
        %swap3A_872 = arith.index_cast %add3A_807 : i32 to index
        %swap3A_873 = arith.constant 96 : index
        %swap3A_874 = tpu.vector_load %arg13[%swap3A_872, %swap3A_873] {strides = array<i32>} : memref<96x128xf32, #tpu.memory_space<vmem>>, vector<16xf32>,
        tpu.vector_store %arg13[%swap3A_872, %swap3A_873], %mul3A_871 {strides = array<i32>} : memref<96x128xf32, #tpu.memory_space<vmem>>, vector<16xf32>,
        %mul3A_875 = vector.broadcast %squeeze3A_805 : f32 to vector<16xf32>
        %mul3A_876 = arith.mulf %bitcast3A_869, %mul3A_875 : vector<16xf32>
        %swap3A_877 = arith.index_cast %add3A_807 : i32 to index
        %swap3A_878 = arith.constant 112 : index
        %swap3A_879 = tpu.vector_load %arg13[%swap3A_877, %swap3A_878] {strides = array<i32>} : memref<96x128xf32, #tpu.memory_space<vmem>>, vector<16xf32>,
        tpu.vector_store %arg13[%swap3A_877, %swap3A_878], %mul3A_876 {strides = array<i32>} : memref<96x128xf32, #tpu.memory_space<vmem>>, vector<16xf32>,
        %slice3A_880 = vector.extract_strided_slice %get3A_426 {offsets = [6], sizes = [1], strides = [1]} : vector<16xf32> to vector<1xf32>
        %squeeze3A_881 = vector.extract %slice3A_880[0] : f32 from vector<1xf32>
        %add3A_882 = arith.constant 6 : i32
        %add3A_883 = arith.addi %mul3A_422, %add3A_882 : i32
        %get3A_884 = arith.index_cast %add3A_883 : i32 to index
        %get3A_885 = arith.constant 0 : index
        %get3A_886 = tpu.vector_load %arg11[%get3A_884, %get3A_885] {strides = array<i32>} : memref<96x64xi32, #tpu.memory_space<vmem>>, vector<16xi32>,
        %shift_left3A_887 = arith.constant 16 : i32
        %shift_left3A_888 = vector.broadcast %shift_left3A_887 : i32 to vector<16xi32>
        %shift_left3A_889 = arith.shli %get3A_886, %shift_left3A_888 : vector<16xi32>
        %bitcast3A_890 = vector.bitcast %shift_left3A_889 : vector<16xi32> to vector<16xf32>
        %bitcast3A_891 = vector.bitcast %get3A_886 : vector<16xi32> to vector<16xf32>
        %mul3A_892 = vector.broadcast %squeeze3A_881 : f32 to vector<16xf32>
        %mul3A_893 = arith.mulf %bitcast3A_890, %mul3A_892 : vector<16xf32>
        %swap3A_894 = arith.index_cast %add3A_883 : i32 to index
        %swap3A_895 = arith.constant 0 : index
        %swap3A_896 = tpu.vector_load %arg13[%swap3A_894, %swap3A_895] {strides = array<i32>} : memref<96x128xf32, #tpu.memory_space<vmem>>, vector<16xf32>,
        tpu.vector_store %arg13[%swap3A_894, %swap3A_895], %mul3A_893 {strides = array<i32>} : memref<96x128xf32, #tpu.memory_space<vmem>>, vector<16xf32>,
        %mul3A_897 = vector.broadcast %squeeze3A_881 : f32 to vector<16xf32>
        %mul3A_898 = arith.mulf %bitcast3A_891, %mul3A_897 : vector<16xf32>
        %swap3A_899 = arith.index_cast %add3A_883 : i32 to index
        %swap3A_900 = arith.constant 16 : index
        %swap3A_901 = tpu.vector_load %arg13[%swap3A_899, %swap3A_900] {strides = array<i32>} : memref<96x128xf32, #tpu.memory_space<vmem>>, vector<16xf32>,
        tpu.vector_store %arg13[%swap3A_899, %swap3A_900], %mul3A_898 {strides = array<i32>} : memref<96x128xf32, #tpu.memory_space<vmem>>, vector<16xf32>,
        %get3A_902 = arith.index_cast %add3A_883 : i32 to index
        %get3A_903 = arith.constant 16 : index
        %get3A_904 = tpu.vector_load %arg11[%get3A_902, %get3A_903] {strides = array<i32>} : memref<96x64xi32, #tpu.memory_space<vmem>>, vector<16xi32>,
        %shift_left3A_905 = arith.constant 16 : i32
        %shift_left3A_906 = vector.broadcast %shift_left3A_905 : i32 to vector<16xi32>
        %shift_left3A_907 = arith.shli %get3A_904, %shift_left3A_906 : vector<16xi32>
        %bitcast3A_908 = vector.bitcast %shift_left3A_907 : vector<16xi32> to vector<16xf32>
        %bitcast3A_909 = vector.bitcast %get3A_904 : vector<16xi32> to vector<16xf32>
        %mul3A_910 = vector.broadcast %squeeze3A_881 : f32 to vector<16xf32>
        %mul3A_911 = arith.mulf %bitcast3A_908, %mul3A_910 : vector<16xf32>
        %swap3A_912 = arith.index_cast %add3A_883 : i32 to index
        %swap3A_913 = arith.constant 32 : index
        %swap3A_914 = tpu.vector_load %arg13[%swap3A_912, %swap3A_913] {strides = array<i32>} : memref<96x128xf32, #tpu.memory_space<vmem>>, vector<16xf32>,
        tpu.vector_store %arg13[%swap3A_912, %swap3A_913], %mul3A_911 {strides = array<i32>} : memref<96x128xf32, #tpu.memory_space<vmem>>, vector<16xf32>,
        %mul3A_915 = vector.broadcast %squeeze3A_881 : f32 to vector<16xf32>
        %mul3A_916 = arith.mulf %bitcast3A_909, %mul3A_915 : vector<16xf32>
        %swap3A_917 = arith.index_cast %add3A_883 : i32 to index
        %swap3A_918 = arith.constant 48 : index
        %swap3A_919 = tpu.vector_load %arg13[%swap3A_917, %swap3A_918] {strides = array<i32>} : memref<96x128xf32, #tpu.memory_space<vmem>>, vector<16xf32>,
        tpu.vector_store %arg13[%swap3A_917, %swap3A_918], %mul3A_916 {strides = array<i32>} : memref<96x128xf32, #tpu.memory_space<vmem>>, vector<16xf32>,
        %get3A_920 = arith.index_cast %add3A_883 : i32 to index
        %get3A_921 = arith.constant 32 : index
        %get3A_922 = tpu.vector_load %arg11[%get3A_920, %get3A_921] {strides = array<i32>} : memref<96x64xi32, #tpu.memory_space<vmem>>, vector<16xi32>,
        %shift_left3A_923 = arith.constant 16 : i32
        %shift_left3A_924 = vector.broadcast %shift_left3A_923 : i32 to vector<16xi32>
        %shift_left3A_925 = arith.shli %get3A_922, %shift_left3A_924 : vector<16xi32>
        %bitcast3A_926 = vector.bitcast %shift_left3A_925 : vector<16xi32> to vector<16xf32>
        %bitcast3A_927 = vector.bitcast %get3A_922 : vector<16xi32> to vector<16xf32>
        %mul3A_928 = vector.broadcast %squeeze3A_881 : f32 to vector<16xf32>
        %mul3A_929 = arith.mulf %bitcast3A_926, %mul3A_928 : vector<16xf32>
        %swap3A_930 = arith.index_cast %add3A_883 : i32 to index
        %swap3A_931 = arith.constant 64 : index
        %swap3A_932 = tpu.vector_load %arg13[%swap3A_930, %swap3A_931] {strides = array<i32>} : memref<96x128xf32, #tpu.memory_space<vmem>>, vector<16xf32>,
        tpu.vector_store %arg13[%swap3A_930, %swap3A_931], %mul3A_929 {strides = array<i32>} : memref<96x128xf32, #tpu.memory_space<vmem>>, vector<16xf32>,
        %mul3A_933 = vector.broadcast %squeeze3A_881 : f32 to vector<16xf32>
        %mul3A_934 = arith.mulf %bitcast3A_927, %mul3A_933 : vector<16xf32>
        %swap3A_935 = arith.index_cast %add3A_883 : i32 to index
        %swap3A_936 = arith.constant 80 : index
        %swap3A_937 = tpu.vector_load %arg13[%swap3A_935, %swap3A_936] {strides = array<i32>} : memref<96x128xf32, #tpu.memory_space<vmem>>, vector<16xf32>,
        tpu.vector_store %arg13[%swap3A_935, %swap3A_936], %mul3A_934 {strides = array<i32>} : memref<96x128xf32, #tpu.memory_space<vmem>>, vector<16xf32>,
        %get3A_938 = arith.index_cast %add3A_883 : i32 to index
        %get3A_939 = arith.constant 48 : index
        %get3A_940 = tpu.vector_load %arg11[%get3A_938, %get3A_939] {strides = array<i32>} : memref<96x64xi32, #tpu.memory_space<vmem>>, vector<16xi32>,
        %shift_left3A_941 = arith.constant 16 : i32
        %shift_left3A_942 = vector.broadcast %shift_left3A_941 : i32 to vector<16xi32>
        %shift_left3A_943 = arith.shli %get3A_940, %shift_left3A_942 : vector<16xi32>
        %bitcast3A_944 = vector.bitcast %shift_left3A_943 : vector<16xi32> to vector<16xf32>
        %bitcast3A_945 = vector.bitcast %get3A_940 : vector<16xi32> to vector<16xf32>
        %mul3A_946 = vector.broadcast %squeeze3A_881 : f32 to vector<16xf32>
        %mul3A_947 = arith.mulf %bitcast3A_944, %mul3A_946 : vector<16xf32>
        %swap3A_948 = arith.index_cast %add3A_883 : i32 to index
        %swap3A_949 = arith.constant 96 : index
        %swap3A_950 = tpu.vector_load %arg13[%swap3A_948, %swap3A_949] {strides = array<i32>} : memref<96x128xf32, #tpu.memory_space<vmem>>, vector<16xf32>,
        tpu.vector_store %arg13[%swap3A_948, %swap3A_949], %mul3A_947 {strides = array<i32>} : memref<96x128xf32, #tpu.memory_space<vmem>>, vector<16xf32>,
        %mul3A_951 = vector.broadcast %squeeze3A_881 : f32 to vector<16xf32>
        %mul3A_952 = arith.mulf %bitcast3A_945, %mul3A_951 : vector<16xf32>
        %swap3A_953 = arith.index_cast %add3A_883 : i32 to index
        %swap3A_954 = arith.constant 112 : index
        %swap3A_955 = tpu.vector_load %arg13[%swap3A_953, %swap3A_954] {strides = array<i32>} : memref<96x128xf32, #tpu.memory_space<vmem>>, vector<16xf32>,
        tpu.vector_store %arg13[%swap3A_953, %swap3A_954], %mul3A_952 {strides = array<i32>} : memref<96x128xf32, #tpu.memory_space<vmem>>, vector<16xf32>,
        %slice3A_956 = vector.extract_strided_slice %get3A_426 {offsets = [7], sizes = [1], strides = [1]} : vector<16xf32> to vector<1xf32>
        %squeeze3A_957 = vector.extract %slice3A_956[0] : f32 from vector<1xf32>
        %add3A_958 = arith.constant 7 : i32
        %add3A_959 = arith.addi %mul3A_422, %add3A_958 : i32
        %get3A_960 = arith.index_cast %add3A_959 : i32 to index
        %get3A_961 = arith.constant 0 : index
        %get3A_962 = tpu.vector_load %arg11[%get3A_960, %get3A_961] {strides = array<i32>} : memref<96x64xi32, #tpu.memory_space<vmem>>, vector<16xi32>,
        %shift_left3A_963 = arith.constant 16 : i32
        %shift_left3A_964 = vector.broadcast %shift_left3A_963 : i32 to vector<16xi32>
        %shift_left3A_965 = arith.shli %get3A_962, %shift_left3A_964 : vector<16xi32>
        %bitcast3A_966 = vector.bitcast %shift_left3A_965 : vector<16xi32> to vector<16xf32>
        %bitcast3A_967 = vector.bitcast %get3A_962 : vector<16xi32> to vector<16xf32>
        %mul3A_968 = vector.broadcast %squeeze3A_957 : f32 to vector<16xf32>
        %mul3A_969 = arith.mulf %bitcast3A_966, %mul3A_968 : vector<16xf32>
        %swap3A_970 = arith.index_cast %add3A_959 : i32 to index
        %swap3A_971 = arith.constant 0 : index
        %swap3A_972 = tpu.vector_load %arg13[%swap3A_970, %swap3A_971] {strides = array<i32>} : memref<96x128xf32, #tpu.memory_space<vmem>>, vector<16xf32>,
        tpu.vector_store %arg13[%swap3A_970, %swap3A_971], %mul3A_969 {strides = array<i32>} : memref<96x128xf32, #tpu.memory_space<vmem>>, vector<16xf32>,
        %mul3A_973 = vector.broadcast %squeeze3A_957 : f32 to vector<16xf32>
        %mul3A_974 = arith.mulf %bitcast3A_967, %mul3A_973 : vector<16xf32>
        %swap3A_975 = arith.index_cast %add3A_959 : i32 to index
        %swap3A_976 = arith.constant 16 : index
        %swap3A_977 = tpu.vector_load %arg13[%swap3A_975, %swap3A_976] {strides = array<i32>} : memref<96x128xf32, #tpu.memory_space<vmem>>, vector<16xf32>,
        tpu.vector_store %arg13[%swap3A_975, %swap3A_976], %mul3A_974 {strides = array<i32>} : memref<96x128xf32, #tpu.memory_space<vmem>>, vector<16xf32>,
        %get3A_978 = arith.index_cast %add3A_959 : i32 to index
        %get3A_979 = arith.constant 16 : index
        %get3A_980 = tpu.vector_load %arg11[%get3A_978, %get3A_979] {strides = array<i32>} : memref<96x64xi32, #tpu.memory_space<vmem>>, vector<16xi32>,
        %shift_left3A_981 = arith.constant 16 : i32
        %shift_left3A_982 = vector.broadcast %shift_left3A_981 : i32 to vector<16xi32>
        %shift_left3A_983 = arith.shli %get3A_980, %shift_left3A_982 : vector<16xi32>
        %bitcast3A_984 = vector.bitcast %shift_left3A_983 : vector<16xi32> to vector<16xf32>
        %bitcast3A_985 = vector.bitcast %get3A_980 : vector<16xi32> to vector<16xf32>
        %mul3A_986 = vector.broadcast %squeeze3A_957 : f32 to vector<16xf32>
        %mul3A_987 = arith.mulf %bitcast3A_984, %mul3A_986 : vector<16xf32>
        %swap3A_988 = arith.index_cast %add3A_959 : i32 to index
        %swap3A_989 = arith.constant 32 : index
        %swap3A_990 = tpu.vector_load %arg13[%swap3A_988, %swap3A_989] {strides = array<i32>} : memref<96x128xf32, #tpu.memory_space<vmem>>, vector<16xf32>,
        tpu.vector_store %arg13[%swap3A_988, %swap3A_989], %mul3A_987 {strides = array<i32>} : memref<96x128xf32, #tpu.memory_space<vmem>>, vector<16xf32>,
        %mul3A_991 = vector.broadcast %squeeze3A_957 : f32 to vector<16xf32>
        %mul3A_992 = arith.mulf %bitcast3A_985, %mul3A_991 : vector<16xf32>
        %swap3A_993 = arith.index_cast %add3A_959 : i32 to index
        %swap3A_994 = arith.constant 48 : index
        %swap3A_995 = tpu.vector_load %arg13[%swap3A_993, %swap3A_994] {strides = array<i32>} : memref<96x128xf32, #tpu.memory_space<vmem>>, vector<16xf32>,
        tpu.vector_store %arg13[%swap3A_993, %swap3A_994], %mul3A_992 {strides = array<i32>} : memref<96x128xf32, #tpu.memory_space<vmem>>, vector<16xf32>,
        %get3A_996 = arith.index_cast %add3A_959 : i32 to index
        %get3A_997 = arith.constant 32 : index
        %get3A_998 = tpu.vector_load %arg11[%get3A_996, %get3A_997] {strides = array<i32>} : memref<96x64xi32, #tpu.memory_space<vmem>>, vector<16xi32>,
        %shift_left3A_999 = arith.constant 16 : i32
        %shift_left3A_1000 = vector.broadcast %shift_left3A_999 : i32 to vector<16xi32>
        %shift_left3A_1001 = arith.shli %get3A_998, %shift_left3A_1000 : vector<16xi32>
        %bitcast3A_1002 = vector.bitcast %shift_left3A_1001 : vector<16xi32> to vector<16xf32>
        %bitcast3A_1003 = vector.bitcast %get3A_998 : vector<16xi32> to vector<16xf32>
        %mul3A_1004 = vector.broadcast %squeeze3A_957 : f32 to vector<16xf32>
        %mul3A_1005 = arith.mulf %bitcast3A_1002, %mul3A_1004 : vector<16xf32>
        %swap3A_1006 = arith.index_cast %add3A_959 : i32 to index
        %swap3A_1007 = arith.constant 64 : index
        %swap3A_1008 = tpu.vector_load %arg13[%swap3A_1006, %swap3A_1007] {strides = array<i32>} : memref<96x128xf32, #tpu.memory_space<vmem>>, vector<16xf32>,
        tpu.vector_store %arg13[%swap3A_1006, %swap3A_1007], %mul3A_1005 {strides = array<i32>} : memref<96x128xf32, #tpu.memory_space<vmem>>, vector<16xf32>,
        %mul3A_1009 = vector.broadcast %squeeze3A_957 : f32 to vector<16xf32>
        %mul3A_1010 = arith.mulf %bitcast3A_1003, %mul3A_1009 : vector<16xf32>
        %swap3A_1011 = arith.index_cast %add3A_959 : i32 to index
        %swap3A_1012 = arith.constant 80 : index
        %swap3A_1013 = tpu.vector_load %arg13[%swap3A_1011, %swap3A_1012] {strides = array<i32>} : memref<96x128xf32, #tpu.memory_space<vmem>>, vector<16xf32>,
        tpu.vector_store %arg13[%swap3A_1011, %swap3A_1012], %mul3A_1010 {strides = array<i32>} : memref<96x128xf32, #tpu.memory_space<vmem>>, vector<16xf32>,
        %get3A_1014 = arith.index_cast %add3A_959 : i32 to index
        %get3A_1015 = arith.constant 48 : index
        %get3A_1016 = tpu.vector_load %arg11[%get3A_1014, %get3A_1015] {strides = array<i32>} : memref<96x64xi32, #tpu.memory_space<vmem>>, vector<16xi32>,
        %shift_left3A_1017 = arith.constant 16 : i32
        %shift_left3A_1018 = vector.broadcast %shift_left3A_1017 : i32 to vector<16xi32>
        %shift_left3A_1019 = arith.shli %get3A_1016, %shift_left3A_1018 : vector<16xi32>
        %bitcast3A_1020 = vector.bitcast %shift_left3A_1019 : vector<16xi32> to vector<16xf32>
        %bitcast3A_1021 = vector.bitcast %get3A_1016 : vector<16xi32> to vector<16xf32>
        %mul3A_1022 = vector.broadcast %squeeze3A_957 : f32 to vector<16xf32>
        %mul3A_1023 = arith.mulf %bitcast3A_1020, %mul3A_1022 : vector<16xf32>
        %swap3A_1024 = arith.index_cast %add3A_959 : i32 to index
        %swap3A_1025 = arith.constant 96 : index
        %swap3A_1026 = tpu.vector_load %arg13[%swap3A_1024, %swap3A_1025] {strides = array<i32>} : memref<96x128xf32, #tpu.memory_space<vmem>>, vector<16xf32>,
        tpu.vector_store %arg13[%swap3A_1024, %swap3A_1025], %mul3A_1023 {strides = array<i32>} : memref<96x128xf32, #tpu.memory_space<vmem>>, vector<16xf32>,
        %mul3A_1027 = vector.broadcast %squeeze3A_957 : f32 to vector<16xf32>
        %mul3A_1028 = arith.mulf %bitcast3A_1021, %mul3A_1027 : vector<16xf32>
        %swap3A_1029 = arith.index_cast %add3A_959 : i32 to index
        %swap3A_1030 = arith.constant 112 : index
        %swap3A_1031 = tpu.vector_load %arg13[%swap3A_1029, %swap3A_1030] {strides = array<i32>} : memref<96x128xf32, #tpu.memory_space<vmem>>, vector<16xf32>,
        tpu.vector_store %arg13[%swap3A_1029, %swap3A_1030], %mul3A_1028 {strides = array<i32>} : memref<96x128xf32, #tpu.memory_space<vmem>>, vector<16xf32>,
        %slice3A_1032 = vector.extract_strided_slice %get3A_426 {offsets = [8], sizes = [1], strides = [1]} : vector<16xf32> to vector<1xf32>
        %squeeze3A_1033 = vector.extract %slice3A_1032[0] : f32 from vector<1xf32>
        %add3A_1034 = arith.constant 8 : i32
        %add3A_1035 = arith.addi %mul3A_422, %add3A_1034 : i32
        %get3A_1036 = arith.index_cast %add3A_1035 : i32 to index
        %get3A_1037 = arith.constant 0 : index
        %get3A_1038 = tpu.vector_load %arg11[%get3A_1036, %get3A_1037] {strides = array<i32>} : memref<96x64xi32, #tpu.memory_space<vmem>>, vector<16xi32>,
        %shift_left3A_1039 = arith.constant 16 : i32
        %shift_left3A_1040 = vector.broadcast %shift_left3A_1039 : i32 to vector<16xi32>
        %shift_left3A_1041 = arith.shli %get3A_1038, %shift_left3A_1040 : vector<16xi32>
        %bitcast3A_1042 = vector.bitcast %shift_left3A_1041 : vector<16xi32> to vector<16xf32>
        %bitcast3A_1043 = vector.bitcast %get3A_1038 : vector<16xi32> to vector<16xf32>
        %mul3A_1044 = vector.broadcast %squeeze3A_1033 : f32 to vector<16xf32>
        %mul3A_1045 = arith.mulf %bitcast3A_1042, %mul3A_1044 : vector<16xf32>
        %swap3A_1046 = arith.index_cast %add3A_1035 : i32 to index
        %swap3A_1047 = arith.constant 0 : index
        %swap3A_1048 = tpu.vector_load %arg13[%swap3A_1046, %swap3A_1047] {strides = array<i32>} : memref<96x128xf32, #tpu.memory_space<vmem>>, vector<16xf32>,
        tpu.vector_store %arg13[%swap3A_1046, %swap3A_1047], %mul3A_1045 {strides = array<i32>} : memref<96x128xf32, #tpu.memory_space<vmem>>, vector<16xf32>,
        %mul3A_1049 = vector.broadcast %squeeze3A_1033 : f32 to vector<16xf32>
        %mul3A_1050 = arith.mulf %bitcast3A_1043, %mul3A_1049 : vector<16xf32>
        %swap3A_1051 = arith.index_cast %add3A_1035 : i32 to index
        %swap3A_1052 = arith.constant 16 : index
        %swap3A_1053 = tpu.vector_load %arg13[%swap3A_1051, %swap3A_1052] {strides = array<i32>} : memref<96x128xf32, #tpu.memory_space<vmem>>, vector<16xf32>,
        tpu.vector_store %arg13[%swap3A_1051, %swap3A_1052], %mul3A_1050 {strides = array<i32>} : memref<96x128xf32, #tpu.memory_space<vmem>>, vector<16xf32>,
        %get3A_1054 = arith.index_cast %add3A_1035 : i32 to index
        %get3A_1055 = arith.constant 16 : index
        %get3A_1056 = tpu.vector_load %arg11[%get3A_1054, %get3A_1055] {strides = array<i32>} : memref<96x64xi32, #tpu.memory_space<vmem>>, vector<16xi32>,
        %shift_left3A_1057 = arith.constant 16 : i32
        %shift_left3A_1058 = vector.broadcast %shift_left3A_1057 : i32 to vector<16xi32>
        %shift_left3A_1059 = arith.shli %get3A_1056, %shift_left3A_1058 : vector<16xi32>
        %bitcast3A_1060 = vector.bitcast %shift_left3A_1059 : vector<16xi32> to vector<16xf32>
        %bitcast3A_1061 = vector.bitcast %get3A_1056 : vector<16xi32> to vector<16xf32>
        %mul3A_1062 = vector.broadcast %squeeze3A_1033 : f32 to vector<16xf32>
        %mul3A_1063 = arith.mulf %bitcast3A_1060, %mul3A_1062 : vector<16xf32>
        %swap3A_1064 = arith.index_cast %add3A_1035 : i32 to index
        %swap3A_1065 = arith.constant 32 : index
        %swap3A_1066 = tpu.vector_load %arg13[%swap3A_1064, %swap3A_1065] {strides = array<i32>} : memref<96x128xf32, #tpu.memory_space<vmem>>, vector<16xf32>,
        tpu.vector_store %arg13[%swap3A_1064, %swap3A_1065], %mul3A_1063 {strides = array<i32>} : memref<96x128xf32, #tpu.memory_space<vmem>>, vector<16xf32>,
        %mul3A_1067 = vector.broadcast %squeeze3A_1033 : f32 to vector<16xf32>
        %mul3A_1068 = arith.mulf %bitcast3A_1061, %mul3A_1067 : vector<16xf32>
        %swap3A_1069 = arith.index_cast %add3A_1035 : i32 to index
        %swap3A_1070 = arith.constant 48 : index
        %swap3A_1071 = tpu.vector_load %arg13[%swap3A_1069, %swap3A_1070] {strides = array<i32>} : memref<96x128xf32, #tpu.memory_space<vmem>>, vector<16xf32>,
        tpu.vector_store %arg13[%swap3A_1069, %swap3A_1070], %mul3A_1068 {strides = array<i32>} : memref<96x128xf32, #tpu.memory_space<vmem>>, vector<16xf32>,
        %get3A_1072 = arith.index_cast %add3A_1035 : i32 to index
        %get3A_1073 = arith.constant 32 : index
        %get3A_1074 = tpu.vector_load %arg11[%get3A_1072, %get3A_1073] {strides = array<i32>} : memref<96x64xi32, #tpu.memory_space<vmem>>, vector<16xi32>,
        %shift_left3A_1075 = arith.constant 16 : i32
        %shift_left3A_1076 = vector.broadcast %shift_left3A_1075 : i32 to vector<16xi32>
        %shift_left3A_1077 = arith.shli %get3A_1074, %shift_left3A_1076 : vector<16xi32>
        %bitcast3A_1078 = vector.bitcast %shift_left3A_1077 : vector<16xi32> to vector<16xf32>
        %bitcast3A_1079 = vector.bitcast %get3A_1074 : vector<16xi32> to vector<16xf32>
        %mul3A_1080 = vector.broadcast %squeeze3A_1033 : f32 to vector<16xf32>
        %mul3A_1081 = arith.mulf %bitcast3A_1078, %mul3A_1080 : vector<16xf32>
        %swap3A_1082 = arith.index_cast %add3A_1035 : i32 to index
        %swap3A_1083 = arith.constant 64 : index
        %swap3A_1084 = tpu.vector_load %arg13[%swap3A_1082, %swap3A_1083] {strides = array<i32>} : memref<96x128xf32, #tpu.memory_space<vmem>>, vector<16xf32>,
        tpu.vector_store %arg13[%swap3A_1082, %swap3A_1083], %mul3A_1081 {strides = array<i32>} : memref<96x128xf32, #tpu.memory_space<vmem>>, vector<16xf32>,
        %mul3A_1085 = vector.broadcast %squeeze3A_1033 : f32 to vector<16xf32>
        %mul3A_1086 = arith.mulf %bitcast3A_1079, %mul3A_1085 : vector<16xf32>
        %swap3A_1087 = arith.index_cast %add3A_1035 : i32 to index
        %swap3A_1088 = arith.constant 80 : index
        %swap3A_1089 = tpu.vector_load %arg13[%swap3A_1087, %swap3A_1088] {strides = array<i32>} : memref<96x128xf32, #tpu.memory_space<vmem>>, vector<16xf32>,
        tpu.vector_store %arg13[%swap3A_1087, %swap3A_1088], %mul3A_1086 {strides = array<i32>} : memref<96x128xf32, #tpu.memory_space<vmem>>, vector<16xf32>,
        %get3A_1090 = arith.index_cast %add3A_1035 : i32 to index
        %get3A_1091 = arith.constant 48 : index
        %get3A_1092 = tpu.vector_load %arg11[%get3A_1090, %get3A_1091] {strides = array<i32>} : memref<96x64xi32, #tpu.memory_space<vmem>>, vector<16xi32>,
        %shift_left3A_1093 = arith.constant 16 : i32
        %shift_left3A_1094 = vector.broadcast %shift_left3A_1093 : i32 to vector<16xi32>
        %shift_left3A_1095 = arith.shli %get3A_1092, %shift_left3A_1094 : vector<16xi32>
        %bitcast3A_1096 = vector.bitcast %shift_left3A_1095 : vector<16xi32> to vector<16xf32>
        %bitcast3A_1097 = vector.bitcast %get3A_1092 : vector<16xi32> to vector<16xf32>
        %mul3A_1098 = vector.broadcast %squeeze3A_1033 : f32 to vector<16xf32>
        %mul3A_1099 = arith.mulf %bitcast3A_1096, %mul3A_1098 : vector<16xf32>
        %swap3A_1100 = arith.index_cast %add3A_1035 : i32 to index
        %swap3A_1101 = arith.constant 96 : index
        %swap3A_1102 = tpu.vector_load %arg13[%swap3A_1100, %swap3A_1101] {strides = array<i32>} : memref<96x128xf32, #tpu.memory_space<vmem>>, vector<16xf32>,
        tpu.vector_store %arg13[%swap3A_1100, %swap3A_1101], %mul3A_1099 {strides = array<i32>} : memref<96x128xf32, #tpu.memory_space<vmem>>, vector<16xf32>,
        %mul3A_1103 = vector.broadcast %squeeze3A_1033 : f32 to vector<16xf32>
        %mul3A_1104 = arith.mulf %bitcast3A_1097, %mul3A_1103 : vector<16xf32>
        %swap3A_1105 = arith.index_cast %add3A_1035 : i32 to index
        %swap3A_1106 = arith.constant 112 : index
        %swap3A_1107 = tpu.vector_load %arg13[%swap3A_1105, %swap3A_1106] {strides = array<i32>} : memref<96x128xf32, #tpu.memory_space<vmem>>, vector<16xf32>,
        tpu.vector_store %arg13[%swap3A_1105, %swap3A_1106], %mul3A_1104 {strides = array<i32>} : memref<96x128xf32, #tpu.memory_space<vmem>>, vector<16xf32>,
        %slice3A_1108 = vector.extract_strided_slice %get3A_426 {offsets = [9], sizes = [1], strides = [1]} : vector<16xf32> to vector<1xf32>
        %squeeze3A_1109 = vector.extract %slice3A_1108[0] : f32 from vector<1xf32>
        %add3A_1110 = arith.constant 9 : i32
        %add3A_1111 = arith.addi %mul3A_422, %add3A_1110 : i32
        %get3A_1112 = arith.index_cast %add3A_1111 : i32 to index
        %get3A_1113 = arith.constant 0 : index
        %get3A_1114 = tpu.vector_load %arg11[%get3A_1112, %get3A_1113] {strides = array<i32>} : memref<96x64xi32, #tpu.memory_space<vmem>>, vector<16xi32>,
        %shift_left3A_1115 = arith.constant 16 : i32
        %shift_left3A_1116 = vector.broadcast %shift_left3A_1115 : i32 to vector<16xi32>
        %shift_left3A_1117 = arith.shli %get3A_1114, %shift_left3A_1116 : vector<16xi32>
        %bitcast3A_1118 = vector.bitcast %shift_left3A_1117 : vector<16xi32> to vector<16xf32>
        %bitcast3A_1119 = vector.bitcast %get3A_1114 : vector<16xi32> to vector<16xf32>
        %mul3A_1120 = vector.broadcast %squeeze3A_1109 : f32 to vector<16xf32>
        %mul3A_1121 = arith.mulf %bitcast3A_1118, %mul3A_1120 : vector<16xf32>
        %swap3A_1122 = arith.index_cast %add3A_1111 : i32 to index
        %swap3A_1123 = arith.constant 0 : index
        %swap3A_1124 = tpu.vector_load %arg13[%swap3A_1122, %swap3A_1123] {strides = array<i32>} : memref<96x128xf32, #tpu.memory_space<vmem>>, vector<16xf32>,
        tpu.vector_store %arg13[%swap3A_1122, %swap3A_1123], %mul3A_1121 {strides = array<i32>} : memref<96x128xf32, #tpu.memory_space<vmem>>, vector<16xf32>,
        %mul3A_1125 = vector.broadcast %squeeze3A_1109 : f32 to vector<16xf32>
        %mul3A_1126 = arith.mulf %bitcast3A_1119, %mul3A_1125 : vector<16xf32>
        %swap3A_1127 = arith.index_cast %add3A_1111 : i32 to index
        %swap3A_1128 = arith.constant 16 : index
        %swap3A_1129 = tpu.vector_load %arg13[%swap3A_1127, %swap3A_1128] {strides = array<i32>} : memref<96x128xf32, #tpu.memory_space<vmem>>, vector<16xf32>,
        tpu.vector_store %arg13[%swap3A_1127, %swap3A_1128], %mul3A_1126 {strides = array<i32>} : memref<96x128xf32, #tpu.memory_space<vmem>>, vector<16xf32>,
        %get3A_1130 = arith.index_cast %add3A_1111 : i32 to index
        %get3A_1131 = arith.constant 16 : index
        %get3A_1132 = tpu.vector_load %arg11[%get3A_1130, %get3A_1131] {strides = array<i32>} : memref<96x64xi32, #tpu.memory_space<vmem>>, vector<16xi32>,
        %shift_left3A_1133 = arith.constant 16 : i32
        %shift_left3A_1134 = vector.broadcast %shift_left3A_1133 : i32 to vector<16xi32>
        %shift_left3A_1135 = arith.shli %get3A_1132, %shift_left3A_1134 : vector<16xi32>
        %bitcast3A_1136 = vector.bitcast %shift_left3A_1135 : vector<16xi32> to vector<16xf32>
        %bitcast3A_1137 = vector.bitcast %get3A_1132 : vector<16xi32> to vector<16xf32>
        %mul3A_1138 = vector.broadcast %squeeze3A_1109 : f32 to vector<16xf32>
        %mul3A_1139 = arith.mulf %bitcast3A_1136, %mul3A_1138 : vector<16xf32>
        %swap3A_1140 = arith.index_cast %add3A_1111 : i32 to index
        %swap3A_1141 = arith.constant 32 : index
        %swap3A_1142 = tpu.vector_load %arg13[%swap3A_1140, %swap3A_1141] {strides = array<i32>} : memref<96x128xf32, #tpu.memory_space<vmem>>, vector<16xf32>,
        tpu.vector_store %arg13[%swap3A_1140, %swap3A_1141], %mul3A_1139 {strides = array<i32>} : memref<96x128xf32, #tpu.memory_space<vmem>>, vector<16xf32>,
        %mul3A_1143 = vector.broadcast %squeeze3A_1109 : f32 to vector<16xf32>
        %mul3A_1144 = arith.mulf %bitcast3A_1137, %mul3A_1143 : vector<16xf32>
        %swap3A_1145 = arith.index_cast %add3A_1111 : i32 to index
        %swap3A_1146 = arith.constant 48 : index
        %swap3A_1147 = tpu.vector_load %arg13[%swap3A_1145, %swap3A_1146] {strides = array<i32>} : memref<96x128xf32, #tpu.memory_space<vmem>>, vector<16xf32>,
        tpu.vector_store %arg13[%swap3A_1145, %swap3A_1146], %mul3A_1144 {strides = array<i32>} : memref<96x128xf32, #tpu.memory_space<vmem>>, vector<16xf32>,
        %get3A_1148 = arith.index_cast %add3A_1111 : i32 to index
        %get3A_1149 = arith.constant 32 : index
        %get3A_1150 = tpu.vector_load %arg11[%get3A_1148, %get3A_1149] {strides = array<i32>} : memref<96x64xi32, #tpu.memory_space<vmem>>, vector<16xi32>,
        %shift_left3A_1151 = arith.constant 16 : i32
        %shift_left3A_1152 = vector.broadcast %shift_left3A_1151 : i32 to vector<16xi32>
        %shift_left3A_1153 = arith.shli %get3A_1150, %shift_left3A_1152 : vector<16xi32>
        %bitcast3A_1154 = vector.bitcast %shift_left3A_1153 : vector<16xi32> to vector<16xf32>
        %bitcast3A_1155 = vector.bitcast %get3A_1150 : vector<16xi32> to vector<16xf32>
        %mul3A_1156 = vector.broadcast %squeeze3A_1109 : f32 to vector<16xf32>
        %mul3A_1157 = arith.mulf %bitcast3A_1154, %mul3A_1156 : vector<16xf32>
        %swap3A_1158 = arith.index_cast %add3A_1111 : i32 to index
        %swap3A_1159 = arith.constant 64 : index
        %swap3A_1160 = tpu.vector_load %arg13[%swap3A_1158, %swap3A_1159] {strides = array<i32>} : memref<96x128xf32, #tpu.memory_space<vmem>>, vector<16xf32>,
        tpu.vector_store %arg13[%swap3A_1158, %swap3A_1159], %mul3A_1157 {strides = array<i32>} : memref<96x128xf32, #tpu.memory_space<vmem>>, vector<16xf32>,
        %mul3A_1161 = vector.broadcast %squeeze3A_1109 : f32 to vector<16xf32>
        %mul3A_1162 = arith.mulf %bitcast3A_1155, %mul3A_1161 : vector<16xf32>
        %swap3A_1163 = arith.index_cast %add3A_1111 : i32 to index
        %swap3A_1164 = arith.constant 80 : index
        %swap3A_1165 = tpu.vector_load %arg13[%swap3A_1163, %swap3A_1164] {strides = array<i32>} : memref<96x128xf32, #tpu.memory_space<vmem>>, vector<16xf32>,
        tpu.vector_store %arg13[%swap3A_1163, %swap3A_1164], %mul3A_1162 {strides = array<i32>} : memref<96x128xf32, #tpu.memory_space<vmem>>, vector<16xf32>,
        %get3A_1166 = arith.index_cast %add3A_1111 : i32 to index
        %get3A_1167 = arith.constant 48 : index
        %get3A_1168 = tpu.vector_load %arg11[%get3A_1166, %get3A_1167] {strides = array<i32>} : memref<96x64xi32, #tpu.memory_space<vmem>>, vector<16xi32>,
        %shift_left3A_1169 = arith.constant 16 : i32
        %shift_left3A_1170 = vector.broadcast %shift_left3A_1169 : i32 to vector<16xi32>
        %shift_left3A_1171 = arith.shli %get3A_1168, %shift_left3A_1170 : vector<16xi32>
        %bitcast3A_1172 = vector.bitcast %shift_left3A_1171 : vector<16xi32> to vector<16xf32>
        %bitcast3A_1173 = vector.bitcast %get3A_1168 : vector<16xi32> to vector<16xf32>
        %mul3A_1174 = vector.broadcast %squeeze3A_1109 : f32 to vector<16xf32>
        %mul3A_1175 = arith.mulf %bitcast3A_1172, %mul3A_1174 : vector<16xf32>
        %swap3A_1176 = arith.index_cast %add3A_1111 : i32 to index
        %swap3A_1177 = arith.constant 96 : index
        %swap3A_1178 = tpu.vector_load %arg13[%swap3A_1176, %swap3A_1177] {strides = array<i32>} : memref<96x128xf32, #tpu.memory_space<vmem>>, vector<16xf32>,
        tpu.vector_store %arg13[%swap3A_1176, %swap3A_1177], %mul3A_1175 {strides = array<i32>} : memref<96x128xf32, #tpu.memory_space<vmem>>, vector<16xf32>,
        %mul3A_1179 = vector.broadcast %squeeze3A_1109 : f32 to vector<16xf32>
        %mul3A_1180 = arith.mulf %bitcast3A_1173, %mul3A_1179 : vector<16xf32>
        %swap3A_1181 = arith.index_cast %add3A_1111 : i32 to index
        %swap3A_1182 = arith.constant 112 : index
        %swap3A_1183 = tpu.vector_load %arg13[%swap3A_1181, %swap3A_1182] {strides = array<i32>} : memref<96x128xf32, #tpu.memory_space<vmem>>, vector<16xf32>,
        tpu.vector_store %arg13[%swap3A_1181, %swap3A_1182], %mul3A_1180 {strides = array<i32>} : memref<96x128xf32, #tpu.memory_space<vmem>>, vector<16xf32>,
        %slice3A_1184 = vector.extract_strided_slice %get3A_426 {offsets = [10], sizes = [1], strides = [1]} : vector<16xf32> to vector<1xf32>
        %squeeze3A_1185 = vector.extract %slice3A_1184[0] : f32 from vector<1xf32>
        %add3A_1186 = arith.constant 10 : i32
        %add3A_1187 = arith.addi %mul3A_422, %add3A_1186 : i32
        %get3A_1188 = arith.index_cast %add3A_1187 : i32 to index
        %get3A_1189 = arith.constant 0 : index
        %get3A_1190 = tpu.vector_load %arg11[%get3A_1188, %get3A_1189] {strides = array<i32>} : memref<96x64xi32, #tpu.memory_space<vmem>>, vector<16xi32>,
        %shift_left3A_1191 = arith.constant 16 : i32
        %shift_left3A_1192 = vector.broadcast %shift_left3A_1191 : i32 to vector<16xi32>
        %shift_left3A_1193 = arith.shli %get3A_1190, %shift_left3A_1192 : vector<16xi32>
        %bitcast3A_1194 = vector.bitcast %shift_left3A_1193 : vector<16xi32> to vector<16xf32>
        %bitcast3A_1195 = vector.bitcast %get3A_1190 : vector<16xi32> to vector<16xf32>
        %mul3A_1196 = vector.broadcast %squeeze3A_1185 : f32 to vector<16xf32>
        %mul3A_1197 = arith.mulf %bitcast3A_1194, %mul3A_1196 : vector<16xf32>
        %swap3A_1198 = arith.index_cast %add3A_1187 : i32 to index
        %swap3A_1199 = arith.constant 0 : index
        %swap3A_1200 = tpu.vector_load %arg13[%swap3A_1198, %swap3A_1199] {strides = array<i32>} : memref<96x128xf32, #tpu.memory_space<vmem>>, vector<16xf32>,
        tpu.vector_store %arg13[%swap3A_1198, %swap3A_1199], %mul3A_1197 {strides = array<i32>} : memref<96x128xf32, #tpu.memory_space<vmem>>, vector<16xf32>,
        %mul3A_1201 = vector.broadcast %squeeze3A_1185 : f32 to vector<16xf32>
        %mul3A_1202 = arith.mulf %bitcast3A_1195, %mul3A_1201 : vector<16xf32>
        %swap3A_1203 = arith.index_cast %add3A_1187 : i32 to index
        %swap3A_1204 = arith.constant 16 : index
        %swap3A_1205 = tpu.vector_load %arg13[%swap3A_1203, %swap3A_1204] {strides = array<i32>} : memref<96x128xf32, #tpu.memory_space<vmem>>, vector<16xf32>,
        tpu.vector_store %arg13[%swap3A_1203, %swap3A_1204], %mul3A_1202 {strides = array<i32>} : memref<96x128xf32, #tpu.memory_space<vmem>>, vector<16xf32>,
        %get3A_1206 = arith.index_cast %add3A_1187 : i32 to index
        %get3A_1207 = arith.constant 16 : index
        %get3A_1208 = tpu.vector_load %arg11[%get3A_1206, %get3A_1207] {strides = array<i32>} : memref<96x64xi32, #tpu.memory_space<vmem>>, vector<16xi32>,
        %shift_left3A_1209 = arith.constant 16 : i32
        %shift_left3A_1210 = vector.broadcast %shift_left3A_1209 : i32 to vector<16xi32>
        %shift_left3A_1211 = arith.shli %get3A_1208, %shift_left3A_1210 : vector<16xi32>
        %bitcast3A_1212 = vector.bitcast %shift_left3A_1211 : vector<16xi32> to vector<16xf32>
        %bitcast3A_1213 = vector.bitcast %get3A_1208 : vector<16xi32> to vector<16xf32>
        %mul3A_1214 = vector.broadcast %squeeze3A_1185 : f32 to vector<16xf32>
        %mul3A_1215 = arith.mulf %bitcast3A_1212, %mul3A_1214 : vector<16xf32>
        %swap3A_1216 = arith.index_cast %add3A_1187 : i32 to index
        %swap3A_1217 = arith.constant 32 : index
        %swap3A_1218 = tpu.vector_load %arg13[%swap3A_1216, %swap3A_1217] {strides = array<i32>} : memref<96x128xf32, #tpu.memory_space<vmem>>, vector<16xf32>,
        tpu.vector_store %arg13[%swap3A_1216, %swap3A_1217], %mul3A_1215 {strides = array<i32>} : memref<96x128xf32, #tpu.memory_space<vmem>>, vector<16xf32>,
        %mul3A_1219 = vector.broadcast %squeeze3A_1185 : f32 to vector<16xf32>
        %mul3A_1220 = arith.mulf %bitcast3A_1213, %mul3A_1219 : vector<16xf32>
        %swap3A_1221 = arith.index_cast %add3A_1187 : i32 to index
        %swap3A_1222 = arith.constant 48 : index
        %swap3A_1223 = tpu.vector_load %arg13[%swap3A_1221, %swap3A_1222] {strides = array<i32>} : memref<96x128xf32, #tpu.memory_space<vmem>>, vector<16xf32>,
        tpu.vector_store %arg13[%swap3A_1221, %swap3A_1222], %mul3A_1220 {strides = array<i32>} : memref<96x128xf32, #tpu.memory_space<vmem>>, vector<16xf32>,
        %get3A_1224 = arith.index_cast %add3A_1187 : i32 to index
        %get3A_1225 = arith.constant 32 : index
        %get3A_1226 = tpu.vector_load %arg11[%get3A_1224, %get3A_1225] {strides = array<i32>} : memref<96x64xi32, #tpu.memory_space<vmem>>, vector<16xi32>,
        %shift_left3A_1227 = arith.constant 16 : i32
        %shift_left3A_1228 = vector.broadcast %shift_left3A_1227 : i32 to vector<16xi32>
        %shift_left3A_1229 = arith.shli %get3A_1226, %shift_left3A_1228 : vector<16xi32>
        %bitcast3A_1230 = vector.bitcast %shift_left3A_1229 : vector<16xi32> to vector<16xf32>
        %bitcast3A_1231 = vector.bitcast %get3A_1226 : vector<16xi32> to vector<16xf32>
        %mul3A_1232 = vector.broadcast %squeeze3A_1185 : f32 to vector<16xf32>
        %mul3A_1233 = arith.mulf %bitcast3A_1230, %mul3A_1232 : vector<16xf32>
        %swap3A_1234 = arith.index_cast %add3A_1187 : i32 to index
        %swap3A_1235 = arith.constant 64 : index
        %swap3A_1236 = tpu.vector_load %arg13[%swap3A_1234, %swap3A_1235] {strides = array<i32>} : memref<96x128xf32, #tpu.memory_space<vmem>>, vector<16xf32>,
        tpu.vector_store %arg13[%swap3A_1234, %swap3A_1235], %mul3A_1233 {strides = array<i32>} : memref<96x128xf32, #tpu.memory_space<vmem>>, vector<16xf32>,
        %mul3A_1237 = vector.broadcast %squeeze3A_1185 : f32 to vector<16xf32>
        %mul3A_1238 = arith.mulf %bitcast3A_1231, %mul3A_1237 : vector<16xf32>
        %swap3A_1239 = arith.index_cast %add3A_1187 : i32 to index
        %swap3A_1240 = arith.constant 80 : index
        %swap3A_1241 = tpu.vector_load %arg13[%swap3A_1239, %swap3A_1240] {strides = array<i32>} : memref<96x128xf32, #tpu.memory_space<vmem>>, vector<16xf32>,
        tpu.vector_store %arg13[%swap3A_1239, %swap3A_1240], %mul3A_1238 {strides = array<i32>} : memref<96x128xf32, #tpu.memory_space<vmem>>, vector<16xf32>,
        %get3A_1242 = arith.index_cast %add3A_1187 : i32 to index
        %get3A_1243 = arith.constant 48 : index
        %get3A_1244 = tpu.vector_load %arg11[%get3A_1242, %get3A_1243] {strides = array<i32>} : memref<96x64xi32, #tpu.memory_space<vmem>>, vector<16xi32>,
        %shift_left3A_1245 = arith.constant 16 : i32
        %shift_left3A_1246 = vector.broadcast %shift_left3A_1245 : i32 to vector<16xi32>
        %shift_left3A_1247 = arith.shli %get3A_1244, %shift_left3A_1246 : vector<16xi32>
        %bitcast3A_1248 = vector.bitcast %shift_left3A_1247 : vector<16xi32> to vector<16xf32>
        %bitcast3A_1249 = vector.bitcast %get3A_1244 : vector<16xi32> to vector<16xf32>
        %mul3A_1250 = vector.broadcast %squeeze3A_1185 : f32 to vector<16xf32>
        %mul3A_1251 = arith.mulf %bitcast3A_1248, %mul3A_1250 : vector<16xf32>
        %swap3A_1252 = arith.index_cast %add3A_1187 : i32 to index
        %swap3A_1253 = arith.constant 96 : index
        %swap3A_1254 = tpu.vector_load %arg13[%swap3A_1252, %swap3A_1253] {strides = array<i32>} : memref<96x128xf32, #tpu.memory_space<vmem>>, vector<16xf32>,
        tpu.vector_store %arg13[%swap3A_1252, %swap3A_1253], %mul3A_1251 {strides = array<i32>} : memref<96x128xf32, #tpu.memory_space<vmem>>, vector<16xf32>,
        %mul3A_1255 = vector.broadcast %squeeze3A_1185 : f32 to vector<16xf32>
        %mul3A_1256 = arith.mulf %bitcast3A_1249, %mul3A_1255 : vector<16xf32>
        %swap3A_1257 = arith.index_cast %add3A_1187 : i32 to index
        %swap3A_1258 = arith.constant 112 : index
        %swap3A_1259 = tpu.vector_load %arg13[%swap3A_1257, %swap3A_1258] {strides = array<i32>} : memref<96x128xf32, #tpu.memory_space<vmem>>, vector<16xf32>,
        tpu.vector_store %arg13[%swap3A_1257, %swap3A_1258], %mul3A_1256 {strides = array<i32>} : memref<96x128xf32, #tpu.memory_space<vmem>>, vector<16xf32>,
        %slice3A_1260 = vector.extract_strided_slice %get3A_426 {offsets = [11], sizes = [1], strides = [1]} : vector<16xf32> to vector<1xf32>
        %squeeze3A_1261 = vector.extract %slice3A_1260[0] : f32 from vector<1xf32>
        %add3A_1262 = arith.constant 11 : i32
        %add3A_1263 = arith.addi %mul3A_422, %add3A_1262 : i32
        %get3A_1264 = arith.index_cast %add3A_1263 : i32 to index
        %get3A_1265 = arith.constant 0 : index
        %get3A_1266 = tpu.vector_load %arg11[%get3A_1264, %get3A_1265] {strides = array<i32>} : memref<96x64xi32, #tpu.memory_space<vmem>>, vector<16xi32>,
        %shift_left3A_1267 = arith.constant 16 : i32
        %shift_left3A_1268 = vector.broadcast %shift_left3A_1267 : i32 to vector<16xi32>
        %shift_left3A_1269 = arith.shli %get3A_1266, %shift_left3A_1268 : vector<16xi32>
        %bitcast3A_1270 = vector.bitcast %shift_left3A_1269 : vector<16xi32> to vector<16xf32>
        %bitcast3A_1271 = vector.bitcast %get3A_1266 : vector<16xi32> to vector<16xf32>
        %mul3A_1272 = vector.broadcast %squeeze3A_1261 : f32 to vector<16xf32>
        %mul3A_1273 = arith.mulf %bitcast3A_1270, %mul3A_1272 : vector<16xf32>
        %swap3A_1274 = arith.index_cast %add3A_1263 : i32 to index
        %swap3A_1275 = arith.constant 0 : index
        %swap3A_1276 = tpu.vector_load %arg13[%swap3A_1274, %swap3A_1275] {strides = array<i32>} : memref<96x128xf32, #tpu.memory_space<vmem>>, vector<16xf32>,
        tpu.vector_store %arg13[%swap3A_1274, %swap3A_1275], %mul3A_1273 {strides = array<i32>} : memref<96x128xf32, #tpu.memory_space<vmem>>, vector<16xf32>,
        %mul3A_1277 = vector.broadcast %squeeze3A_1261 : f32 to vector<16xf32>
        %mul3A_1278 = arith.mulf %bitcast3A_1271, %mul3A_1277 : vector<16xf32>
        %swap3A_1279 = arith.index_cast %add3A_1263 : i32 to index
        %swap3A_1280 = arith.constant 16 : index
        %swap3A_1281 = tpu.vector_load %arg13[%swap3A_1279, %swap3A_1280] {strides = array<i32>} : memref<96x128xf32, #tpu.memory_space<vmem>>, vector<16xf32>,
        tpu.vector_store %arg13[%swap3A_1279, %swap3A_1280], %mul3A_1278 {strides = array<i32>} : memref<96x128xf32, #tpu.memory_space<vmem>>, vector<16xf32>,
        %get3A_1282 = arith.index_cast %add3A_1263 : i32 to index
        %get3A_1283 = arith.constant 16 : index
        %get3A_1284 = tpu.vector_load %arg11[%get3A_1282, %get3A_1283] {strides = array<i32>} : memref<96x64xi32, #tpu.memory_space<vmem>>, vector<16xi32>,
        %shift_left3A_1285 = arith.constant 16 : i32
        %shift_left3A_1286 = vector.broadcast %shift_left3A_1285 : i32 to vector<16xi32>
        %shift_left3A_1287 = arith.shli %get3A_1284, %shift_left3A_1286 : vector<16xi32>
        %bitcast3A_1288 = vector.bitcast %shift_left3A_1287 : vector<16xi32> to vector<16xf32>
        %bitcast3A_1289 = vector.bitcast %get3A_1284 : vector<16xi32> to vector<16xf32>
        %mul3A_1290 = vector.broadcast %squeeze3A_1261 : f32 to vector<16xf32>
        %mul3A_1291 = arith.mulf %bitcast3A_1288, %mul3A_1290 : vector<16xf32>
        %swap3A_1292 = arith.index_cast %add3A_1263 : i32 to index
        %swap3A_1293 = arith.constant 32 : index
        %swap3A_1294 = tpu.vector_load %arg13[%swap3A_1292, %swap3A_1293] {strides = array<i32>} : memref<96x128xf32, #tpu.memory_space<vmem>>, vector<16xf32>,
        tpu.vector_store %arg13[%swap3A_1292, %swap3A_1293], %mul3A_1291 {strides = array<i32>} : memref<96x128xf32, #tpu.memory_space<vmem>>, vector<16xf32>,
        %mul3A_1295 = vector.broadcast %squeeze3A_1261 : f32 to vector<16xf32>
        %mul3A_1296 = arith.mulf %bitcast3A_1289, %mul3A_1295 : vector<16xf32>
        %swap3A_1297 = arith.index_cast %add3A_1263 : i32 to index
        %swap3A_1298 = arith.constant 48 : index
        %swap3A_1299 = tpu.vector_load %arg13[%swap3A_1297, %swap3A_1298] {strides = array<i32>} : memref<96x128xf32, #tpu.memory_space<vmem>>, vector<16xf32>,
        tpu.vector_store %arg13[%swap3A_1297, %swap3A_1298], %mul3A_1296 {strides = array<i32>} : memref<96x128xf32, #tpu.memory_space<vmem>>, vector<16xf32>,
        %get3A_1300 = arith.index_cast %add3A_1263 : i32 to index
        %get3A_1301 = arith.constant 32 : index
        %get3A_1302 = tpu.vector_load %arg11[%get3A_1300, %get3A_1301] {strides = array<i32>} : memref<96x64xi32, #tpu.memory_space<vmem>>, vector<16xi32>,
        %shift_left3A_1303 = arith.constant 16 : i32
        %shift_left3A_1304 = vector.broadcast %shift_left3A_1303 : i32 to vector<16xi32>
        %shift_left3A_1305 = arith.shli %get3A_1302, %shift_left3A_1304 : vector<16xi32>
        %bitcast3A_1306 = vector.bitcast %shift_left3A_1305 : vector<16xi32> to vector<16xf32>
        %bitcast3A_1307 = vector.bitcast %get3A_1302 : vector<16xi32> to vector<16xf32>
        %mul3A_1308 = vector.broadcast %squeeze3A_1261 : f32 to vector<16xf32>
        %mul3A_1309 = arith.mulf %bitcast3A_1306, %mul3A_1308 : vector<16xf32>
        %swap3A_1310 = arith.index_cast %add3A_1263 : i32 to index
        %swap3A_1311 = arith.constant 64 : index
        %swap3A_1312 = tpu.vector_load %arg13[%swap3A_1310, %swap3A_1311] {strides = array<i32>} : memref<96x128xf32, #tpu.memory_space<vmem>>, vector<16xf32>,
        tpu.vector_store %arg13[%swap3A_1310, %swap3A_1311], %mul3A_1309 {strides = array<i32>} : memref<96x128xf32, #tpu.memory_space<vmem>>, vector<16xf32>,
        %mul3A_1313 = vector.broadcast %squeeze3A_1261 : f32 to vector<16xf32>
        %mul3A_1314 = arith.mulf %bitcast3A_1307, %mul3A_1313 : vector<16xf32>
        %swap3A_1315 = arith.index_cast %add3A_1263 : i32 to index
        %swap3A_1316 = arith.constant 80 : index
        %swap3A_1317 = tpu.vector_load %arg13[%swap3A_1315, %swap3A_1316] {strides = array<i32>} : memref<96x128xf32, #tpu.memory_space<vmem>>, vector<16xf32>,
        tpu.vector_store %arg13[%swap3A_1315, %swap3A_1316], %mul3A_1314 {strides = array<i32>} : memref<96x128xf32, #tpu.memory_space<vmem>>, vector<16xf32>,
        %get3A_1318 = arith.index_cast %add3A_1263 : i32 to index
        %get3A_1319 = arith.constant 48 : index
        %get3A_1320 = tpu.vector_load %arg11[%get3A_1318, %get3A_1319] {strides = array<i32>} : memref<96x64xi32, #tpu.memory_space<vmem>>, vector<16xi32>,
        %shift_left3A_1321 = arith.constant 16 : i32
        %shift_left3A_1322 = vector.broadcast %shift_left3A_1321 : i32 to vector<16xi32>
        %shift_left3A_1323 = arith.shli %get3A_1320, %shift_left3A_1322 : vector<16xi32>
        %bitcast3A_1324 = vector.bitcast %shift_left3A_1323 : vector<16xi32> to vector<16xf32>
        %bitcast3A_1325 = vector.bitcast %get3A_1320 : vector<16xi32> to vector<16xf32>
        %mul3A_1326 = vector.broadcast %squeeze3A_1261 : f32 to vector<16xf32>
        %mul3A_1327 = arith.mulf %bitcast3A_1324, %mul3A_1326 : vector<16xf32>
        %swap3A_1328 = arith.index_cast %add3A_1263 : i32 to index
        %swap3A_1329 = arith.constant 96 : index
        %swap3A_1330 = tpu.vector_load %arg13[%swap3A_1328, %swap3A_1329] {strides = array<i32>} : memref<96x128xf32, #tpu.memory_space<vmem>>, vector<16xf32>,
        tpu.vector_store %arg13[%swap3A_1328, %swap3A_1329], %mul3A_1327 {strides = array<i32>} : memref<96x128xf32, #tpu.memory_space<vmem>>, vector<16xf32>,
        %mul3A_1331 = vector.broadcast %squeeze3A_1261 : f32 to vector<16xf32>
        %mul3A_1332 = arith.mulf %bitcast3A_1325, %mul3A_1331 : vector<16xf32>
        %swap3A_1333 = arith.index_cast %add3A_1263 : i32 to index
        %swap3A_1334 = arith.constant 112 : index
        %swap3A_1335 = tpu.vector_load %arg13[%swap3A_1333, %swap3A_1334] {strides = array<i32>} : memref<96x128xf32, #tpu.memory_space<vmem>>, vector<16xf32>,
        tpu.vector_store %arg13[%swap3A_1333, %swap3A_1334], %mul3A_1332 {strides = array<i32>} : memref<96x128xf32, #tpu.memory_space<vmem>>, vector<16xf32>,
        %slice3A_1336 = vector.extract_strided_slice %get3A_426 {offsets = [12], sizes = [1], strides = [1]} : vector<16xf32> to vector<1xf32>
        %squeeze3A_1337 = vector.extract %slice3A_1336[0] : f32 from vector<1xf32>
        %add3A_1338 = arith.constant 12 : i32
        %add3A_1339 = arith.addi %mul3A_422, %add3A_1338 : i32
        %get3A_1340 = arith.index_cast %add3A_1339 : i32 to index
        %get3A_1341 = arith.constant 0 : index
        %get3A_1342 = tpu.vector_load %arg11[%get3A_1340, %get3A_1341] {strides = array<i32>} : memref<96x64xi32, #tpu.memory_space<vmem>>, vector<16xi32>,
        %shift_left3A_1343 = arith.constant 16 : i32
        %shift_left3A_1344 = vector.broadcast %shift_left3A_1343 : i32 to vector<16xi32>
        %shift_left3A_1345 = arith.shli %get3A_1342, %shift_left3A_1344 : vector<16xi32>
        %bitcast3A_1346 = vector.bitcast %shift_left3A_1345 : vector<16xi32> to vector<16xf32>
        %bitcast3A_1347 = vector.bitcast %get3A_1342 : vector<16xi32> to vector<16xf32>
        %mul3A_1348 = vector.broadcast %squeeze3A_1337 : f32 to vector<16xf32>
        %mul3A_1349 = arith.mulf %bitcast3A_1346, %mul3A_1348 : vector<16xf32>
        %swap3A_1350 = arith.index_cast %add3A_1339 : i32 to index
        %swap3A_1351 = arith.constant 0 : index
        %swap3A_1352 = tpu.vector_load %arg13[%swap3A_1350, %swap3A_1351] {strides = array<i32>} : memref<96x128xf32, #tpu.memory_space<vmem>>, vector<16xf32>,
        tpu.vector_store %arg13[%swap3A_1350, %swap3A_1351], %mul3A_1349 {strides = array<i32>} : memref<96x128xf32, #tpu.memory_space<vmem>>, vector<16xf32>,
        %mul3A_1353 = vector.broadcast %squeeze3A_1337 : f32 to vector<16xf32>
        %mul3A_1354 = arith.mulf %bitcast3A_1347, %mul3A_1353 : vector<16xf32>
        %swap3A_1355 = arith.index_cast %add3A_1339 : i32 to index
        %swap3A_1356 = arith.constant 16 : index
        %swap3A_1357 = tpu.vector_load %arg13[%swap3A_1355, %swap3A_1356] {strides = array<i32>} : memref<96x128xf32, #tpu.memory_space<vmem>>, vector<16xf32>,
        tpu.vector_store %arg13[%swap3A_1355, %swap3A_1356], %mul3A_1354 {strides = array<i32>} : memref<96x128xf32, #tpu.memory_space<vmem>>, vector<16xf32>,
        %get3A_1358 = arith.index_cast %add3A_1339 : i32 to index
        %get3A_1359 = arith.constant 16 : index
        %get3A_1360 = tpu.vector_load %arg11[%get3A_1358, %get3A_1359] {strides = array<i32>} : memref<96x64xi32, #tpu.memory_space<vmem>>, vector<16xi32>,
        %shift_left3A_1361 = arith.constant 16 : i32
        %shift_left3A_1362 = vector.broadcast %shift_left3A_1361 : i32 to vector<16xi32>
        %shift_left3A_1363 = arith.shli %get3A_1360, %shift_left3A_1362 : vector<16xi32>
        %bitcast3A_1364 = vector.bitcast %shift_left3A_1363 : vector<16xi32> to vector<16xf32>
        %bitcast3A_1365 = vector.bitcast %get3A_1360 : vector<16xi32> to vector<16xf32>
        %mul3A_1366 = vector.broadcast %squeeze3A_1337 : f32 to vector<16xf32>
        %mul3A_1367 = arith.mulf %bitcast3A_1364, %mul3A_1366 : vector<16xf32>
        %swap3A_1368 = arith.index_cast %add3A_1339 : i32 to index
        %swap3A_1369 = arith.constant 32 : index
        %swap3A_1370 = tpu.vector_load %arg13[%swap3A_1368, %swap3A_1369] {strides = array<i32>} : memref<96x128xf32, #tpu.memory_space<vmem>>, vector<16xf32>,
        tpu.vector_store %arg13[%swap3A_1368, %swap3A_1369], %mul3A_1367 {strides = array<i32>} : memref<96x128xf32, #tpu.memory_space<vmem>>, vector<16xf32>,
        %mul3A_1371 = vector.broadcast %squeeze3A_1337 : f32 to vector<16xf32>
        %mul3A_1372 = arith.mulf %bitcast3A_1365, %mul3A_1371 : vector<16xf32>
        %swap3A_1373 = arith.index_cast %add3A_1339 : i32 to index
        %swap3A_1374 = arith.constant 48 : index
        %swap3A_1375 = tpu.vector_load %arg13[%swap3A_1373, %swap3A_1374] {strides = array<i32>} : memref<96x128xf32, #tpu.memory_space<vmem>>, vector<16xf32>,
        tpu.vector_store %arg13[%swap3A_1373, %swap3A_1374], %mul3A_1372 {strides = array<i32>} : memref<96x128xf32, #tpu.memory_space<vmem>>, vector<16xf32>,
        %get3A_1376 = arith.index_cast %add3A_1339 : i32 to index
        %get3A_1377 = arith.constant 32 : index
        %get3A_1378 = tpu.vector_load %arg11[%get3A_1376, %get3A_1377] {strides = array<i32>} : memref<96x64xi32, #tpu.memory_space<vmem>>, vector<16xi32>,
        %shift_left3A_1379 = arith.constant 16 : i32
        %shift_left3A_1380 = vector.broadcast %shift_left3A_1379 : i32 to vector<16xi32>
        %shift_left3A_1381 = arith.shli %get3A_1378, %shift_left3A_1380 : vector<16xi32>
        %bitcast3A_1382 = vector.bitcast %shift_left3A_1381 : vector<16xi32> to vector<16xf32>
        %bitcast3A_1383 = vector.bitcast %get3A_1378 : vector<16xi32> to vector<16xf32>
        %mul3A_1384 = vector.broadcast %squeeze3A_1337 : f32 to vector<16xf32>
        %mul3A_1385 = arith.mulf %bitcast3A_1382, %mul3A_1384 : vector<16xf32>
        %swap3A_1386 = arith.index_cast %add3A_1339 : i32 to index
        %swap3A_1387 = arith.constant 64 : index
        %swap3A_1388 = tpu.vector_load %arg13[%swap3A_1386, %swap3A_1387] {strides = array<i32>} : memref<96x128xf32, #tpu.memory_space<vmem>>, vector<16xf32>,
        tpu.vector_store %arg13[%swap3A_1386, %swap3A_1387], %mul3A_1385 {strides = array<i32>} : memref<96x128xf32, #tpu.memory_space<vmem>>, vector<16xf32>,
        %mul3A_1389 = vector.broadcast %squeeze3A_1337 : f32 to vector<16xf32>
        %mul3A_1390 = arith.mulf %bitcast3A_1383, %mul3A_1389 : vector<16xf32>
        %swap3A_1391 = arith.index_cast %add3A_1339 : i32 to index
        %swap3A_1392 = arith.constant 80 : index
        %swap3A_1393 = tpu.vector_load %arg13[%swap3A_1391, %swap3A_1392] {strides = array<i32>} : memref<96x128xf32, #tpu.memory_space<vmem>>, vector<16xf32>,
        tpu.vector_store %arg13[%swap3A_1391, %swap3A_1392], %mul3A_1390 {strides = array<i32>} : memref<96x128xf32, #tpu.memory_space<vmem>>, vector<16xf32>,
        %get3A_1394 = arith.index_cast %add3A_1339 : i32 to index
        %get3A_1395 = arith.constant 48 : index
        %get3A_1396 = tpu.vector_load %arg11[%get3A_1394, %get3A_1395] {strides = array<i32>} : memref<96x64xi32, #tpu.memory_space<vmem>>, vector<16xi32>,
        %shift_left3A_1397 = arith.constant 16 : i32
        %shift_left3A_1398 = vector.broadcast %shift_left3A_1397 : i32 to vector<16xi32>
        %shift_left3A_1399 = arith.shli %get3A_1396, %shift_left3A_1398 : vector<16xi32>
        %bitcast3A_1400 = vector.bitcast %shift_left3A_1399 : vector<16xi32> to vector<16xf32>
        %bitcast3A_1401 = vector.bitcast %get3A_1396 : vector<16xi32> to vector<16xf32>
        %mul3A_1402 = vector.broadcast %squeeze3A_1337 : f32 to vector<16xf32>
        %mul3A_1403 = arith.mulf %bitcast3A_1400, %mul3A_1402 : vector<16xf32>
        %swap3A_1404 = arith.index_cast %add3A_1339 : i32 to index
        %swap3A_1405 = arith.constant 96 : index
        %swap3A_1406 = tpu.vector_load %arg13[%swap3A_1404, %swap3A_1405] {strides = array<i32>} : memref<96x128xf32, #tpu.memory_space<vmem>>, vector<16xf32>,
        tpu.vector_store %arg13[%swap3A_1404, %swap3A_1405], %mul3A_1403 {strides = array<i32>} : memref<96x128xf32, #tpu.memory_space<vmem>>, vector<16xf32>,
        %mul3A_1407 = vector.broadcast %squeeze3A_1337 : f32 to vector<16xf32>
        %mul3A_1408 = arith.mulf %bitcast3A_1401, %mul3A_1407 : vector<16xf32>
        %swap3A_1409 = arith.index_cast %add3A_1339 : i32 to index
        %swap3A_1410 = arith.constant 112 : index
        %swap3A_1411 = tpu.vector_load %arg13[%swap3A_1409, %swap3A_1410] {strides = array<i32>} : memref<96x128xf32, #tpu.memory_space<vmem>>, vector<16xf32>,
        tpu.vector_store %arg13[%swap3A_1409, %swap3A_1410], %mul3A_1408 {strides = array<i32>} : memref<96x128xf32, #tpu.memory_space<vmem>>, vector<16xf32>,
        %slice3A_1412 = vector.extract_strided_slice %get3A_426 {offsets = [13], sizes = [1], strides = [1]} : vector<16xf32> to vector<1xf32>
        %squeeze3A_1413 = vector.extract %slice3A_1412[0] : f32 from vector<1xf32>
        %add3A_1414 = arith.constant 13 : i32
        %add3A_1415 = arith.addi %mul3A_422, %add3A_1414 : i32
        %get3A_1416 = arith.index_cast %add3A_1415 : i32 to index
        %get3A_1417 = arith.constant 0 : index
        %get3A_1418 = tpu.vector_load %arg11[%get3A_1416, %get3A_1417] {strides = array<i32>} : memref<96x64xi32, #tpu.memory_space<vmem>>, vector<16xi32>,
        %shift_left3A_1419 = arith.constant 16 : i32
        %shift_left3A_1420 = vector.broadcast %shift_left3A_1419 : i32 to vector<16xi32>
        %shift_left3A_1421 = arith.shli %get3A_1418, %shift_left3A_1420 : vector<16xi32>
        %bitcast3A_1422 = vector.bitcast %shift_left3A_1421 : vector<16xi32> to vector<16xf32>
        %bitcast3A_1423 = vector.bitcast %get3A_1418 : vector<16xi32> to vector<16xf32>
        %mul3A_1424 = vector.broadcast %squeeze3A_1413 : f32 to vector<16xf32>
        %mul3A_1425 = arith.mulf %bitcast3A_1422, %mul3A_1424 : vector<16xf32>
        %swap3A_1426 = arith.index_cast %add3A_1415 : i32 to index
        %swap3A_1427 = arith.constant 0 : index
        %swap3A_1428 = tpu.vector_load %arg13[%swap3A_1426, %swap3A_1427] {strides = array<i32>} : memref<96x128xf32, #tpu.memory_space<vmem>>, vector<16xf32>,
        tpu.vector_store %arg13[%swap3A_1426, %swap3A_1427], %mul3A_1425 {strides = array<i32>} : memref<96x128xf32, #tpu.memory_space<vmem>>, vector<16xf32>,
        %mul3A_1429 = vector.broadcast %squeeze3A_1413 : f32 to vector<16xf32>
        %mul3A_1430 = arith.mulf %bitcast3A_1423, %mul3A_1429 : vector<16xf32>
        %swap3A_1431 = arith.index_cast %add3A_1415 : i32 to index
        %swap3A_1432 = arith.constant 16 : index
        %swap3A_1433 = tpu.vector_load %arg13[%swap3A_1431, %swap3A_1432] {strides = array<i32>} : memref<96x128xf32, #tpu.memory_space<vmem>>, vector<16xf32>,
        tpu.vector_store %arg13[%swap3A_1431, %swap3A_1432], %mul3A_1430 {strides = array<i32>} : memref<96x128xf32, #tpu.memory_space<vmem>>, vector<16xf32>,
        %get3A_1434 = arith.index_cast %add3A_1415 : i32 to index
        %get3A_1435 = arith.constant 16 : index
        %get3A_1436 = tpu.vector_load %arg11[%get3A_1434, %get3A_1435] {strides = array<i32>} : memref<96x64xi32, #tpu.memory_space<vmem>>, vector<16xi32>,
        %shift_left3A_1437 = arith.constant 16 : i32
        %shift_left3A_1438 = vector.broadcast %shift_left3A_1437 : i32 to vector<16xi32>
        %shift_left3A_1439 = arith.shli %get3A_1436, %shift_left3A_1438 : vector<16xi32>
        %bitcast3A_1440 = vector.bitcast %shift_left3A_1439 : vector<16xi32> to vector<16xf32>
        %bitcast3A_1441 = vector.bitcast %get3A_1436 : vector<16xi32> to vector<16xf32>
        %mul3A_1442 = vector.broadcast %squeeze3A_1413 : f32 to vector<16xf32>
        %mul3A_1443 = arith.mulf %bitcast3A_1440, %mul3A_1442 : vector<16xf32>
        %swap3A_1444 = arith.index_cast %add3A_1415 : i32 to index
        %swap3A_1445 = arith.constant 32 : index
        %swap3A_1446 = tpu.vector_load %arg13[%swap3A_1444, %swap3A_1445] {strides = array<i32>} : memref<96x128xf32, #tpu.memory_space<vmem>>, vector<16xf32>,
        tpu.vector_store %arg13[%swap3A_1444, %swap3A_1445], %mul3A_1443 {strides = array<i32>} : memref<96x128xf32, #tpu.memory_space<vmem>>, vector<16xf32>,
        %mul3A_1447 = vector.broadcast %squeeze3A_1413 : f32 to vector<16xf32>
        %mul3A_1448 = arith.mulf %bitcast3A_1441, %mul3A_1447 : vector<16xf32>
        %swap3A_1449 = arith.index_cast %add3A_1415 : i32 to index
        %swap3A_1450 = arith.constant 48 : index
        %swap3A_1451 = tpu.vector_load %arg13[%swap3A_1449, %swap3A_1450] {strides = array<i32>} : memref<96x128xf32, #tpu.memory_space<vmem>>, vector<16xf32>,
        tpu.vector_store %arg13[%swap3A_1449, %swap3A_1450], %mul3A_1448 {strides = array<i32>} : memref<96x128xf32, #tpu.memory_space<vmem>>, vector<16xf32>,
        %get3A_1452 = arith.index_cast %add3A_1415 : i32 to index
        %get3A_1453 = arith.constant 32 : index
        %get3A_1454 = tpu.vector_load %arg11[%get3A_1452, %get3A_1453] {strides = array<i32>} : memref<96x64xi32, #tpu.memory_space<vmem>>, vector<16xi32>,
        %shift_left3A_1455 = arith.constant 16 : i32
        %shift_left3A_1456 = vector.broadcast %shift_left3A_1455 : i32 to vector<16xi32>
        %shift_left3A_1457 = arith.shli %get3A_1454, %shift_left3A_1456 : vector<16xi32>
        %bitcast3A_1458 = vector.bitcast %shift_left3A_1457 : vector<16xi32> to vector<16xf32>
        %bitcast3A_1459 = vector.bitcast %get3A_1454 : vector<16xi32> to vector<16xf32>
        %mul3A_1460 = vector.broadcast %squeeze3A_1413 : f32 to vector<16xf32>
        %mul3A_1461 = arith.mulf %bitcast3A_1458, %mul3A_1460 : vector<16xf32>
        %swap3A_1462 = arith.index_cast %add3A_1415 : i32 to index
        %swap3A_1463 = arith.constant 64 : index
        %swap3A_1464 = tpu.vector_load %arg13[%swap3A_1462, %swap3A_1463] {strides = array<i32>} : memref<96x128xf32, #tpu.memory_space<vmem>>, vector<16xf32>,
        tpu.vector_store %arg13[%swap3A_1462, %swap3A_1463], %mul3A_1461 {strides = array<i32>} : memref<96x128xf32, #tpu.memory_space<vmem>>, vector<16xf32>,
        %mul3A_1465 = vector.broadcast %squeeze3A_1413 : f32 to vector<16xf32>
        %mul3A_1466 = arith.mulf %bitcast3A_1459, %mul3A_1465 : vector<16xf32>
        %swap3A_1467 = arith.index_cast %add3A_1415 : i32 to index
        %swap3A_1468 = arith.constant 80 : index
        %swap3A_1469 = tpu.vector_load %arg13[%swap3A_1467, %swap3A_1468] {strides = array<i32>} : memref<96x128xf32, #tpu.memory_space<vmem>>, vector<16xf32>,
        tpu.vector_store %arg13[%swap3A_1467, %swap3A_1468], %mul3A_1466 {strides = array<i32>} : memref<96x128xf32, #tpu.memory_space<vmem>>, vector<16xf32>,
        %get3A_1470 = arith.index_cast %add3A_1415 : i32 to index
        %get3A_1471 = arith.constant 48 : index
        %get3A_1472 = tpu.vector_load %arg11[%get3A_1470, %get3A_1471] {strides = array<i32>} : memref<96x64xi32, #tpu.memory_space<vmem>>, vector<16xi32>,
        %shift_left3A_1473 = arith.constant 16 : i32
        %shift_left3A_1474 = vector.broadcast %shift_left3A_1473 : i32 to vector<16xi32>
        %shift_left3A_1475 = arith.shli %get3A_1472, %shift_left3A_1474 : vector<16xi32>
        %bitcast3A_1476 = vector.bitcast %shift_left3A_1475 : vector<16xi32> to vector<16xf32>
        %bitcast3A_1477 = vector.bitcast %get3A_1472 : vector<16xi32> to vector<16xf32>
        %mul3A_1478 = vector.broadcast %squeeze3A_1413 : f32 to vector<16xf32>
        %mul3A_1479 = arith.mulf %bitcast3A_1476, %mul3A_1478 : vector<16xf32>
        %swap3A_1480 = arith.index_cast %add3A_1415 : i32 to index
        %swap3A_1481 = arith.constant 96 : index
        %swap3A_1482 = tpu.vector_load %arg13[%swap3A_1480, %swap3A_1481] {strides = array<i32>} : memref<96x128xf32, #tpu.memory_space<vmem>>, vector<16xf32>,
        tpu.vector_store %arg13[%swap3A_1480, %swap3A_1481], %mul3A_1479 {strides = array<i32>} : memref<96x128xf32, #tpu.memory_space<vmem>>, vector<16xf32>,
        %mul3A_1483 = vector.broadcast %squeeze3A_1413 : f32 to vector<16xf32>
        %mul3A_1484 = arith.mulf %bitcast3A_1477, %mul3A_1483 : vector<16xf32>
        %swap3A_1485 = arith.index_cast %add3A_1415 : i32 to index
        %swap3A_1486 = arith.constant 112 : index
        %swap3A_1487 = tpu.vector_load %arg13[%swap3A_1485, %swap3A_1486] {strides = array<i32>} : memref<96x128xf32, #tpu.memory_space<vmem>>, vector<16xf32>,
        tpu.vector_store %arg13[%swap3A_1485, %swap3A_1486], %mul3A_1484 {strides = array<i32>} : memref<96x128xf32, #tpu.memory_space<vmem>>, vector<16xf32>,
        %slice3A_1488 = vector.extract_strided_slice %get3A_426 {offsets = [14], sizes = [1], strides = [1]} : vector<16xf32> to vector<1xf32>
        %squeeze3A_1489 = vector.extract %slice3A_1488[0] : f32 from vector<1xf32>
        %add3A_1490 = arith.constant 14 : i32
        %add3A_1491 = arith.addi %mul3A_422, %add3A_1490 : i32
        %get3A_1492 = arith.index_cast %add3A_1491 : i32 to index
        %get3A_1493 = arith.constant 0 : index
        %get3A_1494 = tpu.vector_load %arg11[%get3A_1492, %get3A_1493] {strides = array<i32>} : memref<96x64xi32, #tpu.memory_space<vmem>>, vector<16xi32>,
        %shift_left3A_1495 = arith.constant 16 : i32
        %shift_left3A_1496 = vector.broadcast %shift_left3A_1495 : i32 to vector<16xi32>
        %shift_left3A_1497 = arith.shli %get3A_1494, %shift_left3A_1496 : vector<16xi32>
        %bitcast3A_1498 = vector.bitcast %shift_left3A_1497 : vector<16xi32> to vector<16xf32>
        %bitcast3A_1499 = vector.bitcast %get3A_1494 : vector<16xi32> to vector<16xf32>
        %mul3A_1500 = vector.broadcast %squeeze3A_1489 : f32 to vector<16xf32>
        %mul3A_1501 = arith.mulf %bitcast3A_1498, %mul3A_1500 : vector<16xf32>
        %swap3A_1502 = arith.index_cast %add3A_1491 : i32 to index
        %swap3A_1503 = arith.constant 0 : index
        %swap3A_1504 = tpu.vector_load %arg13[%swap3A_1502, %swap3A_1503] {strides = array<i32>} : memref<96x128xf32, #tpu.memory_space<vmem>>, vector<16xf32>,
        tpu.vector_store %arg13[%swap3A_1502, %swap3A_1503], %mul3A_1501 {strides = array<i32>} : memref<96x128xf32, #tpu.memory_space<vmem>>, vector<16xf32>,
        %mul3A_1505 = vector.broadcast %squeeze3A_1489 : f32 to vector<16xf32>
        %mul3A_1506 = arith.mulf %bitcast3A_1499, %mul3A_1505 : vector<16xf32>
        %swap3A_1507 = arith.index_cast %add3A_1491 : i32 to index
        %swap3A_1508 = arith.constant 16 : index
        %swap3A_1509 = tpu.vector_load %arg13[%swap3A_1507, %swap3A_1508] {strides = array<i32>} : memref<96x128xf32, #tpu.memory_space<vmem>>, vector<16xf32>,
        tpu.vector_store %arg13[%swap3A_1507, %swap3A_1508], %mul3A_1506 {strides = array<i32>} : memref<96x128xf32, #tpu.memory_space<vmem>>, vector<16xf32>,
        %get3A_1510 = arith.index_cast %add3A_1491 : i32 to index
        %get3A_1511 = arith.constant 16 : index
        %get3A_1512 = tpu.vector_load %arg11[%get3A_1510, %get3A_1511] {strides = array<i32>} : memref<96x64xi32, #tpu.memory_space<vmem>>, vector<16xi32>,
        %shift_left3A_1513 = arith.constant 16 : i32
        %shift_left3A_1514 = vector.broadcast %shift_left3A_1513 : i32 to vector<16xi32>
        %shift_left3A_1515 = arith.shli %get3A_1512, %shift_left3A_1514 : vector<16xi32>
        %bitcast3A_1516 = vector.bitcast %shift_left3A_1515 : vector<16xi32> to vector<16xf32>
        %bitcast3A_1517 = vector.bitcast %get3A_1512 : vector<16xi32> to vector<16xf32>
        %mul3A_1518 = vector.broadcast %squeeze3A_1489 : f32 to vector<16xf32>
        %mul3A_1519 = arith.mulf %bitcast3A_1516, %mul3A_1518 : vector<16xf32>
        %swap3A_1520 = arith.index_cast %add3A_1491 : i32 to index
        %swap3A_1521 = arith.constant 32 : index
        %swap3A_1522 = tpu.vector_load %arg13[%swap3A_1520, %swap3A_1521] {strides = array<i32>} : memref<96x128xf32, #tpu.memory_space<vmem>>, vector<16xf32>,
        tpu.vector_store %arg13[%swap3A_1520, %swap3A_1521], %mul3A_1519 {strides = array<i32>} : memref<96x128xf32, #tpu.memory_space<vmem>>, vector<16xf32>,
        %mul3A_1523 = vector.broadcast %squeeze3A_1489 : f32 to vector<16xf32>
        %mul3A_1524 = arith.mulf %bitcast3A_1517, %mul3A_1523 : vector<16xf32>
        %swap3A_1525 = arith.index_cast %add3A_1491 : i32 to index
        %swap3A_1526 = arith.constant 48 : index
        %swap3A_1527 = tpu.vector_load %arg13[%swap3A_1525, %swap3A_1526] {strides = array<i32>} : memref<96x128xf32, #tpu.memory_space<vmem>>, vector<16xf32>,
        tpu.vector_store %arg13[%swap3A_1525, %swap3A_1526], %mul3A_1524 {strides = array<i32>} : memref<96x128xf32, #tpu.memory_space<vmem>>, vector<16xf32>,
        %get3A_1528 = arith.index_cast %add3A_1491 : i32 to index
        %get3A_1529 = arith.constant 32 : index
        %get3A_1530 = tpu.vector_load %arg11[%get3A_1528, %get3A_1529] {strides = array<i32>} : memref<96x64xi32, #tpu.memory_space<vmem>>, vector<16xi32>,
        %shift_left3A_1531 = arith.constant 16 : i32
        %shift_left3A_1532 = vector.broadcast %shift_left3A_1531 : i32 to vector<16xi32>
        %shift_left3A_1533 = arith.shli %get3A_1530, %shift_left3A_1532 : vector<16xi32>
        %bitcast3A_1534 = vector.bitcast %shift_left3A_1533 : vector<16xi32> to vector<16xf32>
        %bitcast3A_1535 = vector.bitcast %get3A_1530 : vector<16xi32> to vector<16xf32>
        %mul3A_1536 = vector.broadcast %squeeze3A_1489 : f32 to vector<16xf32>
        %mul3A_1537 = arith.mulf %bitcast3A_1534, %mul3A_1536 : vector<16xf32>
        %swap3A_1538 = arith.index_cast %add3A_1491 : i32 to index
        %swap3A_1539 = arith.constant 64 : index
        %swap3A_1540 = tpu.vector_load %arg13[%swap3A_1538, %swap3A_1539] {strides = array<i32>} : memref<96x128xf32, #tpu.memory_space<vmem>>, vector<16xf32>,
        tpu.vector_store %arg13[%swap3A_1538, %swap3A_1539], %mul3A_1537 {strides = array<i32>} : memref<96x128xf32, #tpu.memory_space<vmem>>, vector<16xf32>,
        %mul3A_1541 = vector.broadcast %squeeze3A_1489 : f32 to vector<16xf32>
        %mul3A_1542 = arith.mulf %bitcast3A_1535, %mul3A_1541 : vector<16xf32>
        %swap3A_1543 = arith.index_cast %add3A_1491 : i32 to index
        %swap3A_1544 = arith.constant 80 : index
        %swap3A_1545 = tpu.vector_load %arg13[%swap3A_1543, %swap3A_1544] {strides = array<i32>} : memref<96x128xf32, #tpu.memory_space<vmem>>, vector<16xf32>,
        tpu.vector_store %arg13[%swap3A_1543, %swap3A_1544], %mul3A_1542 {strides = array<i32>} : memref<96x128xf32, #tpu.memory_space<vmem>>, vector<16xf32>,
        %get3A_1546 = arith.index_cast %add3A_1491 : i32 to index
        %get3A_1547 = arith.constant 48 : index
        %get3A_1548 = tpu.vector_load %arg11[%get3A_1546, %get3A_1547] {strides = array<i32>} : memref<96x64xi32, #tpu.memory_space<vmem>>, vector<16xi32>,
        %shift_left3A_1549 = arith.constant 16 : i32
        %shift_left3A_1550 = vector.broadcast %shift_left3A_1549 : i32 to vector<16xi32>
        %shift_left3A_1551 = arith.shli %get3A_1548, %shift_left3A_1550 : vector<16xi32>
        %bitcast3A_1552 = vector.bitcast %shift_left3A_1551 : vector<16xi32> to vector<16xf32>
        %bitcast3A_1553 = vector.bitcast %get3A_1548 : vector<16xi32> to vector<16xf32>
        %mul3A_1554 = vector.broadcast %squeeze3A_1489 : f32 to vector<16xf32>
        %mul3A_1555 = arith.mulf %bitcast3A_1552, %mul3A_1554 : vector<16xf32>
        %swap3A_1556 = arith.index_cast %add3A_1491 : i32 to index
        %swap3A_1557 = arith.constant 96 : index
        %swap3A_1558 = tpu.vector_load %arg13[%swap3A_1556, %swap3A_1557] {strides = array<i32>} : memref<96x128xf32, #tpu.memory_space<vmem>>, vector<16xf32>,
        tpu.vector_store %arg13[%swap3A_1556, %swap3A_1557], %mul3A_1555 {strides = array<i32>} : memref<96x128xf32, #tpu.memory_space<vmem>>, vector<16xf32>,
        %mul3A_1559 = vector.broadcast %squeeze3A_1489 : f32 to vector<16xf32>
        %mul3A_1560 = arith.mulf %bitcast3A_1553, %mul3A_1559 : vector<16xf32>
        %swap3A_1561 = arith.index_cast %add3A_1491 : i32 to index
        %swap3A_1562 = arith.constant 112 : index
        %swap3A_1563 = tpu.vector_load %arg13[%swap3A_1561, %swap3A_1562] {strides = array<i32>} : memref<96x128xf32, #tpu.memory_space<vmem>>, vector<16xf32>,
        tpu.vector_store %arg13[%swap3A_1561, %swap3A_1562], %mul3A_1560 {strides = array<i32>} : memref<96x128xf32, #tpu.memory_space<vmem>>, vector<16xf32>,
        %slice3A_1564 = vector.extract_strided_slice %get3A_426 {offsets = [15], sizes = [1], strides = [1]} : vector<16xf32> to vector<1xf32>
        %squeeze3A_1565 = vector.extract %slice3A_1564[0] : f32 from vector<1xf32>
        %add3A_1566 = arith.constant 15 : i32
        %add3A_1567 = arith.addi %mul3A_422, %add3A_1566 : i32
        %get3A_1568 = arith.index_cast %add3A_1567 : i32 to index
        %get3A_1569 = arith.constant 0 : index
        %get3A_1570 = tpu.vector_load %arg11[%get3A_1568, %get3A_1569] {strides = array<i32>} : memref<96x64xi32, #tpu.memory_space<vmem>>, vector<16xi32>,
        %shift_left3A_1571 = arith.constant 16 : i32
        %shift_left3A_1572 = vector.broadcast %shift_left3A_1571 : i32 to vector<16xi32>
        %shift_left3A_1573 = arith.shli %get3A_1570, %shift_left3A_1572 : vector<16xi32>
        %bitcast3A_1574 = vector.bitcast %shift_left3A_1573 : vector<16xi32> to vector<16xf32>
        %bitcast3A_1575 = vector.bitcast %get3A_1570 : vector<16xi32> to vector<16xf32>
        %mul3A_1576 = vector.broadcast %squeeze3A_1565 : f32 to vector<16xf32>
        %mul3A_1577 = arith.mulf %bitcast3A_1574, %mul3A_1576 : vector<16xf32>
        %swap3A_1578 = arith.index_cast %add3A_1567 : i32 to index
        %swap3A_1579 = arith.constant 0 : index
        %swap3A_1580 = tpu.vector_load %arg13[%swap3A_1578, %swap3A_1579] {strides = array<i32>} : memref<96x128xf32, #tpu.memory_space<vmem>>, vector<16xf32>,
        tpu.vector_store %arg13[%swap3A_1578, %swap3A_1579], %mul3A_1577 {strides = array<i32>} : memref<96x128xf32, #tpu.memory_space<vmem>>, vector<16xf32>,
        %mul3A_1581 = vector.broadcast %squeeze3A_1565 : f32 to vector<16xf32>
        %mul3A_1582 = arith.mulf %bitcast3A_1575, %mul3A_1581 : vector<16xf32>
        %swap3A_1583 = arith.index_cast %add3A_1567 : i32 to index
        %swap3A_1584 = arith.constant 16 : index
        %swap3A_1585 = tpu.vector_load %arg13[%swap3A_1583, %swap3A_1584] {strides = array<i32>} : memref<96x128xf32, #tpu.memory_space<vmem>>, vector<16xf32>,
        tpu.vector_store %arg13[%swap3A_1583, %swap3A_1584], %mul3A_1582 {strides = array<i32>} : memref<96x128xf32, #tpu.memory_space<vmem>>, vector<16xf32>,
        %get3A_1586 = arith.index_cast %add3A_1567 : i32 to index
        %get3A_1587 = arith.constant 16 : index
        %get3A_1588 = tpu.vector_load %arg11[%get3A_1586, %get3A_1587] {strides = array<i32>} : memref<96x64xi32, #tpu.memory_space<vmem>>, vector<16xi32>,
        %shift_left3A_1589 = arith.constant 16 : i32
        %shift_left3A_1590 = vector.broadcast %shift_left3A_1589 : i32 to vector<16xi32>
        %shift_left3A_1591 = arith.shli %get3A_1588, %shift_left3A_1590 : vector<16xi32>
        %bitcast3A_1592 = vector.bitcast %shift_left3A_1591 : vector<16xi32> to vector<16xf32>
        %bitcast3A_1593 = vector.bitcast %get3A_1588 : vector<16xi32> to vector<16xf32>
        %mul3A_1594 = vector.broadcast %squeeze3A_1565 : f32 to vector<16xf32>
        %mul3A_1595 = arith.mulf %bitcast3A_1592, %mul3A_1594 : vector<16xf32>
        %swap3A_1596 = arith.index_cast %add3A_1567 : i32 to index
        %swap3A_1597 = arith.constant 32 : index
        %swap3A_1598 = tpu.vector_load %arg13[%swap3A_1596, %swap3A_1597] {strides = array<i32>} : memref<96x128xf32, #tpu.memory_space<vmem>>, vector<16xf32>,
        tpu.vector_store %arg13[%swap3A_1596, %swap3A_1597], %mul3A_1595 {strides = array<i32>} : memref<96x128xf32, #tpu.memory_space<vmem>>, vector<16xf32>,
        %mul3A_1599 = vector.broadcast %squeeze3A_1565 : f32 to vector<16xf32>
        %mul3A_1600 = arith.mulf %bitcast3A_1593, %mul3A_1599 : vector<16xf32>
        %swap3A_1601 = arith.index_cast %add3A_1567 : i32 to index
        %swap3A_1602 = arith.constant 48 : index
        %swap3A_1603 = tpu.vector_load %arg13[%swap3A_1601, %swap3A_1602] {strides = array<i32>} : memref<96x128xf32, #tpu.memory_space<vmem>>, vector<16xf32>,
        tpu.vector_store %arg13[%swap3A_1601, %swap3A_1602], %mul3A_1600 {strides = array<i32>} : memref<96x128xf32, #tpu.memory_space<vmem>>, vector<16xf32>,
        %get3A_1604 = arith.index_cast %add3A_1567 : i32 to index
        %get3A_1605 = arith.constant 32 : index
        %get3A_1606 = tpu.vector_load %arg11[%get3A_1604, %get3A_1605] {strides = array<i32>} : memref<96x64xi32, #tpu.memory_space<vmem>>, vector<16xi32>,
        %shift_left3A_1607 = arith.constant 16 : i32
        %shift_left3A_1608 = vector.broadcast %shift_left3A_1607 : i32 to vector<16xi32>
        %shift_left3A_1609 = arith.shli %get3A_1606, %shift_left3A_1608 : vector<16xi32>
        %bitcast3A_1610 = vector.bitcast %shift_left3A_1609 : vector<16xi32> to vector<16xf32>
        %bitcast3A_1611 = vector.bitcast %get3A_1606 : vector<16xi32> to vector<16xf32>
        %mul3A_1612 = vector.broadcast %squeeze3A_1565 : f32 to vector<16xf32>
        %mul3A_1613 = arith.mulf %bitcast3A_1610, %mul3A_1612 : vector<16xf32>
        %swap3A_1614 = arith.index_cast %add3A_1567 : i32 to index
        %swap3A_1615 = arith.constant 64 : index
        %swap3A_1616 = tpu.vector_load %arg13[%swap3A_1614, %swap3A_1615] {strides = array<i32>} : memref<96x128xf32, #tpu.memory_space<vmem>>, vector<16xf32>,
        tpu.vector_store %arg13[%swap3A_1614, %swap3A_1615], %mul3A_1613 {strides = array<i32>} : memref<96x128xf32, #tpu.memory_space<vmem>>, vector<16xf32>,
        %mul3A_1617 = vector.broadcast %squeeze3A_1565 : f32 to vector<16xf32>
        %mul3A_1618 = arith.mulf %bitcast3A_1611, %mul3A_1617 : vector<16xf32>
        %swap3A_1619 = arith.index_cast %add3A_1567 : i32 to index
        %swap3A_1620 = arith.constant 80 : index
        %swap3A_1621 = tpu.vector_load %arg13[%swap3A_1619, %swap3A_1620] {strides = array<i32>} : memref<96x128xf32, #tpu.memory_space<vmem>>, vector<16xf32>,
        tpu.vector_store %arg13[%swap3A_1619, %swap3A_1620], %mul3A_1618 {strides = array<i32>} : memref<96x128xf32, #tpu.memory_space<vmem>>, vector<16xf32>,
        %get3A_1622 = arith.index_cast %add3A_1567 : i32 to index
        %get3A_1623 = arith.constant 48 : index
        %get3A_1624 = tpu.vector_load %arg11[%get3A_1622, %get3A_1623] {strides = array<i32>} : memref<96x64xi32, #tpu.memory_space<vmem>>, vector<16xi32>,
        %shift_left3A_1625 = arith.constant 16 : i32
        %shift_left3A_1626 = vector.broadcast %shift_left3A_1625 : i32 to vector<16xi32>
        %shift_left3A_1627 = arith.shli %get3A_1624, %shift_left3A_1626 : vector<16xi32>
        %bitcast3A_1628 = vector.bitcast %shift_left3A_1627 : vector<16xi32> to vector<16xf32>
        %bitcast3A_1629 = vector.bitcast %get3A_1624 : vector<16xi32> to vector<16xf32>
        %mul3A_1630 = vector.broadcast %squeeze3A_1565 : f32 to vector<16xf32>
        %mul3A_1631 = arith.mulf %bitcast3A_1628, %mul3A_1630 : vector<16xf32>
        %swap3A_1632 = arith.index_cast %add3A_1567 : i32 to index
        %swap3A_1633 = arith.constant 96 : index
        %swap3A_1634 = tpu.vector_load %arg13[%swap3A_1632, %swap3A_1633] {strides = array<i32>} : memref<96x128xf32, #tpu.memory_space<vmem>>, vector<16xf32>,
        tpu.vector_store %arg13[%swap3A_1632, %swap3A_1633], %mul3A_1631 {strides = array<i32>} : memref<96x128xf32, #tpu.memory_space<vmem>>, vector<16xf32>,
        %mul3A_1635 = vector.broadcast %squeeze3A_1565 : f32 to vector<16xf32>
        %mul3A_1636 = arith.mulf %bitcast3A_1629, %mul3A_1635 : vector<16xf32>
        %swap3A_1637 = arith.index_cast %add3A_1567 : i32 to index
        %swap3A_1638 = arith.constant 112 : index
        %swap3A_1639 = tpu.vector_load %arg13[%swap3A_1637, %swap3A_1638] {strides = array<i32>} : memref<96x128xf32, #tpu.memory_space<vmem>>, vector<16xf32>,
        tpu.vector_store %arg13[%swap3A_1637, %swap3A_1638], %mul3A_1636 {strides = array<i32>} : memref<96x128xf32, #tpu.memory_space<vmem>>, vector<16xf32>,
      }
      %scan3A_274 = arith.constant 6 : i32
      %dma_start3A_275 = arith.constant 0 : i32
      %dma_start3A_276 = arith.constant 0 : i32
      %dma_start3A_277 = tpu.memref_slice %arg15[%dma_start3A_275, %dma_start3A_276] : memref<1x96xi32, #tpu.memory_space<vmem>> -> memref<1x96xi32, #tpu.memory_space<vmem>>
      %dma_start3A_278 = tpu.memref_squeeze %dma_start3A_277 : memref<1x96xi32, #tpu.memory_space<vmem>> -> memref<96xi32, #tpu.memory_space<vmem>>
      %dma_start3A_279 = arith.constant 0 : i32
      %dma_start3A_280 = arith.constant 0 : i32
      %dma_start3A_281 = tpu.memref_slice %arg20[%dma_start3A_279, %dma_start3A_280] : memref<10240x128xf32, #tpu.memory_space<vmem_shared>> -> memref<10240x128xf32, #tpu.memory_space<vmem_shared>>
      tpu.enqueue_indirect_dma source(%arg13 : memref<96x128xf32, #tpu.memory_space<vmem>>) target(%dma_start3A_281 : memref<10240x128xf32, #tpu.memory_space<vmem_shared>>) offsets(%dma_start3A_278 : memref<96xi32, #tpu.memory_space<vmem>>) semaphore(%arg25 : memref<!tpu.dma_semaphore, #tpu.memory_space<semaphore_mem>>) {add = true}
      %lt3A_282 = arith.constant 52 : i32
      %lt3A_283 = arith.cmpi slt, %scan3A_158, %lt3A_282 : i32
      %convert_element_type3A_284 = arith.extui %lt3A_283 : i1 to i32
      %cond3A_285 = arith.constant 0 : i32
      %cond3A_286 = arith.cmpi ne, %convert_element_type3A_284, %cond3A_285 : i32
      scf.if %cond3A_286 {
        %mul3A_420 = arith.constant 106 : i32
        %mul3A_421 = arith.muli %add3A, %mul3A_420 : i32
        %dma_wait3A_422 = arith.constant 0 : i32
        %dma_wait3A_423 = arith.constant 0 : i32
        %dma_wait3A_424 = tpu.memref_slice %arg2[%mul3A_421, %dma_wait3A_422, %dma_wait3A_423] : memref<3392x3x96xi32, #tpu.memory_space<hbm>> -> memref<1x3x96xi32, #tpu.memory_space<hbm>>
        %dma_wait3A_425 = tpu.memref_squeeze %dma_wait3A_424 : memref<1x3x96xi32, #tpu.memory_space<hbm>> -> memref<3x96xi32, #tpu.memory_space<hbm>>
        %dma_wait3A_426 = arith.constant 0 : i32
        %dma_wait3A_427 = arith.constant 0 : i32
        %dma_wait3A_428 = tpu.memref_slice %arg2[%mul3A_421, %dma_wait3A_426, %dma_wait3A_427] : memref<3392x3x96xi32, #tpu.memory_space<hbm>> -> memref<1x3x96xi32, #tpu.memory_space<hbm>>
        %dma_wait3A_429 = tpu.memref_squeeze %dma_wait3A_428 : memref<1x3x96xi32, #tpu.memory_space<hbm>> -> memref<3x96xi32, #tpu.memory_space<hbm>>
        tpu.wait_dma2 semaphore(%arg21 : memref<!tpu.dma_semaphore, #tpu.memory_space<semaphore_mem>>) src(%dma_wait3A_429 : memref<3x96xi32, #tpu.memory_space<hbm>>) dst(%arg7 : memref<3x96xi32, #tpu.memory_space<vmem>>)
        %get3A_430 = arith.constant 1 : i32
        %get3A_431 = arith.index_cast %get3A_430 : i32 to index
        %get3A_432 = arith.constant 0 : index
        %get3A_433 = tpu.vector_load %arg7[%get3A_431, %get3A_432] {strides = array<i32>} : memref<3x96xi32, #tpu.memory_space<vmem>>, vector<16xi32>,
        %gather3A_434 = tpu.vector_load_idx %arg19[%get3A_433] : memref<10000xi32, #tpu.memory_space<vmem>>[vector<16xi32>], vector<16xi32>,
        %swap3A_435 = arith.constant 0 : index
        %swap3A_436 = tpu.vector_load %arg9[%swap3A_435] {strides = array<i32>} : memref<96xi32, #tpu.memory_space<vmem>>, vector<16xi32>,
        tpu.vector_store %arg9[%swap3A_435], %gather3A_434 {strides = array<i32>} : memref<96xi32, #tpu.memory_space<vmem>>, vector<16xi32>,
        %get3A_437 = arith.constant 1 : i32
        %get3A_438 = arith.index_cast %get3A_437 : i32 to index
        %get3A_439 = arith.constant 16 : index
        %get3A_440 = tpu.vector_load %arg7[%get3A_438, %get3A_439] {strides = array<i32>} : memref<3x96xi32, #tpu.memory_space<vmem>>, vector<16xi32>,
        %gather3A_441 = tpu.vector_load_idx %arg19[%get3A_440] : memref<10000xi32, #tpu.memory_space<vmem>>[vector<16xi32>], vector<16xi32>,
        %swap3A_442 = arith.constant 16 : index
        %swap3A_443 = tpu.vector_load %arg9[%swap3A_442] {strides = array<i32>} : memref<96xi32, #tpu.memory_space<vmem>>, vector<16xi32>,
        tpu.vector_store %arg9[%swap3A_442], %gather3A_441 {strides = array<i32>} : memref<96xi32, #tpu.memory_space<vmem>>, vector<16xi32>,
        %get3A_444 = arith.constant 1 : i32
        %get3A_445 = arith.index_cast %get3A_444 : i32 to index
        %get3A_446 = arith.constant 32 : index
        %get3A_447 = tpu.vector_load %arg7[%get3A_445, %get3A_446] {strides = array<i32>} : memref<3x96xi32, #tpu.memory_space<vmem>>, vector<16xi32>,
        %gather3A_448 = tpu.vector_load_idx %arg19[%get3A_447] : memref<10000xi32, #tpu.memory_space<vmem>>[vector<16xi32>], vector<16xi32>,
        %swap3A_449 = arith.constant 32 : index
        %swap3A_450 = tpu.vector_load %arg9[%swap3A_449] {strides = array<i32>} : memref<96xi32, #tpu.memory_space<vmem>>, vector<16xi32>,
        tpu.vector_store %arg9[%swap3A_449], %gather3A_448 {strides = array<i32>} : memref<96xi32, #tpu.memory_space<vmem>>, vector<16xi32>,
        %get3A_451 = arith.constant 1 : i32
        %get3A_452 = arith.index_cast %get3A_451 : i32 to index
        %get3A_453 = arith.constant 48 : index
        %get3A_454 = tpu.vector_load %arg7[%get3A_452, %get3A_453] {strides = array<i32>} : memref<3x96xi32, #tpu.memory_space<vmem>>, vector<16xi32>,
        %gather3A_455 = tpu.vector_load_idx %arg19[%get3A_454] : memref<10000xi32, #tpu.memory_space<vmem>>[vector<16xi32>], vector<16xi32>,
        %swap3A_456 = arith.constant 48 : index
        %swap3A_457 = tpu.vector_load %arg9[%swap3A_456] {strides = array<i32>} : memref<96xi32, #tpu.memory_space<vmem>>, vector<16xi32>,
        tpu.vector_store %arg9[%swap3A_456], %gather3A_455 {strides = array<i32>} : memref<96xi32, #tpu.memory_space<vmem>>, vector<16xi32>,
        %get3A_458 = arith.constant 1 : i32
        %get3A_459 = arith.index_cast %get3A_458 : i32 to index
        %get3A_460 = arith.constant 64 : index
        %get3A_461 = tpu.vector_load %arg7[%get3A_459, %get3A_460] {strides = array<i32>} : memref<3x96xi32, #tpu.memory_space<vmem>>, vector<16xi32>,
        %gather3A_462 = tpu.vector_load_idx %arg19[%get3A_461] : memref<10000xi32, #tpu.memory_space<vmem>>[vector<16xi32>], vector<16xi32>,
        %swap3A_463 = arith.constant 64 : index
        %swap3A_464 = tpu.vector_load %arg9[%swap3A_463] {strides = array<i32>} : memref<96xi32, #tpu.memory_space<vmem>>, vector<16xi32>,
        tpu.vector_store %arg9[%swap3A_463], %gather3A_462 {strides = array<i32>} : memref<96xi32, #tpu.memory_space<vmem>>, vector<16xi32>,
        %get3A_465 = arith.constant 1 : i32
        %get3A_466 = arith.index_cast %get3A_465 : i32 to index
        %get3A_467 = arith.constant 80 : index
        %get3A_468 = tpu.vector_load %arg7[%get3A_466, %get3A_467] {strides = array<i32>} : memref<3x96xi32, #tpu.memory_space<vmem>>, vector<16xi32>,
        %gather3A_469 = tpu.vector_load_idx %arg19[%get3A_468] : memref<10000xi32, #tpu.memory_space<vmem>>[vector<16xi32>], vector<16xi32>,
        %swap3A_470 = arith.constant 80 : index
        %swap3A_471 = tpu.vector_load %arg9[%swap3A_470] {strides = array<i32>} : memref<96xi32, #tpu.memory_space<vmem>>, vector<16xi32>,
        tpu.vector_store %arg9[%swap3A_470], %gather3A_469 {strides = array<i32>} : memref<96xi32, #tpu.memory_space<vmem>>, vector<16xi32>,
        %dma_start3A_472 = arith.constant 0 : i32
        %dma_start3A_473 = arith.constant 0 : i32
        %dma_start3A_474 = tpu.memref_slice %arg5[%dma_start3A_472, %dma_start3A_473] : memref<10001x64xi32, #tpu.memory_space<hbm>> -> memref<10001x64xi32, #tpu.memory_space<hbm>>
        tpu.enqueue_indirect_dma source(%dma_start3A_474 : memref<10001x64xi32, #tpu.memory_space<hbm>>) target(%arg11 : memref<96x64xi32, #tpu.memory_space<vmem>>) offsets(%arg9 : memref<96xi32, #tpu.memory_space<vmem>>) semaphore(%arg23 : memref<!tpu.dma_semaphore, #tpu.memory_space<semaphore_mem>>)
      } else {
      }
      %dma_wait3A_287 = arith.constant 0 : i32
      %dma_wait3A_288 = arith.constant 0 : i32
      %dma_wait3A_289 = tpu.memref_slice %arg5[%dma_wait3A_287, %dma_wait3A_288] : memref<10001x64xi32, #tpu.memory_space<hbm>> -> memref<10001x64xi32, #tpu.memory_space<hbm>>
      tpu.wait_indirect_dma semaphore(%arg24 : memref<!tpu.dma_semaphore, #tpu.memory_space<semaphore_mem>>) src(%dma_wait3A_289 : memref<10001x64xi32, #tpu.memory_space<hbm>>) dst(%arg12 : memref<96x64xi32, #tpu.memory_space<vmem>>)
      %get3A_290 = arith.constant 0 : i32
      %get3A_291 = arith.index_cast %get3A_290 : i32 to index
      %get3A_292 = arith.constant 0 : index
      %get3A_293 = tpu.vector_load %arg8[%get3A_291, %get3A_292] {strides = array<i32>} : memref<3x96xi32, #tpu.memory_space<vmem>>, vector<16xi32>,
      %swap3A_294 = arith.constant 0 : i32
      %swap3A_295 = arith.index_cast %swap3A_294 : i32 to index
      %swap3A_296 = arith.constant 0 : index
      %swap3A_297 = tpu.vector_load %arg16[%swap3A_295, %swap3A_296] {strides = array<i32>} : memref<1x96xi32, #tpu.memory_space<vmem>>, vector<16xi32>,
      tpu.vector_store %arg16[%swap3A_295, %swap3A_296], %get3A_293 {strides = array<i32>} : memref<1x96xi32, #tpu.memory_space<vmem>>, vector<16xi32>,
      %get3A_298 = arith.constant 2 : i32
      %get3A_299 = arith.index_cast %get3A_298 : i32 to index
      %get3A_300 = arith.constant 0 : index
      %get3A_301 = tpu.vector_load %arg8[%get3A_299, %get3A_300] {strides = array<i32>} : memref<3x96xi32, #tpu.memory_space<vmem>>, vector<16xi32>,
      %bitcast3A_302 = vector.bitcast %get3A_301 : vector<16xi32> to vector<16xf32>
      %swap3A_303 = arith.constant 0 : i32
      %swap3A_304 = arith.index_cast %swap3A_303 : i32 to index
      %swap3A_305 = arith.constant 0 : index
      %swap3A_306 = tpu.vector_load %arg18[%swap3A_304, %swap3A_305] {strides = array<i32>} : memref<1x96xf32, #tpu.memory_space<vmem>>, vector<16xf32>,
      tpu.vector_store %arg18[%swap3A_304, %swap3A_305], %bitcast3A_302 {strides = array<i32>} : memref<1x96xf32, #tpu.memory_space<vmem>>, vector<16xf32>,
      %get3A_307 = arith.constant 0 : i32
      %get3A_308 = arith.index_cast %get3A_307 : i32 to index
      %get3A_309 = arith.constant 16 : index
      %get3A_310 = tpu.vector_load %arg8[%get3A_308, %get3A_309] {strides = array<i32>} : memref<3x96xi32, #tpu.memory_space<vmem>>, vector<16xi32>,
      %swap3A_311 = arith.constant 0 : i32
      %swap3A_312 = arith.index_cast %swap3A_311 : i32 to index
      %swap3A_313 = arith.constant 16 : index
      %swap3A_314 = tpu.vector_load %arg16[%swap3A_312, %swap3A_313] {strides = array<i32>} : memref<1x96xi32, #tpu.memory_space<vmem>>, vector<16xi32>,
      tpu.vector_store %arg16[%swap3A_312, %swap3A_313], %get3A_310 {strides = array<i32>} : memref<1x96xi32, #tpu.memory_space<vmem>>, vector<16xi32>,
      %get3A_315 = arith.constant 2 : i32
      %get3A_316 = arith.index_cast %get3A_315 : i32 to index
      %get3A_317 = arith.constant 16 : index
      %get3A_318 = tpu.vector_load %arg8[%get3A_316, %get3A_317] {strides = array<i32>} : memref<3x96xi32, #tpu.memory_space<vmem>>, vector<16xi32>,
      %bitcast3A_319 = vector.bitcast %get3A_318 : vector<16xi32> to vector<16xf32>
      %swap3A_320 = arith.constant 0 : i32
      %swap3A_321 = arith.index_cast %swap3A_320 : i32 to index
      %swap3A_322 = arith.constant 16 : index
      %swap3A_323 = tpu.vector_load %arg18[%swap3A_321, %swap3A_322] {strides = array<i32>} : memref<1x96xf32, #tpu.memory_space<vmem>>, vector<16xf32>,
      tpu.vector_store %arg18[%swap3A_321, %swap3A_322], %bitcast3A_319 {strides = array<i32>} : memref<1x96xf32, #tpu.memory_space<vmem>>, vector<16xf32>,
      %get3A_324 = arith.constant 0 : i32
      %get3A_325 = arith.index_cast %get3A_324 : i32 to index
      %get3A_326 = arith.constant 32 : index
      %get3A_327 = tpu.vector_load %arg8[%get3A_325, %get3A_326] {strides = array<i32>} : memref<3x96xi32, #tpu.memory_space<vmem>>, vector<16xi32>,
      %swap3A_328 = arith.constant 0 : i32
      %swap3A_329 = arith.index_cast %swap3A_328 : i32 to index
      %swap3A_330 = arith.constant 32 : index
      %swap3A_331 = tpu.vector_load %arg16[%swap3A_329, %swap3A_330] {strides = array<i32>} : memref<1x96xi32, #tpu.memory_space<vmem>>, vector<16xi32>,
      tpu.vector_store %arg16[%swap3A_329, %swap3A_330], %get3A_327 {strides = array<i32>} : memref<1x96xi32, #tpu.memory_space<vmem>>, vector<16xi32>,
      %get3A_332 = arith.constant 2 : i32
      %get3A_333 = arith.index_cast %get3A_332 : i32 to index
      %get3A_334 = arith.constant 32 : index
      %get3A_335 = tpu.vector_load %arg8[%get3A_333, %get3A_334] {strides = array<i32>} : memref<3x96xi32, #tpu.memory_space<vmem>>, vector<16xi32>,
      %bitcast3A_336 = vector.bitcast %get3A_335 : vector<16xi32> to vector<16xf32>
      %swap3A_337 = arith.constant 0 : i32
      %swap3A_338 = arith.index_cast %swap3A_337 : i32 to index
      %swap3A_339 = arith.constant 32 : index
      %swap3A_340 = tpu.vector_load %arg18[%swap3A_338, %swap3A_339] {strides = array<i32>} : memref<1x96xf32, #tpu.memory_space<vmem>>, vector<16xf32>,
      tpu.vector_store %arg18[%swap3A_338, %swap3A_339], %bitcast3A_336 {strides = array<i32>} : memref<1x96xf32, #tpu.memory_space<vmem>>, vector<16xf32>,
      %get3A_341 = arith.constant 0 : i32
      %get3A_342 = arith.index_cast %get3A_341 : i32 to index
      %get3A_343 = arith.constant 48 : index
      %get3A_344 = tpu.vector_load %arg8[%get3A_342, %get3A_343] {strides = array<i32>} : memref<3x96xi32, #tpu.memory_space<vmem>>, vector<16xi32>,
      %swap3A_345 = arith.constant 0 : i32
      %swap3A_346 = arith.index_cast %swap3A_345 : i32 to index
      %swap3A_347 = arith.constant 48 : index
      %swap3A_348 = tpu.vector_load %arg16[%swap3A_346, %swap3A_347] {strides = array<i32>} : memref<1x96xi32, #tpu.memory_space<vmem>>, vector<16xi32>,
      tpu.vector_store %arg16[%swap3A_346, %swap3A_347], %get3A_344 {strides = array<i32>} : memref<1x96xi32, #tpu.memory_space<vmem>>, vector<16xi32>,
      %get3A_349 = arith.constant 2 : i32
      %get3A_350 = arith.index_cast %get3A_349 : i32 to index
      %get3A_351 = arith.constant 48 : index
      %get3A_352 = tpu.vector_load %arg8[%get3A_350, %get3A_351] {strides = array<i32>} : memref<3x96xi32, #tpu.memory_space<vmem>>, vector<16xi32>,
      %bitcast3A_353 = vector.bitcast %get3A_352 : vector<16xi32> to vector<16xf32>
      %swap3A_354 = arith.constant 0 : i32
      %swap3A_355 = arith.index_cast %swap3A_354 : i32 to index
      %swap3A_356 = arith.constant 48 : index
      %swap3A_357 = tpu.vector_load %arg18[%swap3A_355, %swap3A_356] {strides = array<i32>} : memref<1x96xf32, #tpu.memory_space<vmem>>, vector<16xf32>,
      tpu.vector_store %arg18[%swap3A_355, %swap3A_356], %bitcast3A_353 {strides = array<i32>} : memref<1x96xf32, #tpu.memory_space<vmem>>, vector<16xf32>,
      %get3A_358 = arith.constant 0 : i32
      %get3A_359 = arith.index_cast %get3A_358 : i32 to index
      %get3A_360 = arith.constant 64 : index
      %get3A_361 = tpu.vector_load %arg8[%get3A_359, %get3A_360] {strides = array<i32>} : memref<3x96xi32, #tpu.memory_space<vmem>>, vector<16xi32>,
      %swap3A_362 = arith.constant 0 : i32
      %swap3A_363 = arith.index_cast %swap3A_362 : i32 to index
      %swap3A_364 = arith.constant 64 : index
      %swap3A_365 = tpu.vector_load %arg16[%swap3A_363, %swap3A_364] {strides = array<i32>} : memref<1x96xi32, #tpu.memory_space<vmem>>, vector<16xi32>,
      tpu.vector_store %arg16[%swap3A_363, %swap3A_364], %get3A_361 {strides = array<i32>} : memref<1x96xi32, #tpu.memory_space<vmem>>, vector<16xi32>,
      %get3A_366 = arith.constant 2 : i32
      %get3A_367 = arith.index_cast %get3A_366 : i32 to index
      %get3A_368 = arith.constant 64 : index
      %get3A_369 = tpu.vector_load %arg8[%get3A_367, %get3A_368] {strides = array<i32>} : memref<3x96xi32, #tpu.memory_space<vmem>>, vector<16xi32>,
      %bitcast3A_370 = vector.bitcast %get3A_369 : vector<16xi32> to vector<16xf32>
      %swap3A_371 = arith.constant 0 : i32
      %swap3A_372 = arith.index_cast %swap3A_371 : i32 to index
      %swap3A_373 = arith.constant 64 : index
      %swap3A_374 = tpu.vector_load %arg18[%swap3A_372, %swap3A_373] {strides = array<i32>} : memref<1x96xf32, #tpu.memory_space<vmem>>, vector<16xf32>,
      tpu.vector_store %arg18[%swap3A_372, %swap3A_373], %bitcast3A_370 {strides = array<i32>} : memref<1x96xf32, #tpu.memory_space<vmem>>, vector<16xf32>,
      %get3A_375 = arith.constant 0 : i32
      %get3A_376 = arith.index_cast %get3A_375 : i32 to index
      %get3A_377 = arith.constant 80 : index
      %get3A_378 = tpu.vector_load %arg8[%get3A_376, %get3A_377] {strides = array<i32>} : memref<3x96xi32, #tpu.memory_space<vmem>>, vector<16xi32>,
      %swap3A_379 = arith.constant 0 : i32
      %swap3A_380 = arith.index_cast %swap3A_379 : i32 to index
      %swap3A_381 = arith.constant 80 : index
      %swap3A_382 = tpu.vector_load %arg16[%swap3A_380, %swap3A_381] {strides = array<i32>} : memref<1x96xi32, #tpu.memory_space<vmem>>, vector<16xi32>,
      tpu.vector_store %arg16[%swap3A_380, %swap3A_381], %get3A_378 {strides = array<i32>} : memref<1x96xi32, #tpu.memory_space<vmem>>, vector<16xi32>,
      %get3A_383 = arith.constant 2 : i32
      %get3A_384 = arith.index_cast %get3A_383 : i32 to index
      %get3A_385 = arith.constant 80 : index
      %get3A_386 = tpu.vector_load %arg8[%get3A_384, %get3A_385] {strides = array<i32>} : memref<3x96xi32, #tpu.memory_space<vmem>>, vector<16xi32>,
      %bitcast3A_387 = vector.bitcast %get3A_386 : vector<16xi32> to vector<16xf32>
      %swap3A_388 = arith.constant 0 : i32
      %swap3A_389 = arith.index_cast %swap3A_388 : i32 to index
      %swap3A_390 = arith.constant 80 : index
      %swap3A_391 = tpu.vector_load %arg18[%swap3A_389, %swap3A_390] {strides = array<i32>} : memref<1x96xf32, #tpu.memory_space<vmem>>, vector<16xf32>,
      tpu.vector_store %arg18[%swap3A_389, %swap3A_390], %bitcast3A_387 {strides = array<i32>} : memref<1x96xf32, #tpu.memory_space<vmem>>, vector<16xf32>,
      %lt3A_392 = arith.constant 52 : i32
      %lt3A_393 = arith.cmpi slt, %scan3A_158, %lt3A_392 : i32
      %convert_element_type3A_394 = arith.extui %lt3A_393 : i1 to i32
      %cond3A_395 = arith.constant 0 : i32
      %cond3A_396 = arith.cmpi ne, %convert_element_type3A_394, %cond3A_395 : i32
      scf.if %cond3A_396 {
        %mul3A_420 = arith.constant 2 : i32
        %mul3A_421 = arith.muli %mul3A_420, %scan3A_158 : i32
        %add3A_422 = arith.constant 2 : i32
        %add3A_423 = arith.addi %mul3A_421, %add3A_422 : i32
        %add3A_424 = arith.constant 1 : i32
        %add3A_425 = arith.addi %add3A_423, %add3A_424 : i32
        %mul3A_426 = arith.constant 106 : i32
        %mul3A_427 = arith.muli %add3A, %mul3A_426 : i32
        %add3A_428 = arith.addi %mul3A_427, %add3A_425 : i32
        %dma_start3A_429 = arith.constant 0 : i32
        %dma_start3A_430 = arith.constant 0 : i32
        %dma_start3A_431 = tpu.memref_slice %arg2[%add3A_428, %dma_start3A_429, %dma_start3A_430] : memref<3392x3x96xi32, #tpu.memory_space<hbm>> -> memref<1x3x96xi32, #tpu.memory_space<hbm>>
        %dma_start3A_432 = tpu.memref_squeeze %dma_start3A_431 : memref<1x3x96xi32, #tpu.memory_space<hbm>> -> memref<3x96xi32, #tpu.memory_space<hbm>>
        %dma_start3A_433 = arith.constant 0 : i32
        %dma_start3A_434 = arith.constant 0 : i32
        %dma_start3A_435 = tpu.memref_slice %arg2[%add3A_428, %dma_start3A_433, %dma_start3A_434] : memref<3392x3x96xi32, #tpu.memory_space<hbm>> -> memref<1x3x96xi32, #tpu.memory_space<hbm>>
        %dma_start3A_436 = tpu.memref_squeeze %dma_start3A_435 : memref<1x3x96xi32, #tpu.memory_space<hbm>> -> memref<3x96xi32, #tpu.memory_space<hbm>>
        tpu.enqueue_dma source(%dma_start3A_436 : memref<3x96xi32, #tpu.memory_space<hbm>>) target(%arg8 : memref<3x96xi32, #tpu.memory_space<vmem>>) target_semaphore(%arg22 : memref<!tpu.dma_semaphore, #tpu.memory_space<semaphore_mem>>)
      } else {
      }
      %gt3A_397 = arith.constant 0 : i32
      %gt3A_398 = arith.cmpi sgt, %scan3A_158, %gt3A_397 : i32
      %convert_element_type3A_399 = arith.extui %gt3A_398 : i1 to i32
      %cond3A_400 = arith.constant 0 : i32
      %cond3A_401 = arith.cmpi ne, %convert_element_type3A_399, %cond3A_400 : i32
      scf.if %cond3A_401 {
        %dma_wait3A_420 = arith.constant 0 : i32
        %dma_wait3A_421 = arith.constant 0 : i32
        %dma_wait3A_422 = tpu.memref_slice %arg16[%dma_wait3A_420, %dma_wait3A_421] : memref<1x96xi32, #tpu.memory_space<vmem>> -> memref<1x96xi32, #tpu.memory_space<vmem>>
        %dma_wait3A_423 = tpu.memref_squeeze %dma_wait3A_422 : memref<1x96xi32, #tpu.memory_space<vmem>> -> memref<96xi32, #tpu.memory_space<vmem>>
        %dma_wait3A_424 = arith.constant 0 : i32
        %dma_wait3A_425 = arith.constant 0 : i32
        %dma_wait3A_426 = tpu.memref_slice %arg20[%dma_wait3A_424, %dma_wait3A_425] : memref<10240x128xf32, #tpu.memory_space<vmem_shared>> -> memref<10240x128xf32, #tpu.memory_space<vmem_shared>>
        tpu.wait_indirect_dma semaphore(%arg26 : memref<!tpu.dma_semaphore, #tpu.memory_space<semaphore_mem>>) src(%arg14 : memref<96x128xf32, #tpu.memory_space<vmem>>) dst(%dma_wait3A_426 : memref<10240x128xf32, #tpu.memory_space<vmem_shared>>)
      } else {
      }
      %scan3A_402 = arith.constant 0 : i32
      %scan3A_403 = arith.constant 0 : i32
      %scan3A_404 = arith.constant 6 : i32
      %scan3A_405 = arith.addi %scan3A_403, %scan3A_404 : i32
      %scan3A_406 = arith.constant 1 : i32
      scf.for %scan3A_420 = %scan3A_403 to %scan3A_405 step %scan3A_406  : i32 {
        %mul3A_421 = arith.constant 16 : i32
        %mul3A_422 = arith.muli %scan3A_420, %mul3A_421 : i32
        %get3A_423 = arith.constant 0 : i32
        %get3A_424 = arith.index_cast %get3A_423 : i32 to index
        %get3A_425 = arith.index_cast %mul3A_422 : i32 to index
        %get3A_426 = tpu.vector_load %arg18[%get3A_424, %get3A_425] {strides = array<i32>} : memref<1x96xf32, #tpu.memory_space<vmem>>, vector<16xf32>,
        %slice3A = vector.extract_strided_slice %get3A_426 {offsets = [0], sizes = [1], strides = [1]} : vector<16xf32> to vector<1xf32>
        %squeeze3A = vector.extract %slice3A[0] : f32 from vector<1xf32>
        %add3A_427 = arith.constant 0 : i32
        %add3A_428 = arith.addi %mul3A_422, %add3A_427 : i32
        %get3A_429 = arith.index_cast %add3A_428 : i32 to index
        %get3A_430 = arith.constant 0 : index
        %get3A_431 = tpu.vector_load %arg12[%get3A_429, %get3A_430] {strides = array<i32>} : memref<96x64xi32, #tpu.memory_space<vmem>>, vector<16xi32>,
        %shift_left3A = arith.constant 16 : i32
        %shift_left3A_432 = vector.broadcast %shift_left3A : i32 to vector<16xi32>
        %shift_left3A_433 = arith.shli %get3A_431, %shift_left3A_432 : vector<16xi32>
        %bitcast3A_434 = vector.bitcast %shift_left3A_433 : vector<16xi32> to vector<16xf32>
        %bitcast3A_435 = vector.bitcast %get3A_431 : vector<16xi32> to vector<16xf32>
        %mul3A_436 = vector.broadcast %squeeze3A : f32 to vector<16xf32>
        %mul3A_437 = arith.mulf %bitcast3A_434, %mul3A_436 : vector<16xf32>
        %swap3A_438 = arith.index_cast %add3A_428 : i32 to index
        %swap3A_439 = arith.constant 0 : index
        %swap3A_440 = tpu.vector_load %arg14[%swap3A_438, %swap3A_439] {strides = array<i32>} : memref<96x128xf32, #tpu.memory_space<vmem>>, vector<16xf32>,
        tpu.vector_store %arg14[%swap3A_438, %swap3A_439], %mul3A_437 {strides = array<i32>} : memref<96x128xf32, #tpu.memory_space<vmem>>, vector<16xf32>,
        %mul3A_441 = vector.broadcast %squeeze3A : f32 to vector<16xf32>
        %mul3A_442 = arith.mulf %bitcast3A_435, %mul3A_441 : vector<16xf32>
        %swap3A_443 = arith.index_cast %add3A_428 : i32 to index
        %swap3A_444 = arith.constant 16 : index
        %swap3A_445 = tpu.vector_load %arg14[%swap3A_443, %swap3A_444] {strides = array<i32>} : memref<96x128xf32, #tpu.memory_space<vmem>>, vector<16xf32>,
        tpu.vector_store %arg14[%swap3A_443, %swap3A_444], %mul3A_442 {strides = array<i32>} : memref<96x128xf32, #tpu.memory_space<vmem>>, vector<16xf32>,
        %get3A_446 = arith.index_cast %add3A_428 : i32 to index
        %get3A_447 = arith.constant 16 : index
        %get3A_448 = tpu.vector_load %arg12[%get3A_446, %get3A_447] {strides = array<i32>} : memref<96x64xi32, #tpu.memory_space<vmem>>, vector<16xi32>,
        %shift_left3A_449 = arith.constant 16 : i32
        %shift_left3A_450 = vector.broadcast %shift_left3A_449 : i32 to vector<16xi32>
        %shift_left3A_451 = arith.shli %get3A_448, %shift_left3A_450 : vector<16xi32>
        %bitcast3A_452 = vector.bitcast %shift_left3A_451 : vector<16xi32> to vector<16xf32>
        %bitcast3A_453 = vector.bitcast %get3A_448 : vector<16xi32> to vector<16xf32>
        %mul3A_454 = vector.broadcast %squeeze3A : f32 to vector<16xf32>
        %mul3A_455 = arith.mulf %bitcast3A_452, %mul3A_454 : vector<16xf32>
        %swap3A_456 = arith.index_cast %add3A_428 : i32 to index
        %swap3A_457 = arith.constant 32 : index
        %swap3A_458 = tpu.vector_load %arg14[%swap3A_456, %swap3A_457] {strides = array<i32>} : memref<96x128xf32, #tpu.memory_space<vmem>>, vector<16xf32>,
        tpu.vector_store %arg14[%swap3A_456, %swap3A_457], %mul3A_455 {strides = array<i32>} : memref<96x128xf32, #tpu.memory_space<vmem>>, vector<16xf32>,
        %mul3A_459 = vector.broadcast %squeeze3A : f32 to vector<16xf32>
        %mul3A_460 = arith.mulf %bitcast3A_453, %mul3A_459 : vector<16xf32>
        %swap3A_461 = arith.index_cast %add3A_428 : i32 to index
        %swap3A_462 = arith.constant 48 : index
        %swap3A_463 = tpu.vector_load %arg14[%swap3A_461, %swap3A_462] {strides = array<i32>} : memref<96x128xf32, #tpu.memory_space<vmem>>, vector<16xf32>,
        tpu.vector_store %arg14[%swap3A_461, %swap3A_462], %mul3A_460 {strides = array<i32>} : memref<96x128xf32, #tpu.memory_space<vmem>>, vector<16xf32>,
        %get3A_464 = arith.index_cast %add3A_428 : i32 to index
        %get3A_465 = arith.constant 32 : index
        %get3A_466 = tpu.vector_load %arg12[%get3A_464, %get3A_465] {strides = array<i32>} : memref<96x64xi32, #tpu.memory_space<vmem>>, vector<16xi32>,
        %shift_left3A_467 = arith.constant 16 : i32
        %shift_left3A_468 = vector.broadcast %shift_left3A_467 : i32 to vector<16xi32>
        %shift_left3A_469 = arith.shli %get3A_466, %shift_left3A_468 : vector<16xi32>
        %bitcast3A_470 = vector.bitcast %shift_left3A_469 : vector<16xi32> to vector<16xf32>
        %bitcast3A_471 = vector.bitcast %get3A_466 : vector<16xi32> to vector<16xf32>
        %mul3A_472 = vector.broadcast %squeeze3A : f32 to vector<16xf32>
        %mul3A_473 = arith.mulf %bitcast3A_470, %mul3A_472 : vector<16xf32>
        %swap3A_474 = arith.index_cast %add3A_428 : i32 to index
        %swap3A_475 = arith.constant 64 : index
        %swap3A_476 = tpu.vector_load %arg14[%swap3A_474, %swap3A_475] {strides = array<i32>} : memref<96x128xf32, #tpu.memory_space<vmem>>, vector<16xf32>,
        tpu.vector_store %arg14[%swap3A_474, %swap3A_475], %mul3A_473 {strides = array<i32>} : memref<96x128xf32, #tpu.memory_space<vmem>>, vector<16xf32>,
        %mul3A_477 = vector.broadcast %squeeze3A : f32 to vector<16xf32>
        %mul3A_478 = arith.mulf %bitcast3A_471, %mul3A_477 : vector<16xf32>
        %swap3A_479 = arith.index_cast %add3A_428 : i32 to index
        %swap3A_480 = arith.constant 80 : index
        %swap3A_481 = tpu.vector_load %arg14[%swap3A_479, %swap3A_480] {strides = array<i32>} : memref<96x128xf32, #tpu.memory_space<vmem>>, vector<16xf32>,
        tpu.vector_store %arg14[%swap3A_479, %swap3A_480], %mul3A_478 {strides = array<i32>} : memref<96x128xf32, #tpu.memory_space<vmem>>, vector<16xf32>,
        %get3A_482 = arith.index_cast %add3A_428 : i32 to index
        %get3A_483 = arith.constant 48 : index
        %get3A_484 = tpu.vector_load %arg12[%get3A_482, %get3A_483] {strides = array<i32>} : memref<96x64xi32, #tpu.memory_space<vmem>>, vector<16xi32>,
        %shift_left3A_485 = arith.constant 16 : i32
        %shift_left3A_486 = vector.broadcast %shift_left3A_485 : i32 to vector<16xi32>
        %shift_left3A_487 = arith.shli %get3A_484, %shift_left3A_486 : vector<16xi32>
        %bitcast3A_488 = vector.bitcast %shift_left3A_487 : vector<16xi32> to vector<16xf32>
        %bitcast3A_489 = vector.bitcast %get3A_484 : vector<16xi32> to vector<16xf32>
        %mul3A_490 = vector.broadcast %squeeze3A : f32 to vector<16xf32>
        %mul3A_491 = arith.mulf %bitcast3A_488, %mul3A_490 : vector<16xf32>
        %swap3A_492 = arith.index_cast %add3A_428 : i32 to index
        %swap3A_493 = arith.constant 96 : index
        %swap3A_494 = tpu.vector_load %arg14[%swap3A_492, %swap3A_493] {strides = array<i32>} : memref<96x128xf32, #tpu.memory_space<vmem>>, vector<16xf32>,
        tpu.vector_store %arg14[%swap3A_492, %swap3A_493], %mul3A_491 {strides = array<i32>} : memref<96x128xf32, #tpu.memory_space<vmem>>, vector<16xf32>,
        %mul3A_495 = vector.broadcast %squeeze3A : f32 to vector<16xf32>
        %mul3A_496 = arith.mulf %bitcast3A_489, %mul3A_495 : vector<16xf32>
        %swap3A_497 = arith.index_cast %add3A_428 : i32 to index
        %swap3A_498 = arith.constant 112 : index
        %swap3A_499 = tpu.vector_load %arg14[%swap3A_497, %swap3A_498] {strides = array<i32>} : memref<96x128xf32, #tpu.memory_space<vmem>>, vector<16xf32>,
        tpu.vector_store %arg14[%swap3A_497, %swap3A_498], %mul3A_496 {strides = array<i32>} : memref<96x128xf32, #tpu.memory_space<vmem>>, vector<16xf32>,
        %slice3A_500 = vector.extract_strided_slice %get3A_426 {offsets = [1], sizes = [1], strides = [1]} : vector<16xf32> to vector<1xf32>
        %squeeze3A_501 = vector.extract %slice3A_500[0] : f32 from vector<1xf32>
        %add3A_502 = arith.constant 1 : i32
        %add3A_503 = arith.addi %mul3A_422, %add3A_502 : i32
        %get3A_504 = arith.index_cast %add3A_503 : i32 to index
        %get3A_505 = arith.constant 0 : index
        %get3A_506 = tpu.vector_load %arg12[%get3A_504, %get3A_505] {strides = array<i32>} : memref<96x64xi32, #tpu.memory_space<vmem>>, vector<16xi32>,
        %shift_left3A_507 = arith.constant 16 : i32
        %shift_left3A_508 = vector.broadcast %shift_left3A_507 : i32 to vector<16xi32>
        %shift_left3A_509 = arith.shli %get3A_506, %shift_left3A_508 : vector<16xi32>
        %bitcast3A_510 = vector.bitcast %shift_left3A_509 : vector<16xi32> to vector<16xf32>
        %bitcast3A_511 = vector.bitcast %get3A_506 : vector<16xi32> to vector<16xf32>
        %mul3A_512 = vector.broadcast %squeeze3A_501 : f32 to vector<16xf32>
        %mul3A_513 = arith.mulf %bitcast3A_510, %mul3A_512 : vector<16xf32>
        %swap3A_514 = arith.index_cast %add3A_503 : i32 to index
        %swap3A_515 = arith.constant 0 : index
        %swap3A_516 = tpu.vector_load %arg14[%swap3A_514, %swap3A_515] {strides = array<i32>} : memref<96x128xf32, #tpu.memory_space<vmem>>, vector<16xf32>,
        tpu.vector_store %arg14[%swap3A_514, %swap3A_515], %mul3A_513 {strides = array<i32>} : memref<96x128xf32, #tpu.memory_space<vmem>>, vector<16xf32>,
        %mul3A_517 = vector.broadcast %squeeze3A_501 : f32 to vector<16xf32>
        %mul3A_518 = arith.mulf %bitcast3A_511, %mul3A_517 : vector<16xf32>
        %swap3A_519 = arith.index_cast %add3A_503 : i32 to index
        %swap3A_520 = arith.constant 16 : index
        %swap3A_521 = tpu.vector_load %arg14[%swap3A_519, %swap3A_520] {strides = array<i32>} : memref<96x128xf32, #tpu.memory_space<vmem>>, vector<16xf32>,
        tpu.vector_store %arg14[%swap3A_519, %swap3A_520], %mul3A_518 {strides = array<i32>} : memref<96x128xf32, #tpu.memory_space<vmem>>, vector<16xf32>,
        %get3A_522 = arith.index_cast %add3A_503 : i32 to index
        %get3A_523 = arith.constant 16 : index
        %get3A_524 = tpu.vector_load %arg12[%get3A_522, %get3A_523] {strides = array<i32>} : memref<96x64xi32, #tpu.memory_space<vmem>>, vector<16xi32>,
        %shift_left3A_525 = arith.constant 16 : i32
        %shift_left3A_526 = vector.broadcast %shift_left3A_525 : i32 to vector<16xi32>
        %shift_left3A_527 = arith.shli %get3A_524, %shift_left3A_526 : vector<16xi32>
        %bitcast3A_528 = vector.bitcast %shift_left3A_527 : vector<16xi32> to vector<16xf32>
        %bitcast3A_529 = vector.bitcast %get3A_524 : vector<16xi32> to vector<16xf32>
        %mul3A_530 = vector.broadcast %squeeze3A_501 : f32 to vector<16xf32>
        %mul3A_531 = arith.mulf %bitcast3A_528, %mul3A_530 : vector<16xf32>
        %swap3A_532 = arith.index_cast %add3A_503 : i32 to index
        %swap3A_533 = arith.constant 32 : index
        %swap3A_534 = tpu.vector_load %arg14[%swap3A_532, %swap3A_533] {strides = array<i32>} : memref<96x128xf32, #tpu.memory_space<vmem>>, vector<16xf32>,
        tpu.vector_store %arg14[%swap3A_532, %swap3A_533], %mul3A_531 {strides = array<i32>} : memref<96x128xf32, #tpu.memory_space<vmem>>, vector<16xf32>,
        %mul3A_535 = vector.broadcast %squeeze3A_501 : f32 to vector<16xf32>
        %mul3A_536 = arith.mulf %bitcast3A_529, %mul3A_535 : vector<16xf32>
        %swap3A_537 = arith.index_cast %add3A_503 : i32 to index
        %swap3A_538 = arith.constant 48 : index
        %swap3A_539 = tpu.vector_load %arg14[%swap3A_537, %swap3A_538] {strides = array<i32>} : memref<96x128xf32, #tpu.memory_space<vmem>>, vector<16xf32>,
        tpu.vector_store %arg14[%swap3A_537, %swap3A_538], %mul3A_536 {strides = array<i32>} : memref<96x128xf32, #tpu.memory_space<vmem>>, vector<16xf32>,
        %get3A_540 = arith.index_cast %add3A_503 : i32 to index
        %get3A_541 = arith.constant 32 : index
        %get3A_542 = tpu.vector_load %arg12[%get3A_540, %get3A_541] {strides = array<i32>} : memref<96x64xi32, #tpu.memory_space<vmem>>, vector<16xi32>,
        %shift_left3A_543 = arith.constant 16 : i32
        %shift_left3A_544 = vector.broadcast %shift_left3A_543 : i32 to vector<16xi32>
        %shift_left3A_545 = arith.shli %get3A_542, %shift_left3A_544 : vector<16xi32>
        %bitcast3A_546 = vector.bitcast %shift_left3A_545 : vector<16xi32> to vector<16xf32>
        %bitcast3A_547 = vector.bitcast %get3A_542 : vector<16xi32> to vector<16xf32>
        %mul3A_548 = vector.broadcast %squeeze3A_501 : f32 to vector<16xf32>
        %mul3A_549 = arith.mulf %bitcast3A_546, %mul3A_548 : vector<16xf32>
        %swap3A_550 = arith.index_cast %add3A_503 : i32 to index
        %swap3A_551 = arith.constant 64 : index
        %swap3A_552 = tpu.vector_load %arg14[%swap3A_550, %swap3A_551] {strides = array<i32>} : memref<96x128xf32, #tpu.memory_space<vmem>>, vector<16xf32>,
        tpu.vector_store %arg14[%swap3A_550, %swap3A_551], %mul3A_549 {strides = array<i32>} : memref<96x128xf32, #tpu.memory_space<vmem>>, vector<16xf32>,
        %mul3A_553 = vector.broadcast %squeeze3A_501 : f32 to vector<16xf32>
        %mul3A_554 = arith.mulf %bitcast3A_547, %mul3A_553 : vector<16xf32>
        %swap3A_555 = arith.index_cast %add3A_503 : i32 to index
        %swap3A_556 = arith.constant 80 : index
        %swap3A_557 = tpu.vector_load %arg14[%swap3A_555, %swap3A_556] {strides = array<i32>} : memref<96x128xf32, #tpu.memory_space<vmem>>, vector<16xf32>,
        tpu.vector_store %arg14[%swap3A_555, %swap3A_556], %mul3A_554 {strides = array<i32>} : memref<96x128xf32, #tpu.memory_space<vmem>>, vector<16xf32>,
        %get3A_558 = arith.index_cast %add3A_503 : i32 to index
        %get3A_559 = arith.constant 48 : index
        %get3A_560 = tpu.vector_load %arg12[%get3A_558, %get3A_559] {strides = array<i32>} : memref<96x64xi32, #tpu.memory_space<vmem>>, vector<16xi32>,
        %shift_left3A_561 = arith.constant 16 : i32
        %shift_left3A_562 = vector.broadcast %shift_left3A_561 : i32 to vector<16xi32>
        %shift_left3A_563 = arith.shli %get3A_560, %shift_left3A_562 : vector<16xi32>
        %bitcast3A_564 = vector.bitcast %shift_left3A_563 : vector<16xi32> to vector<16xf32>
        %bitcast3A_565 = vector.bitcast %get3A_560 : vector<16xi32> to vector<16xf32>
        %mul3A_566 = vector.broadcast %squeeze3A_501 : f32 to vector<16xf32>
        %mul3A_567 = arith.mulf %bitcast3A_564, %mul3A_566 : vector<16xf32>
        %swap3A_568 = arith.index_cast %add3A_503 : i32 to index
        %swap3A_569 = arith.constant 96 : index
        %swap3A_570 = tpu.vector_load %arg14[%swap3A_568, %swap3A_569] {strides = array<i32>} : memref<96x128xf32, #tpu.memory_space<vmem>>, vector<16xf32>,
        tpu.vector_store %arg14[%swap3A_568, %swap3A_569], %mul3A_567 {strides = array<i32>} : memref<96x128xf32, #tpu.memory_space<vmem>>, vector<16xf32>,
        %mul3A_571 = vector.broadcast %squeeze3A_501 : f32 to vector<16xf32>
        %mul3A_572 = arith.mulf %bitcast3A_565, %mul3A_571 : vector<16xf32>
        %swap3A_573 = arith.index_cast %add3A_503 : i32 to index
        %swap3A_574 = arith.constant 112 : index
        %swap3A_575 = tpu.vector_load %arg14[%swap3A_573, %swap3A_574] {strides = array<i32>} : memref<96x128xf32, #tpu.memory_space<vmem>>, vector<16xf32>,
        tpu.vector_store %arg14[%swap3A_573, %swap3A_574], %mul3A_572 {strides = array<i32>} : memref<96x128xf32, #tpu.memory_space<vmem>>, vector<16xf32>,
        %slice3A_576 = vector.extract_strided_slice %get3A_426 {offsets = [2], sizes = [1], strides = [1]} : vector<16xf32> to vector<1xf32>
        %squeeze3A_577 = vector.extract %slice3A_576[0] : f32 from vector<1xf32>
        %add3A_578 = arith.constant 2 : i32
        %add3A_579 = arith.addi %mul3A_422, %add3A_578 : i32
        %get3A_580 = arith.index_cast %add3A_579 : i32 to index
        %get3A_581 = arith.constant 0 : index
        %get3A_582 = tpu.vector_load %arg12[%get3A_580, %get3A_581] {strides = array<i32>} : memref<96x64xi32, #tpu.memory_space<vmem>>, vector<16xi32>,
        %shift_left3A_583 = arith.constant 16 : i32
        %shift_left3A_584 = vector.broadcast %shift_left3A_583 : i32 to vector<16xi32>
        %shift_left3A_585 = arith.shli %get3A_582, %shift_left3A_584 : vector<16xi32>
        %bitcast3A_586 = vector.bitcast %shift_left3A_585 : vector<16xi32> to vector<16xf32>
        %bitcast3A_587 = vector.bitcast %get3A_582 : vector<16xi32> to vector<16xf32>
        %mul3A_588 = vector.broadcast %squeeze3A_577 : f32 to vector<16xf32>
        %mul3A_589 = arith.mulf %bitcast3A_586, %mul3A_588 : vector<16xf32>
        %swap3A_590 = arith.index_cast %add3A_579 : i32 to index
        %swap3A_591 = arith.constant 0 : index
        %swap3A_592 = tpu.vector_load %arg14[%swap3A_590, %swap3A_591] {strides = array<i32>} : memref<96x128xf32, #tpu.memory_space<vmem>>, vector<16xf32>,
        tpu.vector_store %arg14[%swap3A_590, %swap3A_591], %mul3A_589 {strides = array<i32>} : memref<96x128xf32, #tpu.memory_space<vmem>>, vector<16xf32>,
        %mul3A_593 = vector.broadcast %squeeze3A_577 : f32 to vector<16xf32>
        %mul3A_594 = arith.mulf %bitcast3A_587, %mul3A_593 : vector<16xf32>
        %swap3A_595 = arith.index_cast %add3A_579 : i32 to index
        %swap3A_596 = arith.constant 16 : index
        %swap3A_597 = tpu.vector_load %arg14[%swap3A_595, %swap3A_596] {strides = array<i32>} : memref<96x128xf32, #tpu.memory_space<vmem>>, vector<16xf32>,
        tpu.vector_store %arg14[%swap3A_595, %swap3A_596], %mul3A_594 {strides = array<i32>} : memref<96x128xf32, #tpu.memory_space<vmem>>, vector<16xf32>,
        %get3A_598 = arith.index_cast %add3A_579 : i32 to index
        %get3A_599 = arith.constant 16 : index
        %get3A_600 = tpu.vector_load %arg12[%get3A_598, %get3A_599] {strides = array<i32>} : memref<96x64xi32, #tpu.memory_space<vmem>>, vector<16xi32>,
        %shift_left3A_601 = arith.constant 16 : i32
        %shift_left3A_602 = vector.broadcast %shift_left3A_601 : i32 to vector<16xi32>
        %shift_left3A_603 = arith.shli %get3A_600, %shift_left3A_602 : vector<16xi32>
        %bitcast3A_604 = vector.bitcast %shift_left3A_603 : vector<16xi32> to vector<16xf32>
        %bitcast3A_605 = vector.bitcast %get3A_600 : vector<16xi32> to vector<16xf32>
        %mul3A_606 = vector.broadcast %squeeze3A_577 : f32 to vector<16xf32>
        %mul3A_607 = arith.mulf %bitcast3A_604, %mul3A_606 : vector<16xf32>
        %swap3A_608 = arith.index_cast %add3A_579 : i32 to index
        %swap3A_609 = arith.constant 32 : index
        %swap3A_610 = tpu.vector_load %arg14[%swap3A_608, %swap3A_609] {strides = array<i32>} : memref<96x128xf32, #tpu.memory_space<vmem>>, vector<16xf32>,
        tpu.vector_store %arg14[%swap3A_608, %swap3A_609], %mul3A_607 {strides = array<i32>} : memref<96x128xf32, #tpu.memory_space<vmem>>, vector<16xf32>,
        %mul3A_611 = vector.broadcast %squeeze3A_577 : f32 to vector<16xf32>
        %mul3A_612 = arith.mulf %bitcast3A_605, %mul3A_611 : vector<16xf32>
        %swap3A_613 = arith.index_cast %add3A_579 : i32 to index
        %swap3A_614 = arith.constant 48 : index
        %swap3A_615 = tpu.vector_load %arg14[%swap3A_613, %swap3A_614] {strides = array<i32>} : memref<96x128xf32, #tpu.memory_space<vmem>>, vector<16xf32>,
        tpu.vector_store %arg14[%swap3A_613, %swap3A_614], %mul3A_612 {strides = array<i32>} : memref<96x128xf32, #tpu.memory_space<vmem>>, vector<16xf32>,
        %get3A_616 = arith.index_cast %add3A_579 : i32 to index
        %get3A_617 = arith.constant 32 : index
        %get3A_618 = tpu.vector_load %arg12[%get3A_616, %get3A_617] {strides = array<i32>} : memref<96x64xi32, #tpu.memory_space<vmem>>, vector<16xi32>,
        %shift_left3A_619 = arith.constant 16 : i32
        %shift_left3A_620 = vector.broadcast %shift_left3A_619 : i32 to vector<16xi32>
        %shift_left3A_621 = arith.shli %get3A_618, %shift_left3A_620 : vector<16xi32>
        %bitcast3A_622 = vector.bitcast %shift_left3A_621 : vector<16xi32> to vector<16xf32>
        %bitcast3A_623 = vector.bitcast %get3A_618 : vector<16xi32> to vector<16xf32>
        %mul3A_624 = vector.broadcast %squeeze3A_577 : f32 to vector<16xf32>
        %mul3A_625 = arith.mulf %bitcast3A_622, %mul3A_624 : vector<16xf32>
        %swap3A_626 = arith.index_cast %add3A_579 : i32 to index
        %swap3A_627 = arith.constant 64 : index
        %swap3A_628 = tpu.vector_load %arg14[%swap3A_626, %swap3A_627] {strides = array<i32>} : memref<96x128xf32, #tpu.memory_space<vmem>>, vector<16xf32>,
        tpu.vector_store %arg14[%swap3A_626, %swap3A_627], %mul3A_625 {strides = array<i32>} : memref<96x128xf32, #tpu.memory_space<vmem>>, vector<16xf32>,
        %mul3A_629 = vector.broadcast %squeeze3A_577 : f32 to vector<16xf32>
        %mul3A_630 = arith.mulf %bitcast3A_623, %mul3A_629 : vector<16xf32>
        %swap3A_631 = arith.index_cast %add3A_579 : i32 to index
        %swap3A_632 = arith.constant 80 : index
        %swap3A_633 = tpu.vector_load %arg14[%swap3A_631, %swap3A_632] {strides = array<i32>} : memref<96x128xf32, #tpu.memory_space<vmem>>, vector<16xf32>,
        tpu.vector_store %arg14[%swap3A_631, %swap3A_632], %mul3A_630 {strides = array<i32>} : memref<96x128xf32, #tpu.memory_space<vmem>>, vector<16xf32>,
        %get3A_634 = arith.index_cast %add3A_579 : i32 to index
        %get3A_635 = arith.constant 48 : index
        %get3A_636 = tpu.vector_load %arg12[%get3A_634, %get3A_635] {strides = array<i32>} : memref<96x64xi32, #tpu.memory_space<vmem>>, vector<16xi32>,
        %shift_left3A_637 = arith.constant 16 : i32
        %shift_left3A_638 = vector.broadcast %shift_left3A_637 : i32 to vector<16xi32>
        %shift_left3A_639 = arith.shli %get3A_636, %shift_left3A_638 : vector<16xi32>
        %bitcast3A_640 = vector.bitcast %shift_left3A_639 : vector<16xi32> to vector<16xf32>
        %bitcast3A_641 = vector.bitcast %get3A_636 : vector<16xi32> to vector<16xf32>
        %mul3A_642 = vector.broadcast %squeeze3A_577 : f32 to vector<16xf32>
        %mul3A_643 = arith.mulf %bitcast3A_640, %mul3A_642 : vector<16xf32>
        %swap3A_644 = arith.index_cast %add3A_579 : i32 to index
        %swap3A_645 = arith.constant 96 : index
        %swap3A_646 = tpu.vector_load %arg14[%swap3A_644, %swap3A_645] {strides = array<i32>} : memref<96x128xf32, #tpu.memory_space<vmem>>, vector<16xf32>,
        tpu.vector_store %arg14[%swap3A_644, %swap3A_645], %mul3A_643 {strides = array<i32>} : memref<96x128xf32, #tpu.memory_space<vmem>>, vector<16xf32>,
        %mul3A_647 = vector.broadcast %squeeze3A_577 : f32 to vector<16xf32>
        %mul3A_648 = arith.mulf %bitcast3A_641, %mul3A_647 : vector<16xf32>
        %swap3A_649 = arith.index_cast %add3A_579 : i32 to index
        %swap3A_650 = arith.constant 112 : index
        %swap3A_651 = tpu.vector_load %arg14[%swap3A_649, %swap3A_650] {strides = array<i32>} : memref<96x128xf32, #tpu.memory_space<vmem>>, vector<16xf32>,
        tpu.vector_store %arg14[%swap3A_649, %swap3A_650], %mul3A_648 {strides = array<i32>} : memref<96x128xf32, #tpu.memory_space<vmem>>, vector<16xf32>,
        %slice3A_652 = vector.extract_strided_slice %get3A_426 {offsets = [3], sizes = [1], strides = [1]} : vector<16xf32> to vector<1xf32>
        %squeeze3A_653 = vector.extract %slice3A_652[0] : f32 from vector<1xf32>
        %add3A_654 = arith.constant 3 : i32
        %add3A_655 = arith.addi %mul3A_422, %add3A_654 : i32
        %get3A_656 = arith.index_cast %add3A_655 : i32 to index
        %get3A_657 = arith.constant 0 : index
        %get3A_658 = tpu.vector_load %arg12[%get3A_656, %get3A_657] {strides = array<i32>} : memref<96x64xi32, #tpu.memory_space<vmem>>, vector<16xi32>,
        %shift_left3A_659 = arith.constant 16 : i32
        %shift_left3A_660 = vector.broadcast %shift_left3A_659 : i32 to vector<16xi32>
        %shift_left3A_661 = arith.shli %get3A_658, %shift_left3A_660 : vector<16xi32>
        %bitcast3A_662 = vector.bitcast %shift_left3A_661 : vector<16xi32> to vector<16xf32>
        %bitcast3A_663 = vector.bitcast %get3A_658 : vector<16xi32> to vector<16xf32>
        %mul3A_664 = vector.broadcast %squeeze3A_653 : f32 to vector<16xf32>
        %mul3A_665 = arith.mulf %bitcast3A_662, %mul3A_664 : vector<16xf32>
        %swap3A_666 = arith.index_cast %add3A_655 : i32 to index
        %swap3A_667 = arith.constant 0 : index
        %swap3A_668 = tpu.vector_load %arg14[%swap3A_666, %swap3A_667] {strides = array<i32>} : memref<96x128xf32, #tpu.memory_space<vmem>>, vector<16xf32>,
        tpu.vector_store %arg14[%swap3A_666, %swap3A_667], %mul3A_665 {strides = array<i32>} : memref<96x128xf32, #tpu.memory_space<vmem>>, vector<16xf32>,
        %mul3A_669 = vector.broadcast %squeeze3A_653 : f32 to vector<16xf32>
        %mul3A_670 = arith.mulf %bitcast3A_663, %mul3A_669 : vector<16xf32>
        %swap3A_671 = arith.index_cast %add3A_655 : i32 to index
        %swap3A_672 = arith.constant 16 : index
        %swap3A_673 = tpu.vector_load %arg14[%swap3A_671, %swap3A_672] {strides = array<i32>} : memref<96x128xf32, #tpu.memory_space<vmem>>, vector<16xf32>,
        tpu.vector_store %arg14[%swap3A_671, %swap3A_672], %mul3A_670 {strides = array<i32>} : memref<96x128xf32, #tpu.memory_space<vmem>>, vector<16xf32>,
        %get3A_674 = arith.index_cast %add3A_655 : i32 to index
        %get3A_675 = arith.constant 16 : index
        %get3A_676 = tpu.vector_load %arg12[%get3A_674, %get3A_675] {strides = array<i32>} : memref<96x64xi32, #tpu.memory_space<vmem>>, vector<16xi32>,
        %shift_left3A_677 = arith.constant 16 : i32
        %shift_left3A_678 = vector.broadcast %shift_left3A_677 : i32 to vector<16xi32>
        %shift_left3A_679 = arith.shli %get3A_676, %shift_left3A_678 : vector<16xi32>
        %bitcast3A_680 = vector.bitcast %shift_left3A_679 : vector<16xi32> to vector<16xf32>
        %bitcast3A_681 = vector.bitcast %get3A_676 : vector<16xi32> to vector<16xf32>
        %mul3A_682 = vector.broadcast %squeeze3A_653 : f32 to vector<16xf32>
        %mul3A_683 = arith.mulf %bitcast3A_680, %mul3A_682 : vector<16xf32>
        %swap3A_684 = arith.index_cast %add3A_655 : i32 to index
        %swap3A_685 = arith.constant 32 : index
        %swap3A_686 = tpu.vector_load %arg14[%swap3A_684, %swap3A_685] {strides = array<i32>} : memref<96x128xf32, #tpu.memory_space<vmem>>, vector<16xf32>,
        tpu.vector_store %arg14[%swap3A_684, %swap3A_685], %mul3A_683 {strides = array<i32>} : memref<96x128xf32, #tpu.memory_space<vmem>>, vector<16xf32>,
        %mul3A_687 = vector.broadcast %squeeze3A_653 : f32 to vector<16xf32>
        %mul3A_688 = arith.mulf %bitcast3A_681, %mul3A_687 : vector<16xf32>
        %swap3A_689 = arith.index_cast %add3A_655 : i32 to index
        %swap3A_690 = arith.constant 48 : index
        %swap3A_691 = tpu.vector_load %arg14[%swap3A_689, %swap3A_690] {strides = array<i32>} : memref<96x128xf32, #tpu.memory_space<vmem>>, vector<16xf32>,
        tpu.vector_store %arg14[%swap3A_689, %swap3A_690], %mul3A_688 {strides = array<i32>} : memref<96x128xf32, #tpu.memory_space<vmem>>, vector<16xf32>,
        %get3A_692 = arith.index_cast %add3A_655 : i32 to index
        %get3A_693 = arith.constant 32 : index
        %get3A_694 = tpu.vector_load %arg12[%get3A_692, %get3A_693] {strides = array<i32>} : memref<96x64xi32, #tpu.memory_space<vmem>>, vector<16xi32>,
        %shift_left3A_695 = arith.constant 16 : i32
        %shift_left3A_696 = vector.broadcast %shift_left3A_695 : i32 to vector<16xi32>
        %shift_left3A_697 = arith.shli %get3A_694, %shift_left3A_696 : vector<16xi32>
        %bitcast3A_698 = vector.bitcast %shift_left3A_697 : vector<16xi32> to vector<16xf32>
        %bitcast3A_699 = vector.bitcast %get3A_694 : vector<16xi32> to vector<16xf32>
        %mul3A_700 = vector.broadcast %squeeze3A_653 : f32 to vector<16xf32>
        %mul3A_701 = arith.mulf %bitcast3A_698, %mul3A_700 : vector<16xf32>
        %swap3A_702 = arith.index_cast %add3A_655 : i32 to index
        %swap3A_703 = arith.constant 64 : index
        %swap3A_704 = tpu.vector_load %arg14[%swap3A_702, %swap3A_703] {strides = array<i32>} : memref<96x128xf32, #tpu.memory_space<vmem>>, vector<16xf32>,
        tpu.vector_store %arg14[%swap3A_702, %swap3A_703], %mul3A_701 {strides = array<i32>} : memref<96x128xf32, #tpu.memory_space<vmem>>, vector<16xf32>,
        %mul3A_705 = vector.broadcast %squeeze3A_653 : f32 to vector<16xf32>
        %mul3A_706 = arith.mulf %bitcast3A_699, %mul3A_705 : vector<16xf32>
        %swap3A_707 = arith.index_cast %add3A_655 : i32 to index
        %swap3A_708 = arith.constant 80 : index
        %swap3A_709 = tpu.vector_load %arg14[%swap3A_707, %swap3A_708] {strides = array<i32>} : memref<96x128xf32, #tpu.memory_space<vmem>>, vector<16xf32>,
        tpu.vector_store %arg14[%swap3A_707, %swap3A_708], %mul3A_706 {strides = array<i32>} : memref<96x128xf32, #tpu.memory_space<vmem>>, vector<16xf32>,
        %get3A_710 = arith.index_cast %add3A_655 : i32 to index
        %get3A_711 = arith.constant 48 : index
        %get3A_712 = tpu.vector_load %arg12[%get3A_710, %get3A_711] {strides = array<i32>} : memref<96x64xi32, #tpu.memory_space<vmem>>, vector<16xi32>,
        %shift_left3A_713 = arith.constant 16 : i32
        %shift_left3A_714 = vector.broadcast %shift_left3A_713 : i32 to vector<16xi32>
        %shift_left3A_715 = arith.shli %get3A_712, %shift_left3A_714 : vector<16xi32>
        %bitcast3A_716 = vector.bitcast %shift_left3A_715 : vector<16xi32> to vector<16xf32>
        %bitcast3A_717 = vector.bitcast %get3A_712 : vector<16xi32> to vector<16xf32>
        %mul3A_718 = vector.broadcast %squeeze3A_653 : f32 to vector<16xf32>
        %mul3A_719 = arith.mulf %bitcast3A_716, %mul3A_718 : vector<16xf32>
        %swap3A_720 = arith.index_cast %add3A_655 : i32 to index
        %swap3A_721 = arith.constant 96 : index
        %swap3A_722 = tpu.vector_load %arg14[%swap3A_720, %swap3A_721] {strides = array<i32>} : memref<96x128xf32, #tpu.memory_space<vmem>>, vector<16xf32>,
        tpu.vector_store %arg14[%swap3A_720, %swap3A_721], %mul3A_719 {strides = array<i32>} : memref<96x128xf32, #tpu.memory_space<vmem>>, vector<16xf32>,
        %mul3A_723 = vector.broadcast %squeeze3A_653 : f32 to vector<16xf32>
        %mul3A_724 = arith.mulf %bitcast3A_717, %mul3A_723 : vector<16xf32>
        %swap3A_725 = arith.index_cast %add3A_655 : i32 to index
        %swap3A_726 = arith.constant 112 : index
        %swap3A_727 = tpu.vector_load %arg14[%swap3A_725, %swap3A_726] {strides = array<i32>} : memref<96x128xf32, #tpu.memory_space<vmem>>, vector<16xf32>,
        tpu.vector_store %arg14[%swap3A_725, %swap3A_726], %mul3A_724 {strides = array<i32>} : memref<96x128xf32, #tpu.memory_space<vmem>>, vector<16xf32>,
        %slice3A_728 = vector.extract_strided_slice %get3A_426 {offsets = [4], sizes = [1], strides = [1]} : vector<16xf32> to vector<1xf32>
        %squeeze3A_729 = vector.extract %slice3A_728[0] : f32 from vector<1xf32>
        %add3A_730 = arith.constant 4 : i32
        %add3A_731 = arith.addi %mul3A_422, %add3A_730 : i32
        %get3A_732 = arith.index_cast %add3A_731 : i32 to index
        %get3A_733 = arith.constant 0 : index
        %get3A_734 = tpu.vector_load %arg12[%get3A_732, %get3A_733] {strides = array<i32>} : memref<96x64xi32, #tpu.memory_space<vmem>>, vector<16xi32>,
        %shift_left3A_735 = arith.constant 16 : i32
        %shift_left3A_736 = vector.broadcast %shift_left3A_735 : i32 to vector<16xi32>
        %shift_left3A_737 = arith.shli %get3A_734, %shift_left3A_736 : vector<16xi32>
        %bitcast3A_738 = vector.bitcast %shift_left3A_737 : vector<16xi32> to vector<16xf32>
        %bitcast3A_739 = vector.bitcast %get3A_734 : vector<16xi32> to vector<16xf32>
        %mul3A_740 = vector.broadcast %squeeze3A_729 : f32 to vector<16xf32>
        %mul3A_741 = arith.mulf %bitcast3A_738, %mul3A_740 : vector<16xf32>
        %swap3A_742 = arith.index_cast %add3A_731 : i32 to index
        %swap3A_743 = arith.constant 0 : index
        %swap3A_744 = tpu.vector_load %arg14[%swap3A_742, %swap3A_743] {strides = array<i32>} : memref<96x128xf32, #tpu.memory_space<vmem>>, vector<16xf32>,
        tpu.vector_store %arg14[%swap3A_742, %swap3A_743], %mul3A_741 {strides = array<i32>} : memref<96x128xf32, #tpu.memory_space<vmem>>, vector<16xf32>,
        %mul3A_745 = vector.broadcast %squeeze3A_729 : f32 to vector<16xf32>
        %mul3A_746 = arith.mulf %bitcast3A_739, %mul3A_745 : vector<16xf32>
        %swap3A_747 = arith.index_cast %add3A_731 : i32 to index
        %swap3A_748 = arith.constant 16 : index
        %swap3A_749 = tpu.vector_load %arg14[%swap3A_747, %swap3A_748] {strides = array<i32>} : memref<96x128xf32, #tpu.memory_space<vmem>>, vector<16xf32>,
        tpu.vector_store %arg14[%swap3A_747, %swap3A_748], %mul3A_746 {strides = array<i32>} : memref<96x128xf32, #tpu.memory_space<vmem>>, vector<16xf32>,
        %get3A_750 = arith.index_cast %add3A_731 : i32 to index
        %get3A_751 = arith.constant 16 : index
        %get3A_752 = tpu.vector_load %arg12[%get3A_750, %get3A_751] {strides = array<i32>} : memref<96x64xi32, #tpu.memory_space<vmem>>, vector<16xi32>,
        %shift_left3A_753 = arith.constant 16 : i32
        %shift_left3A_754 = vector.broadcast %shift_left3A_753 : i32 to vector<16xi32>
        %shift_left3A_755 = arith.shli %get3A_752, %shift_left3A_754 : vector<16xi32>
        %bitcast3A_756 = vector.bitcast %shift_left3A_755 : vector<16xi32> to vector<16xf32>
        %bitcast3A_757 = vector.bitcast %get3A_752 : vector<16xi32> to vector<16xf32>
        %mul3A_758 = vector.broadcast %squeeze3A_729 : f32 to vector<16xf32>
        %mul3A_759 = arith.mulf %bitcast3A_756, %mul3A_758 : vector<16xf32>
        %swap3A_760 = arith.index_cast %add3A_731 : i32 to index
        %swap3A_761 = arith.constant 32 : index
        %swap3A_762 = tpu.vector_load %arg14[%swap3A_760, %swap3A_761] {strides = array<i32>} : memref<96x128xf32, #tpu.memory_space<vmem>>, vector<16xf32>,
        tpu.vector_store %arg14[%swap3A_760, %swap3A_761], %mul3A_759 {strides = array<i32>} : memref<96x128xf32, #tpu.memory_space<vmem>>, vector<16xf32>,
        %mul3A_763 = vector.broadcast %squeeze3A_729 : f32 to vector<16xf32>
        %mul3A_764 = arith.mulf %bitcast3A_757, %mul3A_763 : vector<16xf32>
        %swap3A_765 = arith.index_cast %add3A_731 : i32 to index
        %swap3A_766 = arith.constant 48 : index
        %swap3A_767 = tpu.vector_load %arg14[%swap3A_765, %swap3A_766] {strides = array<i32>} : memref<96x128xf32, #tpu.memory_space<vmem>>, vector<16xf32>,
        tpu.vector_store %arg14[%swap3A_765, %swap3A_766], %mul3A_764 {strides = array<i32>} : memref<96x128xf32, #tpu.memory_space<vmem>>, vector<16xf32>,
        %get3A_768 = arith.index_cast %add3A_731 : i32 to index
        %get3A_769 = arith.constant 32 : index
        %get3A_770 = tpu.vector_load %arg12[%get3A_768, %get3A_769] {strides = array<i32>} : memref<96x64xi32, #tpu.memory_space<vmem>>, vector<16xi32>,
        %shift_left3A_771 = arith.constant 16 : i32
        %shift_left3A_772 = vector.broadcast %shift_left3A_771 : i32 to vector<16xi32>
        %shift_left3A_773 = arith.shli %get3A_770, %shift_left3A_772 : vector<16xi32>
        %bitcast3A_774 = vector.bitcast %shift_left3A_773 : vector<16xi32> to vector<16xf32>
        %bitcast3A_775 = vector.bitcast %get3A_770 : vector<16xi32> to vector<16xf32>
        %mul3A_776 = vector.broadcast %squeeze3A_729 : f32 to vector<16xf32>
        %mul3A_777 = arith.mulf %bitcast3A_774, %mul3A_776 : vector<16xf32>
        %swap3A_778 = arith.index_cast %add3A_731 : i32 to index
        %swap3A_779 = arith.constant 64 : index
        %swap3A_780 = tpu.vector_load %arg14[%swap3A_778, %swap3A_779] {strides = array<i32>} : memref<96x128xf32, #tpu.memory_space<vmem>>, vector<16xf32>,
        tpu.vector_store %arg14[%swap3A_778, %swap3A_779], %mul3A_777 {strides = array<i32>} : memref<96x128xf32, #tpu.memory_space<vmem>>, vector<16xf32>,
        %mul3A_781 = vector.broadcast %squeeze3A_729 : f32 to vector<16xf32>
        %mul3A_782 = arith.mulf %bitcast3A_775, %mul3A_781 : vector<16xf32>
        %swap3A_783 = arith.index_cast %add3A_731 : i32 to index
        %swap3A_784 = arith.constant 80 : index
        %swap3A_785 = tpu.vector_load %arg14[%swap3A_783, %swap3A_784] {strides = array<i32>} : memref<96x128xf32, #tpu.memory_space<vmem>>, vector<16xf32>,
        tpu.vector_store %arg14[%swap3A_783, %swap3A_784], %mul3A_782 {strides = array<i32>} : memref<96x128xf32, #tpu.memory_space<vmem>>, vector<16xf32>,
        %get3A_786 = arith.index_cast %add3A_731 : i32 to index
        %get3A_787 = arith.constant 48 : index
        %get3A_788 = tpu.vector_load %arg12[%get3A_786, %get3A_787] {strides = array<i32>} : memref<96x64xi32, #tpu.memory_space<vmem>>, vector<16xi32>,
        %shift_left3A_789 = arith.constant 16 : i32
        %shift_left3A_790 = vector.broadcast %shift_left3A_789 : i32 to vector<16xi32>
        %shift_left3A_791 = arith.shli %get3A_788, %shift_left3A_790 : vector<16xi32>
        %bitcast3A_792 = vector.bitcast %shift_left3A_791 : vector<16xi32> to vector<16xf32>
        %bitcast3A_793 = vector.bitcast %get3A_788 : vector<16xi32> to vector<16xf32>
        %mul3A_794 = vector.broadcast %squeeze3A_729 : f32 to vector<16xf32>
        %mul3A_795 = arith.mulf %bitcast3A_792, %mul3A_794 : vector<16xf32>
        %swap3A_796 = arith.index_cast %add3A_731 : i32 to index
        %swap3A_797 = arith.constant 96 : index
        %swap3A_798 = tpu.vector_load %arg14[%swap3A_796, %swap3A_797] {strides = array<i32>} : memref<96x128xf32, #tpu.memory_space<vmem>>, vector<16xf32>,
        tpu.vector_store %arg14[%swap3A_796, %swap3A_797], %mul3A_795 {strides = array<i32>} : memref<96x128xf32, #tpu.memory_space<vmem>>, vector<16xf32>,
        %mul3A_799 = vector.broadcast %squeeze3A_729 : f32 to vector<16xf32>
        %mul3A_800 = arith.mulf %bitcast3A_793, %mul3A_799 : vector<16xf32>
        %swap3A_801 = arith.index_cast %add3A_731 : i32 to index
        %swap3A_802 = arith.constant 112 : index
        %swap3A_803 = tpu.vector_load %arg14[%swap3A_801, %swap3A_802] {strides = array<i32>} : memref<96x128xf32, #tpu.memory_space<vmem>>, vector<16xf32>,
        tpu.vector_store %arg14[%swap3A_801, %swap3A_802], %mul3A_800 {strides = array<i32>} : memref<96x128xf32, #tpu.memory_space<vmem>>, vector<16xf32>,
        %slice3A_804 = vector.extract_strided_slice %get3A_426 {offsets = [5], sizes = [1], strides = [1]} : vector<16xf32> to vector<1xf32>
        %squeeze3A_805 = vector.extract %slice3A_804[0] : f32 from vector<1xf32>
        %add3A_806 = arith.constant 5 : i32
        %add3A_807 = arith.addi %mul3A_422, %add3A_806 : i32
        %get3A_808 = arith.index_cast %add3A_807 : i32 to index
        %get3A_809 = arith.constant 0 : index
        %get3A_810 = tpu.vector_load %arg12[%get3A_808, %get3A_809] {strides = array<i32>} : memref<96x64xi32, #tpu.memory_space<vmem>>, vector<16xi32>,
        %shift_left3A_811 = arith.constant 16 : i32
        %shift_left3A_812 = vector.broadcast %shift_left3A_811 : i32 to vector<16xi32>
        %shift_left3A_813 = arith.shli %get3A_810, %shift_left3A_812 : vector<16xi32>
        %bitcast3A_814 = vector.bitcast %shift_left3A_813 : vector<16xi32> to vector<16xf32>
        %bitcast3A_815 = vector.bitcast %get3A_810 : vector<16xi32> to vector<16xf32>
        %mul3A_816 = vector.broadcast %squeeze3A_805 : f32 to vector<16xf32>
        %mul3A_817 = arith.mulf %bitcast3A_814, %mul3A_816 : vector<16xf32>
        %swap3A_818 = arith.index_cast %add3A_807 : i32 to index
        %swap3A_819 = arith.constant 0 : index
        %swap3A_820 = tpu.vector_load %arg14[%swap3A_818, %swap3A_819] {strides = array<i32>} : memref<96x128xf32, #tpu.memory_space<vmem>>, vector<16xf32>,
        tpu.vector_store %arg14[%swap3A_818, %swap3A_819], %mul3A_817 {strides = array<i32>} : memref<96x128xf32, #tpu.memory_space<vmem>>, vector<16xf32>,
        %mul3A_821 = vector.broadcast %squeeze3A_805 : f32 to vector<16xf32>
        %mul3A_822 = arith.mulf %bitcast3A_815, %mul3A_821 : vector<16xf32>
        %swap3A_823 = arith.index_cast %add3A_807 : i32 to index
        %swap3A_824 = arith.constant 16 : index
        %swap3A_825 = tpu.vector_load %arg14[%swap3A_823, %swap3A_824] {strides = array<i32>} : memref<96x128xf32, #tpu.memory_space<vmem>>, vector<16xf32>,
        tpu.vector_store %arg14[%swap3A_823, %swap3A_824], %mul3A_822 {strides = array<i32>} : memref<96x128xf32, #tpu.memory_space<vmem>>, vector<16xf32>,
        %get3A_826 = arith.index_cast %add3A_807 : i32 to index
        %get3A_827 = arith.constant 16 : index
        %get3A_828 = tpu.vector_load %arg12[%get3A_826, %get3A_827] {strides = array<i32>} : memref<96x64xi32, #tpu.memory_space<vmem>>, vector<16xi32>,
        %shift_left3A_829 = arith.constant 16 : i32
        %shift_left3A_830 = vector.broadcast %shift_left3A_829 : i32 to vector<16xi32>
        %shift_left3A_831 = arith.shli %get3A_828, %shift_left3A_830 : vector<16xi32>
        %bitcast3A_832 = vector.bitcast %shift_left3A_831 : vector<16xi32> to vector<16xf32>
        %bitcast3A_833 = vector.bitcast %get3A_828 : vector<16xi32> to vector<16xf32>
        %mul3A_834 = vector.broadcast %squeeze3A_805 : f32 to vector<16xf32>
        %mul3A_835 = arith.mulf %bitcast3A_832, %mul3A_834 : vector<16xf32>
        %swap3A_836 = arith.index_cast %add3A_807 : i32 to index
        %swap3A_837 = arith.constant 32 : index
        %swap3A_838 = tpu.vector_load %arg14[%swap3A_836, %swap3A_837] {strides = array<i32>} : memref<96x128xf32, #tpu.memory_space<vmem>>, vector<16xf32>,
        tpu.vector_store %arg14[%swap3A_836, %swap3A_837], %mul3A_835 {strides = array<i32>} : memref<96x128xf32, #tpu.memory_space<vmem>>, vector<16xf32>,
        %mul3A_839 = vector.broadcast %squeeze3A_805 : f32 to vector<16xf32>
        %mul3A_840 = arith.mulf %bitcast3A_833, %mul3A_839 : vector<16xf32>
        %swap3A_841 = arith.index_cast %add3A_807 : i32 to index
        %swap3A_842 = arith.constant 48 : index
        %swap3A_843 = tpu.vector_load %arg14[%swap3A_841, %swap3A_842] {strides = array<i32>} : memref<96x128xf32, #tpu.memory_space<vmem>>, vector<16xf32>,
        tpu.vector_store %arg14[%swap3A_841, %swap3A_842], %mul3A_840 {strides = array<i32>} : memref<96x128xf32, #tpu.memory_space<vmem>>, vector<16xf32>,
        %get3A_844 = arith.index_cast %add3A_807 : i32 to index
        %get3A_845 = arith.constant 32 : index
        %get3A_846 = tpu.vector_load %arg12[%get3A_844, %get3A_845] {strides = array<i32>} : memref<96x64xi32, #tpu.memory_space<vmem>>, vector<16xi32>,
        %shift_left3A_847 = arith.constant 16 : i32
        %shift_left3A_848 = vector.broadcast %shift_left3A_847 : i32 to vector<16xi32>
        %shift_left3A_849 = arith.shli %get3A_846, %shift_left3A_848 : vector<16xi32>
        %bitcast3A_850 = vector.bitcast %shift_left3A_849 : vector<16xi32> to vector<16xf32>
        %bitcast3A_851 = vector.bitcast %get3A_846 : vector<16xi32> to vector<16xf32>
        %mul3A_852 = vector.broadcast %squeeze3A_805 : f32 to vector<16xf32>
        %mul3A_853 = arith.mulf %bitcast3A_850, %mul3A_852 : vector<16xf32>
        %swap3A_854 = arith.index_cast %add3A_807 : i32 to index
        %swap3A_855 = arith.constant 64 : index
        %swap3A_856 = tpu.vector_load %arg14[%swap3A_854, %swap3A_855] {strides = array<i32>} : memref<96x128xf32, #tpu.memory_space<vmem>>, vector<16xf32>,
        tpu.vector_store %arg14[%swap3A_854, %swap3A_855], %mul3A_853 {strides = array<i32>} : memref<96x128xf32, #tpu.memory_space<vmem>>, vector<16xf32>,
        %mul3A_857 = vector.broadcast %squeeze3A_805 : f32 to vector<16xf32>
        %mul3A_858 = arith.mulf %bitcast3A_851, %mul3A_857 : vector<16xf32>
        %swap3A_859 = arith.index_cast %add3A_807 : i32 to index
        %swap3A_860 = arith.constant 80 : index
        %swap3A_861 = tpu.vector_load %arg14[%swap3A_859, %swap3A_860] {strides = array<i32>} : memref<96x128xf32, #tpu.memory_space<vmem>>, vector<16xf32>,
        tpu.vector_store %arg14[%swap3A_859, %swap3A_860], %mul3A_858 {strides = array<i32>} : memref<96x128xf32, #tpu.memory_space<vmem>>, vector<16xf32>,
        %get3A_862 = arith.index_cast %add3A_807 : i32 to index
        %get3A_863 = arith.constant 48 : index
        %get3A_864 = tpu.vector_load %arg12[%get3A_862, %get3A_863] {strides = array<i32>} : memref<96x64xi32, #tpu.memory_space<vmem>>, vector<16xi32>,
        %shift_left3A_865 = arith.constant 16 : i32
        %shift_left3A_866 = vector.broadcast %shift_left3A_865 : i32 to vector<16xi32>
        %shift_left3A_867 = arith.shli %get3A_864, %shift_left3A_866 : vector<16xi32>
        %bitcast3A_868 = vector.bitcast %shift_left3A_867 : vector<16xi32> to vector<16xf32>
        %bitcast3A_869 = vector.bitcast %get3A_864 : vector<16xi32> to vector<16xf32>
        %mul3A_870 = vector.broadcast %squeeze3A_805 : f32 to vector<16xf32>
        %mul3A_871 = arith.mulf %bitcast3A_868, %mul3A_870 : vector<16xf32>
        %swap3A_872 = arith.index_cast %add3A_807 : i32 to index
        %swap3A_873 = arith.constant 96 : index
        %swap3A_874 = tpu.vector_load %arg14[%swap3A_872, %swap3A_873] {strides = array<i32>} : memref<96x128xf32, #tpu.memory_space<vmem>>, vector<16xf32>,
        tpu.vector_store %arg14[%swap3A_872, %swap3A_873], %mul3A_871 {strides = array<i32>} : memref<96x128xf32, #tpu.memory_space<vmem>>, vector<16xf32>,
        %mul3A_875 = vector.broadcast %squeeze3A_805 : f32 to vector<16xf32>
        %mul3A_876 = arith.mulf %bitcast3A_869, %mul3A_875 : vector<16xf32>
        %swap3A_877 = arith.index_cast %add3A_807 : i32 to index
        %swap3A_878 = arith.constant 112 : index
        %swap3A_879 = tpu.vector_load %arg14[%swap3A_877, %swap3A_878] {strides = array<i32>} : memref<96x128xf32, #tpu.memory_space<vmem>>, vector<16xf32>,
        tpu.vector_store %arg14[%swap3A_877, %swap3A_878], %mul3A_876 {strides = array<i32>} : memref<96x128xf32, #tpu.memory_space<vmem>>, vector<16xf32>,
        %slice3A_880 = vector.extract_strided_slice %get3A_426 {offsets = [6], sizes = [1], strides = [1]} : vector<16xf32> to vector<1xf32>
        %squeeze3A_881 = vector.extract %slice3A_880[0] : f32 from vector<1xf32>
        %add3A_882 = arith.constant 6 : i32
        %add3A_883 = arith.addi %mul3A_422, %add3A_882 : i32
        %get3A_884 = arith.index_cast %add3A_883 : i32 to index
        %get3A_885 = arith.constant 0 : index
        %get3A_886 = tpu.vector_load %arg12[%get3A_884, %get3A_885] {strides = array<i32>} : memref<96x64xi32, #tpu.memory_space<vmem>>, vector<16xi32>,
        %shift_left3A_887 = arith.constant 16 : i32
        %shift_left3A_888 = vector.broadcast %shift_left3A_887 : i32 to vector<16xi32>
        %shift_left3A_889 = arith.shli %get3A_886, %shift_left3A_888 : vector<16xi32>
        %bitcast3A_890 = vector.bitcast %shift_left3A_889 : vector<16xi32> to vector<16xf32>
        %bitcast3A_891 = vector.bitcast %get3A_886 : vector<16xi32> to vector<16xf32>
        %mul3A_892 = vector.broadcast %squeeze3A_881 : f32 to vector<16xf32>
        %mul3A_893 = arith.mulf %bitcast3A_890, %mul3A_892 : vector<16xf32>
        %swap3A_894 = arith.index_cast %add3A_883 : i32 to index
        %swap3A_895 = arith.constant 0 : index
        %swap3A_896 = tpu.vector_load %arg14[%swap3A_894, %swap3A_895] {strides = array<i32>} : memref<96x128xf32, #tpu.memory_space<vmem>>, vector<16xf32>,
        tpu.vector_store %arg14[%swap3A_894, %swap3A_895], %mul3A_893 {strides = array<i32>} : memref<96x128xf32, #tpu.memory_space<vmem>>, vector<16xf32>,
        %mul3A_897 = vector.broadcast %squeeze3A_881 : f32 to vector<16xf32>
        %mul3A_898 = arith.mulf %bitcast3A_891, %mul3A_897 : vector<16xf32>
        %swap3A_899 = arith.index_cast %add3A_883 : i32 to index
        %swap3A_900 = arith.constant 16 : index
        %swap3A_901 = tpu.vector_load %arg14[%swap3A_899, %swap3A_900] {strides = array<i32>} : memref<96x128xf32, #tpu.memory_space<vmem>>, vector<16xf32>,
        tpu.vector_store %arg14[%swap3A_899, %swap3A_900], %mul3A_898 {strides = array<i32>} : memref<96x128xf32, #tpu.memory_space<vmem>>, vector<16xf32>,
        %get3A_902 = arith.index_cast %add3A_883 : i32 to index
        %get3A_903 = arith.constant 16 : index
        %get3A_904 = tpu.vector_load %arg12[%get3A_902, %get3A_903] {strides = array<i32>} : memref<96x64xi32, #tpu.memory_space<vmem>>, vector<16xi32>,
        %shift_left3A_905 = arith.constant 16 : i32
        %shift_left3A_906 = vector.broadcast %shift_left3A_905 : i32 to vector<16xi32>
        %shift_left3A_907 = arith.shli %get3A_904, %shift_left3A_906 : vector<16xi32>
        %bitcast3A_908 = vector.bitcast %shift_left3A_907 : vector<16xi32> to vector<16xf32>
        %bitcast3A_909 = vector.bitcast %get3A_904 : vector<16xi32> to vector<16xf32>
        %mul3A_910 = vector.broadcast %squeeze3A_881 : f32 to vector<16xf32>
        %mul3A_911 = arith.mulf %bitcast3A_908, %mul3A_910 : vector<16xf32>
        %swap3A_912 = arith.index_cast %add3A_883 : i32 to index
        %swap3A_913 = arith.constant 32 : index
        %swap3A_914 = tpu.vector_load %arg14[%swap3A_912, %swap3A_913] {strides = array<i32>} : memref<96x128xf32, #tpu.memory_space<vmem>>, vector<16xf32>,
        tpu.vector_store %arg14[%swap3A_912, %swap3A_913], %mul3A_911 {strides = array<i32>} : memref<96x128xf32, #tpu.memory_space<vmem>>, vector<16xf32>,
        %mul3A_915 = vector.broadcast %squeeze3A_881 : f32 to vector<16xf32>
        %mul3A_916 = arith.mulf %bitcast3A_909, %mul3A_915 : vector<16xf32>
        %swap3A_917 = arith.index_cast %add3A_883 : i32 to index
        %swap3A_918 = arith.constant 48 : index
        %swap3A_919 = tpu.vector_load %arg14[%swap3A_917, %swap3A_918] {strides = array<i32>} : memref<96x128xf32, #tpu.memory_space<vmem>>, vector<16xf32>,
        tpu.vector_store %arg14[%swap3A_917, %swap3A_918], %mul3A_916 {strides = array<i32>} : memref<96x128xf32, #tpu.memory_space<vmem>>, vector<16xf32>,
        %get3A_920 = arith.index_cast %add3A_883 : i32 to index
        %get3A_921 = arith.constant 32 : index
        %get3A_922 = tpu.vector_load %arg12[%get3A_920, %get3A_921] {strides = array<i32>} : memref<96x64xi32, #tpu.memory_space<vmem>>, vector<16xi32>,
        %shift_left3A_923 = arith.constant 16 : i32
        %shift_left3A_924 = vector.broadcast %shift_left3A_923 : i32 to vector<16xi32>
        %shift_left3A_925 = arith.shli %get3A_922, %shift_left3A_924 : vector<16xi32>
        %bitcast3A_926 = vector.bitcast %shift_left3A_925 : vector<16xi32> to vector<16xf32>
        %bitcast3A_927 = vector.bitcast %get3A_922 : vector<16xi32> to vector<16xf32>
        %mul3A_928 = vector.broadcast %squeeze3A_881 : f32 to vector<16xf32>
        %mul3A_929 = arith.mulf %bitcast3A_926, %mul3A_928 : vector<16xf32>
        %swap3A_930 = arith.index_cast %add3A_883 : i32 to index
        %swap3A_931 = arith.constant 64 : index
        %swap3A_932 = tpu.vector_load %arg14[%swap3A_930, %swap3A_931] {strides = array<i32>} : memref<96x128xf32, #tpu.memory_space<vmem>>, vector<16xf32>,
        tpu.vector_store %arg14[%swap3A_930, %swap3A_931], %mul3A_929 {strides = array<i32>} : memref<96x128xf32, #tpu.memory_space<vmem>>, vector<16xf32>,
        %mul3A_933 = vector.broadcast %squeeze3A_881 : f32 to vector<16xf32>
        %mul3A_934 = arith.mulf %bitcast3A_927, %mul3A_933 : vector<16xf32>
        %swap3A_935 = arith.index_cast %add3A_883 : i32 to index
        %swap3A_936 = arith.constant 80 : index
        %swap3A_937 = tpu.vector_load %arg14[%swap3A_935, %swap3A_936] {strides = array<i32>} : memref<96x128xf32, #tpu.memory_space<vmem>>, vector<16xf32>,
        tpu.vector_store %arg14[%swap3A_935, %swap3A_936], %mul3A_934 {strides = array<i32>} : memref<96x128xf32, #tpu.memory_space<vmem>>, vector<16xf32>,
        %get3A_938 = arith.index_cast %add3A_883 : i32 to index
        %get3A_939 = arith.constant 48 : index
        %get3A_940 = tpu.vector_load %arg12[%get3A_938, %get3A_939] {strides = array<i32>} : memref<96x64xi32, #tpu.memory_space<vmem>>, vector<16xi32>,
        %shift_left3A_941 = arith.constant 16 : i32
        %shift_left3A_942 = vector.broadcast %shift_left3A_941 : i32 to vector<16xi32>
        %shift_left3A_943 = arith.shli %get3A_940, %shift_left3A_942 : vector<16xi32>
        %bitcast3A_944 = vector.bitcast %shift_left3A_943 : vector<16xi32> to vector<16xf32>
        %bitcast3A_945 = vector.bitcast %get3A_940 : vector<16xi32> to vector<16xf32>
        %mul3A_946 = vector.broadcast %squeeze3A_881 : f32 to vector<16xf32>
        %mul3A_947 = arith.mulf %bitcast3A_944, %mul3A_946 : vector<16xf32>
        %swap3A_948 = arith.index_cast %add3A_883 : i32 to index
        %swap3A_949 = arith.constant 96 : index
        %swap3A_950 = tpu.vector_load %arg14[%swap3A_948, %swap3A_949] {strides = array<i32>} : memref<96x128xf32, #tpu.memory_space<vmem>>, vector<16xf32>,
        tpu.vector_store %arg14[%swap3A_948, %swap3A_949], %mul3A_947 {strides = array<i32>} : memref<96x128xf32, #tpu.memory_space<vmem>>, vector<16xf32>,
        %mul3A_951 = vector.broadcast %squeeze3A_881 : f32 to vector<16xf32>
        %mul3A_952 = arith.mulf %bitcast3A_945, %mul3A_951 : vector<16xf32>
        %swap3A_953 = arith.index_cast %add3A_883 : i32 to index
        %swap3A_954 = arith.constant 112 : index
        %swap3A_955 = tpu.vector_load %arg14[%swap3A_953, %swap3A_954] {strides = array<i32>} : memref<96x128xf32, #tpu.memory_space<vmem>>, vector<16xf32>,
        tpu.vector_store %arg14[%swap3A_953, %swap3A_954], %mul3A_952 {strides = array<i32>} : memref<96x128xf32, #tpu.memory_space<vmem>>, vector<16xf32>,
        %slice3A_956 = vector.extract_strided_slice %get3A_426 {offsets = [7], sizes = [1], strides = [1]} : vector<16xf32> to vector<1xf32>
        %squeeze3A_957 = vector.extract %slice3A_956[0] : f32 from vector<1xf32>
        %add3A_958 = arith.constant 7 : i32
        %add3A_959 = arith.addi %mul3A_422, %add3A_958 : i32
        %get3A_960 = arith.index_cast %add3A_959 : i32 to index
        %get3A_961 = arith.constant 0 : index
        %get3A_962 = tpu.vector_load %arg12[%get3A_960, %get3A_961] {strides = array<i32>} : memref<96x64xi32, #tpu.memory_space<vmem>>, vector<16xi32>,
        %shift_left3A_963 = arith.constant 16 : i32
        %shift_left3A_964 = vector.broadcast %shift_left3A_963 : i32 to vector<16xi32>
        %shift_left3A_965 = arith.shli %get3A_962, %shift_left3A_964 : vector<16xi32>
        %bitcast3A_966 = vector.bitcast %shift_left3A_965 : vector<16xi32> to vector<16xf32>
        %bitcast3A_967 = vector.bitcast %get3A_962 : vector<16xi32> to vector<16xf32>
        %mul3A_968 = vector.broadcast %squeeze3A_957 : f32 to vector<16xf32>
        %mul3A_969 = arith.mulf %bitcast3A_966, %mul3A_968 : vector<16xf32>
        %swap3A_970 = arith.index_cast %add3A_959 : i32 to index
        %swap3A_971 = arith.constant 0 : index
        %swap3A_972 = tpu.vector_load %arg14[%swap3A_970, %swap3A_971] {strides = array<i32>} : memref<96x128xf32, #tpu.memory_space<vmem>>, vector<16xf32>,
        tpu.vector_store %arg14[%swap3A_970, %swap3A_971], %mul3A_969 {strides = array<i32>} : memref<96x128xf32, #tpu.memory_space<vmem>>, vector<16xf32>,
        %mul3A_973 = vector.broadcast %squeeze3A_957 : f32 to vector<16xf32>
        %mul3A_974 = arith.mulf %bitcast3A_967, %mul3A_973 : vector<16xf32>
        %swap3A_975 = arith.index_cast %add3A_959 : i32 to index
        %swap3A_976 = arith.constant 16 : index
        %swap3A_977 = tpu.vector_load %arg14[%swap3A_975, %swap3A_976] {strides = array<i32>} : memref<96x128xf32, #tpu.memory_space<vmem>>, vector<16xf32>,
        tpu.vector_store %arg14[%swap3A_975, %swap3A_976], %mul3A_974 {strides = array<i32>} : memref<96x128xf32, #tpu.memory_space<vmem>>, vector<16xf32>,
        %get3A_978 = arith.index_cast %add3A_959 : i32 to index
        %get3A_979 = arith.constant 16 : index
        %get3A_980 = tpu.vector_load %arg12[%get3A_978, %get3A_979] {strides = array<i32>} : memref<96x64xi32, #tpu.memory_space<vmem>>, vector<16xi32>,
        %shift_left3A_981 = arith.constant 16 : i32
        %shift_left3A_982 = vector.broadcast %shift_left3A_981 : i32 to vector<16xi32>
        %shift_left3A_983 = arith.shli %get3A_980, %shift_left3A_982 : vector<16xi32>
        %bitcast3A_984 = vector.bitcast %shift_left3A_983 : vector<16xi32> to vector<16xf32>
        %bitcast3A_985 = vector.bitcast %get3A_980 : vector<16xi32> to vector<16xf32>
        %mul3A_986 = vector.broadcast %squeeze3A_957 : f32 to vector<16xf32>
        %mul3A_987 = arith.mulf %bitcast3A_984, %mul3A_986 : vector<16xf32>
        %swap3A_988 = arith.index_cast %add3A_959 : i32 to index
        %swap3A_989 = arith.constant 32 : index
        %swap3A_990 = tpu.vector_load %arg14[%swap3A_988, %swap3A_989] {strides = array<i32>} : memref<96x128xf32, #tpu.memory_space<vmem>>, vector<16xf32>,
        tpu.vector_store %arg14[%swap3A_988, %swap3A_989], %mul3A_987 {strides = array<i32>} : memref<96x128xf32, #tpu.memory_space<vmem>>, vector<16xf32>,
        %mul3A_991 = vector.broadcast %squeeze3A_957 : f32 to vector<16xf32>
        %mul3A_992 = arith.mulf %bitcast3A_985, %mul3A_991 : vector<16xf32>
        %swap3A_993 = arith.index_cast %add3A_959 : i32 to index
        %swap3A_994 = arith.constant 48 : index
        %swap3A_995 = tpu.vector_load %arg14[%swap3A_993, %swap3A_994] {strides = array<i32>} : memref<96x128xf32, #tpu.memory_space<vmem>>, vector<16xf32>,
        tpu.vector_store %arg14[%swap3A_993, %swap3A_994], %mul3A_992 {strides = array<i32>} : memref<96x128xf32, #tpu.memory_space<vmem>>, vector<16xf32>,
        %get3A_996 = arith.index_cast %add3A_959 : i32 to index
        %get3A_997 = arith.constant 32 : index
        %get3A_998 = tpu.vector_load %arg12[%get3A_996, %get3A_997] {strides = array<i32>} : memref<96x64xi32, #tpu.memory_space<vmem>>, vector<16xi32>,
        %shift_left3A_999 = arith.constant 16 : i32
        %shift_left3A_1000 = vector.broadcast %shift_left3A_999 : i32 to vector<16xi32>
        %shift_left3A_1001 = arith.shli %get3A_998, %shift_left3A_1000 : vector<16xi32>
        %bitcast3A_1002 = vector.bitcast %shift_left3A_1001 : vector<16xi32> to vector<16xf32>
        %bitcast3A_1003 = vector.bitcast %get3A_998 : vector<16xi32> to vector<16xf32>
        %mul3A_1004 = vector.broadcast %squeeze3A_957 : f32 to vector<16xf32>
        %mul3A_1005 = arith.mulf %bitcast3A_1002, %mul3A_1004 : vector<16xf32>
        %swap3A_1006 = arith.index_cast %add3A_959 : i32 to index
        %swap3A_1007 = arith.constant 64 : index
        %swap3A_1008 = tpu.vector_load %arg14[%swap3A_1006, %swap3A_1007] {strides = array<i32>} : memref<96x128xf32, #tpu.memory_space<vmem>>, vector<16xf32>,
        tpu.vector_store %arg14[%swap3A_1006, %swap3A_1007], %mul3A_1005 {strides = array<i32>} : memref<96x128xf32, #tpu.memory_space<vmem>>, vector<16xf32>,
        %mul3A_1009 = vector.broadcast %squeeze3A_957 : f32 to vector<16xf32>
        %mul3A_1010 = arith.mulf %bitcast3A_1003, %mul3A_1009 : vector<16xf32>
        %swap3A_1011 = arith.index_cast %add3A_959 : i32 to index
        %swap3A_1012 = arith.constant 80 : index
        %swap3A_1013 = tpu.vector_load %arg14[%swap3A_1011, %swap3A_1012] {strides = array<i32>} : memref<96x128xf32, #tpu.memory_space<vmem>>, vector<16xf32>,
        tpu.vector_store %arg14[%swap3A_1011, %swap3A_1012], %mul3A_1010 {strides = array<i32>} : memref<96x128xf32, #tpu.memory_space<vmem>>, vector<16xf32>,
        %get3A_1014 = arith.index_cast %add3A_959 : i32 to index
        %get3A_1015 = arith.constant 48 : index
        %get3A_1016 = tpu.vector_load %arg12[%get3A_1014, %get3A_1015] {strides = array<i32>} : memref<96x64xi32, #tpu.memory_space<vmem>>, vector<16xi32>,
        %shift_left3A_1017 = arith.constant 16 : i32
        %shift_left3A_1018 = vector.broadcast %shift_left3A_1017 : i32 to vector<16xi32>
        %shift_left3A_1019 = arith.shli %get3A_1016, %shift_left3A_1018 : vector<16xi32>
        %bitcast3A_1020 = vector.bitcast %shift_left3A_1019 : vector<16xi32> to vector<16xf32>
        %bitcast3A_1021 = vector.bitcast %get3A_1016 : vector<16xi32> to vector<16xf32>
        %mul3A_1022 = vector.broadcast %squeeze3A_957 : f32 to vector<16xf32>
        %mul3A_1023 = arith.mulf %bitcast3A_1020, %mul3A_1022 : vector<16xf32>
        %swap3A_1024 = arith.index_cast %add3A_959 : i32 to index
        %swap3A_1025 = arith.constant 96 : index
        %swap3A_1026 = tpu.vector_load %arg14[%swap3A_1024, %swap3A_1025] {strides = array<i32>} : memref<96x128xf32, #tpu.memory_space<vmem>>, vector<16xf32>,
        tpu.vector_store %arg14[%swap3A_1024, %swap3A_1025], %mul3A_1023 {strides = array<i32>} : memref<96x128xf32, #tpu.memory_space<vmem>>, vector<16xf32>,
        %mul3A_1027 = vector.broadcast %squeeze3A_957 : f32 to vector<16xf32>
        %mul3A_1028 = arith.mulf %bitcast3A_1021, %mul3A_1027 : vector<16xf32>
        %swap3A_1029 = arith.index_cast %add3A_959 : i32 to index
        %swap3A_1030 = arith.constant 112 : index
        %swap3A_1031 = tpu.vector_load %arg14[%swap3A_1029, %swap3A_1030] {strides = array<i32>} : memref<96x128xf32, #tpu.memory_space<vmem>>, vector<16xf32>,
        tpu.vector_store %arg14[%swap3A_1029, %swap3A_1030], %mul3A_1028 {strides = array<i32>} : memref<96x128xf32, #tpu.memory_space<vmem>>, vector<16xf32>,
        %slice3A_1032 = vector.extract_strided_slice %get3A_426 {offsets = [8], sizes = [1], strides = [1]} : vector<16xf32> to vector<1xf32>
        %squeeze3A_1033 = vector.extract %slice3A_1032[0] : f32 from vector<1xf32>
        %add3A_1034 = arith.constant 8 : i32
        %add3A_1035 = arith.addi %mul3A_422, %add3A_1034 : i32
        %get3A_1036 = arith.index_cast %add3A_1035 : i32 to index
        %get3A_1037 = arith.constant 0 : index
        %get3A_1038 = tpu.vector_load %arg12[%get3A_1036, %get3A_1037] {strides = array<i32>} : memref<96x64xi32, #tpu.memory_space<vmem>>, vector<16xi32>,
        %shift_left3A_1039 = arith.constant 16 : i32
        %shift_left3A_1040 = vector.broadcast %shift_left3A_1039 : i32 to vector<16xi32>
        %shift_left3A_1041 = arith.shli %get3A_1038, %shift_left3A_1040 : vector<16xi32>
        %bitcast3A_1042 = vector.bitcast %shift_left3A_1041 : vector<16xi32> to vector<16xf32>
        %bitcast3A_1043 = vector.bitcast %get3A_1038 : vector<16xi32> to vector<16xf32>
        %mul3A_1044 = vector.broadcast %squeeze3A_1033 : f32 to vector<16xf32>
        %mul3A_1045 = arith.mulf %bitcast3A_1042, %mul3A_1044 : vector<16xf32>
        %swap3A_1046 = arith.index_cast %add3A_1035 : i32 to index
        %swap3A_1047 = arith.constant 0 : index
        %swap3A_1048 = tpu.vector_load %arg14[%swap3A_1046, %swap3A_1047] {strides = array<i32>} : memref<96x128xf32, #tpu.memory_space<vmem>>, vector<16xf32>,
        tpu.vector_store %arg14[%swap3A_1046, %swap3A_1047], %mul3A_1045 {strides = array<i32>} : memref<96x128xf32, #tpu.memory_space<vmem>>, vector<16xf32>,
        %mul3A_1049 = vector.broadcast %squeeze3A_1033 : f32 to vector<16xf32>
        %mul3A_1050 = arith.mulf %bitcast3A_1043, %mul3A_1049 : vector<16xf32>
        %swap3A_1051 = arith.index_cast %add3A_1035 : i32 to index
        %swap3A_1052 = arith.constant 16 : index
        %swap3A_1053 = tpu.vector_load %arg14[%swap3A_1051, %swap3A_1052] {strides = array<i32>} : memref<96x128xf32, #tpu.memory_space<vmem>>, vector<16xf32>,
        tpu.vector_store %arg14[%swap3A_1051, %swap3A_1052], %mul3A_1050 {strides = array<i32>} : memref<96x128xf32, #tpu.memory_space<vmem>>, vector<16xf32>,
        %get3A_1054 = arith.index_cast %add3A_1035 : i32 to index
        %get3A_1055 = arith.constant 16 : index
        %get3A_1056 = tpu.vector_load %arg12[%get3A_1054, %get3A_1055] {strides = array<i32>} : memref<96x64xi32, #tpu.memory_space<vmem>>, vector<16xi32>,
        %shift_left3A_1057 = arith.constant 16 : i32
        %shift_left3A_1058 = vector.broadcast %shift_left3A_1057 : i32 to vector<16xi32>
        %shift_left3A_1059 = arith.shli %get3A_1056, %shift_left3A_1058 : vector<16xi32>
        %bitcast3A_1060 = vector.bitcast %shift_left3A_1059 : vector<16xi32> to vector<16xf32>
        %bitcast3A_1061 = vector.bitcast %get3A_1056 : vector<16xi32> to vector<16xf32>
        %mul3A_1062 = vector.broadcast %squeeze3A_1033 : f32 to vector<16xf32>
        %mul3A_1063 = arith.mulf %bitcast3A_1060, %mul3A_1062 : vector<16xf32>
        %swap3A_1064 = arith.index_cast %add3A_1035 : i32 to index
        %swap3A_1065 = arith.constant 32 : index
        %swap3A_1066 = tpu.vector_load %arg14[%swap3A_1064, %swap3A_1065] {strides = array<i32>} : memref<96x128xf32, #tpu.memory_space<vmem>>, vector<16xf32>,
        tpu.vector_store %arg14[%swap3A_1064, %swap3A_1065], %mul3A_1063 {strides = array<i32>} : memref<96x128xf32, #tpu.memory_space<vmem>>, vector<16xf32>,
        %mul3A_1067 = vector.broadcast %squeeze3A_1033 : f32 to vector<16xf32>
        %mul3A_1068 = arith.mulf %bitcast3A_1061, %mul3A_1067 : vector<16xf32>
        %swap3A_1069 = arith.index_cast %add3A_1035 : i32 to index
        %swap3A_1070 = arith.constant 48 : index
        %swap3A_1071 = tpu.vector_load %arg14[%swap3A_1069, %swap3A_1070] {strides = array<i32>} : memref<96x128xf32, #tpu.memory_space<vmem>>, vector<16xf32>,
        tpu.vector_store %arg14[%swap3A_1069, %swap3A_1070], %mul3A_1068 {strides = array<i32>} : memref<96x128xf32, #tpu.memory_space<vmem>>, vector<16xf32>,
        %get3A_1072 = arith.index_cast %add3A_1035 : i32 to index
        %get3A_1073 = arith.constant 32 : index
        %get3A_1074 = tpu.vector_load %arg12[%get3A_1072, %get3A_1073] {strides = array<i32>} : memref<96x64xi32, #tpu.memory_space<vmem>>, vector<16xi32>,
        %shift_left3A_1075 = arith.constant 16 : i32
        %shift_left3A_1076 = vector.broadcast %shift_left3A_1075 : i32 to vector<16xi32>
        %shift_left3A_1077 = arith.shli %get3A_1074, %shift_left3A_1076 : vector<16xi32>
        %bitcast3A_1078 = vector.bitcast %shift_left3A_1077 : vector<16xi32> to vector<16xf32>
        %bitcast3A_1079 = vector.bitcast %get3A_1074 : vector<16xi32> to vector<16xf32>
        %mul3A_1080 = vector.broadcast %squeeze3A_1033 : f32 to vector<16xf32>
        %mul3A_1081 = arith.mulf %bitcast3A_1078, %mul3A_1080 : vector<16xf32>
        %swap3A_1082 = arith.index_cast %add3A_1035 : i32 to index
        %swap3A_1083 = arith.constant 64 : index
        %swap3A_1084 = tpu.vector_load %arg14[%swap3A_1082, %swap3A_1083] {strides = array<i32>} : memref<96x128xf32, #tpu.memory_space<vmem>>, vector<16xf32>,
        tpu.vector_store %arg14[%swap3A_1082, %swap3A_1083], %mul3A_1081 {strides = array<i32>} : memref<96x128xf32, #tpu.memory_space<vmem>>, vector<16xf32>,
        %mul3A_1085 = vector.broadcast %squeeze3A_1033 : f32 to vector<16xf32>
        %mul3A_1086 = arith.mulf %bitcast3A_1079, %mul3A_1085 : vector<16xf32>
        %swap3A_1087 = arith.index_cast %add3A_1035 : i32 to index
        %swap3A_1088 = arith.constant 80 : index
        %swap3A_1089 = tpu.vector_load %arg14[%swap3A_1087, %swap3A_1088] {strides = array<i32>} : memref<96x128xf32, #tpu.memory_space<vmem>>, vector<16xf32>,
        tpu.vector_store %arg14[%swap3A_1087, %swap3A_1088], %mul3A_1086 {strides = array<i32>} : memref<96x128xf32, #tpu.memory_space<vmem>>, vector<16xf32>,
        %get3A_1090 = arith.index_cast %add3A_1035 : i32 to index
        %get3A_1091 = arith.constant 48 : index
        %get3A_1092 = tpu.vector_load %arg12[%get3A_1090, %get3A_1091] {strides = array<i32>} : memref<96x64xi32, #tpu.memory_space<vmem>>, vector<16xi32>,
        %shift_left3A_1093 = arith.constant 16 : i32
        %shift_left3A_1094 = vector.broadcast %shift_left3A_1093 : i32 to vector<16xi32>
        %shift_left3A_1095 = arith.shli %get3A_1092, %shift_left3A_1094 : vector<16xi32>
        %bitcast3A_1096 = vector.bitcast %shift_left3A_1095 : vector<16xi32> to vector<16xf32>
        %bitcast3A_1097 = vector.bitcast %get3A_1092 : vector<16xi32> to vector<16xf32>
        %mul3A_1098 = vector.broadcast %squeeze3A_1033 : f32 to vector<16xf32>
        %mul3A_1099 = arith.mulf %bitcast3A_1096, %mul3A_1098 : vector<16xf32>
        %swap3A_1100 = arith.index_cast %add3A_1035 : i32 to index
        %swap3A_1101 = arith.constant 96 : index
        %swap3A_1102 = tpu.vector_load %arg14[%swap3A_1100, %swap3A_1101] {strides = array<i32>} : memref<96x128xf32, #tpu.memory_space<vmem>>, vector<16xf32>,
        tpu.vector_store %arg14[%swap3A_1100, %swap3A_1101], %mul3A_1099 {strides = array<i32>} : memref<96x128xf32, #tpu.memory_space<vmem>>, vector<16xf32>,
        %mul3A_1103 = vector.broadcast %squeeze3A_1033 : f32 to vector<16xf32>
        %mul3A_1104 = arith.mulf %bitcast3A_1097, %mul3A_1103 : vector<16xf32>
        %swap3A_1105 = arith.index_cast %add3A_1035 : i32 to index
        %swap3A_1106 = arith.constant 112 : index
        %swap3A_1107 = tpu.vector_load %arg14[%swap3A_1105, %swap3A_1106] {strides = array<i32>} : memref<96x128xf32, #tpu.memory_space<vmem>>, vector<16xf32>,
        tpu.vector_store %arg14[%swap3A_1105, %swap3A_1106], %mul3A_1104 {strides = array<i32>} : memref<96x128xf32, #tpu.memory_space<vmem>>, vector<16xf32>,
        %slice3A_1108 = vector.extract_strided_slice %get3A_426 {offsets = [9], sizes = [1], strides = [1]} : vector<16xf32> to vector<1xf32>
        %squeeze3A_1109 = vector.extract %slice3A_1108[0] : f32 from vector<1xf32>
        %add3A_1110 = arith.constant 9 : i32
        %add3A_1111 = arith.addi %mul3A_422, %add3A_1110 : i32
        %get3A_1112 = arith.index_cast %add3A_1111 : i32 to index
        %get3A_1113 = arith.constant 0 : index
        %get3A_1114 = tpu.vector_load %arg12[%get3A_1112, %get3A_1113] {strides = array<i32>} : memref<96x64xi32, #tpu.memory_space<vmem>>, vector<16xi32>,
        %shift_left3A_1115 = arith.constant 16 : i32
        %shift_left3A_1116 = vector.broadcast %shift_left3A_1115 : i32 to vector<16xi32>
        %shift_left3A_1117 = arith.shli %get3A_1114, %shift_left3A_1116 : vector<16xi32>
        %bitcast3A_1118 = vector.bitcast %shift_left3A_1117 : vector<16xi32> to vector<16xf32>
        %bitcast3A_1119 = vector.bitcast %get3A_1114 : vector<16xi32> to vector<16xf32>
        %mul3A_1120 = vector.broadcast %squeeze3A_1109 : f32 to vector<16xf32>
        %mul3A_1121 = arith.mulf %bitcast3A_1118, %mul3A_1120 : vector<16xf32>
        %swap3A_1122 = arith.index_cast %add3A_1111 : i32 to index
        %swap3A_1123 = arith.constant 0 : index
        %swap3A_1124 = tpu.vector_load %arg14[%swap3A_1122, %swap3A_1123] {strides = array<i32>} : memref<96x128xf32, #tpu.memory_space<vmem>>, vector<16xf32>,
        tpu.vector_store %arg14[%swap3A_1122, %swap3A_1123], %mul3A_1121 {strides = array<i32>} : memref<96x128xf32, #tpu.memory_space<vmem>>, vector<16xf32>,
        %mul3A_1125 = vector.broadcast %squeeze3A_1109 : f32 to vector<16xf32>
        %mul3A_1126 = arith.mulf %bitcast3A_1119, %mul3A_1125 : vector<16xf32>
        %swap3A_1127 = arith.index_cast %add3A_1111 : i32 to index
        %swap3A_1128 = arith.constant 16 : index
        %swap3A_1129 = tpu.vector_load %arg14[%swap3A_1127, %swap3A_1128] {strides = array<i32>} : memref<96x128xf32, #tpu.memory_space<vmem>>, vector<16xf32>,
        tpu.vector_store %arg14[%swap3A_1127, %swap3A_1128], %mul3A_1126 {strides = array<i32>} : memref<96x128xf32, #tpu.memory_space<vmem>>, vector<16xf32>,
        %get3A_1130 = arith.index_cast %add3A_1111 : i32 to index
        %get3A_1131 = arith.constant 16 : index
        %get3A_1132 = tpu.vector_load %arg12[%get3A_1130, %get3A_1131] {strides = array<i32>} : memref<96x64xi32, #tpu.memory_space<vmem>>, vector<16xi32>,
        %shift_left3A_1133 = arith.constant 16 : i32
        %shift_left3A_1134 = vector.broadcast %shift_left3A_1133 : i32 to vector<16xi32>
        %shift_left3A_1135 = arith.shli %get3A_1132, %shift_left3A_1134 : vector<16xi32>
        %bitcast3A_1136 = vector.bitcast %shift_left3A_1135 : vector<16xi32> to vector<16xf32>
        %bitcast3A_1137 = vector.bitcast %get3A_1132 : vector<16xi32> to vector<16xf32>
        %mul3A_1138 = vector.broadcast %squeeze3A_1109 : f32 to vector<16xf32>
        %mul3A_1139 = arith.mulf %bitcast3A_1136, %mul3A_1138 : vector<16xf32>
        %swap3A_1140 = arith.index_cast %add3A_1111 : i32 to index
        %swap3A_1141 = arith.constant 32 : index
        %swap3A_1142 = tpu.vector_load %arg14[%swap3A_1140, %swap3A_1141] {strides = array<i32>} : memref<96x128xf32, #tpu.memory_space<vmem>>, vector<16xf32>,
        tpu.vector_store %arg14[%swap3A_1140, %swap3A_1141], %mul3A_1139 {strides = array<i32>} : memref<96x128xf32, #tpu.memory_space<vmem>>, vector<16xf32>,
        %mul3A_1143 = vector.broadcast %squeeze3A_1109 : f32 to vector<16xf32>
        %mul3A_1144 = arith.mulf %bitcast3A_1137, %mul3A_1143 : vector<16xf32>
        %swap3A_1145 = arith.index_cast %add3A_1111 : i32 to index
        %swap3A_1146 = arith.constant 48 : index
        %swap3A_1147 = tpu.vector_load %arg14[%swap3A_1145, %swap3A_1146] {strides = array<i32>} : memref<96x128xf32, #tpu.memory_space<vmem>>, vector<16xf32>,
        tpu.vector_store %arg14[%swap3A_1145, %swap3A_1146], %mul3A_1144 {strides = array<i32>} : memref<96x128xf32, #tpu.memory_space<vmem>>, vector<16xf32>,
        %get3A_1148 = arith.index_cast %add3A_1111 : i32 to index
        %get3A_1149 = arith.constant 32 : index
        %get3A_1150 = tpu.vector_load %arg12[%get3A_1148, %get3A_1149] {strides = array<i32>} : memref<96x64xi32, #tpu.memory_space<vmem>>, vector<16xi32>,
        %shift_left3A_1151 = arith.constant 16 : i32
        %shift_left3A_1152 = vector.broadcast %shift_left3A_1151 : i32 to vector<16xi32>
        %shift_left3A_1153 = arith.shli %get3A_1150, %shift_left3A_1152 : vector<16xi32>
        %bitcast3A_1154 = vector.bitcast %shift_left3A_1153 : vector<16xi32> to vector<16xf32>
        %bitcast3A_1155 = vector.bitcast %get3A_1150 : vector<16xi32> to vector<16xf32>
        %mul3A_1156 = vector.broadcast %squeeze3A_1109 : f32 to vector<16xf32>
        %mul3A_1157 = arith.mulf %bitcast3A_1154, %mul3A_1156 : vector<16xf32>
        %swap3A_1158 = arith.index_cast %add3A_1111 : i32 to index
        %swap3A_1159 = arith.constant 64 : index
        %swap3A_1160 = tpu.vector_load %arg14[%swap3A_1158, %swap3A_1159] {strides = array<i32>} : memref<96x128xf32, #tpu.memory_space<vmem>>, vector<16xf32>,
        tpu.vector_store %arg14[%swap3A_1158, %swap3A_1159], %mul3A_1157 {strides = array<i32>} : memref<96x128xf32, #tpu.memory_space<vmem>>, vector<16xf32>,
        %mul3A_1161 = vector.broadcast %squeeze3A_1109 : f32 to vector<16xf32>
        %mul3A_1162 = arith.mulf %bitcast3A_1155, %mul3A_1161 : vector<16xf32>
        %swap3A_1163 = arith.index_cast %add3A_1111 : i32 to index
        %swap3A_1164 = arith.constant 80 : index
        %swap3A_1165 = tpu.vector_load %arg14[%swap3A_1163, %swap3A_1164] {strides = array<i32>} : memref<96x128xf32, #tpu.memory_space<vmem>>, vector<16xf32>,
        tpu.vector_store %arg14[%swap3A_1163, %swap3A_1164], %mul3A_1162 {strides = array<i32>} : memref<96x128xf32, #tpu.memory_space<vmem>>, vector<16xf32>,
        %get3A_1166 = arith.index_cast %add3A_1111 : i32 to index
        %get3A_1167 = arith.constant 48 : index
        %get3A_1168 = tpu.vector_load %arg12[%get3A_1166, %get3A_1167] {strides = array<i32>} : memref<96x64xi32, #tpu.memory_space<vmem>>, vector<16xi32>,
        %shift_left3A_1169 = arith.constant 16 : i32
        %shift_left3A_1170 = vector.broadcast %shift_left3A_1169 : i32 to vector<16xi32>
        %shift_left3A_1171 = arith.shli %get3A_1168, %shift_left3A_1170 : vector<16xi32>
        %bitcast3A_1172 = vector.bitcast %shift_left3A_1171 : vector<16xi32> to vector<16xf32>
        %bitcast3A_1173 = vector.bitcast %get3A_1168 : vector<16xi32> to vector<16xf32>
        %mul3A_1174 = vector.broadcast %squeeze3A_1109 : f32 to vector<16xf32>
        %mul3A_1175 = arith.mulf %bitcast3A_1172, %mul3A_1174 : vector<16xf32>
        %swap3A_1176 = arith.index_cast %add3A_1111 : i32 to index
        %swap3A_1177 = arith.constant 96 : index
        %swap3A_1178 = tpu.vector_load %arg14[%swap3A_1176, %swap3A_1177] {strides = array<i32>} : memref<96x128xf32, #tpu.memory_space<vmem>>, vector<16xf32>,
        tpu.vector_store %arg14[%swap3A_1176, %swap3A_1177], %mul3A_1175 {strides = array<i32>} : memref<96x128xf32, #tpu.memory_space<vmem>>, vector<16xf32>,
        %mul3A_1179 = vector.broadcast %squeeze3A_1109 : f32 to vector<16xf32>
        %mul3A_1180 = arith.mulf %bitcast3A_1173, %mul3A_1179 : vector<16xf32>
        %swap3A_1181 = arith.index_cast %add3A_1111 : i32 to index
        %swap3A_1182 = arith.constant 112 : index
        %swap3A_1183 = tpu.vector_load %arg14[%swap3A_1181, %swap3A_1182] {strides = array<i32>} : memref<96x128xf32, #tpu.memory_space<vmem>>, vector<16xf32>,
        tpu.vector_store %arg14[%swap3A_1181, %swap3A_1182], %mul3A_1180 {strides = array<i32>} : memref<96x128xf32, #tpu.memory_space<vmem>>, vector<16xf32>,
        %slice3A_1184 = vector.extract_strided_slice %get3A_426 {offsets = [10], sizes = [1], strides = [1]} : vector<16xf32> to vector<1xf32>
        %squeeze3A_1185 = vector.extract %slice3A_1184[0] : f32 from vector<1xf32>
        %add3A_1186 = arith.constant 10 : i32
        %add3A_1187 = arith.addi %mul3A_422, %add3A_1186 : i32
        %get3A_1188 = arith.index_cast %add3A_1187 : i32 to index
        %get3A_1189 = arith.constant 0 : index
        %get3A_1190 = tpu.vector_load %arg12[%get3A_1188, %get3A_1189] {strides = array<i32>} : memref<96x64xi32, #tpu.memory_space<vmem>>, vector<16xi32>,
        %shift_left3A_1191 = arith.constant 16 : i32
        %shift_left3A_1192 = vector.broadcast %shift_left3A_1191 : i32 to vector<16xi32>
        %shift_left3A_1193 = arith.shli %get3A_1190, %shift_left3A_1192 : vector<16xi32>
        %bitcast3A_1194 = vector.bitcast %shift_left3A_1193 : vector<16xi32> to vector<16xf32>
        %bitcast3A_1195 = vector.bitcast %get3A_1190 : vector<16xi32> to vector<16xf32>
        %mul3A_1196 = vector.broadcast %squeeze3A_1185 : f32 to vector<16xf32>
        %mul3A_1197 = arith.mulf %bitcast3A_1194, %mul3A_1196 : vector<16xf32>
        %swap3A_1198 = arith.index_cast %add3A_1187 : i32 to index
        %swap3A_1199 = arith.constant 0 : index
        %swap3A_1200 = tpu.vector_load %arg14[%swap3A_1198, %swap3A_1199] {strides = array<i32>} : memref<96x128xf32, #tpu.memory_space<vmem>>, vector<16xf32>,
        tpu.vector_store %arg14[%swap3A_1198, %swap3A_1199], %mul3A_1197 {strides = array<i32>} : memref<96x128xf32, #tpu.memory_space<vmem>>, vector<16xf32>,
        %mul3A_1201 = vector.broadcast %squeeze3A_1185 : f32 to vector<16xf32>
        %mul3A_1202 = arith.mulf %bitcast3A_1195, %mul3A_1201 : vector<16xf32>
        %swap3A_1203 = arith.index_cast %add3A_1187 : i32 to index
        %swap3A_1204 = arith.constant 16 : index
        %swap3A_1205 = tpu.vector_load %arg14[%swap3A_1203, %swap3A_1204] {strides = array<i32>} : memref<96x128xf32, #tpu.memory_space<vmem>>, vector<16xf32>,
        tpu.vector_store %arg14[%swap3A_1203, %swap3A_1204], %mul3A_1202 {strides = array<i32>} : memref<96x128xf32, #tpu.memory_space<vmem>>, vector<16xf32>,
        %get3A_1206 = arith.index_cast %add3A_1187 : i32 to index
        %get3A_1207 = arith.constant 16 : index
        %get3A_1208 = tpu.vector_load %arg12[%get3A_1206, %get3A_1207] {strides = array<i32>} : memref<96x64xi32, #tpu.memory_space<vmem>>, vector<16xi32>,
        %shift_left3A_1209 = arith.constant 16 : i32
        %shift_left3A_1210 = vector.broadcast %shift_left3A_1209 : i32 to vector<16xi32>
        %shift_left3A_1211 = arith.shli %get3A_1208, %shift_left3A_1210 : vector<16xi32>
        %bitcast3A_1212 = vector.bitcast %shift_left3A_1211 : vector<16xi32> to vector<16xf32>
        %bitcast3A_1213 = vector.bitcast %get3A_1208 : vector<16xi32> to vector<16xf32>
        %mul3A_1214 = vector.broadcast %squeeze3A_1185 : f32 to vector<16xf32>
        %mul3A_1215 = arith.mulf %bitcast3A_1212, %mul3A_1214 : vector<16xf32>
        %swap3A_1216 = arith.index_cast %add3A_1187 : i32 to index
        %swap3A_1217 = arith.constant 32 : index
        %swap3A_1218 = tpu.vector_load %arg14[%swap3A_1216, %swap3A_1217] {strides = array<i32>} : memref<96x128xf32, #tpu.memory_space<vmem>>, vector<16xf32>,
        tpu.vector_store %arg14[%swap3A_1216, %swap3A_1217], %mul3A_1215 {strides = array<i32>} : memref<96x128xf32, #tpu.memory_space<vmem>>, vector<16xf32>,
        %mul3A_1219 = vector.broadcast %squeeze3A_1185 : f32 to vector<16xf32>
        %mul3A_1220 = arith.mulf %bitcast3A_1213, %mul3A_1219 : vector<16xf32>
        %swap3A_1221 = arith.index_cast %add3A_1187 : i32 to index
        %swap3A_1222 = arith.constant 48 : index
        %swap3A_1223 = tpu.vector_load %arg14[%swap3A_1221, %swap3A_1222] {strides = array<i32>} : memref<96x128xf32, #tpu.memory_space<vmem>>, vector<16xf32>,
        tpu.vector_store %arg14[%swap3A_1221, %swap3A_1222], %mul3A_1220 {strides = array<i32>} : memref<96x128xf32, #tpu.memory_space<vmem>>, vector<16xf32>,
        %get3A_1224 = arith.index_cast %add3A_1187 : i32 to index
        %get3A_1225 = arith.constant 32 : index
        %get3A_1226 = tpu.vector_load %arg12[%get3A_1224, %get3A_1225] {strides = array<i32>} : memref<96x64xi32, #tpu.memory_space<vmem>>, vector<16xi32>,
        %shift_left3A_1227 = arith.constant 16 : i32
        %shift_left3A_1228 = vector.broadcast %shift_left3A_1227 : i32 to vector<16xi32>
        %shift_left3A_1229 = arith.shli %get3A_1226, %shift_left3A_1228 : vector<16xi32>
        %bitcast3A_1230 = vector.bitcast %shift_left3A_1229 : vector<16xi32> to vector<16xf32>
        %bitcast3A_1231 = vector.bitcast %get3A_1226 : vector<16xi32> to vector<16xf32>
        %mul3A_1232 = vector.broadcast %squeeze3A_1185 : f32 to vector<16xf32>
        %mul3A_1233 = arith.mulf %bitcast3A_1230, %mul3A_1232 : vector<16xf32>
        %swap3A_1234 = arith.index_cast %add3A_1187 : i32 to index
        %swap3A_1235 = arith.constant 64 : index
        %swap3A_1236 = tpu.vector_load %arg14[%swap3A_1234, %swap3A_1235] {strides = array<i32>} : memref<96x128xf32, #tpu.memory_space<vmem>>, vector<16xf32>,
        tpu.vector_store %arg14[%swap3A_1234, %swap3A_1235], %mul3A_1233 {strides = array<i32>} : memref<96x128xf32, #tpu.memory_space<vmem>>, vector<16xf32>,
        %mul3A_1237 = vector.broadcast %squeeze3A_1185 : f32 to vector<16xf32>
        %mul3A_1238 = arith.mulf %bitcast3A_1231, %mul3A_1237 : vector<16xf32>
        %swap3A_1239 = arith.index_cast %add3A_1187 : i32 to index
        %swap3A_1240 = arith.constant 80 : index
        %swap3A_1241 = tpu.vector_load %arg14[%swap3A_1239, %swap3A_1240] {strides = array<i32>} : memref<96x128xf32, #tpu.memory_space<vmem>>, vector<16xf32>,
        tpu.vector_store %arg14[%swap3A_1239, %swap3A_1240], %mul3A_1238 {strides = array<i32>} : memref<96x128xf32, #tpu.memory_space<vmem>>, vector<16xf32>,
        %get3A_1242 = arith.index_cast %add3A_1187 : i32 to index
        %get3A_1243 = arith.constant 48 : index
        %get3A_1244 = tpu.vector_load %arg12[%get3A_1242, %get3A_1243] {strides = array<i32>} : memref<96x64xi32, #tpu.memory_space<vmem>>, vector<16xi32>,
        %shift_left3A_1245 = arith.constant 16 : i32
        %shift_left3A_1246 = vector.broadcast %shift_left3A_1245 : i32 to vector<16xi32>
        %shift_left3A_1247 = arith.shli %get3A_1244, %shift_left3A_1246 : vector<16xi32>
        %bitcast3A_1248 = vector.bitcast %shift_left3A_1247 : vector<16xi32> to vector<16xf32>
        %bitcast3A_1249 = vector.bitcast %get3A_1244 : vector<16xi32> to vector<16xf32>
        %mul3A_1250 = vector.broadcast %squeeze3A_1185 : f32 to vector<16xf32>
        %mul3A_1251 = arith.mulf %bitcast3A_1248, %mul3A_1250 : vector<16xf32>
        %swap3A_1252 = arith.index_cast %add3A_1187 : i32 to index
        %swap3A_1253 = arith.constant 96 : index
        %swap3A_1254 = tpu.vector_load %arg14[%swap3A_1252, %swap3A_1253] {strides = array<i32>} : memref<96x128xf32, #tpu.memory_space<vmem>>, vector<16xf32>,
        tpu.vector_store %arg14[%swap3A_1252, %swap3A_1253], %mul3A_1251 {strides = array<i32>} : memref<96x128xf32, #tpu.memory_space<vmem>>, vector<16xf32>,
        %mul3A_1255 = vector.broadcast %squeeze3A_1185 : f32 to vector<16xf32>
        %mul3A_1256 = arith.mulf %bitcast3A_1249, %mul3A_1255 : vector<16xf32>
        %swap3A_1257 = arith.index_cast %add3A_1187 : i32 to index
        %swap3A_1258 = arith.constant 112 : index
        %swap3A_1259 = tpu.vector_load %arg14[%swap3A_1257, %swap3A_1258] {strides = array<i32>} : memref<96x128xf32, #tpu.memory_space<vmem>>, vector<16xf32>,
        tpu.vector_store %arg14[%swap3A_1257, %swap3A_1258], %mul3A_1256 {strides = array<i32>} : memref<96x128xf32, #tpu.memory_space<vmem>>, vector<16xf32>,
        %slice3A_1260 = vector.extract_strided_slice %get3A_426 {offsets = [11], sizes = [1], strides = [1]} : vector<16xf32> to vector<1xf32>
        %squeeze3A_1261 = vector.extract %slice3A_1260[0] : f32 from vector<1xf32>
        %add3A_1262 = arith.constant 11 : i32
        %add3A_1263 = arith.addi %mul3A_422, %add3A_1262 : i32
        %get3A_1264 = arith.index_cast %add3A_1263 : i32 to index
        %get3A_1265 = arith.constant 0 : index
        %get3A_1266 = tpu.vector_load %arg12[%get3A_1264, %get3A_1265] {strides = array<i32>} : memref<96x64xi32, #tpu.memory_space<vmem>>, vector<16xi32>,
        %shift_left3A_1267 = arith.constant 16 : i32
        %shift_left3A_1268 = vector.broadcast %shift_left3A_1267 : i32 to vector<16xi32>
        %shift_left3A_1269 = arith.shli %get3A_1266, %shift_left3A_1268 : vector<16xi32>
        %bitcast3A_1270 = vector.bitcast %shift_left3A_1269 : vector<16xi32> to vector<16xf32>
        %bitcast3A_1271 = vector.bitcast %get3A_1266 : vector<16xi32> to vector<16xf32>
        %mul3A_1272 = vector.broadcast %squeeze3A_1261 : f32 to vector<16xf32>
        %mul3A_1273 = arith.mulf %bitcast3A_1270, %mul3A_1272 : vector<16xf32>
        %swap3A_1274 = arith.index_cast %add3A_1263 : i32 to index
        %swap3A_1275 = arith.constant 0 : index
        %swap3A_1276 = tpu.vector_load %arg14[%swap3A_1274, %swap3A_1275] {strides = array<i32>} : memref<96x128xf32, #tpu.memory_space<vmem>>, vector<16xf32>,
        tpu.vector_store %arg14[%swap3A_1274, %swap3A_1275], %mul3A_1273 {strides = array<i32>} : memref<96x128xf32, #tpu.memory_space<vmem>>, vector<16xf32>,
        %mul3A_1277 = vector.broadcast %squeeze3A_1261 : f32 to vector<16xf32>
        %mul3A_1278 = arith.mulf %bitcast3A_1271, %mul3A_1277 : vector<16xf32>
        %swap3A_1279 = arith.index_cast %add3A_1263 : i32 to index
        %swap3A_1280 = arith.constant 16 : index
        %swap3A_1281 = tpu.vector_load %arg14[%swap3A_1279, %swap3A_1280] {strides = array<i32>} : memref<96x128xf32, #tpu.memory_space<vmem>>, vector<16xf32>,
        tpu.vector_store %arg14[%swap3A_1279, %swap3A_1280], %mul3A_1278 {strides = array<i32>} : memref<96x128xf32, #tpu.memory_space<vmem>>, vector<16xf32>,
        %get3A_1282 = arith.index_cast %add3A_1263 : i32 to index
        %get3A_1283 = arith.constant 16 : index
        %get3A_1284 = tpu.vector_load %arg12[%get3A_1282, %get3A_1283] {strides = array<i32>} : memref<96x64xi32, #tpu.memory_space<vmem>>, vector<16xi32>,
        %shift_left3A_1285 = arith.constant 16 : i32
        %shift_left3A_1286 = vector.broadcast %shift_left3A_1285 : i32 to vector<16xi32>
        %shift_left3A_1287 = arith.shli %get3A_1284, %shift_left3A_1286 : vector<16xi32>
        %bitcast3A_1288 = vector.bitcast %shift_left3A_1287 : vector<16xi32> to vector<16xf32>
        %bitcast3A_1289 = vector.bitcast %get3A_1284 : vector<16xi32> to vector<16xf32>
        %mul3A_1290 = vector.broadcast %squeeze3A_1261 : f32 to vector<16xf32>
        %mul3A_1291 = arith.mulf %bitcast3A_1288, %mul3A_1290 : vector<16xf32>
        %swap3A_1292 = arith.index_cast %add3A_1263 : i32 to index
        %swap3A_1293 = arith.constant 32 : index
        %swap3A_1294 = tpu.vector_load %arg14[%swap3A_1292, %swap3A_1293] {strides = array<i32>} : memref<96x128xf32, #tpu.memory_space<vmem>>, vector<16xf32>,
        tpu.vector_store %arg14[%swap3A_1292, %swap3A_1293], %mul3A_1291 {strides = array<i32>} : memref<96x128xf32, #tpu.memory_space<vmem>>, vector<16xf32>,
        %mul3A_1295 = vector.broadcast %squeeze3A_1261 : f32 to vector<16xf32>
        %mul3A_1296 = arith.mulf %bitcast3A_1289, %mul3A_1295 : vector<16xf32>
        %swap3A_1297 = arith.index_cast %add3A_1263 : i32 to index
        %swap3A_1298 = arith.constant 48 : index
        %swap3A_1299 = tpu.vector_load %arg14[%swap3A_1297, %swap3A_1298] {strides = array<i32>} : memref<96x128xf32, #tpu.memory_space<vmem>>, vector<16xf32>,
        tpu.vector_store %arg14[%swap3A_1297, %swap3A_1298], %mul3A_1296 {strides = array<i32>} : memref<96x128xf32, #tpu.memory_space<vmem>>, vector<16xf32>,
        %get3A_1300 = arith.index_cast %add3A_1263 : i32 to index
        %get3A_1301 = arith.constant 32 : index
        %get3A_1302 = tpu.vector_load %arg12[%get3A_1300, %get3A_1301] {strides = array<i32>} : memref<96x64xi32, #tpu.memory_space<vmem>>, vector<16xi32>,
        %shift_left3A_1303 = arith.constant 16 : i32
        %shift_left3A_1304 = vector.broadcast %shift_left3A_1303 : i32 to vector<16xi32>
        %shift_left3A_1305 = arith.shli %get3A_1302, %shift_left3A_1304 : vector<16xi32>
        %bitcast3A_1306 = vector.bitcast %shift_left3A_1305 : vector<16xi32> to vector<16xf32>
        %bitcast3A_1307 = vector.bitcast %get3A_1302 : vector<16xi32> to vector<16xf32>
        %mul3A_1308 = vector.broadcast %squeeze3A_1261 : f32 to vector<16xf32>
        %mul3A_1309 = arith.mulf %bitcast3A_1306, %mul3A_1308 : vector<16xf32>
        %swap3A_1310 = arith.index_cast %add3A_1263 : i32 to index
        %swap3A_1311 = arith.constant 64 : index
        %swap3A_1312 = tpu.vector_load %arg14[%swap3A_1310, %swap3A_1311] {strides = array<i32>} : memref<96x128xf32, #tpu.memory_space<vmem>>, vector<16xf32>,
        tpu.vector_store %arg14[%swap3A_1310, %swap3A_1311], %mul3A_1309 {strides = array<i32>} : memref<96x128xf32, #tpu.memory_space<vmem>>, vector<16xf32>,
        %mul3A_1313 = vector.broadcast %squeeze3A_1261 : f32 to vector<16xf32>
        %mul3A_1314 = arith.mulf %bitcast3A_1307, %mul3A_1313 : vector<16xf32>
        %swap3A_1315 = arith.index_cast %add3A_1263 : i32 to index
        %swap3A_1316 = arith.constant 80 : index
        %swap3A_1317 = tpu.vector_load %arg14[%swap3A_1315, %swap3A_1316] {strides = array<i32>} : memref<96x128xf32, #tpu.memory_space<vmem>>, vector<16xf32>,
        tpu.vector_store %arg14[%swap3A_1315, %swap3A_1316], %mul3A_1314 {strides = array<i32>} : memref<96x128xf32, #tpu.memory_space<vmem>>, vector<16xf32>,
        %get3A_1318 = arith.index_cast %add3A_1263 : i32 to index
        %get3A_1319 = arith.constant 48 : index
        %get3A_1320 = tpu.vector_load %arg12[%get3A_1318, %get3A_1319] {strides = array<i32>} : memref<96x64xi32, #tpu.memory_space<vmem>>, vector<16xi32>,
        %shift_left3A_1321 = arith.constant 16 : i32
        %shift_left3A_1322 = vector.broadcast %shift_left3A_1321 : i32 to vector<16xi32>
        %shift_left3A_1323 = arith.shli %get3A_1320, %shift_left3A_1322 : vector<16xi32>
        %bitcast3A_1324 = vector.bitcast %shift_left3A_1323 : vector<16xi32> to vector<16xf32>
        %bitcast3A_1325 = vector.bitcast %get3A_1320 : vector<16xi32> to vector<16xf32>
        %mul3A_1326 = vector.broadcast %squeeze3A_1261 : f32 to vector<16xf32>
        %mul3A_1327 = arith.mulf %bitcast3A_1324, %mul3A_1326 : vector<16xf32>
        %swap3A_1328 = arith.index_cast %add3A_1263 : i32 to index
        %swap3A_1329 = arith.constant 96 : index
        %swap3A_1330 = tpu.vector_load %arg14[%swap3A_1328, %swap3A_1329] {strides = array<i32>} : memref<96x128xf32, #tpu.memory_space<vmem>>, vector<16xf32>,
        tpu.vector_store %arg14[%swap3A_1328, %swap3A_1329], %mul3A_1327 {strides = array<i32>} : memref<96x128xf32, #tpu.memory_space<vmem>>, vector<16xf32>,
        %mul3A_1331 = vector.broadcast %squeeze3A_1261 : f32 to vector<16xf32>
        %mul3A_1332 = arith.mulf %bitcast3A_1325, %mul3A_1331 : vector<16xf32>
        %swap3A_1333 = arith.index_cast %add3A_1263 : i32 to index
        %swap3A_1334 = arith.constant 112 : index
        %swap3A_1335 = tpu.vector_load %arg14[%swap3A_1333, %swap3A_1334] {strides = array<i32>} : memref<96x128xf32, #tpu.memory_space<vmem>>, vector<16xf32>,
        tpu.vector_store %arg14[%swap3A_1333, %swap3A_1334], %mul3A_1332 {strides = array<i32>} : memref<96x128xf32, #tpu.memory_space<vmem>>, vector<16xf32>,
        %slice3A_1336 = vector.extract_strided_slice %get3A_426 {offsets = [12], sizes = [1], strides = [1]} : vector<16xf32> to vector<1xf32>
        %squeeze3A_1337 = vector.extract %slice3A_1336[0] : f32 from vector<1xf32>
        %add3A_1338 = arith.constant 12 : i32
        %add3A_1339 = arith.addi %mul3A_422, %add3A_1338 : i32
        %get3A_1340 = arith.index_cast %add3A_1339 : i32 to index
        %get3A_1341 = arith.constant 0 : index
        %get3A_1342 = tpu.vector_load %arg12[%get3A_1340, %get3A_1341] {strides = array<i32>} : memref<96x64xi32, #tpu.memory_space<vmem>>, vector<16xi32>,
        %shift_left3A_1343 = arith.constant 16 : i32
        %shift_left3A_1344 = vector.broadcast %shift_left3A_1343 : i32 to vector<16xi32>
        %shift_left3A_1345 = arith.shli %get3A_1342, %shift_left3A_1344 : vector<16xi32>
        %bitcast3A_1346 = vector.bitcast %shift_left3A_1345 : vector<16xi32> to vector<16xf32>
        %bitcast3A_1347 = vector.bitcast %get3A_1342 : vector<16xi32> to vector<16xf32>
        %mul3A_1348 = vector.broadcast %squeeze3A_1337 : f32 to vector<16xf32>
        %mul3A_1349 = arith.mulf %bitcast3A_1346, %mul3A_1348 : vector<16xf32>
        %swap3A_1350 = arith.index_cast %add3A_1339 : i32 to index
        %swap3A_1351 = arith.constant 0 : index
        %swap3A_1352 = tpu.vector_load %arg14[%swap3A_1350, %swap3A_1351] {strides = array<i32>} : memref<96x128xf32, #tpu.memory_space<vmem>>, vector<16xf32>,
        tpu.vector_store %arg14[%swap3A_1350, %swap3A_1351], %mul3A_1349 {strides = array<i32>} : memref<96x128xf32, #tpu.memory_space<vmem>>, vector<16xf32>,
        %mul3A_1353 = vector.broadcast %squeeze3A_1337 : f32 to vector<16xf32>
        %mul3A_1354 = arith.mulf %bitcast3A_1347, %mul3A_1353 : vector<16xf32>
        %swap3A_1355 = arith.index_cast %add3A_1339 : i32 to index
        %swap3A_1356 = arith.constant 16 : index
        %swap3A_1357 = tpu.vector_load %arg14[%swap3A_1355, %swap3A_1356] {strides = array<i32>} : memref<96x128xf32, #tpu.memory_space<vmem>>, vector<16xf32>,
        tpu.vector_store %arg14[%swap3A_1355, %swap3A_1356], %mul3A_1354 {strides = array<i32>} : memref<96x128xf32, #tpu.memory_space<vmem>>, vector<16xf32>,
        %get3A_1358 = arith.index_cast %add3A_1339 : i32 to index
        %get3A_1359 = arith.constant 16 : index
        %get3A_1360 = tpu.vector_load %arg12[%get3A_1358, %get3A_1359] {strides = array<i32>} : memref<96x64xi32, #tpu.memory_space<vmem>>, vector<16xi32>,
        %shift_left3A_1361 = arith.constant 16 : i32
        %shift_left3A_1362 = vector.broadcast %shift_left3A_1361 : i32 to vector<16xi32>
        %shift_left3A_1363 = arith.shli %get3A_1360, %shift_left3A_1362 : vector<16xi32>
        %bitcast3A_1364 = vector.bitcast %shift_left3A_1363 : vector<16xi32> to vector<16xf32>
        %bitcast3A_1365 = vector.bitcast %get3A_1360 : vector<16xi32> to vector<16xf32>
        %mul3A_1366 = vector.broadcast %squeeze3A_1337 : f32 to vector<16xf32>
        %mul3A_1367 = arith.mulf %bitcast3A_1364, %mul3A_1366 : vector<16xf32>
        %swap3A_1368 = arith.index_cast %add3A_1339 : i32 to index
        %swap3A_1369 = arith.constant 32 : index
        %swap3A_1370 = tpu.vector_load %arg14[%swap3A_1368, %swap3A_1369] {strides = array<i32>} : memref<96x128xf32, #tpu.memory_space<vmem>>, vector<16xf32>,
        tpu.vector_store %arg14[%swap3A_1368, %swap3A_1369], %mul3A_1367 {strides = array<i32>} : memref<96x128xf32, #tpu.memory_space<vmem>>, vector<16xf32>,
        %mul3A_1371 = vector.broadcast %squeeze3A_1337 : f32 to vector<16xf32>
        %mul3A_1372 = arith.mulf %bitcast3A_1365, %mul3A_1371 : vector<16xf32>
        %swap3A_1373 = arith.index_cast %add3A_1339 : i32 to index
        %swap3A_1374 = arith.constant 48 : index
        %swap3A_1375 = tpu.vector_load %arg14[%swap3A_1373, %swap3A_1374] {strides = array<i32>} : memref<96x128xf32, #tpu.memory_space<vmem>>, vector<16xf32>,
        tpu.vector_store %arg14[%swap3A_1373, %swap3A_1374], %mul3A_1372 {strides = array<i32>} : memref<96x128xf32, #tpu.memory_space<vmem>>, vector<16xf32>,
        %get3A_1376 = arith.index_cast %add3A_1339 : i32 to index
        %get3A_1377 = arith.constant 32 : index
        %get3A_1378 = tpu.vector_load %arg12[%get3A_1376, %get3A_1377] {strides = array<i32>} : memref<96x64xi32, #tpu.memory_space<vmem>>, vector<16xi32>,
        %shift_left3A_1379 = arith.constant 16 : i32
        %shift_left3A_1380 = vector.broadcast %shift_left3A_1379 : i32 to vector<16xi32>
        %shift_left3A_1381 = arith.shli %get3A_1378, %shift_left3A_1380 : vector<16xi32>
        %bitcast3A_1382 = vector.bitcast %shift_left3A_1381 : vector<16xi32> to vector<16xf32>
        %bitcast3A_1383 = vector.bitcast %get3A_1378 : vector<16xi32> to vector<16xf32>
        %mul3A_1384 = vector.broadcast %squeeze3A_1337 : f32 to vector<16xf32>
        %mul3A_1385 = arith.mulf %bitcast3A_1382, %mul3A_1384 : vector<16xf32>
        %swap3A_1386 = arith.index_cast %add3A_1339 : i32 to index
        %swap3A_1387 = arith.constant 64 : index
        %swap3A_1388 = tpu.vector_load %arg14[%swap3A_1386, %swap3A_1387] {strides = array<i32>} : memref<96x128xf32, #tpu.memory_space<vmem>>, vector<16xf32>,
        tpu.vector_store %arg14[%swap3A_1386, %swap3A_1387], %mul3A_1385 {strides = array<i32>} : memref<96x128xf32, #tpu.memory_space<vmem>>, vector<16xf32>,
        %mul3A_1389 = vector.broadcast %squeeze3A_1337 : f32 to vector<16xf32>
        %mul3A_1390 = arith.mulf %bitcast3A_1383, %mul3A_1389 : vector<16xf32>
        %swap3A_1391 = arith.index_cast %add3A_1339 : i32 to index
        %swap3A_1392 = arith.constant 80 : index
        %swap3A_1393 = tpu.vector_load %arg14[%swap3A_1391, %swap3A_1392] {strides = array<i32>} : memref<96x128xf32, #tpu.memory_space<vmem>>, vector<16xf32>,
        tpu.vector_store %arg14[%swap3A_1391, %swap3A_1392], %mul3A_1390 {strides = array<i32>} : memref<96x128xf32, #tpu.memory_space<vmem>>, vector<16xf32>,
        %get3A_1394 = arith.index_cast %add3A_1339 : i32 to index
        %get3A_1395 = arith.constant 48 : index
        %get3A_1396 = tpu.vector_load %arg12[%get3A_1394, %get3A_1395] {strides = array<i32>} : memref<96x64xi32, #tpu.memory_space<vmem>>, vector<16xi32>,
        %shift_left3A_1397 = arith.constant 16 : i32
        %shift_left3A_1398 = vector.broadcast %shift_left3A_1397 : i32 to vector<16xi32>
        %shift_left3A_1399 = arith.shli %get3A_1396, %shift_left3A_1398 : vector<16xi32>
        %bitcast3A_1400 = vector.bitcast %shift_left3A_1399 : vector<16xi32> to vector<16xf32>
        %bitcast3A_1401 = vector.bitcast %get3A_1396 : vector<16xi32> to vector<16xf32>
        %mul3A_1402 = vector.broadcast %squeeze3A_1337 : f32 to vector<16xf32>
        %mul3A_1403 = arith.mulf %bitcast3A_1400, %mul3A_1402 : vector<16xf32>
        %swap3A_1404 = arith.index_cast %add3A_1339 : i32 to index
        %swap3A_1405 = arith.constant 96 : index
        %swap3A_1406 = tpu.vector_load %arg14[%swap3A_1404, %swap3A_1405] {strides = array<i32>} : memref<96x128xf32, #tpu.memory_space<vmem>>, vector<16xf32>,
        tpu.vector_store %arg14[%swap3A_1404, %swap3A_1405], %mul3A_1403 {strides = array<i32>} : memref<96x128xf32, #tpu.memory_space<vmem>>, vector<16xf32>,
        %mul3A_1407 = vector.broadcast %squeeze3A_1337 : f32 to vector<16xf32>
        %mul3A_1408 = arith.mulf %bitcast3A_1401, %mul3A_1407 : vector<16xf32>
        %swap3A_1409 = arith.index_cast %add3A_1339 : i32 to index
        %swap3A_1410 = arith.constant 112 : index
        %swap3A_1411 = tpu.vector_load %arg14[%swap3A_1409, %swap3A_1410] {strides = array<i32>} : memref<96x128xf32, #tpu.memory_space<vmem>>, vector<16xf32>,
        tpu.vector_store %arg14[%swap3A_1409, %swap3A_1410], %mul3A_1408 {strides = array<i32>} : memref<96x128xf32, #tpu.memory_space<vmem>>, vector<16xf32>,
        %slice3A_1412 = vector.extract_strided_slice %get3A_426 {offsets = [13], sizes = [1], strides = [1]} : vector<16xf32> to vector<1xf32>
        %squeeze3A_1413 = vector.extract %slice3A_1412[0] : f32 from vector<1xf32>
        %add3A_1414 = arith.constant 13 : i32
        %add3A_1415 = arith.addi %mul3A_422, %add3A_1414 : i32
        %get3A_1416 = arith.index_cast %add3A_1415 : i32 to index
        %get3A_1417 = arith.constant 0 : index
        %get3A_1418 = tpu.vector_load %arg12[%get3A_1416, %get3A_1417] {strides = array<i32>} : memref<96x64xi32, #tpu.memory_space<vmem>>, vector<16xi32>,
        %shift_left3A_1419 = arith.constant 16 : i32
        %shift_left3A_1420 = vector.broadcast %shift_left3A_1419 : i32 to vector<16xi32>
        %shift_left3A_1421 = arith.shli %get3A_1418, %shift_left3A_1420 : vector<16xi32>
        %bitcast3A_1422 = vector.bitcast %shift_left3A_1421 : vector<16xi32> to vector<16xf32>
        %bitcast3A_1423 = vector.bitcast %get3A_1418 : vector<16xi32> to vector<16xf32>
        %mul3A_1424 = vector.broadcast %squeeze3A_1413 : f32 to vector<16xf32>
        %mul3A_1425 = arith.mulf %bitcast3A_1422, %mul3A_1424 : vector<16xf32>
        %swap3A_1426 = arith.index_cast %add3A_1415 : i32 to index
        %swap3A_1427 = arith.constant 0 : index
        %swap3A_1428 = tpu.vector_load %arg14[%swap3A_1426, %swap3A_1427] {strides = array<i32>} : memref<96x128xf32, #tpu.memory_space<vmem>>, vector<16xf32>,
        tpu.vector_store %arg14[%swap3A_1426, %swap3A_1427], %mul3A_1425 {strides = array<i32>} : memref<96x128xf32, #tpu.memory_space<vmem>>, vector<16xf32>,
        %mul3A_1429 = vector.broadcast %squeeze3A_1413 : f32 to vector<16xf32>
        %mul3A_1430 = arith.mulf %bitcast3A_1423, %mul3A_1429 : vector<16xf32>
        %swap3A_1431 = arith.index_cast %add3A_1415 : i32 to index
        %swap3A_1432 = arith.constant 16 : index
        %swap3A_1433 = tpu.vector_load %arg14[%swap3A_1431, %swap3A_1432] {strides = array<i32>} : memref<96x128xf32, #tpu.memory_space<vmem>>, vector<16xf32>,
        tpu.vector_store %arg14[%swap3A_1431, %swap3A_1432], %mul3A_1430 {strides = array<i32>} : memref<96x128xf32, #tpu.memory_space<vmem>>, vector<16xf32>,
        %get3A_1434 = arith.index_cast %add3A_1415 : i32 to index
        %get3A_1435 = arith.constant 16 : index
        %get3A_1436 = tpu.vector_load %arg12[%get3A_1434, %get3A_1435] {strides = array<i32>} : memref<96x64xi32, #tpu.memory_space<vmem>>, vector<16xi32>,
        %shift_left3A_1437 = arith.constant 16 : i32
        %shift_left3A_1438 = vector.broadcast %shift_left3A_1437 : i32 to vector<16xi32>
        %shift_left3A_1439 = arith.shli %get3A_1436, %shift_left3A_1438 : vector<16xi32>
        %bitcast3A_1440 = vector.bitcast %shift_left3A_1439 : vector<16xi32> to vector<16xf32>
        %bitcast3A_1441 = vector.bitcast %get3A_1436 : vector<16xi32> to vector<16xf32>
        %mul3A_1442 = vector.broadcast %squeeze3A_1413 : f32 to vector<16xf32>
        %mul3A_1443 = arith.mulf %bitcast3A_1440, %mul3A_1442 : vector<16xf32>
        %swap3A_1444 = arith.index_cast %add3A_1415 : i32 to index
        %swap3A_1445 = arith.constant 32 : index
        %swap3A_1446 = tpu.vector_load %arg14[%swap3A_1444, %swap3A_1445] {strides = array<i32>} : memref<96x128xf32, #tpu.memory_space<vmem>>, vector<16xf32>,
        tpu.vector_store %arg14[%swap3A_1444, %swap3A_1445], %mul3A_1443 {strides = array<i32>} : memref<96x128xf32, #tpu.memory_space<vmem>>, vector<16xf32>,
        %mul3A_1447 = vector.broadcast %squeeze3A_1413 : f32 to vector<16xf32>
        %mul3A_1448 = arith.mulf %bitcast3A_1441, %mul3A_1447 : vector<16xf32>
        %swap3A_1449 = arith.index_cast %add3A_1415 : i32 to index
        %swap3A_1450 = arith.constant 48 : index
        %swap3A_1451 = tpu.vector_load %arg14[%swap3A_1449, %swap3A_1450] {strides = array<i32>} : memref<96x128xf32, #tpu.memory_space<vmem>>, vector<16xf32>,
        tpu.vector_store %arg14[%swap3A_1449, %swap3A_1450], %mul3A_1448 {strides = array<i32>} : memref<96x128xf32, #tpu.memory_space<vmem>>, vector<16xf32>,
        %get3A_1452 = arith.index_cast %add3A_1415 : i32 to index
        %get3A_1453 = arith.constant 32 : index
        %get3A_1454 = tpu.vector_load %arg12[%get3A_1452, %get3A_1453] {strides = array<i32>} : memref<96x64xi32, #tpu.memory_space<vmem>>, vector<16xi32>,
        %shift_left3A_1455 = arith.constant 16 : i32
        %shift_left3A_1456 = vector.broadcast %shift_left3A_1455 : i32 to vector<16xi32>
        %shift_left3A_1457 = arith.shli %get3A_1454, %shift_left3A_1456 : vector<16xi32>
        %bitcast3A_1458 = vector.bitcast %shift_left3A_1457 : vector<16xi32> to vector<16xf32>
        %bitcast3A_1459 = vector.bitcast %get3A_1454 : vector<16xi32> to vector<16xf32>
        %mul3A_1460 = vector.broadcast %squeeze3A_1413 : f32 to vector<16xf32>
        %mul3A_1461 = arith.mulf %bitcast3A_1458, %mul3A_1460 : vector<16xf32>
        %swap3A_1462 = arith.index_cast %add3A_1415 : i32 to index
        %swap3A_1463 = arith.constant 64 : index
        %swap3A_1464 = tpu.vector_load %arg14[%swap3A_1462, %swap3A_1463] {strides = array<i32>} : memref<96x128xf32, #tpu.memory_space<vmem>>, vector<16xf32>,
        tpu.vector_store %arg14[%swap3A_1462, %swap3A_1463], %mul3A_1461 {strides = array<i32>} : memref<96x128xf32, #tpu.memory_space<vmem>>, vector<16xf32>,
        %mul3A_1465 = vector.broadcast %squeeze3A_1413 : f32 to vector<16xf32>
        %mul3A_1466 = arith.mulf %bitcast3A_1459, %mul3A_1465 : vector<16xf32>
        %swap3A_1467 = arith.index_cast %add3A_1415 : i32 to index
        %swap3A_1468 = arith.constant 80 : index
        %swap3A_1469 = tpu.vector_load %arg14[%swap3A_1467, %swap3A_1468] {strides = array<i32>} : memref<96x128xf32, #tpu.memory_space<vmem>>, vector<16xf32>,
        tpu.vector_store %arg14[%swap3A_1467, %swap3A_1468], %mul3A_1466 {strides = array<i32>} : memref<96x128xf32, #tpu.memory_space<vmem>>, vector<16xf32>,
        %get3A_1470 = arith.index_cast %add3A_1415 : i32 to index
        %get3A_1471 = arith.constant 48 : index
        %get3A_1472 = tpu.vector_load %arg12[%get3A_1470, %get3A_1471] {strides = array<i32>} : memref<96x64xi32, #tpu.memory_space<vmem>>, vector<16xi32>,
        %shift_left3A_1473 = arith.constant 16 : i32
        %shift_left3A_1474 = vector.broadcast %shift_left3A_1473 : i32 to vector<16xi32>
        %shift_left3A_1475 = arith.shli %get3A_1472, %shift_left3A_1474 : vector<16xi32>
        %bitcast3A_1476 = vector.bitcast %shift_left3A_1475 : vector<16xi32> to vector<16xf32>
        %bitcast3A_1477 = vector.bitcast %get3A_1472 : vector<16xi32> to vector<16xf32>
        %mul3A_1478 = vector.broadcast %squeeze3A_1413 : f32 to vector<16xf32>
        %mul3A_1479 = arith.mulf %bitcast3A_1476, %mul3A_1478 : vector<16xf32>
        %swap3A_1480 = arith.index_cast %add3A_1415 : i32 to index
        %swap3A_1481 = arith.constant 96 : index
        %swap3A_1482 = tpu.vector_load %arg14[%swap3A_1480, %swap3A_1481] {strides = array<i32>} : memref<96x128xf32, #tpu.memory_space<vmem>>, vector<16xf32>,
        tpu.vector_store %arg14[%swap3A_1480, %swap3A_1481], %mul3A_1479 {strides = array<i32>} : memref<96x128xf32, #tpu.memory_space<vmem>>, vector<16xf32>,
        %mul3A_1483 = vector.broadcast %squeeze3A_1413 : f32 to vector<16xf32>
        %mul3A_1484 = arith.mulf %bitcast3A_1477, %mul3A_1483 : vector<16xf32>
        %swap3A_1485 = arith.index_cast %add3A_1415 : i32 to index
        %swap3A_1486 = arith.constant 112 : index
        %swap3A_1487 = tpu.vector_load %arg14[%swap3A_1485, %swap3A_1486] {strides = array<i32>} : memref<96x128xf32, #tpu.memory_space<vmem>>, vector<16xf32>,
        tpu.vector_store %arg14[%swap3A_1485, %swap3A_1486], %mul3A_1484 {strides = array<i32>} : memref<96x128xf32, #tpu.memory_space<vmem>>, vector<16xf32>,
        %slice3A_1488 = vector.extract_strided_slice %get3A_426 {offsets = [14], sizes = [1], strides = [1]} : vector<16xf32> to vector<1xf32>
        %squeeze3A_1489 = vector.extract %slice3A_1488[0] : f32 from vector<1xf32>
        %add3A_1490 = arith.constant 14 : i32
        %add3A_1491 = arith.addi %mul3A_422, %add3A_1490 : i32
        %get3A_1492 = arith.index_cast %add3A_1491 : i32 to index
        %get3A_1493 = arith.constant 0 : index
        %get3A_1494 = tpu.vector_load %arg12[%get3A_1492, %get3A_1493] {strides = array<i32>} : memref<96x64xi32, #tpu.memory_space<vmem>>, vector<16xi32>,
        %shift_left3A_1495 = arith.constant 16 : i32
        %shift_left3A_1496 = vector.broadcast %shift_left3A_1495 : i32 to vector<16xi32>
        %shift_left3A_1497 = arith.shli %get3A_1494, %shift_left3A_1496 : vector<16xi32>
        %bitcast3A_1498 = vector.bitcast %shift_left3A_1497 : vector<16xi32> to vector<16xf32>
        %bitcast3A_1499 = vector.bitcast %get3A_1494 : vector<16xi32> to vector<16xf32>
        %mul3A_1500 = vector.broadcast %squeeze3A_1489 : f32 to vector<16xf32>
        %mul3A_1501 = arith.mulf %bitcast3A_1498, %mul3A_1500 : vector<16xf32>
        %swap3A_1502 = arith.index_cast %add3A_1491 : i32 to index
        %swap3A_1503 = arith.constant 0 : index
        %swap3A_1504 = tpu.vector_load %arg14[%swap3A_1502, %swap3A_1503] {strides = array<i32>} : memref<96x128xf32, #tpu.memory_space<vmem>>, vector<16xf32>,
        tpu.vector_store %arg14[%swap3A_1502, %swap3A_1503], %mul3A_1501 {strides = array<i32>} : memref<96x128xf32, #tpu.memory_space<vmem>>, vector<16xf32>,
        %mul3A_1505 = vector.broadcast %squeeze3A_1489 : f32 to vector<16xf32>
        %mul3A_1506 = arith.mulf %bitcast3A_1499, %mul3A_1505 : vector<16xf32>
        %swap3A_1507 = arith.index_cast %add3A_1491 : i32 to index
        %swap3A_1508 = arith.constant 16 : index
        %swap3A_1509 = tpu.vector_load %arg14[%swap3A_1507, %swap3A_1508] {strides = array<i32>} : memref<96x128xf32, #tpu.memory_space<vmem>>, vector<16xf32>,
        tpu.vector_store %arg14[%swap3A_1507, %swap3A_1508], %mul3A_1506 {strides = array<i32>} : memref<96x128xf32, #tpu.memory_space<vmem>>, vector<16xf32>,
        %get3A_1510 = arith.index_cast %add3A_1491 : i32 to index
        %get3A_1511 = arith.constant 16 : index
        %get3A_1512 = tpu.vector_load %arg12[%get3A_1510, %get3A_1511] {strides = array<i32>} : memref<96x64xi32, #tpu.memory_space<vmem>>, vector<16xi32>,
        %shift_left3A_1513 = arith.constant 16 : i32
        %shift_left3A_1514 = vector.broadcast %shift_left3A_1513 : i32 to vector<16xi32>
        %shift_left3A_1515 = arith.shli %get3A_1512, %shift_left3A_1514 : vector<16xi32>
        %bitcast3A_1516 = vector.bitcast %shift_left3A_1515 : vector<16xi32> to vector<16xf32>
        %bitcast3A_1517 = vector.bitcast %get3A_1512 : vector<16xi32> to vector<16xf32>
        %mul3A_1518 = vector.broadcast %squeeze3A_1489 : f32 to vector<16xf32>
        %mul3A_1519 = arith.mulf %bitcast3A_1516, %mul3A_1518 : vector<16xf32>
        %swap3A_1520 = arith.index_cast %add3A_1491 : i32 to index
        %swap3A_1521 = arith.constant 32 : index
        %swap3A_1522 = tpu.vector_load %arg14[%swap3A_1520, %swap3A_1521] {strides = array<i32>} : memref<96x128xf32, #tpu.memory_space<vmem>>, vector<16xf32>,
        tpu.vector_store %arg14[%swap3A_1520, %swap3A_1521], %mul3A_1519 {strides = array<i32>} : memref<96x128xf32, #tpu.memory_space<vmem>>, vector<16xf32>,
        %mul3A_1523 = vector.broadcast %squeeze3A_1489 : f32 to vector<16xf32>
        %mul3A_1524 = arith.mulf %bitcast3A_1517, %mul3A_1523 : vector<16xf32>
        %swap3A_1525 = arith.index_cast %add3A_1491 : i32 to index
        %swap3A_1526 = arith.constant 48 : index
        %swap3A_1527 = tpu.vector_load %arg14[%swap3A_1525, %swap3A_1526] {strides = array<i32>} : memref<96x128xf32, #tpu.memory_space<vmem>>, vector<16xf32>,
        tpu.vector_store %arg14[%swap3A_1525, %swap3A_1526], %mul3A_1524 {strides = array<i32>} : memref<96x128xf32, #tpu.memory_space<vmem>>, vector<16xf32>,
        %get3A_1528 = arith.index_cast %add3A_1491 : i32 to index
        %get3A_1529 = arith.constant 32 : index
        %get3A_1530 = tpu.vector_load %arg12[%get3A_1528, %get3A_1529] {strides = array<i32>} : memref<96x64xi32, #tpu.memory_space<vmem>>, vector<16xi32>,
        %shift_left3A_1531 = arith.constant 16 : i32
        %shift_left3A_1532 = vector.broadcast %shift_left3A_1531 : i32 to vector<16xi32>
        %shift_left3A_1533 = arith.shli %get3A_1530, %shift_left3A_1532 : vector<16xi32>
        %bitcast3A_1534 = vector.bitcast %shift_left3A_1533 : vector<16xi32> to vector<16xf32>
        %bitcast3A_1535 = vector.bitcast %get3A_1530 : vector<16xi32> to vector<16xf32>
        %mul3A_1536 = vector.broadcast %squeeze3A_1489 : f32 to vector<16xf32>
        %mul3A_1537 = arith.mulf %bitcast3A_1534, %mul3A_1536 : vector<16xf32>
        %swap3A_1538 = arith.index_cast %add3A_1491 : i32 to index
        %swap3A_1539 = arith.constant 64 : index
        %swap3A_1540 = tpu.vector_load %arg14[%swap3A_1538, %swap3A_1539] {strides = array<i32>} : memref<96x128xf32, #tpu.memory_space<vmem>>, vector<16xf32>,
        tpu.vector_store %arg14[%swap3A_1538, %swap3A_1539], %mul3A_1537 {strides = array<i32>} : memref<96x128xf32, #tpu.memory_space<vmem>>, vector<16xf32>,
        %mul3A_1541 = vector.broadcast %squeeze3A_1489 : f32 to vector<16xf32>
        %mul3A_1542 = arith.mulf %bitcast3A_1535, %mul3A_1541 : vector<16xf32>
        %swap3A_1543 = arith.index_cast %add3A_1491 : i32 to index
        %swap3A_1544 = arith.constant 80 : index
        %swap3A_1545 = tpu.vector_load %arg14[%swap3A_1543, %swap3A_1544] {strides = array<i32>} : memref<96x128xf32, #tpu.memory_space<vmem>>, vector<16xf32>,
        tpu.vector_store %arg14[%swap3A_1543, %swap3A_1544], %mul3A_1542 {strides = array<i32>} : memref<96x128xf32, #tpu.memory_space<vmem>>, vector<16xf32>,
        %get3A_1546 = arith.index_cast %add3A_1491 : i32 to index
        %get3A_1547 = arith.constant 48 : index
        %get3A_1548 = tpu.vector_load %arg12[%get3A_1546, %get3A_1547] {strides = array<i32>} : memref<96x64xi32, #tpu.memory_space<vmem>>, vector<16xi32>,
        %shift_left3A_1549 = arith.constant 16 : i32
        %shift_left3A_1550 = vector.broadcast %shift_left3A_1549 : i32 to vector<16xi32>
        %shift_left3A_1551 = arith.shli %get3A_1548, %shift_left3A_1550 : vector<16xi32>
        %bitcast3A_1552 = vector.bitcast %shift_left3A_1551 : vector<16xi32> to vector<16xf32>
        %bitcast3A_1553 = vector.bitcast %get3A_1548 : vector<16xi32> to vector<16xf32>
        %mul3A_1554 = vector.broadcast %squeeze3A_1489 : f32 to vector<16xf32>
        %mul3A_1555 = arith.mulf %bitcast3A_1552, %mul3A_1554 : vector<16xf32>
        %swap3A_1556 = arith.index_cast %add3A_1491 : i32 to index
        %swap3A_1557 = arith.constant 96 : index
        %swap3A_1558 = tpu.vector_load %arg14[%swap3A_1556, %swap3A_1557] {strides = array<i32>} : memref<96x128xf32, #tpu.memory_space<vmem>>, vector<16xf32>,
        tpu.vector_store %arg14[%swap3A_1556, %swap3A_1557], %mul3A_1555 {strides = array<i32>} : memref<96x128xf32, #tpu.memory_space<vmem>>, vector<16xf32>,
        %mul3A_1559 = vector.broadcast %squeeze3A_1489 : f32 to vector<16xf32>
        %mul3A_1560 = arith.mulf %bitcast3A_1553, %mul3A_1559 : vector<16xf32>
        %swap3A_1561 = arith.index_cast %add3A_1491 : i32 to index
        %swap3A_1562 = arith.constant 112 : index
        %swap3A_1563 = tpu.vector_load %arg14[%swap3A_1561, %swap3A_1562] {strides = array<i32>} : memref<96x128xf32, #tpu.memory_space<vmem>>, vector<16xf32>,
        tpu.vector_store %arg14[%swap3A_1561, %swap3A_1562], %mul3A_1560 {strides = array<i32>} : memref<96x128xf32, #tpu.memory_space<vmem>>, vector<16xf32>,
        %slice3A_1564 = vector.extract_strided_slice %get3A_426 {offsets = [15], sizes = [1], strides = [1]} : vector<16xf32> to vector<1xf32>
        %squeeze3A_1565 = vector.extract %slice3A_1564[0] : f32 from vector<1xf32>
        %add3A_1566 = arith.constant 15 : i32
        %add3A_1567 = arith.addi %mul3A_422, %add3A_1566 : i32
        %get3A_1568 = arith.index_cast %add3A_1567 : i32 to index
        %get3A_1569 = arith.constant 0 : index
        %get3A_1570 = tpu.vector_load %arg12[%get3A_1568, %get3A_1569] {strides = array<i32>} : memref<96x64xi32, #tpu.memory_space<vmem>>, vector<16xi32>,
        %shift_left3A_1571 = arith.constant 16 : i32
        %shift_left3A_1572 = vector.broadcast %shift_left3A_1571 : i32 to vector<16xi32>
        %shift_left3A_1573 = arith.shli %get3A_1570, %shift_left3A_1572 : vector<16xi32>
        %bitcast3A_1574 = vector.bitcast %shift_left3A_1573 : vector<16xi32> to vector<16xf32>
        %bitcast3A_1575 = vector.bitcast %get3A_1570 : vector<16xi32> to vector<16xf32>
        %mul3A_1576 = vector.broadcast %squeeze3A_1565 : f32 to vector<16xf32>
        %mul3A_1577 = arith.mulf %bitcast3A_1574, %mul3A_1576 : vector<16xf32>
        %swap3A_1578 = arith.index_cast %add3A_1567 : i32 to index
        %swap3A_1579 = arith.constant 0 : index
        %swap3A_1580 = tpu.vector_load %arg14[%swap3A_1578, %swap3A_1579] {strides = array<i32>} : memref<96x128xf32, #tpu.memory_space<vmem>>, vector<16xf32>,
        tpu.vector_store %arg14[%swap3A_1578, %swap3A_1579], %mul3A_1577 {strides = array<i32>} : memref<96x128xf32, #tpu.memory_space<vmem>>, vector<16xf32>,
        %mul3A_1581 = vector.broadcast %squeeze3A_1565 : f32 to vector<16xf32>
        %mul3A_1582 = arith.mulf %bitcast3A_1575, %mul3A_1581 : vector<16xf32>
        %swap3A_1583 = arith.index_cast %add3A_1567 : i32 to index
        %swap3A_1584 = arith.constant 16 : index
        %swap3A_1585 = tpu.vector_load %arg14[%swap3A_1583, %swap3A_1584] {strides = array<i32>} : memref<96x128xf32, #tpu.memory_space<vmem>>, vector<16xf32>,
        tpu.vector_store %arg14[%swap3A_1583, %swap3A_1584], %mul3A_1582 {strides = array<i32>} : memref<96x128xf32, #tpu.memory_space<vmem>>, vector<16xf32>,
        %get3A_1586 = arith.index_cast %add3A_1567 : i32 to index
        %get3A_1587 = arith.constant 16 : index
        %get3A_1588 = tpu.vector_load %arg12[%get3A_1586, %get3A_1587] {strides = array<i32>} : memref<96x64xi32, #tpu.memory_space<vmem>>, vector<16xi32>,
        %shift_left3A_1589 = arith.constant 16 : i32
        %shift_left3A_1590 = vector.broadcast %shift_left3A_1589 : i32 to vector<16xi32>
        %shift_left3A_1591 = arith.shli %get3A_1588, %shift_left3A_1590 : vector<16xi32>
        %bitcast3A_1592 = vector.bitcast %shift_left3A_1591 : vector<16xi32> to vector<16xf32>
        %bitcast3A_1593 = vector.bitcast %get3A_1588 : vector<16xi32> to vector<16xf32>
        %mul3A_1594 = vector.broadcast %squeeze3A_1565 : f32 to vector<16xf32>
        %mul3A_1595 = arith.mulf %bitcast3A_1592, %mul3A_1594 : vector<16xf32>
        %swap3A_1596 = arith.index_cast %add3A_1567 : i32 to index
        %swap3A_1597 = arith.constant 32 : index
        %swap3A_1598 = tpu.vector_load %arg14[%swap3A_1596, %swap3A_1597] {strides = array<i32>} : memref<96x128xf32, #tpu.memory_space<vmem>>, vector<16xf32>,
        tpu.vector_store %arg14[%swap3A_1596, %swap3A_1597], %mul3A_1595 {strides = array<i32>} : memref<96x128xf32, #tpu.memory_space<vmem>>, vector<16xf32>,
        %mul3A_1599 = vector.broadcast %squeeze3A_1565 : f32 to vector<16xf32>
        %mul3A_1600 = arith.mulf %bitcast3A_1593, %mul3A_1599 : vector<16xf32>
        %swap3A_1601 = arith.index_cast %add3A_1567 : i32 to index
        %swap3A_1602 = arith.constant 48 : index
        %swap3A_1603 = tpu.vector_load %arg14[%swap3A_1601, %swap3A_1602] {strides = array<i32>} : memref<96x128xf32, #tpu.memory_space<vmem>>, vector<16xf32>,
        tpu.vector_store %arg14[%swap3A_1601, %swap3A_1602], %mul3A_1600 {strides = array<i32>} : memref<96x128xf32, #tpu.memory_space<vmem>>, vector<16xf32>,
        %get3A_1604 = arith.index_cast %add3A_1567 : i32 to index
        %get3A_1605 = arith.constant 32 : index
        %get3A_1606 = tpu.vector_load %arg12[%get3A_1604, %get3A_1605] {strides = array<i32>} : memref<96x64xi32, #tpu.memory_space<vmem>>, vector<16xi32>,
        %shift_left3A_1607 = arith.constant 16 : i32
        %shift_left3A_1608 = vector.broadcast %shift_left3A_1607 : i32 to vector<16xi32>
        %shift_left3A_1609 = arith.shli %get3A_1606, %shift_left3A_1608 : vector<16xi32>
        %bitcast3A_1610 = vector.bitcast %shift_left3A_1609 : vector<16xi32> to vector<16xf32>
        %bitcast3A_1611 = vector.bitcast %get3A_1606 : vector<16xi32> to vector<16xf32>
        %mul3A_1612 = vector.broadcast %squeeze3A_1565 : f32 to vector<16xf32>
        %mul3A_1613 = arith.mulf %bitcast3A_1610, %mul3A_1612 : vector<16xf32>
        %swap3A_1614 = arith.index_cast %add3A_1567 : i32 to index
        %swap3A_1615 = arith.constant 64 : index
        %swap3A_1616 = tpu.vector_load %arg14[%swap3A_1614, %swap3A_1615] {strides = array<i32>} : memref<96x128xf32, #tpu.memory_space<vmem>>, vector<16xf32>,
        tpu.vector_store %arg14[%swap3A_1614, %swap3A_1615], %mul3A_1613 {strides = array<i32>} : memref<96x128xf32, #tpu.memory_space<vmem>>, vector<16xf32>,
        %mul3A_1617 = vector.broadcast %squeeze3A_1565 : f32 to vector<16xf32>
        %mul3A_1618 = arith.mulf %bitcast3A_1611, %mul3A_1617 : vector<16xf32>
        %swap3A_1619 = arith.index_cast %add3A_1567 : i32 to index
        %swap3A_1620 = arith.constant 80 : index
        %swap3A_1621 = tpu.vector_load %arg14[%swap3A_1619, %swap3A_1620] {strides = array<i32>} : memref<96x128xf32, #tpu.memory_space<vmem>>, vector<16xf32>,
        tpu.vector_store %arg14[%swap3A_1619, %swap3A_1620], %mul3A_1618 {strides = array<i32>} : memref<96x128xf32, #tpu.memory_space<vmem>>, vector<16xf32>,
        %get3A_1622 = arith.index_cast %add3A_1567 : i32 to index
        %get3A_1623 = arith.constant 48 : index
        %get3A_1624 = tpu.vector_load %arg12[%get3A_1622, %get3A_1623] {strides = array<i32>} : memref<96x64xi32, #tpu.memory_space<vmem>>, vector<16xi32>,
        %shift_left3A_1625 = arith.constant 16 : i32
        %shift_left3A_1626 = vector.broadcast %shift_left3A_1625 : i32 to vector<16xi32>
        %shift_left3A_1627 = arith.shli %get3A_1624, %shift_left3A_1626 : vector<16xi32>
        %bitcast3A_1628 = vector.bitcast %shift_left3A_1627 : vector<16xi32> to vector<16xf32>
        %bitcast3A_1629 = vector.bitcast %get3A_1624 : vector<16xi32> to vector<16xf32>
        %mul3A_1630 = vector.broadcast %squeeze3A_1565 : f32 to vector<16xf32>
        %mul3A_1631 = arith.mulf %bitcast3A_1628, %mul3A_1630 : vector<16xf32>
        %swap3A_1632 = arith.index_cast %add3A_1567 : i32 to index
        %swap3A_1633 = arith.constant 96 : index
        %swap3A_1634 = tpu.vector_load %arg14[%swap3A_1632, %swap3A_1633] {strides = array<i32>} : memref<96x128xf32, #tpu.memory_space<vmem>>, vector<16xf32>,
        tpu.vector_store %arg14[%swap3A_1632, %swap3A_1633], %mul3A_1631 {strides = array<i32>} : memref<96x128xf32, #tpu.memory_space<vmem>>, vector<16xf32>,
        %mul3A_1635 = vector.broadcast %squeeze3A_1565 : f32 to vector<16xf32>
        %mul3A_1636 = arith.mulf %bitcast3A_1629, %mul3A_1635 : vector<16xf32>
        %swap3A_1637 = arith.index_cast %add3A_1567 : i32 to index
        %swap3A_1638 = arith.constant 112 : index
        %swap3A_1639 = tpu.vector_load %arg14[%swap3A_1637, %swap3A_1638] {strides = array<i32>} : memref<96x128xf32, #tpu.memory_space<vmem>>, vector<16xf32>,
        tpu.vector_store %arg14[%swap3A_1637, %swap3A_1638], %mul3A_1636 {strides = array<i32>} : memref<96x128xf32, #tpu.memory_space<vmem>>, vector<16xf32>,
      }
      %scan3A_407 = arith.constant 6 : i32
      %dma_start3A_408 = arith.constant 0 : i32
      %dma_start3A_409 = arith.constant 0 : i32
      %dma_start3A_410 = tpu.memref_slice %arg16[%dma_start3A_408, %dma_start3A_409] : memref<1x96xi32, #tpu.memory_space<vmem>> -> memref<1x96xi32, #tpu.memory_space<vmem>>
      %dma_start3A_411 = tpu.memref_squeeze %dma_start3A_410 : memref<1x96xi32, #tpu.memory_space<vmem>> -> memref<96xi32, #tpu.memory_space<vmem>>
      %dma_start3A_412 = arith.constant 0 : i32
      %dma_start3A_413 = arith.constant 0 : i32
      %dma_start3A_414 = tpu.memref_slice %arg20[%dma_start3A_412, %dma_start3A_413] : memref<10240x128xf32, #tpu.memory_space<vmem_shared>> -> memref<10240x128xf32, #tpu.memory_space<vmem_shared>>
      tpu.enqueue_indirect_dma source(%arg14 : memref<96x128xf32, #tpu.memory_space<vmem>>) target(%dma_start3A_414 : memref<10240x128xf32, #tpu.memory_space<vmem_shared>>) offsets(%dma_start3A_411 : memref<96xi32, #tpu.memory_space<vmem>>) semaphore(%arg26 : memref<!tpu.dma_semaphore, #tpu.memory_space<semaphore_mem>>) {add = true}
      %lt3A_415 = arith.constant 52 : i32
      %lt3A_416 = arith.cmpi slt, %scan3A_158, %lt3A_415 : i32
      %convert_element_type3A_417 = arith.extui %lt3A_416 : i1 to i32
      %cond3A_418 = arith.constant 0 : i32
      %cond3A_419 = arith.cmpi ne, %convert_element_type3A_417, %cond3A_418 : i32
      scf.if %cond3A_419 {
        %mul3A_420 = arith.constant 106 : i32
        %mul3A_421 = arith.muli %add3A, %mul3A_420 : i32
        %dma_wait3A_422 = arith.constant 0 : i32
        %dma_wait3A_423 = arith.constant 0 : i32
        %dma_wait3A_424 = tpu.memref_slice %arg2[%mul3A_421, %dma_wait3A_422, %dma_wait3A_423] : memref<3392x3x96xi32, #tpu.memory_space<hbm>> -> memref<1x3x96xi32, #tpu.memory_space<hbm>>
        %dma_wait3A_425 = tpu.memref_squeeze %dma_wait3A_424 : memref<1x3x96xi32, #tpu.memory_space<hbm>> -> memref<3x96xi32, #tpu.memory_space<hbm>>
        %dma_wait3A_426 = arith.constant 0 : i32
        %dma_wait3A_427 = arith.constant 0 : i32
        %dma_wait3A_428 = tpu.memref_slice %arg2[%mul3A_421, %dma_wait3A_426, %dma_wait3A_427] : memref<3392x3x96xi32, #tpu.memory_space<hbm>> -> memref<1x3x96xi32, #tpu.memory_space<hbm>>
        %dma_wait3A_429 = tpu.memref_squeeze %dma_wait3A_428 : memref<1x3x96xi32, #tpu.memory_space<hbm>> -> memref<3x96xi32, #tpu.memory_space<hbm>>
        tpu.wait_dma2 semaphore(%arg22 : memref<!tpu.dma_semaphore, #tpu.memory_space<semaphore_mem>>) src(%dma_wait3A_429 : memref<3x96xi32, #tpu.memory_space<hbm>>) dst(%arg8 : memref<3x96xi32, #tpu.memory_space<vmem>>)
        %get3A_430 = arith.constant 1 : i32
        %get3A_431 = arith.index_cast %get3A_430 : i32 to index
        %get3A_432 = arith.constant 0 : index
        %get3A_433 = tpu.vector_load %arg8[%get3A_431, %get3A_432] {strides = array<i32>} : memref<3x96xi32, #tpu.memory_space<vmem>>, vector<16xi32>,
        %gather3A_434 = tpu.vector_load_idx %arg19[%get3A_433] : memref<10000xi32, #tpu.memory_space<vmem>>[vector<16xi32>], vector<16xi32>,
        %swap3A_435 = arith.constant 0 : index
        %swap3A_436 = tpu.vector_load %arg10[%swap3A_435] {strides = array<i32>} : memref<96xi32, #tpu.memory_space<vmem>>, vector<16xi32>,
        tpu.vector_store %arg10[%swap3A_435], %gather3A_434 {strides = array<i32>} : memref<96xi32, #tpu.memory_space<vmem>>, vector<16xi32>,
        %get3A_437 = arith.constant 1 : i32
        %get3A_438 = arith.index_cast %get3A_437 : i32 to index
        %get3A_439 = arith.constant 16 : index
        %get3A_440 = tpu.vector_load %arg8[%get3A_438, %get3A_439] {strides = array<i32>} : memref<3x96xi32, #tpu.memory_space<vmem>>, vector<16xi32>,
        %gather3A_441 = tpu.vector_load_idx %arg19[%get3A_440] : memref<10000xi32, #tpu.memory_space<vmem>>[vector<16xi32>], vector<16xi32>,
        %swap3A_442 = arith.constant 16 : index
        %swap3A_443 = tpu.vector_load %arg10[%swap3A_442] {strides = array<i32>} : memref<96xi32, #tpu.memory_space<vmem>>, vector<16xi32>,
        tpu.vector_store %arg10[%swap3A_442], %gather3A_441 {strides = array<i32>} : memref<96xi32, #tpu.memory_space<vmem>>, vector<16xi32>,
        %get3A_444 = arith.constant 1 : i32
        %get3A_445 = arith.index_cast %get3A_444 : i32 to index
        %get3A_446 = arith.constant 32 : index
        %get3A_447 = tpu.vector_load %arg8[%get3A_445, %get3A_446] {strides = array<i32>} : memref<3x96xi32, #tpu.memory_space<vmem>>, vector<16xi32>,
        %gather3A_448 = tpu.vector_load_idx %arg19[%get3A_447] : memref<10000xi32, #tpu.memory_space<vmem>>[vector<16xi32>], vector<16xi32>,
        %swap3A_449 = arith.constant 32 : index
        %swap3A_450 = tpu.vector_load %arg10[%swap3A_449] {strides = array<i32>} : memref<96xi32, #tpu.memory_space<vmem>>, vector<16xi32>,
        tpu.vector_store %arg10[%swap3A_449], %gather3A_448 {strides = array<i32>} : memref<96xi32, #tpu.memory_space<vmem>>, vector<16xi32>,
        %get3A_451 = arith.constant 1 : i32
        %get3A_452 = arith.index_cast %get3A_451 : i32 to index
        %get3A_453 = arith.constant 48 : index
        %get3A_454 = tpu.vector_load %arg8[%get3A_452, %get3A_453] {strides = array<i32>} : memref<3x96xi32, #tpu.memory_space<vmem>>, vector<16xi32>,
        %gather3A_455 = tpu.vector_load_idx %arg19[%get3A_454] : memref<10000xi32, #tpu.memory_space<vmem>>[vector<16xi32>], vector<16xi32>,
        %swap3A_456 = arith.constant 48 : index
        %swap3A_457 = tpu.vector_load %arg10[%swap3A_456] {strides = array<i32>} : memref<96xi32, #tpu.memory_space<vmem>>, vector<16xi32>,
        tpu.vector_store %arg10[%swap3A_456], %gather3A_455 {strides = array<i32>} : memref<96xi32, #tpu.memory_space<vmem>>, vector<16xi32>,
        %get3A_458 = arith.constant 1 : i32
        %get3A_459 = arith.index_cast %get3A_458 : i32 to index
        %get3A_460 = arith.constant 64 : index
        %get3A_461 = tpu.vector_load %arg8[%get3A_459, %get3A_460] {strides = array<i32>} : memref<3x96xi32, #tpu.memory_space<vmem>>, vector<16xi32>,
        %gather3A_462 = tpu.vector_load_idx %arg19[%get3A_461] : memref<10000xi32, #tpu.memory_space<vmem>>[vector<16xi32>], vector<16xi32>,
        %swap3A_463 = arith.constant 64 : index
        %swap3A_464 = tpu.vector_load %arg10[%swap3A_463] {strides = array<i32>} : memref<96xi32, #tpu.memory_space<vmem>>, vector<16xi32>,
        tpu.vector_store %arg10[%swap3A_463], %gather3A_462 {strides = array<i32>} : memref<96xi32, #tpu.memory_space<vmem>>, vector<16xi32>,
        %get3A_465 = arith.constant 1 : i32
        %get3A_466 = arith.index_cast %get3A_465 : i32 to index
        %get3A_467 = arith.constant 80 : index
        %get3A_468 = tpu.vector_load %arg8[%get3A_466, %get3A_467] {strides = array<i32>} : memref<3x96xi32, #tpu.memory_space<vmem>>, vector<16xi32>,
        %gather3A_469 = tpu.vector_load_idx %arg19[%get3A_468] : memref<10000xi32, #tpu.memory_space<vmem>>[vector<16xi32>], vector<16xi32>,
        %swap3A_470 = arith.constant 80 : index
        %swap3A_471 = tpu.vector_load %arg10[%swap3A_470] {strides = array<i32>} : memref<96xi32, #tpu.memory_space<vmem>>, vector<16xi32>,
        tpu.vector_store %arg10[%swap3A_470], %gather3A_469 {strides = array<i32>} : memref<96xi32, #tpu.memory_space<vmem>>, vector<16xi32>,
        %dma_start3A_472 = arith.constant 0 : i32
        %dma_start3A_473 = arith.constant 0 : i32
        %dma_start3A_474 = tpu.memref_slice %arg5[%dma_start3A_472, %dma_start3A_473] : memref<10001x64xi32, #tpu.memory_space<hbm>> -> memref<10001x64xi32, #tpu.memory_space<hbm>>
        tpu.enqueue_indirect_dma source(%dma_start3A_474 : memref<10001x64xi32, #tpu.memory_space<hbm>>) target(%arg12 : memref<96x64xi32, #tpu.memory_space<vmem>>) offsets(%arg10 : memref<96xi32, #tpu.memory_space<vmem>>) semaphore(%arg24 : memref<!tpu.dma_semaphore, #tpu.memory_space<semaphore_mem>>)
      } else {
      }
    }
    %scan3A_138 = arith.constant 53 : i32
    %dma_wait3A_139 = arith.constant 0 : i32
    %dma_wait3A_140 = arith.constant 0 : i32
    %dma_wait3A_141 = tpu.memref_slice %arg15[%dma_wait3A_139, %dma_wait3A_140] : memref<1x96xi32, #tpu.memory_space<vmem>> -> memref<1x96xi32, #tpu.memory_space<vmem>>
    %dma_wait3A_142 = tpu.memref_squeeze %dma_wait3A_141 : memref<1x96xi32, #tpu.memory_space<vmem>> -> memref<96xi32, #tpu.memory_space<vmem>>
    %dma_wait3A_143 = arith.constant 0 : i32
    %dma_wait3A_144 = arith.constant 0 : i32
    %dma_wait3A_145 = tpu.memref_slice %arg20[%dma_wait3A_143, %dma_wait3A_144] : memref<10240x128xf32, #tpu.memory_space<vmem_shared>> -> memref<10240x128xf32, #tpu.memory_space<vmem_shared>>
    tpu.wait_indirect_dma semaphore(%arg25 : memref<!tpu.dma_semaphore, #tpu.memory_space<semaphore_mem>>) src(%arg13 : memref<96x128xf32, #tpu.memory_space<vmem>>) dst(%dma_wait3A_145 : memref<10240x128xf32, #tpu.memory_space<vmem_shared>>)
    %dma_wait3A_146 = arith.constant 0 : i32
    %dma_wait3A_147 = arith.constant 0 : i32
    %dma_wait3A_148 = tpu.memref_slice %arg16[%dma_wait3A_146, %dma_wait3A_147] : memref<1x96xi32, #tpu.memory_space<vmem>> -> memref<1x96xi32, #tpu.memory_space<vmem>>
    %dma_wait3A_149 = tpu.memref_squeeze %dma_wait3A_148 : memref<1x96xi32, #tpu.memory_space<vmem>> -> memref<96xi32, #tpu.memory_space<vmem>>
    %dma_wait3A_150 = arith.constant 0 : i32
    %dma_wait3A_151 = arith.constant 0 : i32
    %dma_wait3A_152 = tpu.memref_slice %arg20[%dma_wait3A_150, %dma_wait3A_151] : memref<10240x128xf32, #tpu.memory_space<vmem_shared>> -> memref<10240x128xf32, #tpu.memory_space<vmem_shared>>
    tpu.wait_indirect_dma semaphore(%arg26 : memref<!tpu.dma_semaphore, #tpu.memory_space<semaphore_mem>>) src(%arg14 : memref<96x128xf32, #tpu.memory_space<vmem>>) dst(%dma_wait3A_152 : memref<10240x128xf32, #tpu.memory_space<vmem_shared>>)
    %barrier3A_153 = arith.constant 0 : index
    tpu.barrier barrier_id(%barrier3A_153)
    %mul3A_154 = arith.constant 640 : i32
    %mul3A_155 = arith.muli %arg1, %mul3A_154 : i32
    %mul3A_156 = arith.constant 640 : i32
    %mul3A_157 = arith.muli %arg1, %mul3A_156 : i32
    "tpu.region"() ({
      %run_scoped3A = tpu.sem_alloc : memref<!tpu.dma_semaphore, #tpu.memory_space<semaphore_mem>>
      %dma_start3A_158 = arith.constant 0 : i32
      %dma_start3A_159 = tpu.memref_slice %arg6[%arg0, %mul3A_157, %dma_start3A_158] : memref<2x10240x128xf32, #tpu.memory_space<hbm>> -> memref<1x640x128xf32, #tpu.memory_space<hbm>>
      %dma_start3A_160 = tpu.memref_squeeze %dma_start3A_159 : memref<1x640x128xf32, #tpu.memory_space<hbm>> -> memref<640x128xf32, #tpu.memory_space<hbm>>
      %dma_start3A_161 = arith.constant 0 : i32
      %dma_start3A_162 = tpu.memref_slice %arg20[%mul3A_155, %dma_start3A_161] : memref<10240x128xf32, #tpu.memory_space<vmem_shared>> -> memref<640x128xf32, #tpu.memory_space<vmem_shared>>
      tpu.enqueue_dma source(%dma_start3A_162 : memref<640x128xf32, #tpu.memory_space<vmem_shared>>) target(%dma_start3A_160 : memref<640x128xf32, #tpu.memory_space<hbm>>) target_semaphore(%run_scoped3A : memref<!tpu.dma_semaphore, #tpu.memory_space<semaphore_mem>>)
      %dma_wait3A_163 = arith.constant 0 : i32
      %dma_wait3A_164 = tpu.memref_slice %arg6[%arg0, %mul3A_157, %dma_wait3A_163] : memref<2x10240x128xf32, #tpu.memory_space<hbm>> -> memref<1x640x128xf32, #tpu.memory_space<hbm>>
      %dma_wait3A_165 = tpu.memref_squeeze %dma_wait3A_164 : memref<1x640x128xf32, #tpu.memory_space<hbm>> -> memref<640x128xf32, #tpu.memory_space<hbm>>
      %dma_wait3A_166 = arith.constant 0 : i32
      %dma_wait3A_167 = tpu.memref_slice %arg20[%mul3A_155, %dma_wait3A_166] : memref<10240x128xf32, #tpu.memory_space<vmem_shared>> -> memref<640x128xf32, #tpu.memory_space<vmem_shared>>
      tpu.wait_dma2 semaphore(%run_scoped3A : memref<!tpu.dma_semaphore, #tpu.memory_space<semaphore_mem>>) src(%dma_wait3A_167 : memref<640x128xf32, #tpu.memory_space<vmem_shared>>) dst(%dma_wait3A_165 : memref<640x128xf32, #tpu.memory_space<hbm>>)
      tpu.yield
    }) : () -> ()
    return
  }
}

module attributes {stable_mosaic.version = 14 : i64} {
  func.func @body(%arg0: i32, %arg1: memref<2000x128xf32, #tpu.memory_space<vmem>>, %arg2: memref<2000x128xf32, #tpu.memory_space<vmem>>, %arg3: memref<2000x128xf32, #tpu.memory_space<vmem>>, %arg4: memref<128x128xf32, #tpu.memory_space<vmem>>, %arg5: memref<128x128xf32, #tpu.memory_space<vmem>>, %arg6: memref<1x128xf32, #tpu.memory_space<vmem>>, %arg7: memref<2000x128xf32, #tpu.memory_space<vmem>>) attributes {dimension_semantics = [#tpu.dimension_semantics<arbitrary>], iteration_bounds = array<i64: 5>, scalar_prefetch = 0 : i64, scratch_operands = 0 : i64, tpu.core_type = #tpu.core_type<tc>, window_params = [{transform_indices = @transform_0, window_bounds = array<i64: 2000, 128>}, {transform_indices = @transform_1, window_bounds = array<i64: 2000, 128>}, {transform_indices = @transform_2, window_bounds = array<i64: 2000, 128>}, {pipeline_mode = #tpu.pipeline_mode<synchronous>, transform_indices = @transform_3, window_bounds = array<i64: 128, 128>}, {pipeline_mode = #tpu.pipeline_mode<synchronous>, transform_indices = @transform_4, window_bounds = array<i64: 128, 128>}, {pipeline_mode = #tpu.pipeline_mode<synchronous>, transform_indices = @transform_5, window_bounds = array<i64: 1, 128>}, {transform_indices = @transform_6, window_bounds = array<i64: 2000, 128>}]} {
    %get3A = arith.constant 0 : index
    %get3A_0 = arith.constant 0 : index
    %get3A_1 = vector.load %arg1[%get3A, %get3A_0] : memref<2000x128xf32, #tpu.memory_space<vmem>>, vector<2000x128xf32>
    %get3A_2 = arith.constant 0 : index
    %get3A_3 = arith.constant 0 : index
    %get3A_4 = vector.load %arg2[%get3A_2, %get3A_3] : memref<2000x128xf32, #tpu.memory_space<vmem>>, vector<2000x128xf32>
    %add3A = arith.addf %get3A_1, %get3A_4 : vector<2000x128xf32>
    %get3A_5 = arith.constant 0 : index
    %get3A_6 = arith.constant 0 : index
    %get3A_7 = vector.load %arg4[%get3A_5, %get3A_6] : memref<128x128xf32, #tpu.memory_space<vmem>>, vector<128x128xf32>
    %dot_general3A = arith.constant dense<0.000000e+00> : vector<2000x128xf32>
    %dot_general3A_8 = tpu.matmul %add3A, %get3A_7, %dot_general3A {dimension_numbers = #tpu.dot_dimension_numbers<[1], [0], [0], [1], [0, 0, 1, 1], [], []>, transpose_lhs_hint = false} : vector<2000x128xf32>, vector<128x128xf32>, vector<2000x128xf32> -> vector<2000x128xf32>
    %get3A_9 = arith.constant 0 : index
    %get3A_10 = arith.constant 0 : index
    %get3A_11 = vector.load %arg3[%get3A_9, %get3A_10] : memref<2000x128xf32, #tpu.memory_space<vmem>>, vector<2000x128xf32>
    %get3A_12 = arith.constant 0 : index
    %get3A_13 = arith.constant 0 : index
    %get3A_14 = vector.load %arg5[%get3A_12, %get3A_13] : memref<128x128xf32, #tpu.memory_space<vmem>>, vector<128x128xf32>
    %dot_general3A_15 = arith.constant dense<0.000000e+00> : vector<2000x128xf32>
    %dot_general3A_16 = tpu.matmul %get3A_11, %get3A_14, %dot_general3A_15 {dimension_numbers = #tpu.dot_dimension_numbers<[1], [0], [0], [1], [0, 0, 1, 1], [], []>, transpose_lhs_hint = false} : vector<2000x128xf32>, vector<128x128xf32>, vector<2000x128xf32> -> vector<2000x128xf32>
    %add3A_17 = arith.addf %dot_general3A_8, %dot_general3A_16 : vector<2000x128xf32>
    %get3A_18 = arith.constant 0 : index
    %get3A_19 = arith.constant 0 : index
    %get3A_20 = vector.load %arg6[%get3A_18, %get3A_19] : memref<1x128xf32, #tpu.memory_space<vmem>>, vector<1x128xf32>
    %add3A_21 = vector.broadcast %get3A_20 : vector<1x128xf32> to vector<2000x128xf32>
    %add3A_22 = arith.addf %add3A_17, %add3A_21 : vector<2000x128xf32>
    %logistic3A = arith.negf %add3A_22 : vector<2000x128xf32>
    %logistic3A_23 = math.exp %logistic3A : vector<2000x128xf32>
    %logistic3A_24 = arith.constant 1.000000e+00 : f32
    %logistic3A_25 = vector.broadcast %logistic3A_24 : f32 to vector<2000x128xf32>
    %logistic3A_26 = arith.addf %logistic3A_25, %logistic3A_23 : vector<2000x128xf32>
    %logistic3A_27 = arith.divf %logistic3A_25, %logistic3A_26 : vector<2000x128xf32>
    %mul3A = arith.mulf %add3A_22, %logistic3A_27 : vector<2000x128xf32>
    %swap3A = arith.constant 0 : index
    %swap3A_28 = arith.constant 0 : index
    %swap3A_29 = vector.load %arg7[%swap3A, %swap3A_28] : memref<2000x128xf32, #tpu.memory_space<vmem>>, vector<2000x128xf32>
    tpu.vector_store %arg7[%swap3A, %swap3A_28], %mul3A {strides = array<i32>} : memref<2000x128xf32, #tpu.memory_space<vmem>>, vector<2000x128xf32>,
    return
  }
  func.func @transform_0(%arg0: i32) -> (i32, i32) {
    %c0_i32 = arith.constant 0 : i32
    %c0_i32_0 = arith.constant 0 : i32
    return %arg0, %c0_i32 : i32, i32
  }
  func.func @transform_1(%arg0: i32) -> (i32, i32) {
    %c0_i32 = arith.constant 0 : i32
    %c0_i32_0 = arith.constant 0 : i32
    return %arg0, %c0_i32 : i32, i32
  }
  func.func @transform_2(%arg0: i32) -> (i32, i32) {
    %c0_i32 = arith.constant 0 : i32
    %c0_i32_0 = arith.constant 0 : i32
    return %arg0, %c0_i32 : i32, i32
  }
  func.func @transform_3(%arg0: i32) -> (i32, i32) {
    %c0_i32 = arith.constant 0 : i32
    %c0_i32_0 = arith.constant 0 : i32
    %c0_i32_1 = arith.constant 0 : i32
    return %c0_i32, %c0_i32_0 : i32, i32
  }
  func.func @transform_4(%arg0: i32) -> (i32, i32) {
    %c0_i32 = arith.constant 0 : i32
    %c0_i32_0 = arith.constant 0 : i32
    %c0_i32_1 = arith.constant 0 : i32
    return %c0_i32, %c0_i32_0 : i32, i32
  }
  func.func @transform_5(%arg0: i32) -> (i32, i32) {
    %c0_i32 = arith.constant 0 : i32
    %c0_i32_0 = arith.constant 0 : i32
    %c0_i32_1 = arith.constant 0 : i32
    return %c0_i32, %c0_i32_0 : i32, i32
  }
  func.func @transform_6(%arg0: i32) -> (i32, i32) {
    %c0_i32 = arith.constant 0 : i32
    %c0_i32_0 = arith.constant 0 : i32
    return %arg0, %c0_i32 : i32, i32
  }
}

</mosaic_0001>

<sc_bundles>
// kernel: kernel.4.cloned.1.call-start
scs
__scs_entry_jumppad:
0x0: {  	(pc) =	sbr.rel $0x88, $3  }
0x1: {  	(tag) =	ssettag $0x0;
	lr =	simm.s32 $0x1  }
0x2: {  	[smem:$0x3F9B] =	sst lr;
	_ =	strace $0xD0000000  }
0x3: {  	_ = 	snop  }
0x4: {  	_ = 	snop  }
0x5: {  	_ = 	snop  }
0x6: {  	_ = 	snop  }
0x7: {  	_ = 	snop  }
__scs_overlays_trampoline_lowered:
0x8: {  	[smem:$0x3FAA] =	sst s0  }
0x9: {  	[smem:$0x3FAB] =	sst s1  }
0xa: {  	[smem:$0x3FAC] =	sst s2  }
0xb: {  	[smem:$0x3FAD] =	sst s3  }
0xc: {  	[smem:$0x3FAE] =	sst s4  }
0xd: {  	[smem:$0x3FAF] =	sst s5  }
0xe: {  	[smem:$0x3FB0] =	sst s6  }
0xf: {  	[smem:$0x3FB1] =	sst s7  }
0x10: {  	[smem:$0x3FB2] =	sst s8  }
0x11: {  	[smem:$0x3FB3] =	sst s9;
	s0 =	simm.s32 @!p0 $0x0  }
0x12: {  	s1 =	sld [smem:$0x3F99];
	s0 =	simm.s32 @p0 $0x1  }
0x13: {  	[smem:$0x3FB4] =	sst s0;
	s0 =	simm.s32 @!p1 $0x0  }
0x14: {  	s2 =	sld [smem:$0x3F98];
	s0 =	simm.s32 @p1 $0x1  }
0x15: {  	[smem:$0x3FB5] =	sst s0;
	s0 =	simm.s32 @!p2 $0x0  }
0x16: {  	s3 =	sld [smem:$0x3FDB];
	s0 =	simm.s32 @p2 $0x1  }
0x17: {  	s4 =	simm.s32 $0x1BF5;
	[smem:$0x3FB7] =	sst s0  }
0x18: {  	s0 =	sld [smem:$0x3F9A];
	_ =	swait.ge [sflag:s4], $0x0  }
0x19: {  	s7 =	sld [smem:$0x3F9B]  }
0x1a: {  	s8 =	sadd.s32 $0xFFFFE003, lr  }
0x1b: {  	s9 =	sadd.s32 $0xFFFFFEF7, lr;
	s5 =	simm.s32 $0xFFFFFFFF;
	p2 =	slt.u32 s8, $0xFFFFF086  }
0x1c: {  	p1 =	slt.u32 s9, $0xF7A;
	s5 =	simm.s32 @!p2 $0x0  }
0x1d: {  	s5 =	simm.s32 @p1 $0x1;
	p0 =	seq.s32 s7, s2  }
0x1e: {  	s7 =	smul.u32 @!p0 $0xF7A, s2;
	p2 =	seq.s32 @!p0 s5, $0x0  }
0x1f: {  	s9 =	smul.u32 $0xF7A, s1;
	s8 =	simm.s32 @!p0 $0x1BF5;
	p2 =	por !p2, p0  }
0x20: {  	[sflag:s8] =	ssyncset.s32 @!p0 $0xFFFFF086;
	s6 =	sadd.s32 @!p0 s3, s7;
	s7 =	simm.s32 @!p0 $0x108  }
0x21: {  	s3 =	sadd.s32 s3, s9;
	s6 =	sadd.s32 @!p0 $0x88, s6;
	s7 =	simm.s32 @p2 $0x1082  }
0x22: {  	[simem:s7], [sflag:s8] =	dma.local @!p0 [hbm:s6], $0xF7A  }
0x23: {  	s9 =	sor.u32 $0xD0000000, s2;
	s6 =	simm.s32 $0x108;
	_ =	swait.ge @!p0 [sflag:s8], $0x0  }
0x24: {  	s3 =	sadd.s32 $0x88, s3;
	s6 =	simm.s32 @!p1 $0x1082;
	[sflag:s4] =	ssyncset.s32 $0xFFFFF086  }
0x25: {  	[simem:s6], [sflag:s4] =	dma.local [hbm:s3], $0xF7A  }
0x26: {  	[smem:$0x3F9B] =	sst s1;
	(tag) =	ssettag s2;
	_ =	strace s9  }
0x27: {  	s1 =	sld [smem:$0x3FAB]  }
0x28: {  	s2 =	sld [smem:$0x3FAC]  }
0x29: {  	s4 =	sld [smem:$0x3FAE]  }
0x2a: {  	p0 =	seq.s32 s5, $0x0;
	s5 =	sld [smem:$0x3FAF]  }
0x2b: {  	s6 =	sld [smem:$0x3FB0]  }
0x2c: {  	s7 =	sld [smem:$0x3FB1]  }
0x2d: {  	s3 =	simm.s32 $0x108;
	s8 =	sld [smem:$0x3FB2]  }
0x2e: {  	s3 =	simm.s32 @!p0 $0x1082;
	s9 =	sld [smem:$0x3FB3]  }
0x2f: {  	lr =	sadd.s32 s0, s3;
	s0 =	sld [smem:$0x3FAA]  }
0x30: {  	s3 =	sld [smem:$0x3FAD]  }
0x31: {  	[smem:$0x3FB6] =	sst s10  }
0x32: {  	s10 =	sld [smem:$0x3FB4];
	_ =	sdelay $0x3  }
0x33: {  	p0 =	seq.s32 s10, $0x1;
	s10 =	sld [smem:$0x3FB6];
	_ =	sdelay $0x3  }
0x34: {  	[smem:$0x3FB6] =	sst s10  }
0x35: {  	s10 =	sld [smem:$0x3FB5];
	_ =	sdelay $0x3  }
0x36: {  	p1 =	seq.s32 s10, $0x1;
	s10 =	sld [smem:$0x3FB6];
	_ =	sdelay $0x3  }
0x37: {  	[smem:$0x3FB6] =	sst s10  }
0x38: {  	s10 =	sld [smem:$0x3FB7]  }
0x39: {  	_ = 	snop;
	(pc) =	sbr.ind lr, $3  }
0x3a: {  	_ = 	snop  }
0x3b: {  	_ = 	snop  }
0x3c: {  	p2 =	seq.s32 s10, $0x1;
	s10 =	sld [smem:$0x3FB6]  }
0x3d: {  	_ =	shalt  }
0x3e: {  	_ =	shalt  }
0x3f: {  	_ =	shalt  }
0x40: {  	_ =	shalt  }
0x41: {  	_ =	shalt  }
0x42: {  	_ =	shalt  }
0x43: {  	_ =	shalt  }
0x44: {  	_ =	shalt  }
0x45: {  	_ =	shalt  }
0x46: {  	_ =	shalt  }
0x47: {  	_ =	shalt  }
0x48: {  	_ =	shalt  }
0x49: {  	_ =	shalt  }
0x4a: {  	_ =	shalt  }
0x4b: {  	_ =	shalt  }
0x4c: {  	_ =	shalt  }
0x4d: {  	_ =	shalt  }
0x4e: {  	_ =	shalt  }
0x4f: {  	_ =	shalt  }
0x50: {  	_ =	shalt  }
0x51: {  	_ =	shalt  }
0x52: {  	_ =	shalt  }
0x53: {  	_ =	shalt  }
0x54: {  	_ =	shalt  }
0x55: {  	_ =	shalt  }
0x56: {  	_ =	shalt  }
0x57: {  	_ =	shalt  }
0x58: {  	_ =	shalt  }
0x59: {  	_ =	shalt  }
0x5a: {  	_ =	shalt  }
0x5b: {  	_ =	shalt  }
0x5c: {  	_ =	shalt  }
0x5d: {  	_ =	shalt  }
0x5e: {  	_ =	shalt  }
0x5f: {  	_ =	shalt  }
0x60: {  	_ =	shalt  }
0x61: {  	_ =	shalt  }
0x62: {  	_ =	shalt  }
0x63: {  	_ =	shalt  }
0x64: {  	_ =	shalt  }
0x65: {  	_ =	shalt  }
0x66: {  	_ =	shalt  }
0x67: {  	_ =	shalt  }
0x68: {  	_ =	shalt  }
0x69: {  	_ =	shalt  }
0x6a: {  	_ =	shalt  }
0x6b: {  	_ =	shalt  }
0x6c: {  	_ =	shalt  }
0x6d: {  	_ =	shalt  }
0x6e: {  	_ =	shalt  }
0x6f: {  	_ =	shalt  }
0x70: {  	_ =	shalt  }
0x71: {  	_ =	shalt  }
0x72: {  	_ =	shalt  }
0x73: {  	_ =	shalt  }
0x74: {  	_ =	shalt  }
0x75: {  	_ =	shalt  }
0x76: {  	_ =	shalt  }
0x77: {  	_ =	shalt  }
0x78: {  	_ =	shalt  }
0x79: {  	_ =	shalt  }
0x7a: {  	_ =	shalt  }
0x7b: {  	_ =	shalt  }
0x7c: {  	_ =	shalt  }
0x7d: {  	_ =	shalt  }
0x7e: {  	_ =	shalt  }
0x7f: {  	_ =	shalt  }
0x80: {  	_ =	shalt  }
0x81: {  	_ =	shalt  }
0x82: {  	_ =	shalt  }
0x83: {  	_ =	shalt  }
0x84: {  	_ =	shalt  }
0x85: {  	_ =	shalt  }
0x86: {  	_ =	shalt  }
0x87: {  	_ =	shalt  }
.Lfunc_end0:
.L_simem_size_0:
called_computation_lowered:
.L_overlay_start_0:
0x88: {  	s2 =	sld [smem:$0x3FD9]  }
0x89: {  	s3 =	sld [smem:$0x3FFE];
	_ =	sdelay $0x1  }
0x8a: {  	s1 =	srdreg.scid  }
0x8b: {  	s0 =	sand.u32 $0x1, s1  }
0x8c: {  	s17 =	sshll.u32 s0, $0xA;
	s2 =	sadd.s32 s3, s2  }
0x8d: {  	s2 =	sadd.s32 s2, s17  }
0x8e: {  	[smem:$0x3FC2] =	sst s2  }
0x8f: {  	_ = 	snop  }
0x90: {  	s2 =	sld [smem:$0x3FC7]  }
0x91: {  	s18 =	sld [smem:$0x3FD0];
	(tm) =	ssettm $0x1  }
0x92: {  	s4 =	sld [smem:$0x3FFB];
	_ =	sdelay $0x3  }
0x93: {  	_ =	strace s4  }
0x94: {  	s4 =	sld [smem:$0x3FFC];
	_ =	sdelay $0x3  }
0x95: {  	_ =	strace s4  }
0x96: {  	s4 =	sld [smem:$0x3FFD];
	_ =	sdelay $0x3  }
0x97: {  	_ =	strace s4  }
0x98: {  	_ =	strace $0x8FFFFFFF  }
0x99: {  	s19 =	sld [smem:$0x3FDB];
	_ =	sdelay $0x1  }
0x9a: {  	s5 =	simm.s32 $_scs_section_size  }
0x9b: {  	s6 =	simm.s32 $_size__tile_overlayer_lowered;
	s7 =	simm.s32 $_tile_overlayer_lowered  }
0x9c: {  	s22 =	simm.s32 $0x1BFF;
	s21 =	sshll.u32 s7, $0x1;
	s4 =	sadd.s32 s5, s19  }
0x9d: {  	s8 =	simm.s32 $0x0;
	s20 =	sshll.u32 s6, $0x1;
	s6 =	sadd.s32 s21, s4  }
0x9e: {  	[timem:s8], [sflag:s22] =	dma.local [hbm:s6], s20  }
0x9f: {  	_ =	swait.ge [sflag:s22], s20  }
0xa0: {  	s5 =	ssub.s32 $0x0, s20;
	[sflag:s22] =	ssyncset.done $0x0  }
0xa1: {  	[sflag:s22] =	ssyncadd.s32 s5;
	_ =	sdelay $0x1  }
0xa2: {  	s23 =	simm.s32 $0x1B8B  }
0xa3: {  	_ =	swait.ge [sflag:s23], $0x1  }
0xa4: {  	[sflag:s23] =	ssyncset.done $0x0  }
0xa5: {  	s25 =	simm.s32 $0x1B8E;
	s24 =	sld [smem:$0x3FFE];
	[sflag:s23] =	ssyncadd.s32 $0xFFFFFFFF  }
0xa6: {  	s26 =	simm.s32 $execute0_lowered;
	[smem:$0x3FD2] =	sst s25  }
0xa7: {  	s6 =	sshll.u32 s26, $0x1;
	_ =	strace $0x80000046;
	[dreg:$0x1] =	wrdreg $0xFFFFFFFF  }
0xa8: {  	s28 =	simm.s32 $_size_execute0_lowered;
	s4 =	sadd.s32 s4, s6;
	[dreg:$0x0] =	wrdreg $0x0  }
0xa9: {  	s6 =	sshll.u32 s28, $0x1;
	[dreg:$0x2] =	wrdreg s4  }
0xaa: {  	[dreg:$0x3] =	wrdreg s6  }
0xab: {  	[dreg:$0x4] =	wrdreg $0xC0  }
0xac: {  	_ =	task [dreg:s8], $0x5FFFF  }
0xad: {  	[dreg:$0x1] =	wrdreg $0xFFFFFFFF  }
0xae: {  	[dreg:$0x0] =	wrdreg $0x60  }
0xaf: {  	[dreg:$0x2] =	wrdreg s18  }
0xb0: {  	[dreg:$0x3] =	wrdreg s2  }
0xb1: {  	[dreg:$0x4] =	wrdreg s24  }
0xb2: {  	[dreg:$0x5] =	wrdreg $0xBB900  }
0xb3: {  	[dreg:$0x6] =	wrdreg $0x9  }
0xb4: {  	_ =	task.clear_ibuf [dreg:s8], $0x7FFFF;
	_ =	strace $0x90000046  }
0xb5: {  	s29 =	simm.s32 $0x9;
	_ =	strace $0x80000048  }
0xb6: {  	_ =	swait.ge [sflag:s29], $0x1  }
0xb7: {  	[sflag:s29] =	ssyncadd.s32 $0xFFFFFFFF  }
0xb8: {  	_ =	strace $0x90000048  }
0xb9: {  	_ =	sfence  }
0xba: {  	s30 =	sld [smem:$0x0];
	_ =	sdelay $0x2  }
0xbb: {  	s31 =	sshll.u32 s1, $0xD;
	s1 =	sshrl.u32 s1, $0x2  }
0xbc: {  	s3 =	sand.u32 $0x4000, s31;
	s1 =	sadd.s32 s1, s30  }
0xbd: {  	s0 =	sor.u32 s3, s0;
	s1 =	sshll.u32 s1, $0x11  }
0xbe: {  	s0 =	sor.u32 s1, s0  }
0xbf: {  	s0 =	sadd.s32 $0x8F2B, s0  }
0xc0: {  	[sflag:s0] =	ssyncadd.remote.s32 $0x1  }
0xc1: {  	_ =	sfence.sel $0xFFFF  }
0xc2: {  	[dreg:$0x0] =	wrdreg $0xFFFFFFFF;
	(pc) =	sbr.abs _section_cstart, $3  }
0xc3: {  	[dreg:$0x1] =	wrdreg $0xFFFFFFFF  }
0xc4: {  	_ =	task.clear_ibuf [dreg:s8], $0x2FFFF;
	_ =	strace $0x9FFFFFFF  }
0xc5: {  	(tm) =	ssettm $0x7FFFFFFF  }
tec
execute0_lowered:
.L_overlay_start_1:
0x0: {  	(tag) =	ssettag $0x1  }
0x1: {  	s1 =	rddreg [dreg:$0x0]  }
0x2: {  	s0 =	rddreg [dreg:$0x2]  }
0x3: {  	s4 =	rddreg [dreg:$0x3];
	s12 =	stileid.u32;
	s5 =	simm.s32 $0x0  }
0x4: {  	s3 =	srdreg.scid;
	s16 =	simm.s32 $0x7;
	s17 =	simm.s32 $0x9480  }
0x5: {  	s19 =	simm.s32 $0x1;
	s20 =	simm.s32 $0x60;
	s28 =	simm.s32 $0x9300  }
0x6: {  	s29 =	simm.s32 $0x3300;
	s30 =	simm.s32 $0x4;
	s31 =	simm.s32 $0x9360  }
0x7: {  	s18 =	simm.s32 $0x0;
	s2 =	smul.u32 $0x14000, s12;
	[smem:$0x7FF] =	sst s5  }
0x8: {  	s3 =	sand.u32 $0x1, s3;
	s25 =	sshll.u32 s12, $0x6;
	_ =	strace $0x80000047  }
0x9: {  	s7 =	smul.u32 $0x140000, s3;
	s9 =	sshll.u32 s3, $0x4;
	s3 =	ssub.s32 $0x2, s3  }
0xa: {  	s6 =	sshrl.u32 s2, $0x3;
	s9 =	sor.u32 s12, s9;
	s10 =	sshrl.u32 s3, $0x1  }
0xb: {  	s8 =	sadd.s32 s6, s0;
	s6 =	sadd.s32 $0x800, s0;
	s11 =	smul.u32 $0x7740, s9  }
0xc: {  	s7 =	sadd.s32 s2, s7;
	s3 =	ssub.s32 s3, s10;
	s23 =	smul.u32 $0xEE8, s9  }
0xd: {  	s2 =	sadd.s32 s2, s4;
	s9 =	smul.u32 $0x6A, s9;
	s7 =	sshrl.u32 s7, $0x3  }
0xe: {  	s22 =	sadd.s32 $0x14200, s8;
	s8 =	sor.u32 $0x1C07, s25;
	s14 =	smax.u32 s3, $0x1  }
0xf: {  	s15 =	sshrl.u32 s2, $0x3;
	s25 =	simm.s32 $0x1B00;
	s2 =	simm.s32 $0x5  }
0x10: {  	s3 =	simm.s32 $0x6;
	s0 =	sadd.s32 s7, s0;
	[dreg:$0x5] =	wrdreg s22  }
.Ltmp0:
0x11: {  	s24 =	sshrl.u32 s11, $0x3;
	s7 =	sadd.s32 s1, s23;
	(pc) =	sbr.rel .LBB2_1-.Ltmp0, $4  }
0x12: {  	s12 =	sadd.s32 $0x3, s9;
	s23 =	simm.s32 $0x2;
	s11 =	sadd.s32 s1, s24  }
0x13: {  	[dreg:$0x6] =	wrdreg s7;
	s0 =	sadd.s32 $0x3C200, s0;
	s24 =	simm.s32 $0x2A0  }
0x14: {  	s26 =	sadd.s32 $0x24, s11;
	s11 =	sadd.s32 $0x2, s9;
	[dreg:$0x8] =	wrdreg s0  }
0x15: {  	s0 =	simm.s32 $0x6300;
	[dreg:$0x7] =	wrdreg s26;
	s26 =	simm.s32 $0x3  }
.LBB2_11:
0x16: {  	_ =	swait.ge [sflag:s2], $0x3000  }
0x17: {  	[sflag:s2] =	ssyncset.done $0x0  }
0x18: {  	[sflag:s2] =	ssyncadd.s32 $0xFFFFD000  }
0x19: {  	_ =	swait.ge [sflag:s3], $0x3000  }
0x1a: {  	[sflag:s3] =	ssyncset.done $0x0  }
0x1b: {  	s18 =	sadd.s32 $0x1, s18;
	[sflag:s3] =	ssyncadd.s32 $0xFFFFD000  }
0x1c: {  	p0 =	sne.s32 s18, s14;
	[bflag:$0x0] =	sbarrier.arrive $0xFFFF  }
.Ltmp1:
0x1d: {  	s7 =	rddreg [dreg:$0x8];
	(pc) =	sbr.rel @!p0 .LBB2_12-.Ltmp1, $4  }
0x1e: {  	[hbm:s7], [sflag:s8] =	dma.local [spmem:s15], $0x2800  }
0x1f: {  	_ =	swait.ge [sflag:s16], $0x2800  }
0x20: {  	[sflag:s16] =	ssyncset.done $0x0  }
0x21: {  	[sflag:s16] =	ssyncadd.s32 $0xFFFFD800  }
.LBB2_1:
0x22: {  	s7 =	rddreg [dreg:$0x5]  }
0x23: {  	[spmem:s15], [sflag:s8] =	dma.local [hbm:s7], $0x2800  }
0x24: {  	_ =	swait.ge [sflag:s16], $0x2800  }
0x25: {  	[sflag:s16] =	ssyncset.done $0x0  }
0x26: {  	[sflag:s16] =	ssyncadd.s32 $0xFFFFD800  }
0x27: {  	s9 =	rddreg [dreg:$0x1]  }
0x28: {  	[tilespmem:s17], [sflag:$0x7] =	stream.linear.gather [hbm4b:s9+s5], $0x2710, $0x38;
	[tilespmem:$0x1FB90] =	vst v63  }
0x29: {  	_ =	swait.ge [sflag:s16], $0x2710  }
0x2a: {  	[sflag:s16] =	ssyncset.done $0x0  }
0x2b: {  	[sflag:s16] =	ssyncadd.s32 $0xFFFFD8F0  }
0x2c: {  	[bflag:$0x0] =	sbarrier.arrive $0xFFFF  }
0x2d: {  	s10 =	rddreg [dreg:$0x6]  }
0x2e: {  	[tilespmem:s5], [sflag:$0x1] =	stream.linear.gather [hbm4b:s10+s5], $0x120, $0x38;
	[tilespmem:$0x1FB90] =	vst v63  }
0x2f: {  	s9 =	simm.s32 $0x120;
	s13 =	rddreg [dreg:$0x7]  }
0x30: {  	[tilespmem:s9], [sflag:$0x2] =	stream.linear.gather [hbm4b:s13+s5], $0x120, $0x38;
	[tilespmem:$0x1FB90] =	vst v63  }
0x31: {  	_ =	swait.ge [sflag:s19], $0x120  }
0x32: {  	[sflag:s19] =	ssyncset.done $0x0  }
0x33: {  	[sflag:s19] =	ssyncadd.s32 $0xFFFFFEE0  }
0x34: {  	v0 =	vld [tilespmem:$0x60];
	_ =	sdelay $0x5  }
0x35: {  	v1 =	vld [tilespmem:$0x70];
	_ =	sdelay $0x1  }
0x36: {  	v0 =	vld.idx.msk [tilespmem:v0+s17+$0x0], $0xffff;
	_ =	sdelay $0x3  }
0x37: {  	v2 =	vld [tilespmem:$0x80]  }
0x38: {  	[tilespmem:$0x240] =	vst v0  }
0x39: {  	v0 =	vld.idx.msk [tilespmem:v1+s17+$0x0], $0xffff;
	_ =	sdelay $0x3  }
0x3a: {  	v55 =	vld [tilespmem:$0x90]  }
0x3b: {  	[tilespmem:$0x250] =	vst v0  }
0x3c: {  	v0 =	vld.idx.msk [tilespmem:v2+s17+$0x0], $0xffff;
	_ =	sdelay $0x3  }
0x3d: {  	v56 =	vld [tilespmem:$0xA0]  }
0x3e: {  	[tilespmem:$0x260] =	vst v0  }
0x3f: {  	v0 =	vld.idx.msk [tilespmem:v55+s17+$0x0], $0xffff;
	_ =	sdelay $0x3  }
0x40: {  	v57 =	vld [tilespmem:$0xB0]  }
0x41: {  	[tilespmem:$0x270] =	vst v0  }
0x42: {  	v0 =	vld.idx.msk [tilespmem:v56+s17+$0x0], $0xffff;
	_ =	sdelay $0x4  }
0x43: {  	[tilespmem:$0x280] =	vst v0  }
0x44: {  	v0 =	vld.idx.msk [tilespmem:v57+s17+$0x0], $0xffff;
	_ =	sdelay $0x4  }
0x45: {  	s21 =	simm.s32 $0x240;
	s22 =	simm.s32 $0x300;
	[tilespmem:$0x290] =	vst v0  }
0x46: {  	[tilespmem:s22], [sflag:$0x3] =	stream.indirect.gather [hbm4b:s6+s20], $0x40, s21, s20, $0xb8;
	[tilespmem:$0x1FB90] =	vst v63  }
0x47: {  	_ =	swait.ge [sflag:s23], $0x120  }
0x48: {  	[sflag:s23] =	ssyncset.done $0x0  }
0x49: {  	[sflag:s23] =	ssyncadd.s32 $0xFFFFFEE0  }
0x4a: {  	v58 =	vld [tilespmem:$0x180];
	_ =	sdelay $0x5  }
0x4b: {  	v59 =	vld [tilespmem:$0x190];
	_ =	sdelay $0x1  }
0x4c: {  	v0 =	vld.idx.msk [tilespmem:v58+s17+$0x0], $0xffff;
	_ =	sdelay $0x3  }
0x4d: {  	v60 =	vld [tilespmem:$0x1A0]  }
0x4e: {  	[tilespmem:$0x2A0] =	vst v0  }
0x4f: {  	v0 =	vld.idx.msk [tilespmem:v59+s17+$0x0], $0xffff;
	_ =	sdelay $0x3  }
0x50: {  	v61 =	vld [tilespmem:$0x1B0]  }
0x51: {  	[tilespmem:$0x2B0] =	vst v0  }
0x52: {  	v0 =	vld.idx.msk [tilespmem:v60+s17+$0x0], $0xffff;
	_ =	sdelay $0x3  }
0x53: {  	v62 =	vld [tilespmem:$0x1C0]  }
0x54: {  	[tilespmem:$0x2C0] =	vst v0  }
0x55: {  	v0 =	vld.idx.msk [tilespmem:v61+s17+$0x0], $0xffff;
	_ =	sdelay $0x3  }
0x56: {  	v63 =	vld [tilespmem:$0x1D0]  }
0x57: {  	[tilespmem:$0x2D0] =	vst v0  }
0x58: {  	v0 =	vld.idx.msk [tilespmem:v62+s17+$0x0], $0xffff;
	_ =	sdelay $0x4  }
0x59: {  	[tilespmem:$0x2E0] =	vst v0  }
0x5a: {  	v0 =	vld.idx.msk [tilespmem:v63+s17+$0x0], $0xffff;
	_ =	sdelay $0x4  }
0x5b: {  	s21 =	simm.s32 $0x0;
	[tilespmem:$0x2F0] =	vst v0  }
0x5c: {  	[tilespmem:s25], [sflag:$0x4] =	stream.indirect.gather [hbm4b:s6+s20], $0x40, s24, s20, $0xb8;
	[tilespmem:$0x1FB90] =	vst v63  }
.LBB2_2:
0x5d: {  	_ =	swait.ge [sflag:s26], $0x1800  }
0x5e: {  	[sflag:s26] =	ssyncset.done $0x0  }
0x5f: {  	[sflag:s26] =	ssyncadd.s32 $0xFFFFE800  }
0x60: {  	v0 =	vld [tilespmem:$0x0]  }
0x61: {  	v1 =	vld [tilespmem:$0xC0]  }
0x62: {  	v2 =	vld [tilespmem:$0x10]  }
0x63: {  	v3 =	vld [tilespmem:$0xD0]  }
0x64: {  	v4 =	vld [tilespmem:$0x20]  }
0x65: {  	v57 =	vld [tilespmem:$0xE0];
	[tilespmem:$0x9300] =	vst v0  }
0x66: {  	v58 =	vld [tilespmem:$0x30];
	[tilespmem:$0x93C0] =	vst v1  }
0x67: {  	v59 =	vld [tilespmem:$0xF0];
	[tilespmem:$0x9310] =	vst v2  }
0x68: {  	v60 =	vld [tilespmem:$0x40];
	[tilespmem:$0x93D0] =	vst v3  }
0x69: {  	v61 =	vld [tilespmem:$0x100];
	[tilespmem:$0x9320] =	vst v4  }
0x6a: {  	p0 =	seq.s32 s21, $0x34;
	v62 =	vld [tilespmem:$0x50];
	[tilespmem:$0x93E0] =	vst v57  }
0x6b: {  	p1 =	seq.s32 @!p0 s21, $0x0;
	v63 =	vld [tilespmem:$0x110];
	[tilespmem:$0x9330] =	vst v58  }
0x6c: {  	s22 =	sshll.u32 @!p0 s21, $0x1;
	p1 =	por p0, !p1;
	[tilespmem:$0x93F0] =	vst v59  }
.Ltmp2:
0x6d: {  	s7 =	sadd.s32 @!p0 s22, s11;
	[tilespmem:$0x9340] =	vst v60;
	(pc) =	sbr.rel @!p1 .LBB2_3-.Ltmp2, $4  }
0x6e: {  	s7 =	smul.u32 @!p0 $0x24, s7;
	[tilespmem:$0x9400] =	vst v61  }
0x6f: {  	[tilespmem:$0x9350] =	vst v62  }
0x70: {  	s9 =	simm.s32 @!p0 $0x0;
	s7 =	sadd.s32 @!p0 s1, s7;
	[tilespmem:$0x9410] =	vst v63  }
0x71: {  	[tilespmem:s9], [sflag:$0x1] =	stream.linear.gather @!p0 [hbm4b:s7+s9], $0x120, $0x38;
	[tilespmem:$0x1FB90] =	vst v63  }
.Ltmp3:
0x72: {  	(pc) =	sbr.rel .LBB2_5-.Ltmp3, $4  }
0x73: {  	_ = 	snop  }
0x74: {  	_ =	swait.ge [sflag:s2], $0x3000  }
0x75: {  	[sflag:s2] =	ssyncset.done $0x0  }
0x76: {  	p1 =	por $0x0, $0x0;
	[sflag:s2] =	ssyncadd.s32 $0xFFFFD000  }
.LBB2_3:
0x77: {  	p1 =	por @!p0 $0x1, $0x1  }
.LBB2_5:
0x78: {  	s7 =	simm.s32 $0x0;
	s9 =	simm.s32 $0x500;
	s10 =	simm.s32 $0x3700  }
.LBB2_6:
0x79: {  	s13 =	sshra.s32 s7, $0x2  }
0x7a: {  	v0 =	vld [tilespmem:s13+$0x93C0]  }
0x7b: {  	v1 =	vld [tilespmem:s9+$0xFFFFFE00];
	_ =	sdelay $0x3  }
0x7c: {  	v2 =	vbroadcast v0, $0x0  }
0x7d: {  	v3 =	vshll.u32 v1, $0x10  }
0x7e: {  	v3 =	vmul.f32 v3, v2  }
0x7f: {  	v1 =	vmul.f32 v1, v2  }
0x80: {  	[tilespmem:s10+$0xFFFFFC00] =	vst v3  }
0x81: {  	[tilespmem:s10+$0xFFFFFC10] =	vst v1  }
0x82: {  	v1 =	vld [tilespmem:s9+$0xFFFFFE10];
	_ =	sdelay $0x4  }
0x83: {  	v45 =	vshll.u32 v1, $0x10;
	v1 =	vmul.f32 v1, v2  }
0x84: {  	v3 =	vmul.f32 v45, v2  }
0x85: {  	[tilespmem:s10+$0xFFFFFC30] =	vst v1  }
0x86: {  	[tilespmem:s10+$0xFFFFFC20] =	vst v3  }
0x87: {  	v1 =	vld [tilespmem:s9+$0xFFFFFE20];
	_ =	sdelay $0x4  }
0x88: {  	v46 =	vshll.u32 v1, $0x10;
	v1 =	vmul.f32 v1, v2  }
0x89: {  	v3 =	vmul.f32 v46, v2  }
0x8a: {  	[tilespmem:s10+$0xFFFFFC50] =	vst v1  }
0x8b: {  	[tilespmem:s10+$0xFFFFFC40] =	vst v3  }
0x8c: {  	v1 =	vld [tilespmem:s9+$0xFFFFFE30];
	_ =	sdelay $0x4  }
0x8d: {  	v47 =	vshll.u32 v1, $0x10;
	v1 =	vmul.f32 v1, v2  }
0x8e: {  	v3 =	vmul.f32 v47, v2  }
0x8f: {  	[tilespmem:s10+$0xFFFFFC70] =	vst v1  }
0x90: {  	[tilespmem:s10+$0xFFFFFC60] =	vst v3  }
0x91: {  	v1 =	vld [tilespmem:s9+$0xFFFFFE40];
	_ =	sdelay $0x2  }
0x92: {  	v48 =	vbroadcast v0, $0x1;
	_ =	sdelay $0x1  }
0x93: {  	v49 =	vshll.u32 v1, $0x10;
	v1 =	vmul.f32 v1, v48  }
0x94: {  	v3 =	vmul.f32 v49, v48  }
0x95: {  	[tilespmem:s10+$0xFFFFFC90] =	vst v1  }
0x96: {  	[tilespmem:s10+$0xFFFFFC80] =	vst v3  }
0x97: {  	v1 =	vld [tilespmem:s9+$0xFFFFFE50];
	_ =	sdelay $0x4  }
0x98: {  	v50 =	vshll.u32 v1, $0x10;
	v1 =	vmul.f32 v1, v48  }
0x99: {  	v3 =	vmul.f32 v50, v48  }
0x9a: {  	[tilespmem:s10+$0xFFFFFCB0] =	vst v1  }
0x9b: {  	[tilespmem:s10+$0xFFFFFCA0] =	vst v3  }
0x9c: {  	v1 =	vld [tilespmem:s9+$0xFFFFFE60];
	_ =	sdelay $0x4  }
0x9d: {  	v51 =	vshll.u32 v1, $0x10;
	v1 =	vmul.f32 v1, v48  }
0x9e: {  	v3 =	vmul.f32 v51, v48  }
0x9f: {  	[tilespmem:s10+$0xFFFFFCD0] =	vst v1  }
0xa0: {  	[tilespmem:s10+$0xFFFFFCC0] =	vst v3  }
0xa1: {  	v1 =	vld [tilespmem:s9+$0xFFFFFE70];
	_ =	sdelay $0x4  }
0xa2: {  	v52 =	vshll.u32 v1, $0x10;
	v1 =	vmul.f32 v1, v48  }
0xa3: {  	v3 =	vmul.f32 v52, v48  }
0xa4: {  	[tilespmem:s10+$0xFFFFFCF0] =	vst v1  }
0xa5: {  	[tilespmem:s10+$0xFFFFFCE0] =	vst v3  }
0xa6: {  	v1 =	vld [tilespmem:s9+$0xFFFFFE80];
	_ =	sdelay $0x2  }
0xa7: {  	v53 =	vbroadcast v0, $0x2;
	_ =	sdelay $0x1  }
0xa8: {  	v54 =	vshll.u32 v1, $0x10;
	v1 =	vmul.f32 v1, v53  }
0xa9: {  	v3 =	vmul.f32 v54, v53  }
0xaa: {  	[tilespmem:s10+$0xFFFFFD10] =	vst v1  }
0xab: {  	[tilespmem:s10+$0xFFFFFD00] =	vst v3  }
0xac: {  	v1 =	vld [tilespmem:s9+$0xFFFFFE90];
	_ =	sdelay $0x4  }
0xad: {  	v55 =	vshll.u32 v1, $0x10;
	v1 =	vmul.f32 v1, v53  }
0xae: {  	v3 =	vmul.f32 v55, v53  }
0xaf: {  	[tilespmem:s10+$0xFFFFFD30] =	vst v1  }
0xb0: {  	[tilespmem:s10+$0xFFFFFD20] =	vst v3  }
0xb1: {  	v1 =	vld [tilespmem:s9+$0xFFFFFEA0];
	_ =	sdelay $0x4  }
0xb2: {  	v56 =	vshll.u32 v1, $0x10;
	v1 =	vmul.f32 v1, v53  }
0xb3: {  	v3 =	vmul.f32 v56, v53  }
0xb4: {  	[tilespmem:s10+$0xFFFFFD50] =	vst v1  }
0xb5: {  	[tilespmem:s10+$0xFFFFFD40] =	vst v3  }
0xb6: {  	v1 =	vld [tilespmem:s9+$0xFFFFFEB0];
	_ =	sdelay $0x4  }
0xb7: {  	v57 =	vshll.u32 v1, $0x10;
	v1 =	vmul.f32 v1, v53  }
0xb8: {  	v3 =	vmul.f32 v57, v53  }
0xb9: {  	[tilespmem:s10+$0xFFFFFD70] =	vst v1  }
0xba: {  	[tilespmem:s10+$0xFFFFFD60] =	vst v3  }
0xbb: {  	v1 =	vld [tilespmem:s9+$0xFFFFFEC0];
	_ =	sdelay $0x2  }
0xbc: {  	v58 =	vbroadcast v0, $0x3;
	_ =	sdelay $0x1  }
0xbd: {  	v59 =	vshll.u32 v1, $0x10;
	v1 =	vmul.f32 v1, v58  }
0xbe: {  	v3 =	vmul.f32 v59, v58  }
0xbf: {  	[tilespmem:s10+$0xFFFFFD90] =	vst v1  }
0xc0: {  	[tilespmem:s10+$0xFFFFFD80] =	vst v3  }
0xc1: {  	v1 =	vld [tilespmem:s9+$0xFFFFFED0];
	_ =	sdelay $0x4  }
0xc2: {  	v60 =	vshll.u32 v1, $0x10;
	v1 =	vmul.f32 v1, v58  }
0xc3: {  	v3 =	vmul.f32 v60, v58  }
0xc4: {  	[tilespmem:s10+$0xFFFFFDB0] =	vst v1  }
0xc5: {  	[tilespmem:s10+$0xFFFFFDA0] =	vst v3  }
0xc6: {  	v1 =	vld [tilespmem:s9+$0xFFFFFEE0];
	_ =	sdelay $0x4  }
0xc7: {  	v61 =	vshll.u32 v1, $0x10;
	v1 =	vmul.f32 v1, v58  }
0xc8: {  	v3 =	vmul.f32 v61, v58  }
0xc9: {  	[tilespmem:s10+$0xFFFFFDD0] =	vst v1  }
0xca: {  	[tilespmem:s10+$0xFFFFFDC0] =	vst v3  }
0xcb: {  	v1 =	vld [tilespmem:s9+$0xFFFFFEF0];
	_ =	sdelay $0x4  }
0xcc: {  	v62 =	vshll.u32 v1, $0x10;
	v1 =	vmul.f32 v1, v58  }
0xcd: {  	v3 =	vmul.f32 v62, v58  }
0xce: {  	[tilespmem:s10+$0xFFFFFDF0] =	vst v1  }
0xcf: {  	[tilespmem:s10+$0xFFFFFDE0] =	vst v3  }
0xd0: {  	v1 =	vld [tilespmem:s9+$0xFFFFFF00];
	_ =	sdelay $0x2  }
0xd1: {  	v63 =	vbroadcast v0, $0x4;
	_ =	sdelay $0x1  }
0xd2: {  	v6 =	vshll.u32 v1, $0x10;
	v1 =	vmul.f32 v1, v63  }
0xd3: {  	v3 =	vmul.f32 v6, v63  }
0xd4: {  	[tilespmem:s10+$0xFFFFFE10] =	vst v1  }
0xd5: {  	[tilespmem:s10+$0xFFFFFE00] =	vst v3  }
0xd6: {  	v1 =	vld [tilespmem:s9+$0xFFFFFF10];
	_ =	sdelay $0x4  }
0xd7: {  	v7 =	vshll.u32 v1, $0x10;
	v1 =	vmul.f32 v1, v63  }
0xd8: {  	v3 =	vmul.f32 v7, v63  }
0xd9: {  	[tilespmem:s10+$0xFFFFFE30] =	vst v1  }
0xda: {  	[tilespmem:s10+$0xFFFFFE20] =	vst v3  }
0xdb: {  	v1 =	vld [tilespmem:s9+$0xFFFFFF20];
	_ =	sdelay $0x4  }
0xdc: {  	v8 =	vshll.u32 v1, $0x10;
	v1 =	vmul.f32 v1, v63  }
0xdd: {  	v3 =	vmul.f32 v8, v63  }
0xde: {  	[tilespmem:s10+$0xFFFFFE50] =	vst v1  }
0xdf: {  	[tilespmem:s10+$0xFFFFFE40] =	vst v3  }
0xe0: {  	v1 =	vld [tilespmem:s9+$0xFFFFFF30];
	_ =	sdelay $0x4  }
0xe1: {  	v9 =	vshll.u32 v1, $0x10;
	v1 =	vmul.f32 v1, v63  }
0xe2: {  	v3 =	vmul.f32 v9, v63  }
0xe3: {  	[tilespmem:s10+$0xFFFFFE70] =	vst v1  }
0xe4: {  	[tilespmem:s10+$0xFFFFFE60] =	vst v3  }
0xe5: {  	v1 =	vld [tilespmem:s9+$0xFFFFFF40];
	_ =	sdelay $0x2  }
0xe6: {  	v10 =	vbroadcast v0, $0x5;
	_ =	sdelay $0x1  }
0xe7: {  	v11 =	vshll.u32 v1, $0x10;
	v1 =	vmul.f32 v1, v10  }
0xe8: {  	v3 =	vmul.f32 v11, v10  }
0xe9: {  	[tilespmem:s10+$0xFFFFFE90] =	vst v1  }
0xea: {  	[tilespmem:s10+$0xFFFFFE80] =	vst v3  }
0xeb: {  	v1 =	vld [tilespmem:s9+$0xFFFFFF50];
	_ =	sdelay $0x4  }
0xec: {  	v12 =	vshll.u32 v1, $0x10;
	v1 =	vmul.f32 v1, v10  }
0xed: {  	v3 =	vmul.f32 v12, v10  }
0xee: {  	[tilespmem:s10+$0xFFFFFEB0] =	vst v1  }
0xef: {  	[tilespmem:s10+$0xFFFFFEA0] =	vst v3  }
0xf0: {  	v1 =	vld [tilespmem:s9+$0xFFFFFF60];
	_ =	sdelay $0x4  }
0xf1: {  	v13 =	vshll.u32 v1, $0x10;
	v1 =	vmul.f32 v1, v10  }
0xf2: {  	v3 =	vmul.f32 v13, v10  }
0xf3: {  	[tilespmem:s10+$0xFFFFFED0] =	vst v1  }
0xf4: {  	[tilespmem:s10+$0xFFFFFEC0] =	vst v3  }
0xf5: {  	v1 =	vld [tilespmem:s9+$0xFFFFFF70];
	_ =	sdelay $0x4  }
0xf6: {  	v14 =	vshll.u32 v1, $0x10;
	v1 =	vmul.f32 v1, v10  }
0xf7: {  	v3 =	vmul.f32 v14, v10  }
0xf8: {  	[tilespmem:s10+$0xFFFFFEF0] =	vst v1  }
0xf9: {  	[tilespmem:s10+$0xFFFFFEE0] =	vst v3  }
0xfa: {  	v1 =	vld [tilespmem:s9+$0xFFFFFF80];
	_ =	sdelay $0x2  }
0xfb: {  	v15 =	vbroadcast v0, $0x6;
	_ =	sdelay $0x1  }
0xfc: {  	v16 =	vshll.u32 v1, $0x10;
	v1 =	vmul.f32 v1, v15  }
0xfd: {  	v3 =	vmul.f32 v16, v15  }
0xfe: {  	[tilespmem:s10+$0xFFFFFF10] =	vst v1  }
0xff: {  	[tilespmem:s10+$0xFFFFFF00] =	vst v3  }
0x100: {  	v1 =	vld [tilespmem:s9+$0xFFFFFF90];
	_ =	sdelay $0x4  }
0x101: {  	v17 =	vshll.u32 v1, $0x10;
	v1 =	vmul.f32 v1, v15  }
0x102: {  	v3 =	vmul.f32 v17, v15  }
0x103: {  	[tilespmem:s10+$0xFFFFFF30] =	vst v1  }
0x104: {  	[tilespmem:s10+$0xFFFFFF20] =	vst v3  }
0x105: {  	v1 =	vld [tilespmem:s9+$0xFFFFFFA0];
	_ =	sdelay $0x4  }
0x106: {  	v18 =	vshll.u32 v1, $0x10;
	v1 =	vmul.f32 v1, v15  }
0x107: {  	v3 =	vmul.f32 v18, v15  }
0x108: {  	[tilespmem:s10+$0xFFFFFF50] =	vst v1  }
0x109: {  	[tilespmem:s10+$0xFFFFFF40] =	vst v3  }
0x10a: {  	v1 =	vld [tilespmem:s9+$0xFFFFFFB0];
	_ =	sdelay $0x4  }
0x10b: {  	v19 =	vshll.u32 v1, $0x10;
	v1 =	vmul.f32 v1, v15  }
0x10c: {  	v3 =	vmul.f32 v19, v15  }
0x10d: {  	[tilespmem:s10+$0xFFFFFF70] =	vst v1  }
0x10e: {  	[tilespmem:s10+$0xFFFFFF60] =	vst v3  }
0x10f: {  	v1 =	vld [tilespmem:s9+$0xFFFFFFC0];
	_ =	sdelay $0x2  }
0x110: {  	v20 =	vbroadcast v0, $0x7;
	_ =	sdelay $0x1  }
0x111: {  	v21 =	vshll.u32 v1, $0x10;
	v1 =	vmul.f32 v1, v20  }
0x112: {  	v3 =	vmul.f32 v21, v20  }
0x113: {  	[tilespmem:s10+$0xFFFFFF90] =	vst v1  }
0x114: {  	[tilespmem:s10+$0xFFFFFF80] =	vst v3  }
0x115: {  	v1 =	vld [tilespmem:s9+$0xFFFFFFD0];
	_ =	sdelay $0x4  }
0x116: {  	v22 =	vshll.u32 v1, $0x10;
	v1 =	vmul.f32 v1, v20  }
0x117: {  	v3 =	vmul.f32 v22, v20  }
0x118: {  	[tilespmem:s10+$0xFFFFFFB0] =	vst v1  }
0x119: {  	[tilespmem:s10+$0xFFFFFFA0] =	vst v3  }
0x11a: {  	v1 =	vld [tilespmem:s9+$0xFFFFFFE0];
	_ =	sdelay $0x4  }
0x11b: {  	v23 =	vshll.u32 v1, $0x10;
	v1 =	vmul.f32 v1, v20  }
0x11c: {  	v3 =	vmul.f32 v23, v20  }
0x11d: {  	[tilespmem:s10+$0xFFFFFFD0] =	vst v1  }
0x11e: {  	[tilespmem:s10+$0xFFFFFFC0] =	vst v3  }
0x11f: {  	v1 =	vld [tilespmem:s9+$0xFFFFFFF0];
	_ =	sdelay $0x4  }
0x120: {  	v24 =	vshll.u32 v1, $0x10;
	v1 =	vmul.f32 v1, v20  }
0x121: {  	v3 =	vmul.f32 v24, v20  }
0x122: {  	[tilespmem:s10+$0xFFFFFFF0] =	vst v1  }
0x123: {  	[tilespmem:s10+$0xFFFFFFE0] =	vst v3  }
0x124: {  	v1 =	vld [tilespmem:s9+$0x0];
	_ =	sdelay $0x2  }
0x125: {  	v25 =	vbroadcast v0, $0x8;
	_ =	sdelay $0x1  }
0x126: {  	v26 =	vshll.u32 v1, $0x10;
	v1 =	vmul.f32 v1, v25  }
0x127: {  	v3 =	vmul.f32 v26, v25  }
0x128: {  	[tilespmem:s10+$0x10] =	vst v1  }
0x129: {  	[tilespmem:s10+$0x0] =	vst v3  }
0x12a: {  	v1 =	vld [tilespmem:s9+$0x10];
	_ =	sdelay $0x4  }
0x12b: {  	v27 =	vshll.u32 v1, $0x10;
	v1 =	vmul.f32 v1, v25  }
0x12c: {  	v3 =	vmul.f32 v27, v25  }
0x12d: {  	[tilespmem:s10+$0x30] =	vst v1  }
0x12e: {  	[tilespmem:s10+$0x20] =	vst v3  }
0x12f: {  	v1 =	vld [tilespmem:s9+$0x20];
	_ =	sdelay $0x4  }
0x130: {  	v28 =	vshll.u32 v1, $0x10;
	v1 =	vmul.f32 v1, v25  }
0x131: {  	v3 =	vmul.f32 v28, v25  }
0x132: {  	[tilespmem:s10+$0x50] =	vst v1  }
0x133: {  	[tilespmem:s10+$0x40] =	vst v3  }
0x134: {  	v1 =	vld [tilespmem:s9+$0x30];
	_ =	sdelay $0x4  }
0x135: {  	v29 =	vshll.u32 v1, $0x10;
	v1 =	vmul.f32 v1, v25  }
0x136: {  	v3 =	vmul.f32 v29, v25  }
0x137: {  	[tilespmem:s10+$0x70] =	vst v1  }
0x138: {  	[tilespmem:s10+$0x60] =	vst v3  }
0x139: {  	v1 =	vld [tilespmem:s9+$0x40];
	_ =	sdelay $0x2  }
0x13a: {  	v30 =	vbroadcast v0, $0x9;
	_ =	sdelay $0x1  }
0x13b: {  	v31 =	vshll.u32 v1, $0x10;
	v1 =	vmul.f32 v1, v30  }
0x13c: {  	v3 =	vmul.f32 v31, v30  }
0x13d: {  	[tilespmem:s10+$0x90] =	vst v1  }
0x13e: {  	[tilespmem:s10+$0x80] =	vst v3  }
0x13f: {  	v1 =	vld [tilespmem:s9+$0x50];
	_ =	sdelay $0x4  }
0x140: {  	v32 =	vshll.u32 v1, $0x10;
	v1 =	vmul.f32 v1, v30  }
0x141: {  	v3 =	vmul.f32 v32, v30  }
0x142: {  	[tilespmem:s10+$0xB0] =	vst v1  }
0x143: {  	[tilespmem:s10+$0xA0] =	vst v3  }
0x144: {  	v1 =	vld [tilespmem:s9+$0x60];
	_ =	sdelay $0x4  }
0x145: {  	v33 =	vshll.u32 v1, $0x10;
	v1 =	vmul.f32 v1, v30  }
0x146: {  	v3 =	vmul.f32 v33, v30  }
0x147: {  	[tilespmem:s10+$0xD0] =	vst v1  }
0x148: {  	[tilespmem:s10+$0xC0] =	vst v3  }
0x149: {  	v1 =	vld [tilespmem:s9+$0x70];
	_ =	sdelay $0x4  }
0x14a: {  	v34 =	vshll.u32 v1, $0x10;
	v1 =	vmul.f32 v1, v30  }
0x14b: {  	v3 =	vmul.f32 v34, v30  }
0x14c: {  	[tilespmem:s10+$0xF0] =	vst v1  }
0x14d: {  	[tilespmem:s10+$0xE0] =	vst v3  }
0x14e: {  	v1 =	vld [tilespmem:s9+$0x80];
	_ =	sdelay $0x2  }
0x14f: {  	v35 =	vbroadcast v0, $0xA;
	_ =	sdelay $0x1  }
0x150: {  	v36 =	vshll.u32 v1, $0x10;
	v1 =	vmul.f32 v1, v35  }
0x151: {  	v3 =	vmul.f32 v36, v35  }
0x152: {  	[tilespmem:s10+$0x110] =	vst v1  }
0x153: {  	[tilespmem:s10+$0x100] =	vst v3  }
0x154: {  	v1 =	vld [tilespmem:s9+$0x90];
	_ =	sdelay $0x4  }
0x155: {  	v37 =	vshll.u32 v1, $0x10;
	v1 =	vmul.f32 v1, v35  }
0x156: {  	v3 =	vmul.f32 v37, v35  }
0x157: {  	[tilespmem:s10+$0x130] =	vst v1  }
0x158: {  	[tilespmem:s10+$0x120] =	vst v3  }
0x159: {  	v1 =	vld [tilespmem:s9+$0xA0];
	_ =	sdelay $0x4  }
0x15a: {  	v38 =	vshll.u32 v1, $0x10;
	v1 =	vmul.f32 v1, v35  }
0x15b: {  	v3 =	vmul.f32 v38, v35  }
0x15c: {  	[tilespmem:s10+$0x150] =	vst v1  }
0x15d: {  	[tilespmem:s10+$0x140] =	vst v3  }
0x15e: {  	v1 =	vld [tilespmem:s9+$0xB0];
	_ =	sdelay $0x4  }
0x15f: {  	v39 =	vshll.u32 v1, $0x10;
	v1 =	vmul.f32 v1, v35  }
0x160: {  	v3 =	vmul.f32 v39, v35  }
0x161: {  	[tilespmem:s10+$0x170] =	vst v1  }
0x162: {  	[tilespmem:s10+$0x160] =	vst v3  }
0x163: {  	v1 =	vld [tilespmem:s9+$0xC0];
	_ =	sdelay $0x2  }
0x164: {  	v40 =	vbroadcast v0, $0xB;
	_ =	sdelay $0x1  }
0x165: {  	v41 =	vshll.u32 v1, $0x10;
	v1 =	vmul.f32 v1, v40  }
0x166: {  	v3 =	vmul.f32 v41, v40  }
0x167: {  	[tilespmem:s10+$0x190] =	vst v1  }
0x168: {  	[tilespmem:s10+$0x180] =	vst v3  }
0x169: {  	v1 =	vld [tilespmem:s9+$0xD0];
	_ =	sdelay $0x4  }
0x16a: {  	v42 =	vshll.u32 v1, $0x10;
	v1 =	vmul.f32 v1, v40  }
0x16b: {  	v3 =	vmul.f32 v42, v40  }
0x16c: {  	[tilespmem:s10+$0x1B0] =	vst v1  }
0x16d: {  	[tilespmem:s10+$0x1A0] =	vst v3  }
0x16e: {  	v1 =	vld [tilespmem:s9+$0xE0];
	_ =	sdelay $0x4  }
0x16f: {  	v43 =	vshll.u32 v1, $0x10;
	v1 =	vmul.f32 v1, v40  }
0x170: {  	v3 =	vmul.f32 v43, v40  }
0x171: {  	[tilespmem:s10+$0x1D0] =	vst v1  }
0x172: {  	[tilespmem:s10+$0x1C0] =	vst v3  }
0x173: {  	v1 =	vld [tilespmem:s9+$0xF0];
	_ =	sdelay $0x4  }
0x174: {  	v44 =	vshll.u32 v1, $0x10;
	v1 =	vmul.f32 v1, v40  }
0x175: {  	v3 =	vmul.f32 v44, v40  }
0x176: {  	[tilespmem:s10+$0x1F0] =	vst v1  }
0x177: {  	[tilespmem:s10+$0x1E0] =	vst v3  }
0x178: {  	v1 =	vld [tilespmem:s9+$0x100];
	_ =	sdelay $0x2  }
0x179: {  	v45 =	vbroadcast v0, $0xC;
	_ =	sdelay $0x1  }
0x17a: {  	v46 =	vshll.u32 v1, $0x10;
	v1 =	vmul.f32 v1, v45  }
0x17b: {  	v3 =	vmul.f32 v46, v45  }
0x17c: {  	[tilespmem:s10+$0x210] =	vst v1  }
0x17d: {  	[tilespmem:s10+$0x200] =	vst v3  }
0x17e: {  	v1 =	vld [tilespmem:s9+$0x110];
	_ =	sdelay $0x4  }
0x17f: {  	v47 =	vshll.u32 v1, $0x10;
	v1 =	vmul.f32 v1, v45  }
0x180: {  	v3 =	vmul.f32 v47, v45  }
0x181: {  	[tilespmem:s10+$0x230] =	vst v1  }
0x182: {  	[tilespmem:s10+$0x220] =	vst v3  }
0x183: {  	v1 =	vld [tilespmem:s9+$0x120];
	_ =	sdelay $0x4  }
0x184: {  	v48 =	vshll.u32 v1, $0x10;
	v1 =	vmul.f32 v1, v45  }
0x185: {  	v3 =	vmul.f32 v48, v45  }
0x186: {  	[tilespmem:s10+$0x250] =	vst v1  }
0x187: {  	[tilespmem:s10+$0x240] =	vst v3  }
0x188: {  	v1 =	vld [tilespmem:s9+$0x130];
	_ =	sdelay $0x4  }
0x189: {  	v49 =	vshll.u32 v1, $0x10;
	v1 =	vmul.f32 v1, v45  }
0x18a: {  	v3 =	vmul.f32 v49, v45  }
0x18b: {  	[tilespmem:s10+$0x270] =	vst v1  }
0x18c: {  	[tilespmem:s10+$0x260] =	vst v3  }
0x18d: {  	v1 =	vld [tilespmem:s9+$0x140];
	_ =	sdelay $0x2  }
0x18e: {  	v50 =	vbroadcast v0, $0xD;
	_ =	sdelay $0x1  }
0x18f: {  	v51 =	vshll.u32 v1, $0x10;
	v1 =	vmul.f32 v1, v50  }
0x190: {  	v3 =	vmul.f32 v51, v50  }
0x191: {  	[tilespmem:s10+$0x290] =	vst v1  }
0x192: {  	[tilespmem:s10+$0x280] =	vst v3  }
0x193: {  	v1 =	vld [tilespmem:s9+$0x150];
	_ =	sdelay $0x4  }
0x194: {  	v52 =	vshll.u32 v1, $0x10;
	v1 =	vmul.f32 v1, v50  }
0x195: {  	v3 =	vmul.f32 v52, v50  }
0x196: {  	[tilespmem:s10+$0x2B0] =	vst v1  }
0x197: {  	[tilespmem:s10+$0x2A0] =	vst v3  }
0x198: {  	v1 =	vld [tilespmem:s9+$0x160];
	_ =	sdelay $0x4  }
0x199: {  	v53 =	vshll.u32 v1, $0x10;
	v1 =	vmul.f32 v1, v50  }
0x19a: {  	v3 =	vmul.f32 v53, v50  }
0x19b: {  	[tilespmem:s10+$0x2D0] =	vst v1  }
0x19c: {  	[tilespmem:s10+$0x2C0] =	vst v3  }
0x19d: {  	v1 =	vld [tilespmem:s9+$0x170];
	_ =	sdelay $0x4  }
0x19e: {  	v54 =	vshll.u32 v1, $0x10;
	v1 =	vmul.f32 v1, v50  }
0x19f: {  	v3 =	vmul.f32 v54, v50  }
0x1a0: {  	[tilespmem:s10+$0x2F0] =	vst v1  }
0x1a1: {  	[tilespmem:s10+$0x2E0] =	vst v3  }
0x1a2: {  	v1 =	vld [tilespmem:s9+$0x180];
	_ =	sdelay $0x2  }
0x1a3: {  	v55 =	vbroadcast v0, $0xE;
	_ =	sdelay $0x1  }
0x1a4: {  	v56 =	vshll.u32 v1, $0x10;
	v1 =	vmul.f32 v1, v55  }
0x1a5: {  	v3 =	vmul.f32 v56, v55  }
0x1a6: {  	[tilespmem:s10+$0x310] =	vst v1  }
0x1a7: {  	[tilespmem:s10+$0x300] =	vst v3  }
0x1a8: {  	v1 =	vld [tilespmem:s9+$0x190];
	_ =	sdelay $0x4  }
0x1a9: {  	v57 =	vshll.u32 v1, $0x10;
	v1 =	vmul.f32 v1, v55  }
0x1aa: {  	v3 =	vmul.f32 v57, v55  }
0x1ab: {  	[tilespmem:s10+$0x330] =	vst v1  }
0x1ac: {  	[tilespmem:s10+$0x320] =	vst v3  }
0x1ad: {  	v1 =	vld [tilespmem:s9+$0x1A0];
	_ =	sdelay $0x4  }
0x1ae: {  	v58 =	vshll.u32 v1, $0x10;
	v1 =	vmul.f32 v1, v55  }
0x1af: {  	v3 =	vmul.f32 v58, v55  }
0x1b0: {  	[tilespmem:s10+$0x350] =	vst v1  }
0x1b1: {  	[tilespmem:s10+$0x340] =	vst v3  }
0x1b2: {  	v1 =	vld [tilespmem:s9+$0x1B0];
	_ =	sdelay $0x4  }
0x1b3: {  	v59 =	vshll.u32 v1, $0x10;
	v1 =	vmul.f32 v1, v55  }
0x1b4: {  	v3 =	vmul.f32 v59, v55  }
0x1b5: {  	[tilespmem:s10+$0x370] =	vst v1  }
0x1b6: {  	[tilespmem:s10+$0x360] =	vst v3  }
0x1b7: {  	v1 =	vld [tilespmem:s9+$0x1C0];
	_ =	sdelay $0x2  }
0x1b8: {  	v0 =	vbroadcast v0, $0xF;
	_ =	sdelay $0x1  }
0x1b9: {  	v60 =	vshll.u32 v1, $0x10;
	v1 =	vmul.f32 v1, v0  }
0x1ba: {  	v2 =	vmul.f32 v60, v0  }
0x1bb: {  	[tilespmem:s10+$0x390] =	vst v1  }
0x1bc: {  	[tilespmem:s10+$0x380] =	vst v2  }
0x1bd: {  	v1 =	vld [tilespmem:s9+$0x1D0];
	_ =	sdelay $0x4  }
0x1be: {  	v61 =	vshll.u32 v1, $0x10;
	v1 =	vmul.f32 v1, v0  }
0x1bf: {  	v2 =	vmul.f32 v61, v0  }
0x1c0: {  	[tilespmem:s10+$0x3B0] =	vst v1  }
0x1c1: {  	[tilespmem:s10+$0x3A0] =	vst v2  }
0x1c2: {  	v1 =	vld [tilespmem:s9+$0x1E0];
	_ =	sdelay $0x4  }
0x1c3: {  	v62 =	vshll.u32 v1, $0x10;
	v1 =	vmul.f32 v1, v0  }
0x1c4: {  	v2 =	vmul.f32 v62, v0  }
0x1c5: {  	[tilespmem:s10+$0x3D0] =	vst v1  }
0x1c6: {  	[tilespmem:s10+$0x3C0] =	vst v2  }
0x1c7: {  	v1 =	vld [tilespmem:s9+$0x1F0];
	_ =	sdelay $0x3  }
0x1c8: {  	p2 =	sne.s32 s7, $0x140  }
.Ltmp4:
0x1c9: {  	v63 =	vshll.u32 v1, $0x10;
	(pc) =	sbr.rel @p2 .LBB2_6-.Ltmp4, $4  }
0x1ca: {  	v2 =	vmul.f32 v63, v0  }
0x1cb: {  	v0 =	vmul.f32 v1, v0  }
0x1cc: {  	[tilespmem:s10+$0x3E0] =	vst v2  }
0x1cd: {  	s7 =	sadd.s32 $0x40, s7;
	s9 =	sadd.s32 $0x400, s9;
	[tilespmem:s10+$0x3F0] =	vst v0;
	s10 =	sadd.s32 $0x800, s10  }
0x1ce: {  	[spmem:s4] =	stream.indirect.scatter.add.f32 [tilespmem:s29], [sflag:$0x5], $0x80, s28, s20, $0xb8;
	[tilespmem:$0x1FB90] =	vst v63  }
0x1cf: {  	s7 =	simm.s32 @!p0 $0x1  }
0x1d0: {  	_ =	swait.ge @!p0 [sflag:s7], $0x120  }
0x1d1: {  	[sflag:s7] =	ssyncset.done @!p0 $0x0  }
0x1d2: {  	[sflag:s7] =	ssyncadd.s32 @!p0 $0xFFFFFEE0  }
0x1d3: {  	v0 =	vld @!p0 [tilespmem:$0x60];
	_ =	sdelay $0x5  }
0x1d4: {  	v1 =	vld @!p0 [tilespmem:$0x70]  }
0x1d5: {  	s7 =	simm.s32 @!p0 $0x9480  }
0x1d6: {  	v0 =	vld.idx.msk @!p0 [tilespmem:v0+s7+$0x0], $0xffff;
	_ =	sdelay $0x3  }
0x1d7: {  	v2 =	vld @!p0 [tilespmem:$0x80]  }
0x1d8: {  	[tilespmem:$0x240] =	vst @!p0 v0  }
0x1d9: {  	v0 =	vld.idx.msk @!p0 [tilespmem:v1+s7+$0x0], $0xffff;
	_ =	sdelay $0x3  }
0x1da: {  	v1 =	vld @!p0 [tilespmem:$0x90]  }
0x1db: {  	[tilespmem:$0x250] =	vst @!p0 v0  }
0x1dc: {  	v0 =	vld.idx.msk @!p0 [tilespmem:v2+s7+$0x0], $0xffff;
	_ =	sdelay $0x3  }
0x1dd: {  	v2 =	vld @!p0 [tilespmem:$0xA0]  }
0x1de: {  	[tilespmem:$0x260] =	vst @!p0 v0  }
0x1df: {  	v0 =	vld.idx.msk @!p0 [tilespmem:v1+s7+$0x0], $0xffff;
	_ =	sdelay $0x3  }
0x1e0: {  	v1 =	vld @!p0 [tilespmem:$0xB0]  }
0x1e1: {  	[tilespmem:$0x270] =	vst @!p0 v0  }
0x1e2: {  	v0 =	vld.idx.msk @!p0 [tilespmem:v2+s7+$0x0], $0xffff;
	_ =	sdelay $0x4  }
0x1e3: {  	[tilespmem:$0x280] =	vst @!p0 v0  }
0x1e4: {  	v0 =	vld.idx.msk @!p0 [tilespmem:v1+s7+$0x0], $0xffff;
	_ =	sdelay $0x4  }
0x1e5: {  	s9 =	simm.s32 @!p0 $0x240;
	s10 =	simm.s32 @!p0 $0x300;
	s7 =	simm.s32 @!p0 $0x60;
	[tilespmem:$0x290] =	vst @!p0 v0  }
0x1e6: {  	[tilespmem:s10], [sflag:$0x3] =	stream.indirect.gather @!p0 [hbm4b:s6+s7], $0x40, s9, s7, $0xb8;
	[tilespmem:$0x1FB90] =	vst v63  }
0x1e7: {  	_ =	swait.ge [sflag:s30], $0x1800  }
0x1e8: {  	[sflag:s30] =	ssyncset.done $0x0  }
0x1e9: {  	[sflag:s30] =	ssyncadd.s32 $0xFFFFE800  }
0x1ea: {  	v54 =	vld [tilespmem:$0x120]  }
0x1eb: {  	v55 =	vld [tilespmem:$0x1E0]  }
0x1ec: {  	v56 =	vld [tilespmem:$0x130]  }
0x1ed: {  	v3 =	vld [tilespmem:$0x1F0]  }
0x1ee: {  	v4 =	vld [tilespmem:$0x140]  }
0x1ef: {  	v57 =	vld [tilespmem:$0x200];
	[tilespmem:$0x9360] =	vst v54  }
0x1f0: {  	v58 =	vld [tilespmem:$0x150];
	[tilespmem:$0x9420] =	vst v55  }
0x1f1: {  	v59 =	vld [tilespmem:$0x210];
	[tilespmem:$0x9370] =	vst v56  }
0x1f2: {  	v60 =	vld [tilespmem:$0x160];
	[tilespmem:$0x9430] =	vst v3  }
0x1f3: {  	v61 =	vld [tilespmem:$0x220];
	[tilespmem:$0x9380] =	vst v4  }
0x1f4: {  	v62 =	vld [tilespmem:$0x170];
	[tilespmem:$0x9440] =	vst v57  }
0x1f5: {  	v63 =	vld [tilespmem:$0x230];
	[tilespmem:$0x9390] =	vst v58  }
0x1f6: {  	[tilespmem:$0x9450] =	vst v59  }
0x1f7: {  	s7 =	sadd.s32 @!p0 s22, s12;
	[tilespmem:$0x93A0] =	vst v60  }
0x1f8: {  	s7 =	smul.u32 @!p0 $0x24, s7;
	[tilespmem:$0x9460] =	vst v61  }
0x1f9: {  	[tilespmem:$0x93B0] =	vst v62  }
0x1fa: {  	s9 =	simm.s32 @!p0 $0x0;
	s10 =	simm.s32 @!p0 $0x120;
	s7 =	sadd.s32 @!p0 s1, s7;
	[tilespmem:$0x9470] =	vst v63  }
0x1fb: {  	[tilespmem:s10], [sflag:$0x2] =	stream.linear.gather @!p0 [hbm4b:s7+s9], $0x120, $0x38;
	[tilespmem:$0x1FB90] =	vst v63  }
0x1fc: {  	s7 =	simm.s32 @!p1 $0x6  }
0x1fd: {  	_ =	swait.ge @!p1 [sflag:s7], $0x3000  }
0x1fe: {  	s9 =	simm.s32 $0x1D00;
	[sflag:s7] =	ssyncset.done @!p1 $0x0  }
0x1ff: {  	s10 =	simm.s32 $0x6700;
	[sflag:s7] =	ssyncadd.s32 @!p1 $0xFFFFD000;
	s7 =	simm.s32 $0x0  }
.LBB2_8:
0x200: {  	s13 =	sshra.s32 s7, $0x2  }
0x201: {  	v0 =	vld [tilespmem:s13+$0x9420]  }
0x202: {  	v1 =	vld [tilespmem:s9+$0xFFFFFE00];
	_ =	sdelay $0x3  }
0x203: {  	v2 =	vbroadcast v0, $0x0  }
0x204: {  	v3 =	vshll.u32 v1, $0x10  }
0x205: {  	v3 =	vmul.f32 v3, v2  }
0x206: {  	v1 =	vmul.f32 v1, v2  }
0x207: {  	[tilespmem:s10+$0xFFFFFC00] =	vst v3  }
0x208: {  	[tilespmem:s10+$0xFFFFFC10] =	vst v1  }
0x209: {  	v1 =	vld [tilespmem:s9+$0xFFFFFE10];
	_ =	sdelay $0x4  }
0x20a: {  	v45 =	vshll.u32 v1, $0x10;
	v1 =	vmul.f32 v1, v2  }
0x20b: {  	v3 =	vmul.f32 v45, v2  }
0x20c: {  	[tilespmem:s10+$0xFFFFFC30] =	vst v1  }
0x20d: {  	[tilespmem:s10+$0xFFFFFC20] =	vst v3  }
0x20e: {  	v1 =	vld [tilespmem:s9+$0xFFFFFE20];
	_ =	sdelay $0x4  }
0x20f: {  	v46 =	vshll.u32 v1, $0x10;
	v1 =	vmul.f32 v1, v2  }
0x210: {  	v3 =	vmul.f32 v46, v2  }
0x211: {  	[tilespmem:s10+$0xFFFFFC50] =	vst v1  }
0x212: {  	[tilespmem:s10+$0xFFFFFC40] =	vst v3  }
0x213: {  	v1 =	vld [tilespmem:s9+$0xFFFFFE30];
	_ =	sdelay $0x4  }
0x214: {  	v47 =	vshll.u32 v1, $0x10;
	v1 =	vmul.f32 v1, v2  }
0x215: {  	v3 =	vmul.f32 v47, v2  }
0x216: {  	[tilespmem:s10+$0xFFFFFC70] =	vst v1  }
0x217: {  	[tilespmem:s10+$0xFFFFFC60] =	vst v3  }
0x218: {  	v1 =	vld [tilespmem:s9+$0xFFFFFE40];
	_ =	sdelay $0x2  }
0x219: {  	v48 =	vbroadcast v0, $0x1;
	_ =	sdelay $0x1  }
0x21a: {  	v49 =	vshll.u32 v1, $0x10;
	v1 =	vmul.f32 v1, v48  }
0x21b: {  	v3 =	vmul.f32 v49, v48  }
0x21c: {  	[tilespmem:s10+$0xFFFFFC90] =	vst v1  }
0x21d: {  	[tilespmem:s10+$0xFFFFFC80] =	vst v3  }
0x21e: {  	v1 =	vld [tilespmem:s9+$0xFFFFFE50];
	_ =	sdelay $0x4  }
0x21f: {  	v50 =	vshll.u32 v1, $0x10;
	v1 =	vmul.f32 v1, v48  }
0x220: {  	v3 =	vmul.f32 v50, v48  }
0x221: {  	[tilespmem:s10+$0xFFFFFCB0] =	vst v1  }
0x222: {  	[tilespmem:s10+$0xFFFFFCA0] =	vst v3  }
0x223: {  	v1 =	vld [tilespmem:s9+$0xFFFFFE60];
	_ =	sdelay $0x4  }
0x224: {  	v51 =	vshll.u32 v1, $0x10;
	v1 =	vmul.f32 v1, v48  }
0x225: {  	v3 =	vmul.f32 v51, v48  }
0x226: {  	[tilespmem:s10+$0xFFFFFCD0] =	vst v1  }
0x227: {  	[tilespmem:s10+$0xFFFFFCC0] =	vst v3  }
0x228: {  	v1 =	vld [tilespmem:s9+$0xFFFFFE70];
	_ =	sdelay $0x4  }
0x229: {  	v52 =	vshll.u32 v1, $0x10;
	v1 =	vmul.f32 v1, v48  }
0x22a: {  	v3 =	vmul.f32 v52, v48  }
0x22b: {  	[tilespmem:s10+$0xFFFFFCF0] =	vst v1  }
0x22c: {  	[tilespmem:s10+$0xFFFFFCE0] =	vst v3  }
0x22d: {  	v1 =	vld [tilespmem:s9+$0xFFFFFE80];
	_ =	sdelay $0x2  }
0x22e: {  	v53 =	vbroadcast v0, $0x2;
	_ =	sdelay $0x1  }
0x22f: {  	v54 =	vshll.u32 v1, $0x10;
	v1 =	vmul.f32 v1, v53  }
0x230: {  	v3 =	vmul.f32 v54, v53  }
0x231: {  	[tilespmem:s10+$0xFFFFFD10] =	vst v1  }
0x232: {  	[tilespmem:s10+$0xFFFFFD00] =	vst v3  }
0x233: {  	v1 =	vld [tilespmem:s9+$0xFFFFFE90];
	_ =	sdelay $0x4  }
0x234: {  	v55 =	vshll.u32 v1, $0x10;
	v1 =	vmul.f32 v1, v53  }
0x235: {  	v3 =	vmul.f32 v55, v53  }
0x236: {  	[tilespmem:s10+$0xFFFFFD30] =	vst v1  }
0x237: {  	[tilespmem:s10+$0xFFFFFD20] =	vst v3  }
0x238: {  	v1 =	vld [tilespmem:s9+$0xFFFFFEA0];
	_ =	sdelay $0x4  }
0x239: {  	v56 =	vshll.u32 v1, $0x10;
	v1 =	vmul.f32 v1, v53  }
0x23a: {  	v3 =	vmul.f32 v56, v53  }
0x23b: {  	[tilespmem:s10+$0xFFFFFD50] =	vst v1  }
0x23c: {  	[tilespmem:s10+$0xFFFFFD40] =	vst v3  }
0x23d: {  	v1 =	vld [tilespmem:s9+$0xFFFFFEB0];
	_ =	sdelay $0x4  }
0x23e: {  	v57 =	vshll.u32 v1, $0x10;
	v1 =	vmul.f32 v1, v53  }
0x23f: {  	v3 =	vmul.f32 v57, v53  }
0x240: {  	[tilespmem:s10+$0xFFFFFD70] =	vst v1  }
0x241: {  	[tilespmem:s10+$0xFFFFFD60] =	vst v3  }
0x242: {  	v1 =	vld [tilespmem:s9+$0xFFFFFEC0];
	_ =	sdelay $0x2  }
0x243: {  	v58 =	vbroadcast v0, $0x3;
	_ =	sdelay $0x1  }
0x244: {  	v59 =	vshll.u32 v1, $0x10;
	v1 =	vmul.f32 v1, v58  }
0x245: {  	v3 =	vmul.f32 v59, v58  }
0x246: {  	[tilespmem:s10+$0xFFFFFD90] =	vst v1  }
0x247: {  	[tilespmem:s10+$0xFFFFFD80] =	vst v3  }
0x248: {  	v1 =	vld [tilespmem:s9+$0xFFFFFED0];
	_ =	sdelay $0x4  }
0x249: {  	v60 =	vshll.u32 v1, $0x10;
	v1 =	vmul.f32 v1, v58  }
0x24a: {  	v3 =	vmul.f32 v60, v58  }
0x24b: {  	[tilespmem:s10+$0xFFFFFDB0] =	vst v1  }
0x24c: {  	[tilespmem:s10+$0xFFFFFDA0] =	vst v3  }
0x24d: {  	v1 =	vld [tilespmem:s9+$0xFFFFFEE0];
	_ =	sdelay $0x4  }
0x24e: {  	v61 =	vshll.u32 v1, $0x10;
	v1 =	vmul.f32 v1, v58  }
0x24f: {  	v3 =	vmul.f32 v61, v58  }
0x250: {  	[tilespmem:s10+$0xFFFFFDD0] =	vst v1  }
0x251: {  	[tilespmem:s10+$0xFFFFFDC0] =	vst v3  }
0x252: {  	v1 =	vld [tilespmem:s9+$0xFFFFFEF0];
	_ =	sdelay $0x4  }
0x253: {  	v62 =	vshll.u32 v1, $0x10;
	v1 =	vmul.f32 v1, v58  }
0x254: {  	v3 =	vmul.f32 v62, v58  }
0x255: {  	[tilespmem:s10+$0xFFFFFDF0] =	vst v1  }
0x256: {  	[tilespmem:s10+$0xFFFFFDE0] =	vst v3  }
0x257: {  	v1 =	vld [tilespmem:s9+$0xFFFFFF00];
	_ =	sdelay $0x2  }
0x258: {  	v63 =	vbroadcast v0, $0x4;
	_ =	sdelay $0x1  }
0x259: {  	v6 =	vshll.u32 v1, $0x10;
	v1 =	vmul.f32 v1, v63  }
0x25a: {  	v3 =	vmul.f32 v6, v63  }
0x25b: {  	[tilespmem:s10+$0xFFFFFE10] =	vst v1  }
0x25c: {  	[tilespmem:s10+$0xFFFFFE00] =	vst v3  }
0x25d: {  	v1 =	vld [tilespmem:s9+$0xFFFFFF10];
	_ =	sdelay $0x4  }
0x25e: {  	v7 =	vshll.u32 v1, $0x10;
	v1 =	vmul.f32 v1, v63  }
0x25f: {  	v3 =	vmul.f32 v7, v63  }
0x260: {  	[tilespmem:s10+$0xFFFFFE30] =	vst v1  }
0x261: {  	[tilespmem:s10+$0xFFFFFE20] =	vst v3  }
0x262: {  	v1 =	vld [tilespmem:s9+$0xFFFFFF20];
	_ =	sdelay $0x4  }
0x263: {  	v8 =	vshll.u32 v1, $0x10;
	v1 =	vmul.f32 v1, v63  }
0x264: {  	v3 =	vmul.f32 v8, v63  }
0x265: {  	[tilespmem:s10+$0xFFFFFE50] =	vst v1  }
0x266: {  	[tilespmem:s10+$0xFFFFFE40] =	vst v3  }
0x267: {  	v1 =	vld [tilespmem:s9+$0xFFFFFF30];
	_ =	sdelay $0x4  }
0x268: {  	v9 =	vshll.u32 v1, $0x10;
	v1 =	vmul.f32 v1, v63  }
0x269: {  	v3 =	vmul.f32 v9, v63  }
0x26a: {  	[tilespmem:s10+$0xFFFFFE70] =	vst v1  }
0x26b: {  	[tilespmem:s10+$0xFFFFFE60] =	vst v3  }
0x26c: {  	v1 =	vld [tilespmem:s9+$0xFFFFFF40];
	_ =	sdelay $0x2  }
0x26d: {  	v10 =	vbroadcast v0, $0x5;
	_ =	sdelay $0x1  }
0x26e: {  	v11 =	vshll.u32 v1, $0x10;
	v1 =	vmul.f32 v1, v10  }
0x26f: {  	v3 =	vmul.f32 v11, v10  }
0x270: {  	[tilespmem:s10+$0xFFFFFE90] =	vst v1  }
0x271: {  	[tilespmem:s10+$0xFFFFFE80] =	vst v3  }
0x272: {  	v1 =	vld [tilespmem:s9+$0xFFFFFF50];
	_ =	sdelay $0x4  }
0x273: {  	v12 =	vshll.u32 v1, $0x10;
	v1 =	vmul.f32 v1, v10  }
0x274: {  	v3 =	vmul.f32 v12, v10  }
0x275: {  	[tilespmem:s10+$0xFFFFFEB0] =	vst v1  }
0x276: {  	[tilespmem:s10+$0xFFFFFEA0] =	vst v3  }
0x277: {  	v1 =	vld [tilespmem:s9+$0xFFFFFF60];
	_ =	sdelay $0x4  }
0x278: {  	v13 =	vshll.u32 v1, $0x10;
	v1 =	vmul.f32 v1, v10  }
0x279: {  	v3 =	vmul.f32 v13, v10  }
0x27a: {  	[tilespmem:s10+$0xFFFFFED0] =	vst v1  }
0x27b: {  	[tilespmem:s10+$0xFFFFFEC0] =	vst v3  }
0x27c: {  	v1 =	vld [tilespmem:s9+$0xFFFFFF70];
	_ =	sdelay $0x4  }
0x27d: {  	v14 =	vshll.u32 v1, $0x10;
	v1 =	vmul.f32 v1, v10  }
0x27e: {  	v3 =	vmul.f32 v14, v10  }
0x27f: {  	[tilespmem:s10+$0xFFFFFEF0] =	vst v1  }
0x280: {  	[tilespmem:s10+$0xFFFFFEE0] =	vst v3  }
0x281: {  	v1 =	vld [tilespmem:s9+$0xFFFFFF80];
	_ =	sdelay $0x2  }
0x282: {  	v15 =	vbroadcast v0, $0x6;
	_ =	sdelay $0x1  }
0x283: {  	v16 =	vshll.u32 v1, $0x10;
	v1 =	vmul.f32 v1, v15  }
0x284: {  	v3 =	vmul.f32 v16, v15  }
0x285: {  	[tilespmem:s10+$0xFFFFFF10] =	vst v1  }
0x286: {  	[tilespmem:s10+$0xFFFFFF00] =	vst v3  }
0x287: {  	v1 =	vld [tilespmem:s9+$0xFFFFFF90];
	_ =	sdelay $0x4  }
0x288: {  	v17 =	vshll.u32 v1, $0x10;
	v1 =	vmul.f32 v1, v15  }
0x289: {  	v3 =	vmul.f32 v17, v15  }
0x28a: {  	[tilespmem:s10+$0xFFFFFF30] =	vst v1  }
0x28b: {  	[tilespmem:s10+$0xFFFFFF20] =	vst v3  }
0x28c: {  	v1 =	vld [tilespmem:s9+$0xFFFFFFA0];
	_ =	sdelay $0x4  }
0x28d: {  	v18 =	vshll.u32 v1, $0x10;
	v1 =	vmul.f32 v1, v15  }
0x28e: {  	v3 =	vmul.f32 v18, v15  }
0x28f: {  	[tilespmem:s10+$0xFFFFFF50] =	vst v1  }
0x290: {  	[tilespmem:s10+$0xFFFFFF40] =	vst v3  }
0x291: {  	v1 =	vld [tilespmem:s9+$0xFFFFFFB0];
	_ =	sdelay $0x4  }
0x292: {  	v19 =	vshll.u32 v1, $0x10;
	v1 =	vmul.f32 v1, v15  }
0x293: {  	v3 =	vmul.f32 v19, v15  }
0x294: {  	[tilespmem:s10+$0xFFFFFF70] =	vst v1  }
0x295: {  	[tilespmem:s10+$0xFFFFFF60] =	vst v3  }
0x296: {  	v1 =	vld [tilespmem:s9+$0xFFFFFFC0];
	_ =	sdelay $0x2  }
0x297: {  	v20 =	vbroadcast v0, $0x7;
	_ =	sdelay $0x1  }
0x298: {  	v21 =	vshll.u32 v1, $0x10;
	v1 =	vmul.f32 v1, v20  }
0x299: {  	v3 =	vmul.f32 v21, v20  }
0x29a: {  	[tilespmem:s10+$0xFFFFFF90] =	vst v1  }
0x29b: {  	[tilespmem:s10+$0xFFFFFF80] =	vst v3  }
0x29c: {  	v1 =	vld [tilespmem:s9+$0xFFFFFFD0];
	_ =	sdelay $0x4  }
0x29d: {  	v22 =	vshll.u32 v1, $0x10;
	v1 =	vmul.f32 v1, v20  }
0x29e: {  	v3 =	vmul.f32 v22, v20  }
0x29f: {  	[tilespmem:s10+$0xFFFFFFB0] =	vst v1  }
0x2a0: {  	[tilespmem:s10+$0xFFFFFFA0] =	vst v3  }
0x2a1: {  	v1 =	vld [tilespmem:s9+$0xFFFFFFE0];
	_ =	sdelay $0x4  }
0x2a2: {  	v23 =	vshll.u32 v1, $0x10;
	v1 =	vmul.f32 v1, v20  }
0x2a3: {  	v3 =	vmul.f32 v23, v20  }
0x2a4: {  	[tilespmem:s10+$0xFFFFFFD0] =	vst v1  }
0x2a5: {  	[tilespmem:s10+$0xFFFFFFC0] =	vst v3  }
0x2a6: {  	v1 =	vld [tilespmem:s9+$0xFFFFFFF0];
	_ =	sdelay $0x4  }
0x2a7: {  	v24 =	vshll.u32 v1, $0x10;
	v1 =	vmul.f32 v1, v20  }
0x2a8: {  	v3 =	vmul.f32 v24, v20  }
0x2a9: {  	[tilespmem:s10+$0xFFFFFFF0] =	vst v1  }
0x2aa: {  	[tilespmem:s10+$0xFFFFFFE0] =	vst v3  }
0x2ab: {  	v1 =	vld [tilespmem:s9+$0x0];
	_ =	sdelay $0x2  }
0x2ac: {  	v25 =	vbroadcast v0, $0x8;
	_ =	sdelay $0x1  }
0x2ad: {  	v26 =	vshll.u32 v1, $0x10;
	v1 =	vmul.f32 v1, v25  }
0x2ae: {  	v3 =	vmul.f32 v26, v25  }
0x2af: {  	[tilespmem:s10+$0x10] =	vst v1  }
0x2b0: {  	[tilespmem:s10+$0x0] =	vst v3  }
0x2b1: {  	v1 =	vld [tilespmem:s9+$0x10];
	_ =	sdelay $0x4  }
0x2b2: {  	v27 =	vshll.u32 v1, $0x10;
	v1 =	vmul.f32 v1, v25  }
0x2b3: {  	v3 =	vmul.f32 v27, v25  }
0x2b4: {  	[tilespmem:s10+$0x30] =	vst v1  }
0x2b5: {  	[tilespmem:s10+$0x20] =	vst v3  }
0x2b6: {  	v1 =	vld [tilespmem:s9+$0x20];
	_ =	sdelay $0x4  }
0x2b7: {  	v28 =	vshll.u32 v1, $0x10;
	v1 =	vmul.f32 v1, v25  }
0x2b8: {  	v3 =	vmul.f32 v28, v25  }
0x2b9: {  	[tilespmem:s10+$0x50] =	vst v1  }
0x2ba: {  	[tilespmem:s10+$0x40] =	vst v3  }
0x2bb: {  	v1 =	vld [tilespmem:s9+$0x30];
	_ =	sdelay $0x4  }
0x2bc: {  	v29 =	vshll.u32 v1, $0x10;
	v1 =	vmul.f32 v1, v25  }
0x2bd: {  	v3 =	vmul.f32 v29, v25  }
0x2be: {  	[tilespmem:s10+$0x70] =	vst v1  }
0x2bf: {  	[tilespmem:s10+$0x60] =	vst v3  }
0x2c0: {  	v1 =	vld [tilespmem:s9+$0x40];
	_ =	sdelay $0x2  }
0x2c1: {  	v30 =	vbroadcast v0, $0x9;
	_ =	sdelay $0x1  }
0x2c2: {  	v31 =	vshll.u32 v1, $0x10;
	v1 =	vmul.f32 v1, v30  }
0x2c3: {  	v3 =	vmul.f32 v31, v30  }
0x2c4: {  	[tilespmem:s10+$0x90] =	vst v1  }
0x2c5: {  	[tilespmem:s10+$0x80] =	vst v3  }
0x2c6: {  	v1 =	vld [tilespmem:s9+$0x50];
	_ =	sdelay $0x4  }
0x2c7: {  	v32 =	vshll.u32 v1, $0x10;
	v1 =	vmul.f32 v1, v30  }
0x2c8: {  	v3 =	vmul.f32 v32, v30  }
0x2c9: {  	[tilespmem:s10+$0xB0] =	vst v1  }
0x2ca: {  	[tilespmem:s10+$0xA0] =	vst v3  }
0x2cb: {  	v1 =	vld [tilespmem:s9+$0x60];
	_ =	sdelay $0x4  }
0x2cc: {  	v33 =	vshll.u32 v1, $0x10;
	v1 =	vmul.f32 v1, v30  }
0x2cd: {  	v3 =	vmul.f32 v33, v30  }
0x2ce: {  	[tilespmem:s10+$0xD0] =	vst v1  }
0x2cf: {  	[tilespmem:s10+$0xC0] =	vst v3  }
0x2d0: {  	v1 =	vld [tilespmem:s9+$0x70];
	_ =	sdelay $0x4  }
0x2d1: {  	v34 =	vshll.u32 v1, $0x10;
	v1 =	vmul.f32 v1, v30  }
0x2d2: {  	v3 =	vmul.f32 v34, v30  }
0x2d3: {  	[tilespmem:s10+$0xF0] =	vst v1  }
0x2d4: {  	[tilespmem:s10+$0xE0] =	vst v3  }
0x2d5: {  	v1 =	vld [tilespmem:s9+$0x80];
	_ =	sdelay $0x2  }
0x2d6: {  	v35 =	vbroadcast v0, $0xA;
	_ =	sdelay $0x1  }
0x2d7: {  	v36 =	vshll.u32 v1, $0x10;
	v1 =	vmul.f32 v1, v35  }
0x2d8: {  	v3 =	vmul.f32 v36, v35  }
0x2d9: {  	[tilespmem:s10+$0x110] =	vst v1  }
0x2da: {  	[tilespmem:s10+$0x100] =	vst v3  }
0x2db: {  	v1 =	vld [tilespmem:s9+$0x90];
	_ =	sdelay $0x4  }
0x2dc: {  	v37 =	vshll.u32 v1, $0x10;
	v1 =	vmul.f32 v1, v35  }
0x2dd: {  	v3 =	vmul.f32 v37, v35  }
0x2de: {  	[tilespmem:s10+$0x130] =	vst v1  }
0x2df: {  	[tilespmem:s10+$0x120] =	vst v3  }
0x2e0: {  	v1 =	vld [tilespmem:s9+$0xA0];
	_ =	sdelay $0x4  }
0x2e1: {  	v38 =	vshll.u32 v1, $0x10;
	v1 =	vmul.f32 v1, v35  }
0x2e2: {  	v3 =	vmul.f32 v38, v35  }
0x2e3: {  	[tilespmem:s10+$0x150] =	vst v1  }
0x2e4: {  	[tilespmem:s10+$0x140] =	vst v3  }
0x2e5: {  	v1 =	vld [tilespmem:s9+$0xB0];
	_ =	sdelay $0x4  }
0x2e6: {  	v39 =	vshll.u32 v1, $0x10;
	v1 =	vmul.f32 v1, v35  }
0x2e7: {  	v3 =	vmul.f32 v39, v35  }
0x2e8: {  	[tilespmem:s10+$0x170] =	vst v1  }
0x2e9: {  	[tilespmem:s10+$0x160] =	vst v3  }
0x2ea: {  	v1 =	vld [tilespmem:s9+$0xC0];
	_ =	sdelay $0x2  }
0x2eb: {  	v40 =	vbroadcast v0, $0xB;
	_ =	sdelay $0x1  }
0x2ec: {  	v41 =	vshll.u32 v1, $0x10;
	v1 =	vmul.f32 v1, v40  }
0x2ed: {  	v3 =	vmul.f32 v41, v40  }
0x2ee: {  	[tilespmem:s10+$0x190] =	vst v1  }
0x2ef: {  	[tilespmem:s10+$0x180] =	vst v3  }
0x2f0: {  	v1 =	vld [tilespmem:s9+$0xD0];
	_ =	sdelay $0x4  }
0x2f1: {  	v42 =	vshll.u32 v1, $0x10;
	v1 =	vmul.f32 v1, v40  }
0x2f2: {  	v3 =	vmul.f32 v42, v40  }
0x2f3: {  	[tilespmem:s10+$0x1B0] =	vst v1  }
0x2f4: {  	[tilespmem:s10+$0x1A0] =	vst v3  }
0x2f5: {  	v1 =	vld [tilespmem:s9+$0xE0];
	_ =	sdelay $0x4  }
0x2f6: {  	v43 =	vshll.u32 v1, $0x10;
	v1 =	vmul.f32 v1, v40  }
0x2f7: {  	v3 =	vmul.f32 v43, v40  }
0x2f8: {  	[tilespmem:s10+$0x1D0] =	vst v1  }
0x2f9: {  	[tilespmem:s10+$0x1C0] =	vst v3  }
0x2fa: {  	v1 =	vld [tilespmem:s9+$0xF0];
	_ =	sdelay $0x4  }
0x2fb: {  	v44 =	vshll.u32 v1, $0x10;
	v1 =	vmul.f32 v1, v40  }
0x2fc: {  	v3 =	vmul.f32 v44, v40  }
0x2fd: {  	[tilespmem:s10+$0x1F0] =	vst v1  }
0x2fe: {  	[tilespmem:s10+$0x1E0] =	vst v3  }
0x2ff: {  	v1 =	vld [tilespmem:s9+$0x100];
	_ =	sdelay $0x2  }
0x300: {  	v45 =	vbroadcast v0, $0xC;
	_ =	sdelay $0x1  }
0x301: {  	v46 =	vshll.u32 v1, $0x10;
	v1 =	vmul.f32 v1, v45  }
0x302: {  	v3 =	vmul.f32 v46, v45  }
0x303: {  	[tilespmem:s10+$0x210] =	vst v1  }
0x304: {  	[tilespmem:s10+$0x200] =	vst v3  }
0x305: {  	v1 =	vld [tilespmem:s9+$0x110];
	_ =	sdelay $0x4  }
0x306: {  	v47 =	vshll.u32 v1, $0x10;
	v1 =	vmul.f32 v1, v45  }
0x307: {  	v3 =	vmul.f32 v47, v45  }
0x308: {  	[tilespmem:s10+$0x230] =	vst v1  }
0x309: {  	[tilespmem:s10+$0x220] =	vst v3  }
0x30a: {  	v1 =	vld [tilespmem:s9+$0x120];
	_ =	sdelay $0x4  }
0x30b: {  	v48 =	vshll.u32 v1, $0x10;
	v1 =	vmul.f32 v1, v45  }
0x30c: {  	v3 =	vmul.f32 v48, v45  }
0x30d: {  	[tilespmem:s10+$0x250] =	vst v1  }
0x30e: {  	[tilespmem:s10+$0x240] =	vst v3  }
0x30f: {  	v1 =	vld [tilespmem:s9+$0x130];
	_ =	sdelay $0x4  }
0x310: {  	v49 =	vshll.u32 v1, $0x10;
	v1 =	vmul.f32 v1, v45  }
0x311: {  	v3 =	vmul.f32 v49, v45  }
0x312: {  	[tilespmem:s10+$0x270] =	vst v1  }
0x313: {  	[tilespmem:s10+$0x260] =	vst v3  }
0x314: {  	v1 =	vld [tilespmem:s9+$0x140];
	_ =	sdelay $0x2  }
0x315: {  	v50 =	vbroadcast v0, $0xD;
	_ =	sdelay $0x1  }
0x316: {  	v51 =	vshll.u32 v1, $0x10;
	v1 =	vmul.f32 v1, v50  }
0x317: {  	v3 =	vmul.f32 v51, v50  }
0x318: {  	[tilespmem:s10+$0x290] =	vst v1  }
0x319: {  	[tilespmem:s10+$0x280] =	vst v3  }
0x31a: {  	v1 =	vld [tilespmem:s9+$0x150];
	_ =	sdelay $0x4  }
0x31b: {  	v52 =	vshll.u32 v1, $0x10;
	v1 =	vmul.f32 v1, v50  }
0x31c: {  	v3 =	vmul.f32 v52, v50  }
0x31d: {  	[tilespmem:s10+$0x2B0] =	vst v1  }
0x31e: {  	[tilespmem:s10+$0x2A0] =	vst v3  }
0x31f: {  	v1 =	vld [tilespmem:s9+$0x160];
	_ =	sdelay $0x4  }
0x320: {  	v53 =	vshll.u32 v1, $0x10;
	v1 =	vmul.f32 v1, v50  }
0x321: {  	v3 =	vmul.f32 v53, v50  }
0x322: {  	[tilespmem:s10+$0x2D0] =	vst v1  }
0x323: {  	[tilespmem:s10+$0x2C0] =	vst v3  }
0x324: {  	v1 =	vld [tilespmem:s9+$0x170];
	_ =	sdelay $0x4  }
0x325: {  	v54 =	vshll.u32 v1, $0x10;
	v1 =	vmul.f32 v1, v50  }
0x326: {  	v3 =	vmul.f32 v54, v50  }
0x327: {  	[tilespmem:s10+$0x2F0] =	vst v1  }
0x328: {  	[tilespmem:s10+$0x2E0] =	vst v3  }
0x329: {  	v1 =	vld [tilespmem:s9+$0x180];
	_ =	sdelay $0x2  }
0x32a: {  	v55 =	vbroadcast v0, $0xE;
	_ =	sdelay $0x1  }
0x32b: {  	v56 =	vshll.u32 v1, $0x10;
	v1 =	vmul.f32 v1, v55  }
0x32c: {  	v3 =	vmul.f32 v56, v55  }
0x32d: {  	[tilespmem:s10+$0x310] =	vst v1  }
0x32e: {  	[tilespmem:s10+$0x300] =	vst v3  }
0x32f: {  	v1 =	vld [tilespmem:s9+$0x190];
	_ =	sdelay $0x4  }
0x330: {  	v57 =	vshll.u32 v1, $0x10;
	v1 =	vmul.f32 v1, v55  }
0x331: {  	v3 =	vmul.f32 v57, v55  }
0x332: {  	[tilespmem:s10+$0x330] =	vst v1  }
0x333: {  	[tilespmem:s10+$0x320] =	vst v3  }
0x334: {  	v1 =	vld [tilespmem:s9+$0x1A0];
	_ =	sdelay $0x4  }
0x335: {  	v58 =	vshll.u32 v1, $0x10;
	v1 =	vmul.f32 v1, v55  }
0x336: {  	v3 =	vmul.f32 v58, v55  }
0x337: {  	[tilespmem:s10+$0x350] =	vst v1  }
0x338: {  	[tilespmem:s10+$0x340] =	vst v3  }
0x339: {  	v1 =	vld [tilespmem:s9+$0x1B0];
	_ =	sdelay $0x4  }
0x33a: {  	v59 =	vshll.u32 v1, $0x10;
	v1 =	vmul.f32 v1, v55  }
0x33b: {  	v3 =	vmul.f32 v59, v55  }
0x33c: {  	[tilespmem:s10+$0x370] =	vst v1  }
0x33d: {  	[tilespmem:s10+$0x360] =	vst v3  }
0x33e: {  	v1 =	vld [tilespmem:s9+$0x1C0];
	_ =	sdelay $0x2  }
0x33f: {  	v0 =	vbroadcast v0, $0xF;
	_ =	sdelay $0x1  }
0x340: {  	v60 =	vshll.u32 v1, $0x10;
	v1 =	vmul.f32 v1, v0  }
0x341: {  	v2 =	vmul.f32 v60, v0  }
0x342: {  	[tilespmem:s10+$0x390] =	vst v1  }
0x343: {  	[tilespmem:s10+$0x380] =	vst v2  }
0x344: {  	v1 =	vld [tilespmem:s9+$0x1D0];
	_ =	sdelay $0x4  }
0x345: {  	v61 =	vshll.u32 v1, $0x10;
	v1 =	vmul.f32 v1, v0  }
0x346: {  	v2 =	vmul.f32 v61, v0  }
0x347: {  	[tilespmem:s10+$0x3B0] =	vst v1  }
0x348: {  	[tilespmem:s10+$0x3A0] =	vst v2  }
0x349: {  	v1 =	vld [tilespmem:s9+$0x1E0];
	_ =	sdelay $0x4  }
0x34a: {  	v62 =	vshll.u32 v1, $0x10;
	v1 =	vmul.f32 v1, v0  }
0x34b: {  	v2 =	vmul.f32 v62, v0  }
0x34c: {  	[tilespmem:s10+$0x3D0] =	vst v1  }
0x34d: {  	[tilespmem:s10+$0x3C0] =	vst v2  }
0x34e: {  	v1 =	vld [tilespmem:s9+$0x1F0];
	_ =	sdelay $0x3  }
0x34f: {  	p1 =	sne.s32 s7, $0x140  }
.Ltmp5:
0x350: {  	v63 =	vshll.u32 v1, $0x10;
	(pc) =	sbr.rel @p1 .LBB2_8-.Ltmp5, $4  }
0x351: {  	v2 =	vmul.f32 v63, v0  }
0x352: {  	v0 =	vmul.f32 v1, v0  }
0x353: {  	[tilespmem:s10+$0x3E0] =	vst v2  }
0x354: {  	s7 =	sadd.s32 $0x40, s7;
	s9 =	sadd.s32 $0x400, s9;
	[tilespmem:s10+$0x3F0] =	vst v0;
	s10 =	sadd.s32 $0x800, s10  }
.Ltmp6:
0x355: {  	(pc) =	sbr.rel @p0 .LBB2_11-.Ltmp6, $2  }
0x356: {  	_ =	sdelay $0x2  }
0x357: {  	[spmem:s4] =	stream.indirect.scatter.add.f32 [tilespmem:s0], [sflag:$0x6], $0x80, s31, s20, $0xb8;
	[tilespmem:$0x1FB90] =	vst v63  }
0x358: {  	_ =	swait.ge [sflag:s23], $0x120  }
0x359: {  	[sflag:s23] =	ssyncset.done $0x0  }
0x35a: {  	[sflag:s23] =	ssyncadd.s32 $0xFFFFFEE0  }
0x35b: {  	v0 =	vld [tilespmem:$0x180];
	_ =	sdelay $0x5  }
0x35c: {  	v1 =	vld [tilespmem:$0x190];
	_ =	sdelay $0x1  }
0x35d: {  	v0 =	vld.idx.msk [tilespmem:v0+s17+$0x0], $0xffff;
	_ =	sdelay $0x3  }
0x35e: {  	v2 =	vld [tilespmem:$0x1A0]  }
0x35f: {  	[tilespmem:$0x2A0] =	vst v0  }
0x360: {  	v0 =	vld.idx.msk [tilespmem:v1+s17+$0x0], $0xffff;
	_ =	sdelay $0x3  }
0x361: {  	v61 =	vld [tilespmem:$0x1B0]  }
0x362: {  	[tilespmem:$0x2B0] =	vst v0  }
0x363: {  	v0 =	vld.idx.msk [tilespmem:v2+s17+$0x0], $0xffff;
	_ =	sdelay $0x3  }
0x364: {  	v62 =	vld [tilespmem:$0x1C0]  }
0x365: {  	[tilespmem:$0x2C0] =	vst v0  }
0x366: {  	v0 =	vld.idx.msk [tilespmem:v61+s17+$0x0], $0xffff;
	_ =	sdelay $0x3  }
0x367: {  	v63 =	vld [tilespmem:$0x1D0]  }
0x368: {  	[tilespmem:$0x2D0] =	vst v0  }
0x369: {  	v0 =	vld.idx.msk [tilespmem:v62+s17+$0x0], $0xffff;
	_ =	sdelay $0x4  }
0x36a: {  	[tilespmem:$0x2E0] =	vst v0  }
0x36b: {  	v0 =	vld.idx.msk [tilespmem:v63+s17+$0x0], $0xffff;
	_ =	sdelay $0x1  }
.Ltmp7:
0x36c: {  	_ = 	snop;
	(pc) =	sbr.rel .LBB2_2-.Ltmp7, $3  }
0x36d: {  	_ =	sdelay $0x1  }
0x36e: {  	s21 =	sadd.s32 $0x1, s21;
	[tilespmem:$0x2F0] =	vst v0  }
0x36f: {  	[tilespmem:s25], [sflag:$0x4] =	stream.indirect.gather [hbm4b:s6+s20], $0x40, s24, s20, $0xb8;
	[tilespmem:$0x1FB90] =	vst v63  }
.LBB2_12:
0x370: {  	_ =	sfence.sel $0x180000  }
0x371: {  	[bflag:$0x0] =	sbarrier.arrive $0xFFFF  }
0x372: {  	_ =	strace $0x90000047  }
0x373: {  	s0 =	stileid.u32;
	[bflag:$0x2] =	sbarrier.arrive $0xFFFF  }
0x374: {  	p0 =	sne.s32 s0, $0x0;
	s0 =	rddreg [dreg:$0x4]  }
0x375: {  	s0 =	sadd.s32 @!p0 $0x100000, s0  }
0x376: {  	[sflag:s0] =	ssyncadd.tile.s32 @!p0 $0x1;
	_ =	shalt  }
.Lfunc_end2:
_tile_overlayer_lowered:
.L_overlay_start_2:
0x377: {  	(tag) =	ssettag $0x2  }
0x378: {  	s0 =	rddreg [dreg:$0x0];
	s2 =	stileid.u32  }
0x379: {  	s1 =	rddreg [dreg:$0x1];
	p0 =	sne.s32 s2, $0x0  }
0x37a: {  	s3 =	rddreg [dreg:$0x2];
	[bflag:$0x3] =	sbarrier.arrive $0xFFFF;
	s2 =	simm.s32 @!p0 $0x1C07  }
0x37b: {  	[timem:s3], [sflag:s2] =	dma.local @!p0 [hbm:s0], s1  }
0x37c: {  	s0 =	simm.s32 @!p0 $0x7  }
0x37d: {  	_ =	swait.ge @!p0 [sflag:s0], s1  }
0x37e: {  	s1 =	ssub.s32 @!p0 $0x0, s1;
	[sflag:s0] =	ssyncset.done @!p0 $0x0  }
0x37f: {  	[sflag:s0] =	ssyncadd.s32 @!p0 s1  }
0x380: {  	[bflag:$0x3] =	sbarrier.arrive $0xFFFF  }
0x381: {  	_ =	shalt  }

</sc_bundles>
